<compile_context>
chip_gen: v7x
topology: tpu7x:2x2x1
jax: 0.10.2.dev20260603
libtpu: 0.0.44.dev20260713+nightly
codegen_flags: <defaults>
</compile_context>

<pallas_src>
import functools

import jax
import jax.numpy as jnp
from jax import lax
from jax.experimental import pallas as pl
from jax.experimental.pallas import tpu as pltpu
from jax.experimental.pallas import tpu_sc as plsc

N = 10000
E = 160000
D = 256
HD = 128
LAYERS = 4
NC, NS = 2, 16
NW = NC * NS
C = 128
KPT = 80
EPAD = NS * KPT * C
NCHUNK = EPAD // C
ACC_N = 10240
RPT = ACC_N // NS
ZR = RPT // 4
NBUF = 4
MB = 1000
NBLK = N // MB

_sc_mesh = plsc.VectorSubcoreMesh(
    core_axis_name="c", subcore_axis_name="s", num_cores=NC, num_subcores=NS)


NP = 4
NQH = 3000
NQ = 3072
RPQ = NQ // NS
ZRQ = RPQ // 4


@functools.partial(
    pl.kernel,
    out_type=jax.ShapeDtypeStruct((NC, NP, NQ, HD), jnp.float32),
    mesh=_sc_mesh,
    scratch_types=[
        pltpu.VMEM((KPT, C), jnp.int32),
        pltpu.VMEM((KPT, C), jnp.int32),
        pltpu.VMEM((KPT, C), jnp.int32),
        pltpu.VMEM((NBUF, C, HD), jnp.float32),
        pltpu.VMEM((ZRQ, HD), jnp.float32),
        pltpu.VMEM_SHARED((NQ, HD), jnp.float32),
        pltpu.SemaphoreType.DMA,
        pltpu.SemaphoreType.DMA,
        pltpu.SemaphoreType.DMA,
        pltpu.SemaphoreType.DMA,
        pltpu.SemaphoreType.DMA,
        pltpu.SemaphoreType.DMA,
        pltpu.SemaphoreType.DMA,
        pltpu.SemaphoreType.DMA,
    ],
)
def _seg_sum_sc(h2, src2, dst2, out, src_v, dst_v, dstq_v, rows_v, zero_v,
                acc_sh, gs0, gs1, gs2, gs3, ss0, ss1, ss2, ss3):
    gsems = (gs0, gs1, gs2, gs3)
    ssems = (ss0, ss1, ss2, ss3)
    c = lax.axis_index("c")
    s = lax.axis_index("s")

    pltpu.sync_copy(src2.at[pl.ds(s * KPT, KPT)], src_v)
    pltpu.sync_copy(dst2.at[pl.ds(s * KPT, KPT)], dst_v)

    nsub = C // 16
    cN = c * N

    def _adj(i, _):
        k = i // nsub
        off = (i % nsub) * 16
        src_v[k, pl.ds(off, 16)] = src_v[k, pl.ds(off, 16)] + cN
        return 0

    lax.fori_loop(0, KPT * nsub, _adj, 0)

    zf = jnp.zeros((16,), jnp.float32)

    def _zfill(i, _):
        zero_v[i // (HD // 16), pl.ds((i % (HD // 16)) * 16, 16)] = zf
        return 0

    lax.fori_loop(0, ZRQ * (HD // 16), _zfill, 0)

    def _main(g, _):
        for bq in range(NBUF):
            k = g * NBUF + bq
            buf = rows_v.at[bq]
            pltpu.make_async_copy(h2.at[src_v.at[k]], buf, gsems[bq]).wait()
            pltpu.async_copy(buf, acc_sh.at[dstq_v.at[k]], ssems[bq],
                             add=True)
            j = k + 3
            bj = (bq + 3) % NBUF
            bufj = rows_v.at[bj]

            @pl.when(j < KPT)
            def _():
                @pl.when(j >= NBUF)
                def _():
                    pltpu.make_async_copy(
                        bufj, acc_sh.at[dstq_v.at[j - NBUF]],
                        ssems[bj]).wait()

                pltpu.async_copy(h2.at[src_v.at[j]], bufj, gsems[bj])
        return 0

    for q in range(NP):
        base = q * NQH

        def _remap(i, _, base=base):
            k = i // nsub
            off = (i % nsub) * 16
            dq = dst_v[k, pl.ds(off, 16)] - base
            ok = (dq >= 0) & (dq < NQH)
            dstq_v[k, pl.ds(off, 16)] = jnp.where(ok, dq, NQH)
            return 0

        lax.fori_loop(0, KPT * nsub, _remap, 0)
        for j in range(4):
            pltpu.sync_copy(zero_v, acc_sh.at[pl.ds(s * RPQ + j * ZRQ, ZRQ)])
        plsc.subcore_barrier()
        for bq in range(3):
            pltpu.async_copy(h2.at[src_v.at[bq]], rows_v.at[bq], gsems[bq])
        lax.fori_loop(0, KPT // NBUF, _main, 0)
        for i in range(NBUF):
            k = KPT - NBUF + i
            pltpu.make_async_copy(rows_v.at[k % NBUF],
                                  acc_sh.at[dstq_v.at[k]],
                                  ssems[k % NBUF]).wait()
        plsc.subcore_barrier()
        pltpu.sync_copy(acc_sh.at[pl.ds(s * RPQ, RPQ)],
                        out.at[c, q, pl.ds(s * RPQ, RPQ)])


def _prep_body(x_ref, fm_ref, fs_ref, h2_ref):
    xb = x_ref[...]
    hn = (xb - fm_ref[...]) / fs_ref[...]
    h2_ref[0] = hn[:, :HD]
    h2_ref[1] = hn[:, HD:]


def _layer_body(h2_ref, seg_ref, dinv_ref, ws_ref, wn_ref, b_ref, g_ref,
                be_ref, out_ref):
    dinv = 1.0 / jnp.maximum(dinv_ref[0, 0], 1.0)
    f32 = jnp.float32
    z = (jnp.dot(h2_ref[0], ws_ref[0], preferred_element_type=f32)
         + jnp.dot(h2_ref[1], ws_ref[1], preferred_element_type=f32)
         + jnp.dot(seg_ref[0, 0] * dinv, wn_ref[0], preferred_element_type=f32)
         + jnp.dot(seg_ref[1, 0] * dinv, wn_ref[1], preferred_element_type=f32)
         + b_ref[...])
    mu = jnp.mean(z, axis=1, keepdims=True)
    var = jnp.mean((z - mu) ** 2, axis=1, keepdims=True)
    h = (z - mu) * lax.rsqrt(var + 1e-5) * g_ref[...] + be_ref[...]
    h = jnp.maximum(h, 0.0)
    out_ref[0] = h[:, :HD]
    out_ref[1] = h[:, HD:]


def _head_body(h2_ref, w1_ref, g1_ref, b1_ref, w2_ref, g2_ref, b2_ref,
               out_ref):
    f32 = jnp.float32
    z = (jnp.dot(h2_ref[0], w1_ref[0], preferred_element_type=f32)
         + jnp.dot(h2_ref[1], w1_ref[1], preferred_element_type=f32))
    mu = jnp.mean(z, axis=1, keepdims=True)
    var = jnp.mean((z - mu) ** 2, axis=1, keepdims=True)
    t = (z - mu) * lax.rsqrt(var + 1e-5) * g1_ref[...] + b1_ref[...]
    t = jnp.maximum(t, 0.0)
    z2 = jnp.dot(t, w2_ref[...], preferred_element_type=f32)
    mu2 = jnp.mean(z2, axis=1, keepdims=True)
    var2 = jnp.mean((z2 - mu2) ** 2, axis=1, keepdims=True)
    o = (z2 - mu2) * lax.rsqrt(var2 + 1e-5) * g2_ref[...] + b2_ref[...]
    out_ref[...] = jnp.maximum(o, 0.0)


def _full(shape):
    n = len(shape)
    return pl.BlockSpec(shape, lambda m: (0,) * n)


_prep = pl.pallas_call(
    _prep_body,
    grid=(NBLK,),
    in_specs=[
        pl.BlockSpec((MB, D), lambda m: (m, 0)),
        _full((1, D)),
        _full((1, D)),
    ],
    out_specs=pl.BlockSpec((NC, MB, HD), lambda m: (0, m, 0)),
    out_shape=jax.ShapeDtypeStruct((NC, N, HD), jnp.float32),
)

_layer = pl.pallas_call(
    _layer_body,
    grid=(NBLK,),
    in_specs=[
        pl.BlockSpec((NC, MB, HD), lambda m: (0, m, 0)),
        pl.BlockSpec((NC, 1, MB, HD), lambda m: (0, m // 3, m % 3, 0)),
        pl.BlockSpec((NC, 1, MB, HD), lambda m: (0, m // 3, m % 3, 0)),
        _full((NC, HD, D)),
        _full((NC, HD, D)),
        _full((1, D)),
        _full((1, D)),
        _full((1, D)),
    ],
    out_specs=pl.BlockSpec((NC, MB, HD), lambda m: (0, m, 0)),
    out_shape=jax.ShapeDtypeStruct((NC, N, HD), jnp.float32),
)

_head = pl.pallas_call(
    _head_body,
    grid=(NBLK,),
    in_specs=[
        pl.BlockSpec((NC, MB, HD), lambda m: (0, m, 0)),
        _full((NC, HD, D)),
        _full((1, D)),
        _full((1, D)),
        _full((D, HD)),
        _full((1, HD)),
        _full((1, HD)),
    ],
    out_specs=pl.BlockSpec((MB, HD), lambda m: (m, 0)),
    out_shape=jax.ShapeDtypeStruct((N, HD), jnp.float32),
)


def kernel(x, edge_index, selected, feat_mean, feat_std, W_self, W_neigh, b,
           ln_g, ln_b, W1, W2, ln2_g, ln2_b):
    del selected
    pad = EPAD - E
    src2 = jnp.pad(edge_index[0], (0, pad)).reshape(NCHUNK, C)
    dst2 = jnp.pad(edge_index[1], (0, pad),
                   constant_values=N).reshape(NCHUNK, C)

    h0 = _prep(x, feat_mean.reshape(1, D), feat_std.reshape(1, D))

    idx = jnp.array([0, 0, 1, 2, 3])
    first = jnp.array([1, 0, 0, 0, 0], jnp.int32)
    wts = (W_self[idx].reshape(LAYERS + 1, NC, HD, D),
           W_neigh[idx].reshape(LAYERS + 1, NC, HD, D),
           b[idx].reshape(LAYERS + 1, 1, D),
           ln_g[idx].reshape(LAYERS + 1, 1, D),
           ln_b[idx].reshape(LAYERS + 1, 1, D),
           first)

    def _step(carry, xs):
        tab, deg = carry
        ws, wn, bi, gi, bei, fl = xs
        seg = _seg_sum_sc(tab.reshape(NC * N, HD), src2, dst2)
        deg = jnp.where(fl > 0, seg, deg)
        hn = _layer(tab, seg, deg, ws, wn, bi, gi, bei)
        tab = jnp.where(fl > 0, h0, hn)
        return (tab, deg), None

    ones_tab = jnp.ones((NC, N, HD), jnp.float32)
    deg0 = jnp.ones((NC, NP, NQ, HD), jnp.float32)
    (tab, _), _ = lax.scan(_step, (ones_tab, deg0), wts)

    return _head(tab, W1.reshape(NC, HD, D), ln_g[LAYERS].reshape(1, D),
                 ln_b[LAYERS].reshape(1, D), W2, ln2_g.reshape(1, HD),
                 ln2_b.reshape(1, HD))

# --- scband reference (transcript-rebuilt; emitter-appended) ---
"""Pipeline reference for scband-sageconv-gnn-28020366639512 (READ-ONLY COPY).

The authoritative reference and input builder live on the scoring server;
editing this copy changes nothing except your own understanding.
"""

import jax, jax.numpy as jnp
import numpy as np

N = 10000
E = 160000
D = 256
L = 4

def _layer_norm(h, g, b, eps=1e-5):
    mu = jnp.mean(h, axis=-1, keepdims=True)
    var = jnp.var(h, axis=-1, keepdims=True)
    return (h - mu) / jnp.sqrt(var + eps) * g + b

def _sage_stack(h, src, dst, deg_inv, W_self, W_neigh, b, ln_g, ln_b, W1, W2, ln2_g, ln2_b, feat_mean, feat_std):
    h = (h - feat_mean) / feat_std
    for i in range(L):
        agg = jax.ops.segment_sum(h[src], dst, num_segments=N) * deg_inv
        h = h @ W_self[i] + agg @ W_neigh[i] + b[i]
        h = jax.nn.relu(_layer_norm(h, ln_g[i], ln_b[i]))
    h = jax.nn.relu(_layer_norm(h @ W1, ln_g[L], ln_b[L]))
    h = jax.nn.relu(_layer_norm(h @ W2, ln2_g, ln2_b))
    return h

def setup_inputs(seed: int = 0):
    key = jax.random.key(seed)
    ks = jax.random.split(key, 12)
    x = jax.random.normal(ks[0], (N, D), dtype=jnp.float32)
    edge_index = jax.random.randint(ks[1], (2, E), 0, N, dtype=jnp.int32)
    selected = jax.random.randint(ks[2], (N,), 0, 2, dtype=jnp.int32) > 0
    feat_mean = jax.random.normal(ks[3], (D,), dtype=jnp.float32) * 0.1
    feat_std = jax.random.uniform(ks[4], (D,), minval=0.5, maxval=1.5, dtype=jnp.float32)
    W_self = jax.random.normal(ks[5], (L, D, D), dtype=jnp.float32) / np.sqrt(D).astype(np.float32)
    W_neigh = jax.random.normal(ks[6], (L, D, D), dtype=jnp.float32) / np.sqrt(D).astype(np.float32)
    b = jnp.zeros((L, D), dtype=jnp.float32)
    ln_g = jnp.ones((L + 1, D), dtype=jnp.float32)
    ln_b = jnp.zeros((L + 1, D), dtype=jnp.float32)
    W1 = jax.random.normal(ks[7], (D, D), dtype=jnp.float32) / np.sqrt(D).astype(np.float32)
    W2 = jax.random.normal(ks[8], (D, D // 2), dtype=jnp.float32) / np.sqrt(D).astype(np.float32)
    ln2_g = jnp.ones((D // 2,), dtype=jnp.float32)
    ln2_b = jnp.zeros((D // 2,), dtype=jnp.float32)
    return {"x": x, "edge_index": edge_index, "selected": selected, "feat_mean": feat_mean, "feat_std": feat_std, "W_self": W_self, "W_neigh": W_neigh, "b": b, "ln_g": ln_g, "ln_b": ln_b, "W1": W1, "W2": W2, "ln2_g": ln2_g, "ln2_b": ln2_b}

def reference(x, edge_index, selected, feat_mean, feat_std, W_self, W_neigh, b, ln_g, ln_b, W1, W2, ln2_g, ln2_b):
    src, dst = edge_index[0], edge_index[1]
    deg = jax.ops.segment_sum(jnp.ones((E,), jnp.float32), dst, num_segments=N)
    deg_inv = (1.0 / jnp.maximum(deg, 1.0))[:, None]
    args = (src, dst, deg_inv, W_self, W_neigh, b, ln_g, ln_b, W1, W2, ln2_g, ln2_b, feat_mean, feat_std)
    x_full = _sage_stack(jax.lax.stop_gradient(x), *args)
    x_bp = _sage_stack(x, *args)
    return jnp.where(selected[:, None], x_bp, x_full)

if __name__ == "__main__":
    import jax
    _d = setup_inputs()
    print(jax.jit(kernel)(*tuple(_d.values())))

</pallas_src>

<mosaic_0001>
#map = affine_map<(d0, d1) -> (0, 0)>
#map1 = affine_map<(d0, d1) -> (0, 0, 0, 0)>
module attributes {stable_mosaic.version = 14 : i64} {
  func.func @_seg_sum_sc(%arg0: i32, %arg1: i32, %arg2: memref<20000x128xf32, #tpu.memory_space<hbm>>, %arg3: memref<1280x128xi32, #tpu.memory_space<hbm>>, %arg4: memref<1280x128xi32, #tpu.memory_space<hbm>>, %arg5: memref<2x4x3072x128xf32, #tpu.memory_space<hbm>>, %arg6: memref<80x128xi32, #tpu.memory_space<vmem>>, %arg7: memref<80x128xi32, #tpu.memory_space<vmem>>, %arg8: memref<80x128xi32, #tpu.memory_space<vmem>>, %arg9: memref<4x128x128xf32, #tpu.memory_space<vmem>>, %arg10: memref<48x128xf32, #tpu.memory_space<vmem>>, %arg11: memref<3072x128xf32, #tpu.memory_space<vmem_shared>>, %arg12: memref<!tpu.dma_semaphore, #tpu.memory_space<semaphore_mem>>, %arg13: memref<!tpu.dma_semaphore, #tpu.memory_space<semaphore_mem>>, %arg14: memref<!tpu.dma_semaphore, #tpu.memory_space<semaphore_mem>>, %arg15: memref<!tpu.dma_semaphore, #tpu.memory_space<semaphore_mem>>, %arg16: memref<!tpu.dma_semaphore, #tpu.memory_space<semaphore_mem>>, %arg17: memref<!tpu.dma_semaphore, #tpu.memory_space<semaphore_mem>>, %arg18: memref<!tpu.dma_semaphore, #tpu.memory_space<semaphore_mem>>, %arg19: memref<!tpu.dma_semaphore, #tpu.memory_space<semaphore_mem>>) attributes {dimension_semantics = [#tpu.dimension_semantics<core_parallel>, #tpu.dimension_semantics<subcore_parallel>], iteration_bounds = array<i64: 2, 16>, scalar_prefetch = 0 : i64, scratch_operands = 14 : i64, tpu.core_type = #tpu.core_type<sc_vector_subcore>, window_params = [{transform_indices = #map}, {transform_indices = #map}, {transform_indices = #map}, {transform_indices = #map1}]} {
    %mul3A = arith.constant 80 : i32
    %mul3A_0 = arith.muli %arg1, %mul3A : i32
    "tpu.region"() ({
      %run_scoped3A_498 = tpu.sem_alloc : memref<!tpu.dma_semaphore, #tpu.memory_space<semaphore_mem>>
      %dma_start3A_499 = arith.constant 0 : i32
      %dma_start3A_500 = tpu.memref_slice %arg3[%mul3A_0, %dma_start3A_499] : memref<1280x128xi32, #tpu.memory_space<hbm>> -> memref<80x128xi32, #tpu.memory_space<hbm>>
      %dma_start3A_501 = arith.constant 0 : i32
      %dma_start3A_502 = tpu.memref_slice %arg3[%mul3A_0, %dma_start3A_501] : memref<1280x128xi32, #tpu.memory_space<hbm>> -> memref<80x128xi32, #tpu.memory_space<hbm>>
      tpu.enqueue_dma source(%dma_start3A_502 : memref<80x128xi32, #tpu.memory_space<hbm>>) target(%arg6 : memref<80x128xi32, #tpu.memory_space<vmem>>) target_semaphore(%run_scoped3A_498 : memref<!tpu.dma_semaphore, #tpu.memory_space<semaphore_mem>>)
      %dma_wait3A_503 = arith.constant 0 : i32
      %dma_wait3A_504 = tpu.memref_slice %arg3[%mul3A_0, %dma_wait3A_503] : memref<1280x128xi32, #tpu.memory_space<hbm>> -> memref<80x128xi32, #tpu.memory_space<hbm>>
      %dma_wait3A_505 = arith.constant 0 : i32
      %dma_wait3A_506 = tpu.memref_slice %arg3[%mul3A_0, %dma_wait3A_505] : memref<1280x128xi32, #tpu.memory_space<hbm>> -> memref<80x128xi32, #tpu.memory_space<hbm>>
      tpu.wait_dma2 semaphore(%run_scoped3A_498 : memref<!tpu.dma_semaphore, #tpu.memory_space<semaphore_mem>>) src(%dma_wait3A_506 : memref<80x128xi32, #tpu.memory_space<hbm>>) dst(%arg6 : memref<80x128xi32, #tpu.memory_space<vmem>>)
      tpu.yield
    }) : () -> ()
    %mul3A_1 = arith.constant 80 : i32
    %mul3A_2 = arith.muli %arg1, %mul3A_1 : i32
    "tpu.region"() ({
      %run_scoped3A_498 = tpu.sem_alloc : memref<!tpu.dma_semaphore, #tpu.memory_space<semaphore_mem>>
      %dma_start3A_499 = arith.constant 0 : i32
      %dma_start3A_500 = tpu.memref_slice %arg4[%mul3A_2, %dma_start3A_499] : memref<1280x128xi32, #tpu.memory_space<hbm>> -> memref<80x128xi32, #tpu.memory_space<hbm>>
      %dma_start3A_501 = arith.constant 0 : i32
      %dma_start3A_502 = tpu.memref_slice %arg4[%mul3A_2, %dma_start3A_501] : memref<1280x128xi32, #tpu.memory_space<hbm>> -> memref<80x128xi32, #tpu.memory_space<hbm>>
      tpu.enqueue_dma source(%dma_start3A_502 : memref<80x128xi32, #tpu.memory_space<hbm>>) target(%arg7 : memref<80x128xi32, #tpu.memory_space<vmem>>) target_semaphore(%run_scoped3A_498 : memref<!tpu.dma_semaphore, #tpu.memory_space<semaphore_mem>>)
      %dma_wait3A_503 = arith.constant 0 : i32
      %dma_wait3A_504 = tpu.memref_slice %arg4[%mul3A_2, %dma_wait3A_503] : memref<1280x128xi32, #tpu.memory_space<hbm>> -> memref<80x128xi32, #tpu.memory_space<hbm>>
      %dma_wait3A_505 = arith.constant 0 : i32
      %dma_wait3A_506 = tpu.memref_slice %arg4[%mul3A_2, %dma_wait3A_505] : memref<1280x128xi32, #tpu.memory_space<hbm>> -> memref<80x128xi32, #tpu.memory_space<hbm>>
      tpu.wait_dma2 semaphore(%run_scoped3A_498 : memref<!tpu.dma_semaphore, #tpu.memory_space<semaphore_mem>>) src(%dma_wait3A_506 : memref<80x128xi32, #tpu.memory_space<hbm>>) dst(%arg7 : memref<80x128xi32, #tpu.memory_space<vmem>>)
      tpu.yield
    }) : () -> ()
    %mul3A_3 = arith.constant 10000 : i32
    %mul3A_4 = arith.muli %arg0, %mul3A_3 : i32
    %scan3A = arith.constant 0 : i32
    %scan3A_5 = arith.constant 0 : i32
    %scan3A_6 = arith.constant 640 : i32
    %scan3A_7 = arith.addi %scan3A_5, %scan3A_6 : i32
    %scan3A_8 = arith.constant 1 : i32
    %scan3A_9 = scf.for %scan3A_498 = %scan3A_5 to %scan3A_7 step %scan3A_8 iter_args(%scan3A_499 = %scan3A) -> (i32)  : i32 {
      %jit3A = arith.constant 8 : i32
      %div3A = arith.divsi %scan3A_498, %jit3A : i32
      %sign3A = arith.constant 0 : i32
      %sign3A_500 = arith.cmpi sgt, %scan3A_498, %sign3A : i32
      %sign3A_501 = arith.extui %sign3A_500 : i1 to i32
      %sign3A_502 = arith.constant 0 : i32
      %sign3A_503 = arith.cmpi slt, %scan3A_498, %sign3A_502 : i32
      %sign3A_504 = arith.extui %sign3A_503 : i1 to i32
      %sign3A_505 = arith.subi %sign3A_501, %sign3A_504 : i32
      %sign3A_506 = arith.constant 0 : i32
      %sign3A_507 = arith.cmpi sgt, %jit3A, %sign3A_506 : i32
      %sign3A_508 = arith.extui %sign3A_507 : i1 to i32
      %sign3A_509 = arith.constant 0 : i32
      %sign3A_510 = arith.cmpi slt, %jit3A, %sign3A_509 : i32
      %sign3A_511 = arith.extui %sign3A_510 : i1 to i32
      %sign3A_512 = arith.subi %sign3A_508, %sign3A_511 : i32
      %ne3A = arith.cmpi ne, %sign3A_505, %sign3A_512 : i32
      %rem3A = arith.remsi %scan3A_498, %jit3A : i32
      %ne3A_513 = arith.constant 0 : i32
      %ne3A_514 = arith.cmpi ne, %rem3A, %ne3A_513 : i32
      %and3A = arith.andi %ne3A, %ne3A_514 : i1
      %sub3A = arith.constant 1 : i32
      %sub3A_515 = arith.subi %div3A, %sub3A : i32
      %select_n3A = arith.select %and3A, %sub3A_515, %div3A : i32
      %jit3A_516 = arith.constant 8 : i32
      %eq3A = arith.constant 0 : i32
      %eq3A_517 = arith.cmpi eq, %jit3A_516, %eq3A : i32
      %jit3A_518 = arith.constant 1 : i32
      %select_n3A_519 = arith.select %eq3A_517, %jit3A_518, %jit3A_516 : i32
      %rem3A_520 = arith.remsi %scan3A_498, %select_n3A_519 : i32
      %ne3A_521 = arith.constant 0 : i32
      %ne3A_522 = arith.cmpi ne, %rem3A_520, %ne3A_521 : i32
      %lt3A = arith.constant 0 : i32
      %lt3A_523 = arith.cmpi slt, %rem3A_520, %lt3A : i32
      %lt3A_524 = arith.constant 0 : i32
      %lt3A_525 = arith.cmpi slt, %select_n3A_519, %lt3A_524 : i32
      %ne3A_526 = arith.xori %lt3A_523, %lt3A_525 : i1
      %and3A_527 = arith.andi %ne3A_526, %ne3A_522 : i1
      %add3A_528 = arith.addi %rem3A_520, %select_n3A_519 : i32
      %select_n3A_529 = arith.select %and3A_527, %add3A_528, %rem3A_520 : i32
      %mul3A_530 = arith.constant 16 : i32
      %mul3A_531 = arith.muli %select_n3A_529, %mul3A_530 : i32
      %get3A = arith.index_cast %select_n3A : i32 to index
      %get3A_532 = arith.index_cast %mul3A_531 : i32 to index
      %get3A_533 = tpu.vector_load %arg6[%get3A, %get3A_532] {strides = array<i32>} : memref<80x128xi32, #tpu.memory_space<vmem>>, vector<1x16xi32>,
      %get3A_534 = vector.shape_cast %get3A_533 : vector<1x16xi32> to vector<16xi32>
      %add3A_535 = vector.broadcast %mul3A_4 : i32 to vector<16xi32>
      %add3A_536 = arith.addi %get3A_534, %add3A_535 : vector<16xi32>
      %swap3A = arith.index_cast %select_n3A : i32 to index
      %swap3A_537 = arith.index_cast %mul3A_531 : i32 to index
      %swap3A_538 = tpu.vector_load %arg6[%swap3A, %swap3A_537] {strides = array<i32>} : memref<80x128xi32, #tpu.memory_space<vmem>>, vector<1x16xi32>,
      %swap3A_539 = vector.shape_cast %swap3A_538 : vector<1x16xi32> to vector<16xi32>
      %swap3A_540 = vector.shape_cast %add3A_536 : vector<16xi32> to vector<1x16xi32>
      tpu.vector_store %arg6[%swap3A, %swap3A_537], %swap3A_540 {strides = array<i32>} : memref<80x128xi32, #tpu.memory_space<vmem>>, vector<1x16xi32>,
      %scan3A_541 = arith.constant 0 : i32
      scf.yield %scan3A_541 : i32
    }
    %scan3A_10 = arith.constant 640 : i32
    %broadcast_in_dim3A = arith.constant 0.000000e+00 : f32
    %broadcast_in_dim3A_11 = vector.broadcast %broadcast_in_dim3A : f32 to vector<16xf32>
    %scan3A_12 = arith.constant 0 : i32
    %scan3A_13 = arith.constant 0 : i32
    %scan3A_14 = arith.constant 384 : i32
    %scan3A_15 = arith.addi %scan3A_13, %scan3A_14 : i32
    %scan3A_16 = arith.constant 1 : i32
    %scan3A_17 = scf.for %scan3A_498 = %scan3A_13 to %scan3A_15 step %scan3A_16 iter_args(%scan3A_499 = %scan3A_12) -> (i32)  : i32 {
      %jit3A = arith.constant 8 : i32
      %div3A = arith.divsi %scan3A_498, %jit3A : i32
      %sign3A = arith.constant 0 : i32
      %sign3A_500 = arith.cmpi sgt, %scan3A_498, %sign3A : i32
      %sign3A_501 = arith.extui %sign3A_500 : i1 to i32
      %sign3A_502 = arith.constant 0 : i32
      %sign3A_503 = arith.cmpi slt, %scan3A_498, %sign3A_502 : i32
      %sign3A_504 = arith.extui %sign3A_503 : i1 to i32
      %sign3A_505 = arith.subi %sign3A_501, %sign3A_504 : i32
      %sign3A_506 = arith.constant 0 : i32
      %sign3A_507 = arith.cmpi sgt, %jit3A, %sign3A_506 : i32
      %sign3A_508 = arith.extui %sign3A_507 : i1 to i32
      %sign3A_509 = arith.constant 0 : i32
      %sign3A_510 = arith.cmpi slt, %jit3A, %sign3A_509 : i32
      %sign3A_511 = arith.extui %sign3A_510 : i1 to i32
      %sign3A_512 = arith.subi %sign3A_508, %sign3A_511 : i32
      %ne3A = arith.cmpi ne, %sign3A_505, %sign3A_512 : i32
      %rem3A = arith.remsi %scan3A_498, %jit3A : i32
      %ne3A_513 = arith.constant 0 : i32
      %ne3A_514 = arith.cmpi ne, %rem3A, %ne3A_513 : i32
      %and3A = arith.andi %ne3A, %ne3A_514 : i1
      %sub3A = arith.constant 1 : i32
      %sub3A_515 = arith.subi %div3A, %sub3A : i32
      %select_n3A = arith.select %and3A, %sub3A_515, %div3A : i32
      %jit3A_516 = arith.constant 8 : i32
      %eq3A = arith.constant 0 : i32
      %eq3A_517 = arith.cmpi eq, %jit3A_516, %eq3A : i32
      %jit3A_518 = arith.constant 1 : i32
      %select_n3A_519 = arith.select %eq3A_517, %jit3A_518, %jit3A_516 : i32
      %rem3A_520 = arith.remsi %scan3A_498, %select_n3A_519 : i32
      %ne3A_521 = arith.constant 0 : i32
      %ne3A_522 = arith.cmpi ne, %rem3A_520, %ne3A_521 : i32
      %lt3A = arith.constant 0 : i32
      %lt3A_523 = arith.cmpi slt, %rem3A_520, %lt3A : i32
      %lt3A_524 = arith.constant 0 : i32
      %lt3A_525 = arith.cmpi slt, %select_n3A_519, %lt3A_524 : i32
      %ne3A_526 = arith.xori %lt3A_523, %lt3A_525 : i1
      %and3A_527 = arith.andi %ne3A_526, %ne3A_522 : i1
      %add3A_528 = arith.addi %rem3A_520, %select_n3A_519 : i32
      %select_n3A_529 = arith.select %and3A_527, %add3A_528, %rem3A_520 : i32
      %mul3A_530 = arith.constant 16 : i32
      %mul3A_531 = arith.muli %select_n3A_529, %mul3A_530 : i32
      %swap3A = arith.index_cast %select_n3A : i32 to index
      %swap3A_532 = arith.index_cast %mul3A_531 : i32 to index
      %swap3A_533 = tpu.vector_load %arg10[%swap3A, %swap3A_532] {strides = array<i32>} : memref<48x128xf32, #tpu.memory_space<vmem>>, vector<1x16xf32>,
      %swap3A_534 = vector.shape_cast %swap3A_533 : vector<1x16xf32> to vector<16xf32>
      %swap3A_535 = vector.shape_cast %broadcast_in_dim3A_11 : vector<16xf32> to vector<1x16xf32>
      tpu.vector_store %arg10[%swap3A, %swap3A_532], %swap3A_535 {strides = array<i32>} : memref<48x128xf32, #tpu.memory_space<vmem>>, vector<1x16xf32>,
      %scan3A_536 = arith.constant 0 : i32
      scf.yield %scan3A_536 : i32
    }
    %scan3A_18 = arith.constant 384 : i32
    %scan3A_19 = arith.constant 0 : i32
    %scan3A_20 = arith.constant 0 : i32
    %scan3A_21 = arith.constant 640 : i32
    %scan3A_22 = arith.addi %scan3A_20, %scan3A_21 : i32
    %scan3A_23 = arith.constant 1 : i32
    %scan3A_24 = scf.for %scan3A_498 = %scan3A_20 to %scan3A_22 step %scan3A_23 iter_args(%scan3A_499 = %scan3A_19) -> (i32)  : i32 {
      %jit3A = arith.constant 8 : i32
      %div3A = arith.divsi %scan3A_498, %jit3A : i32
      %sign3A = arith.constant 0 : i32
      %sign3A_500 = arith.cmpi sgt, %scan3A_498, %sign3A : i32
      %sign3A_501 = arith.extui %sign3A_500 : i1 to i32
      %sign3A_502 = arith.constant 0 : i32
      %sign3A_503 = arith.cmpi slt, %scan3A_498, %sign3A_502 : i32
      %sign3A_504 = arith.extui %sign3A_503 : i1 to i32
      %sign3A_505 = arith.subi %sign3A_501, %sign3A_504 : i32
      %sign3A_506 = arith.constant 0 : i32
      %sign3A_507 = arith.cmpi sgt, %jit3A, %sign3A_506 : i32
      %sign3A_508 = arith.extui %sign3A_507 : i1 to i32
      %sign3A_509 = arith.constant 0 : i32
      %sign3A_510 = arith.cmpi slt, %jit3A, %sign3A_509 : i32
      %sign3A_511 = arith.extui %sign3A_510 : i1 to i32
      %sign3A_512 = arith.subi %sign3A_508, %sign3A_511 : i32
      %ne3A = arith.cmpi ne, %sign3A_505, %sign3A_512 : i32
      %rem3A = arith.remsi %scan3A_498, %jit3A : i32
      %ne3A_513 = arith.constant 0 : i32
      %ne3A_514 = arith.cmpi ne, %rem3A, %ne3A_513 : i32
      %and3A = arith.andi %ne3A, %ne3A_514 : i1
      %sub3A = arith.constant 1 : i32
      %sub3A_515 = arith.subi %div3A, %sub3A : i32
      %select_n3A = arith.select %and3A, %sub3A_515, %div3A : i32
      %jit3A_516 = arith.constant 8 : i32
      %eq3A = arith.constant 0 : i32
      %eq3A_517 = arith.cmpi eq, %jit3A_516, %eq3A : i32
      %jit3A_518 = arith.constant 1 : i32
      %select_n3A_519 = arith.select %eq3A_517, %jit3A_518, %jit3A_516 : i32
      %rem3A_520 = arith.remsi %scan3A_498, %select_n3A_519 : i32
      %ne3A_521 = arith.constant 0 : i32
      %ne3A_522 = arith.cmpi ne, %rem3A_520, %ne3A_521 : i32
      %lt3A = arith.constant 0 : i32
      %lt3A_523 = arith.cmpi slt, %rem3A_520, %lt3A : i32
      %lt3A_524 = arith.constant 0 : i32
      %lt3A_525 = arith.cmpi slt, %select_n3A_519, %lt3A_524 : i32
      %ne3A_526 = arith.xori %lt3A_523, %lt3A_525 : i1
      %and3A_527 = arith.andi %ne3A_526, %ne3A_522 : i1
      %add3A_528 = arith.addi %rem3A_520, %select_n3A_519 : i32
      %select_n3A_529 = arith.select %and3A_527, %add3A_528, %rem3A_520 : i32
      %mul3A_530 = arith.constant 16 : i32
      %mul3A_531 = arith.muli %select_n3A_529, %mul3A_530 : i32
      %get3A = arith.index_cast %select_n3A : i32 to index
      %get3A_532 = arith.index_cast %mul3A_531 : i32 to index
      %get3A_533 = tpu.vector_load %arg7[%get3A, %get3A_532] {strides = array<i32>} : memref<80x128xi32, #tpu.memory_space<vmem>>, vector<1x16xi32>,
      %get3A_534 = vector.shape_cast %get3A_533 : vector<1x16xi32> to vector<16xi32>
      %sub3A_535 = arith.constant 0 : i32
      %sub3A_536 = vector.broadcast %sub3A_535 : i32 to vector<16xi32>
      %sub3A_537 = arith.subi %get3A_534, %sub3A_536 : vector<16xi32>
      %ge3A = arith.constant 0 : i32
      %ge3A_538 = vector.broadcast %ge3A : i32 to vector<16xi32>
      %ge3A_539 = arith.cmpi sge, %sub3A_537, %ge3A_538 : vector<16xi32>
      %lt3A_540 = arith.constant 3000 : i32
      %lt3A_541 = vector.broadcast %lt3A_540 : i32 to vector<16xi32>
      %lt3A_542 = arith.cmpi slt, %sub3A_537, %lt3A_541 : vector<16xi32>
      %and3A_543 = arith.andi %ge3A_539, %lt3A_542 : vector<16xi1>
      %jit3A_544 = arith.constant 3000 : i32
      %broadcast_in_dim3A_545 = vector.broadcast %jit3A_544 : i32 to vector<16xi32>
      %select_n3A_546 = arith.select %and3A_543, %sub3A_537, %broadcast_in_dim3A_545 : vector<16xi1>, vector<16xi32>
      %swap3A = arith.index_cast %select_n3A : i32 to index
      %swap3A_547 = arith.index_cast %mul3A_531 : i32 to index
      %swap3A_548 = tpu.vector_load %arg8[%swap3A, %swap3A_547] {strides = array<i32>} : memref<80x128xi32, #tpu.memory_space<vmem>>, vector<1x16xi32>,
      %swap3A_549 = vector.shape_cast %swap3A_548 : vector<1x16xi32> to vector<16xi32>
      %swap3A_550 = vector.shape_cast %select_n3A_546 : vector<16xi32> to vector<1x16xi32>
      tpu.vector_store %arg8[%swap3A, %swap3A_547], %swap3A_550 {strides = array<i32>} : memref<80x128xi32, #tpu.memory_space<vmem>>, vector<1x16xi32>,
      %scan3A_551 = arith.constant 0 : i32
      scf.yield %scan3A_551 : i32
    }
    %scan3A_25 = arith.constant 640 : i32
    %mul3A_26 = arith.constant 192 : i32
    %mul3A_27 = arith.muli %arg1, %mul3A_26 : i32
    %add3A = arith.constant 0 : i32
    %add3A_28 = arith.addi %mul3A_27, %add3A : i32
    "tpu.region"() ({
      %run_scoped3A_498 = tpu.sem_alloc : memref<!tpu.dma_semaphore, #tpu.memory_space<semaphore_mem>>
      %dma_start3A_499 = arith.constant 0 : i32
      %dma_start3A_500 = tpu.memref_slice %arg11[%add3A_28, %dma_start3A_499] : memref<3072x128xf32, #tpu.memory_space<vmem_shared>> -> memref<48x128xf32, #tpu.memory_space<vmem_shared>>
      %dma_start3A_501 = arith.constant 0 : i32
      %dma_start3A_502 = tpu.memref_slice %arg11[%add3A_28, %dma_start3A_501] : memref<3072x128xf32, #tpu.memory_space<vmem_shared>> -> memref<48x128xf32, #tpu.memory_space<vmem_shared>>
      tpu.enqueue_dma source(%arg10 : memref<48x128xf32, #tpu.memory_space<vmem>>) target(%dma_start3A_502 : memref<48x128xf32, #tpu.memory_space<vmem_shared>>) target_semaphore(%run_scoped3A_498 : memref<!tpu.dma_semaphore, #tpu.memory_space<semaphore_mem>>)
      %dma_wait3A_503 = arith.constant 0 : i32
      %dma_wait3A_504 = tpu.memref_slice %arg11[%add3A_28, %dma_wait3A_503] : memref<3072x128xf32, #tpu.memory_space<vmem_shared>> -> memref<48x128xf32, #tpu.memory_space<vmem_shared>>
      %dma_wait3A_505 = arith.constant 0 : i32
      %dma_wait3A_506 = tpu.memref_slice %arg11[%add3A_28, %dma_wait3A_505] : memref<3072x128xf32, #tpu.memory_space<vmem_shared>> -> memref<48x128xf32, #tpu.memory_space<vmem_shared>>
      tpu.wait_dma2 semaphore(%run_scoped3A_498 : memref<!tpu.dma_semaphore, #tpu.memory_space<semaphore_mem>>) src(%arg10 : memref<48x128xf32, #tpu.memory_space<vmem>>) dst(%dma_wait3A_506 : memref<48x128xf32, #tpu.memory_space<vmem_shared>>)
      tpu.yield
    }) : () -> ()
    %mul3A_29 = arith.constant 192 : i32
    %mul3A_30 = arith.muli %arg1, %mul3A_29 : i32
    %add3A_31 = arith.constant 48 : i32
    %add3A_32 = arith.addi %mul3A_30, %add3A_31 : i32
    "tpu.region"() ({
      %run_scoped3A_498 = tpu.sem_alloc : memref<!tpu.dma_semaphore, #tpu.memory_space<semaphore_mem>>
      %dma_start3A_499 = arith.constant 0 : i32
      %dma_start3A_500 = tpu.memref_slice %arg11[%add3A_32, %dma_start3A_499] : memref<3072x128xf32, #tpu.memory_space<vmem_shared>> -> memref<48x128xf32, #tpu.memory_space<vmem_shared>>
      %dma_start3A_501 = arith.constant 0 : i32
      %dma_start3A_502 = tpu.memref_slice %arg11[%add3A_32, %dma_start3A_501] : memref<3072x128xf32, #tpu.memory_space<vmem_shared>> -> memref<48x128xf32, #tpu.memory_space<vmem_shared>>
      tpu.enqueue_dma source(%arg10 : memref<48x128xf32, #tpu.memory_space<vmem>>) target(%dma_start3A_502 : memref<48x128xf32, #tpu.memory_space<vmem_shared>>) target_semaphore(%run_scoped3A_498 : memref<!tpu.dma_semaphore, #tpu.memory_space<semaphore_mem>>)
      %dma_wait3A_503 = arith.constant 0 : i32
      %dma_wait3A_504 = tpu.memref_slice %arg11[%add3A_32, %dma_wait3A_503] : memref<3072x128xf32, #tpu.memory_space<vmem_shared>> -> memref<48x128xf32, #tpu.memory_space<vmem_shared>>
      %dma_wait3A_505 = arith.constant 0 : i32
      %dma_wait3A_506 = tpu.memref_slice %arg11[%add3A_32, %dma_wait3A_505] : memref<3072x128xf32, #tpu.memory_space<vmem_shared>> -> memref<48x128xf32, #tpu.memory_space<vmem_shared>>
      tpu.wait_dma2 semaphore(%run_scoped3A_498 : memref<!tpu.dma_semaphore, #tpu.memory_space<semaphore_mem>>) src(%arg10 : memref<48x128xf32, #tpu.memory_space<vmem>>) dst(%dma_wait3A_506 : memref<48x128xf32, #tpu.memory_space<vmem_shared>>)
      tpu.yield
    }) : () -> ()
    %mul3A_33 = arith.constant 192 : i32
    %mul3A_34 = arith.muli %arg1, %mul3A_33 : i32
    %add3A_35 = arith.constant 96 : i32
    %add3A_36 = arith.addi %mul3A_34, %add3A_35 : i32
    "tpu.region"() ({
      %run_scoped3A_498 = tpu.sem_alloc : memref<!tpu.dma_semaphore, #tpu.memory_space<semaphore_mem>>
      %dma_start3A_499 = arith.constant 0 : i32
      %dma_start3A_500 = tpu.memref_slice %arg11[%add3A_36, %dma_start3A_499] : memref<3072x128xf32, #tpu.memory_space<vmem_shared>> -> memref<48x128xf32, #tpu.memory_space<vmem_shared>>
      %dma_start3A_501 = arith.constant 0 : i32
      %dma_start3A_502 = tpu.memref_slice %arg11[%add3A_36, %dma_start3A_501] : memref<3072x128xf32, #tpu.memory_space<vmem_shared>> -> memref<48x128xf32, #tpu.memory_space<vmem_shared>>
      tpu.enqueue_dma source(%arg10 : memref<48x128xf32, #tpu.memory_space<vmem>>) target(%dma_start3A_502 : memref<48x128xf32, #tpu.memory_space<vmem_shared>>) target_semaphore(%run_scoped3A_498 : memref<!tpu.dma_semaphore, #tpu.memory_space<semaphore_mem>>)
      %dma_wait3A_503 = arith.constant 0 : i32
      %dma_wait3A_504 = tpu.memref_slice %arg11[%add3A_36, %dma_wait3A_503] : memref<3072x128xf32, #tpu.memory_space<vmem_shared>> -> memref<48x128xf32, #tpu.memory_space<vmem_shared>>
      %dma_wait3A_505 = arith.constant 0 : i32
      %dma_wait3A_506 = tpu.memref_slice %arg11[%add3A_36, %dma_wait3A_505] : memref<3072x128xf32, #tpu.memory_space<vmem_shared>> -> memref<48x128xf32, #tpu.memory_space<vmem_shared>>
      tpu.wait_dma2 semaphore(%run_scoped3A_498 : memref<!tpu.dma_semaphore, #tpu.memory_space<semaphore_mem>>) src(%arg10 : memref<48x128xf32, #tpu.memory_space<vmem>>) dst(%dma_wait3A_506 : memref<48x128xf32, #tpu.memory_space<vmem_shared>>)
      tpu.yield
    }) : () -> ()
    %mul3A_37 = arith.constant 192 : i32
    %mul3A_38 = arith.muli %arg1, %mul3A_37 : i32
    %add3A_39 = arith.constant 144 : i32
    %add3A_40 = arith.addi %mul3A_38, %add3A_39 : i32
    "tpu.region"() ({
      %run_scoped3A_498 = tpu.sem_alloc : memref<!tpu.dma_semaphore, #tpu.memory_space<semaphore_mem>>
      %dma_start3A_499 = arith.constant 0 : i32
      %dma_start3A_500 = tpu.memref_slice %arg11[%add3A_40, %dma_start3A_499] : memref<3072x128xf32, #tpu.memory_space<vmem_shared>> -> memref<48x128xf32, #tpu.memory_space<vmem_shared>>
      %dma_start3A_501 = arith.constant 0 : i32
      %dma_start3A_502 = tpu.memref_slice %arg11[%add3A_40, %dma_start3A_501] : memref<3072x128xf32, #tpu.memory_space<vmem_shared>> -> memref<48x128xf32, #tpu.memory_space<vmem_shared>>
      tpu.enqueue_dma source(%arg10 : memref<48x128xf32, #tpu.memory_space<vmem>>) target(%dma_start3A_502 : memref<48x128xf32, #tpu.memory_space<vmem_shared>>) target_semaphore(%run_scoped3A_498 : memref<!tpu.dma_semaphore, #tpu.memory_space<semaphore_mem>>)
      %dma_wait3A_503 = arith.constant 0 : i32
      %dma_wait3A_504 = tpu.memref_slice %arg11[%add3A_40, %dma_wait3A_503] : memref<3072x128xf32, #tpu.memory_space<vmem_shared>> -> memref<48x128xf32, #tpu.memory_space<vmem_shared>>
      %dma_wait3A_505 = arith.constant 0 : i32
      %dma_wait3A_506 = tpu.memref_slice %arg11[%add3A_40, %dma_wait3A_505] : memref<3072x128xf32, #tpu.memory_space<vmem_shared>> -> memref<48x128xf32, #tpu.memory_space<vmem_shared>>
      tpu.wait_dma2 semaphore(%run_scoped3A_498 : memref<!tpu.dma_semaphore, #tpu.memory_space<semaphore_mem>>) src(%arg10 : memref<48x128xf32, #tpu.memory_space<vmem>>) dst(%dma_wait3A_506 : memref<48x128xf32, #tpu.memory_space<vmem_shared>>)
      tpu.yield
    }) : () -> ()
    %barrier3A = arith.constant 0 : index
    tpu.barrier barrier_id(%barrier3A)
    %dma_start3A = arith.constant 0 : i32
    %dma_start3A_41 = arith.constant 0 : i32
    %dma_start3A_42 = arith.constant 0 : i32
    %dma_start3A_43 = arith.constant 0 : i32
    %dma_start3A_44 = tpu.memref_slice %arg9[%dma_start3A_41, %dma_start3A_42, %dma_start3A_43] : memref<4x128x128xf32, #tpu.memory_space<vmem>> -> memref<1x128x128xf32, #tpu.memory_space<vmem>>
    %dma_start3A_45 = tpu.memref_squeeze %dma_start3A_44 : memref<1x128x128xf32, #tpu.memory_space<vmem>> -> memref<128x128xf32, #tpu.memory_space<vmem>>
    %dma_start3A_46 = arith.constant 0 : i32
    %dma_start3A_47 = tpu.memref_slice %arg6[%dma_start3A, %dma_start3A_46] : memref<80x128xi32, #tpu.memory_space<vmem>> -> memref<1x128xi32, #tpu.memory_space<vmem>>
    %dma_start3A_48 = tpu.memref_squeeze %dma_start3A_47 : memref<1x128xi32, #tpu.memory_space<vmem>> -> memref<128xi32, #tpu.memory_space<vmem>>
    %dma_start3A_49 = arith.constant 0 : i32
    %dma_start3A_50 = arith.constant 0 : i32
    %dma_start3A_51 = tpu.memref_slice %arg2[%dma_start3A_49, %dma_start3A_50] : memref<20000x128xf32, #tpu.memory_space<hbm>> -> memref<20000x128xf32, #tpu.memory_space<hbm>>
    tpu.enqueue_indirect_dma source(%dma_start3A_51 : memref<20000x128xf32, #tpu.memory_space<hbm>>) target(%dma_start3A_45 : memref<128x128xf32, #tpu.memory_space<vmem>>) offsets(%dma_start3A_48 : memref<128xi32, #tpu.memory_space<vmem>>) semaphore(%arg12 : memref<!tpu.dma_semaphore, #tpu.memory_space<semaphore_mem>>)
    %dma_start3A_52 = arith.constant 1 : i32
    %dma_start3A_53 = arith.constant 1 : i32
    %dma_start3A_54 = arith.constant 0 : i32
    %dma_start3A_55 = arith.constant 0 : i32
    %dma_start3A_56 = tpu.memref_slice %arg9[%dma_start3A_53, %dma_start3A_54, %dma_start3A_55] : memref<4x128x128xf32, #tpu.memory_space<vmem>> -> memref<1x128x128xf32, #tpu.memory_space<vmem>>
    %dma_start3A_57 = tpu.memref_squeeze %dma_start3A_56 : memref<1x128x128xf32, #tpu.memory_space<vmem>> -> memref<128x128xf32, #tpu.memory_space<vmem>>
    %dma_start3A_58 = arith.constant 0 : i32
    %dma_start3A_59 = tpu.memref_slice %arg6[%dma_start3A_52, %dma_start3A_58] : memref<80x128xi32, #tpu.memory_space<vmem>> -> memref<1x128xi32, #tpu.memory_space<vmem>>
    %dma_start3A_60 = tpu.memref_squeeze %dma_start3A_59 : memref<1x128xi32, #tpu.memory_space<vmem>> -> memref<128xi32, #tpu.memory_space<vmem>>
    %dma_start3A_61 = arith.constant 0 : i32
    %dma_start3A_62 = arith.constant 0 : i32
    %dma_start3A_63 = tpu.memref_slice %arg2[%dma_start3A_61, %dma_start3A_62] : memref<20000x128xf32, #tpu.memory_space<hbm>> -> memref<20000x128xf32, #tpu.memory_space<hbm>>
    tpu.enqueue_indirect_dma source(%dma_start3A_63 : memref<20000x128xf32, #tpu.memory_space<hbm>>) target(%dma_start3A_57 : memref<128x128xf32, #tpu.memory_space<vmem>>) offsets(%dma_start3A_60 : memref<128xi32, #tpu.memory_space<vmem>>) semaphore(%arg13 : memref<!tpu.dma_semaphore, #tpu.memory_space<semaphore_mem>>)
    %dma_start3A_64 = arith.constant 2 : i32
    %dma_start3A_65 = arith.constant 2 : i32
    %dma_start3A_66 = arith.constant 0 : i32
    %dma_start3A_67 = arith.constant 0 : i32
    %dma_start3A_68 = tpu.memref_slice %arg9[%dma_start3A_65, %dma_start3A_66, %dma_start3A_67] : memref<4x128x128xf32, #tpu.memory_space<vmem>> -> memref<1x128x128xf32, #tpu.memory_space<vmem>>
    %dma_start3A_69 = tpu.memref_squeeze %dma_start3A_68 : memref<1x128x128xf32, #tpu.memory_space<vmem>> -> memref<128x128xf32, #tpu.memory_space<vmem>>
    %dma_start3A_70 = arith.constant 0 : i32
    %dma_start3A_71 = tpu.memref_slice %arg6[%dma_start3A_64, %dma_start3A_70] : memref<80x128xi32, #tpu.memory_space<vmem>> -> memref<1x128xi32, #tpu.memory_space<vmem>>
    %dma_start3A_72 = tpu.memref_squeeze %dma_start3A_71 : memref<1x128xi32, #tpu.memory_space<vmem>> -> memref<128xi32, #tpu.memory_space<vmem>>
    %dma_start3A_73 = arith.constant 0 : i32
    %dma_start3A_74 = arith.constant 0 : i32
    %dma_start3A_75 = tpu.memref_slice %arg2[%dma_start3A_73, %dma_start3A_74] : memref<20000x128xf32, #tpu.memory_space<hbm>> -> memref<20000x128xf32, #tpu.memory_space<hbm>>
    tpu.enqueue_indirect_dma source(%dma_start3A_75 : memref<20000x128xf32, #tpu.memory_space<hbm>>) target(%dma_start3A_69 : memref<128x128xf32, #tpu.memory_space<vmem>>) offsets(%dma_start3A_72 : memref<128xi32, #tpu.memory_space<vmem>>) semaphore(%arg14 : memref<!tpu.dma_semaphore, #tpu.memory_space<semaphore_mem>>)
    %scan3A_76 = arith.constant 0 : i32
    %scan3A_77 = arith.constant 0 : i32
    %scan3A_78 = arith.constant 20 : i32
    %scan3A_79 = arith.addi %scan3A_77, %scan3A_78 : i32
    %scan3A_80 = arith.constant 1 : i32
    %scan3A_81 = scf.for %scan3A_498 = %scan3A_77 to %scan3A_79 step %scan3A_80 iter_args(%scan3A_499 = %scan3A_76) -> (i32)  : i32 {
      %mul3A_500 = arith.constant 4 : i32
      %mul3A_501 = arith.muli %scan3A_498, %mul3A_500 : i32
      %add3A_502 = arith.constant 0 : i32
      %add3A_503 = arith.addi %mul3A_501, %add3A_502 : i32
      %dma_wait3A_504 = arith.constant 0 : i32
      %dma_wait3A_505 = arith.constant 0 : i32
      %dma_wait3A_506 = arith.constant 0 : i32
      %dma_wait3A_507 = tpu.memref_slice %arg9[%dma_wait3A_504, %dma_wait3A_505, %dma_wait3A_506] : memref<4x128x128xf32, #tpu.memory_space<vmem>> -> memref<1x128x128xf32, #tpu.memory_space<vmem>>
      %dma_wait3A_508 = tpu.memref_squeeze %dma_wait3A_507 : memref<1x128x128xf32, #tpu.memory_space<vmem>> -> memref<128x128xf32, #tpu.memory_space<vmem>>
      %dma_wait3A_509 = arith.constant 0 : i32
      %dma_wait3A_510 = tpu.memref_slice %arg6[%add3A_503, %dma_wait3A_509] : memref<80x128xi32, #tpu.memory_space<vmem>> -> memref<1x128xi32, #tpu.memory_space<vmem>>
      %dma_wait3A_511 = tpu.memref_squeeze %dma_wait3A_510 : memref<1x128xi32, #tpu.memory_space<vmem>> -> memref<128xi32, #tpu.memory_space<vmem>>
      %dma_wait3A_512 = arith.constant 0 : i32
      %dma_wait3A_513 = arith.constant 0 : i32
      %dma_wait3A_514 = tpu.memref_slice %arg2[%dma_wait3A_512, %dma_wait3A_513] : memref<20000x128xf32, #tpu.memory_space<hbm>> -> memref<20000x128xf32, #tpu.memory_space<hbm>>
      tpu.wait_indirect_dma semaphore(%arg12 : memref<!tpu.dma_semaphore, #tpu.memory_space<semaphore_mem>>) src(%dma_wait3A_514 : memref<20000x128xf32, #tpu.memory_space<hbm>>) dst(%dma_wait3A_508 : memref<128x128xf32, #tpu.memory_space<vmem>>)
      %dma_start3A_515 = arith.constant 0 : i32
      %dma_start3A_516 = arith.constant 0 : i32
      %dma_start3A_517 = arith.constant 0 : i32
      %dma_start3A_518 = tpu.memref_slice %arg9[%dma_start3A_515, %dma_start3A_516, %dma_start3A_517] : memref<4x128x128xf32, #tpu.memory_space<vmem>> -> memref<1x128x128xf32, #tpu.memory_space<vmem>>
      %dma_start3A_519 = tpu.memref_squeeze %dma_start3A_518 : memref<1x128x128xf32, #tpu.memory_space<vmem>> -> memref<128x128xf32, #tpu.memory_space<vmem>>
      %dma_start3A_520 = arith.constant 0 : i32
      %dma_start3A_521 = tpu.memref_slice %arg8[%add3A_503, %dma_start3A_520] : memref<80x128xi32, #tpu.memory_space<vmem>> -> memref<1x128xi32, #tpu.memory_space<vmem>>
      %dma_start3A_522 = tpu.memref_squeeze %dma_start3A_521 : memref<1x128xi32, #tpu.memory_space<vmem>> -> memref<128xi32, #tpu.memory_space<vmem>>
      %dma_start3A_523 = arith.constant 0 : i32
      %dma_start3A_524 = arith.constant 0 : i32
      %dma_start3A_525 = tpu.memref_slice %arg11[%dma_start3A_523, %dma_start3A_524] : memref<3072x128xf32, #tpu.memory_space<vmem_shared>> -> memref<3072x128xf32, #tpu.memory_space<vmem_shared>>
      tpu.enqueue_indirect_dma source(%dma_start3A_519 : memref<128x128xf32, #tpu.memory_space<vmem>>) target(%dma_start3A_525 : memref<3072x128xf32, #tpu.memory_space<vmem_shared>>) offsets(%dma_start3A_522 : memref<128xi32, #tpu.memory_space<vmem>>) semaphore(%arg16 : memref<!tpu.dma_semaphore, #tpu.memory_space<semaphore_mem>>) {add = true}
      %add3A_526 = arith.constant 3 : i32
      %add3A_527 = arith.addi %add3A_503, %add3A_526 : i32
      %lt3A = arith.constant 80 : i32
      %lt3A_528 = arith.cmpi slt, %add3A_527, %lt3A : i32
      %convert_element_type3A = arith.extui %lt3A_528 : i1 to i32
      %cond3A = arith.constant 3 : i32
      %cond3A_529 = arith.constant 0 : i32
      %cond3A_530 = arith.cmpi ne, %convert_element_type3A, %cond3A_529 : i32
      scf.if %cond3A_530 {
        %ge3A = arith.constant 4 : i32
        %ge3A_634 = arith.cmpi sge, %add3A_527, %ge3A : i32
        %convert_element_type3A_635 = arith.extui %ge3A_634 : i1 to i32
        %cond3A_636 = arith.constant 0 : i32
        %cond3A_637 = arith.cmpi ne, %convert_element_type3A_635, %cond3A_636 : i32
        scf.if %cond3A_637 {
          %sub3A = arith.constant 4 : i32
          %sub3A_648 = arith.subi %add3A_527, %sub3A : i32
          %dma_wait3A_649 = arith.constant 0 : i32
          %dma_wait3A_650 = arith.constant 0 : i32
          %dma_wait3A_651 = tpu.memref_slice %arg9[%cond3A, %dma_wait3A_649, %dma_wait3A_650] : memref<4x128x128xf32, #tpu.memory_space<vmem>> -> memref<1x128x128xf32, #tpu.memory_space<vmem>>
          %dma_wait3A_652 = tpu.memref_squeeze %dma_wait3A_651 : memref<1x128x128xf32, #tpu.memory_space<vmem>> -> memref<128x128xf32, #tpu.memory_space<vmem>>
          %dma_wait3A_653 = arith.constant 0 : i32
          %dma_wait3A_654 = tpu.memref_slice %arg8[%sub3A_648, %dma_wait3A_653] : memref<80x128xi32, #tpu.memory_space<vmem>> -> memref<1x128xi32, #tpu.memory_space<vmem>>
          %dma_wait3A_655 = tpu.memref_squeeze %dma_wait3A_654 : memref<1x128xi32, #tpu.memory_space<vmem>> -> memref<128xi32, #tpu.memory_space<vmem>>
          %dma_wait3A_656 = arith.constant 0 : i32
          %dma_wait3A_657 = arith.constant 0 : i32
          %dma_wait3A_658 = tpu.memref_slice %arg11[%dma_wait3A_656, %dma_wait3A_657] : memref<3072x128xf32, #tpu.memory_space<vmem_shared>> -> memref<3072x128xf32, #tpu.memory_space<vmem_shared>>
          tpu.wait_indirect_dma semaphore(%arg19 : memref<!tpu.dma_semaphore, #tpu.memory_space<semaphore_mem>>) src(%dma_wait3A_652 : memref<128x128xf32, #tpu.memory_space<vmem>>) dst(%dma_wait3A_658 : memref<3072x128xf32, #tpu.memory_space<vmem_shared>>)
        } else {
        }
        %dma_start3A_638 = arith.constant 0 : i32
        %dma_start3A_639 = arith.constant 0 : i32
        %dma_start3A_640 = tpu.memref_slice %arg9[%cond3A, %dma_start3A_638, %dma_start3A_639] : memref<4x128x128xf32, #tpu.memory_space<vmem>> -> memref<1x128x128xf32, #tpu.memory_space<vmem>>
        %dma_start3A_641 = tpu.memref_squeeze %dma_start3A_640 : memref<1x128x128xf32, #tpu.memory_space<vmem>> -> memref<128x128xf32, #tpu.memory_space<vmem>>
        %dma_start3A_642 = arith.constant 0 : i32
        %dma_start3A_643 = tpu.memref_slice %arg6[%add3A_527, %dma_start3A_642] : memref<80x128xi32, #tpu.memory_space<vmem>> -> memref<1x128xi32, #tpu.memory_space<vmem>>
        %dma_start3A_644 = tpu.memref_squeeze %dma_start3A_643 : memref<1x128xi32, #tpu.memory_space<vmem>> -> memref<128xi32, #tpu.memory_space<vmem>>
        %dma_start3A_645 = arith.constant 0 : i32
        %dma_start3A_646 = arith.constant 0 : i32
        %dma_start3A_647 = tpu.memref_slice %arg2[%dma_start3A_645, %dma_start3A_646] : memref<20000x128xf32, #tpu.memory_space<hbm>> -> memref<20000x128xf32, #tpu.memory_space<hbm>>
        tpu.enqueue_indirect_dma source(%dma_start3A_647 : memref<20000x128xf32, #tpu.memory_space<hbm>>) target(%dma_start3A_641 : memref<128x128xf32, #tpu.memory_space<vmem>>) offsets(%dma_start3A_644 : memref<128xi32, #tpu.memory_space<vmem>>) semaphore(%arg15 : memref<!tpu.dma_semaphore, #tpu.memory_space<semaphore_mem>>)
      } else {
      }
      %mul3A_531 = arith.constant 4 : i32
      %mul3A_532 = arith.muli %scan3A_498, %mul3A_531 : i32
      %add3A_533 = arith.constant 1 : i32
      %add3A_534 = arith.addi %mul3A_532, %add3A_533 : i32
      %dma_wait3A_535 = arith.constant 1 : i32
      %dma_wait3A_536 = arith.constant 0 : i32
      %dma_wait3A_537 = arith.constant 0 : i32
      %dma_wait3A_538 = tpu.memref_slice %arg9[%dma_wait3A_535, %dma_wait3A_536, %dma_wait3A_537] : memref<4x128x128xf32, #tpu.memory_space<vmem>> -> memref<1x128x128xf32, #tpu.memory_space<vmem>>
      %dma_wait3A_539 = tpu.memref_squeeze %dma_wait3A_538 : memref<1x128x128xf32, #tpu.memory_space<vmem>> -> memref<128x128xf32, #tpu.memory_space<vmem>>
      %dma_wait3A_540 = arith.constant 0 : i32
      %dma_wait3A_541 = tpu.memref_slice %arg6[%add3A_534, %dma_wait3A_540] : memref<80x128xi32, #tpu.memory_space<vmem>> -> memref<1x128xi32, #tpu.memory_space<vmem>>
      %dma_wait3A_542 = tpu.memref_squeeze %dma_wait3A_541 : memref<1x128xi32, #tpu.memory_space<vmem>> -> memref<128xi32, #tpu.memory_space<vmem>>
      %dma_wait3A_543 = arith.constant 0 : i32
      %dma_wait3A_544 = arith.constant 0 : i32
      %dma_wait3A_545 = tpu.memref_slice %arg2[%dma_wait3A_543, %dma_wait3A_544] : memref<20000x128xf32, #tpu.memory_space<hbm>> -> memref<20000x128xf32, #tpu.memory_space<hbm>>
      tpu.wait_indirect_dma semaphore(%arg13 : memref<!tpu.dma_semaphore, #tpu.memory_space<semaphore_mem>>) src(%dma_wait3A_545 : memref<20000x128xf32, #tpu.memory_space<hbm>>) dst(%dma_wait3A_539 : memref<128x128xf32, #tpu.memory_space<vmem>>)
      %dma_start3A_546 = arith.constant 1 : i32
      %dma_start3A_547 = arith.constant 0 : i32
      %dma_start3A_548 = arith.constant 0 : i32
      %dma_start3A_549 = tpu.memref_slice %arg9[%dma_start3A_546, %dma_start3A_547, %dma_start3A_548] : memref<4x128x128xf32, #tpu.memory_space<vmem>> -> memref<1x128x128xf32, #tpu.memory_space<vmem>>
      %dma_start3A_550 = tpu.memref_squeeze %dma_start3A_549 : memref<1x128x128xf32, #tpu.memory_space<vmem>> -> memref<128x128xf32, #tpu.memory_space<vmem>>
      %dma_start3A_551 = arith.constant 0 : i32
      %dma_start3A_552 = tpu.memref_slice %arg8[%add3A_534, %dma_start3A_551] : memref<80x128xi32, #tpu.memory_space<vmem>> -> memref<1x128xi32, #tpu.memory_space<vmem>>
      %dma_start3A_553 = tpu.memref_squeeze %dma_start3A_552 : memref<1x128xi32, #tpu.memory_space<vmem>> -> memref<128xi32, #tpu.memory_space<vmem>>
      %dma_start3A_554 = arith.constant 0 : i32
      %dma_start3A_555 = arith.constant 0 : i32
      %dma_start3A_556 = tpu.memref_slice %arg11[%dma_start3A_554, %dma_start3A_555] : memref<3072x128xf32, #tpu.memory_space<vmem_shared>> -> memref<3072x128xf32, #tpu.memory_space<vmem_shared>>
      tpu.enqueue_indirect_dma source(%dma_start3A_550 : memref<128x128xf32, #tpu.memory_space<vmem>>) target(%dma_start3A_556 : memref<3072x128xf32, #tpu.memory_space<vmem_shared>>) offsets(%dma_start3A_553 : memref<128xi32, #tpu.memory_space<vmem>>) semaphore(%arg17 : memref<!tpu.dma_semaphore, #tpu.memory_space<semaphore_mem>>) {add = true}
      %add3A_557 = arith.constant 3 : i32
      %add3A_558 = arith.addi %add3A_534, %add3A_557 : i32
      %lt3A_559 = arith.constant 80 : i32
      %lt3A_560 = arith.cmpi slt, %add3A_558, %lt3A_559 : i32
      %convert_element_type3A_561 = arith.extui %lt3A_560 : i1 to i32
      %cond3A_562 = arith.constant 0 : i32
      %cond3A_563 = arith.constant 0 : i32
      %cond3A_564 = arith.cmpi ne, %convert_element_type3A_561, %cond3A_563 : i32
      scf.if %cond3A_564 {
        %ge3A = arith.constant 4 : i32
        %ge3A_634 = arith.cmpi sge, %add3A_558, %ge3A : i32
        %convert_element_type3A_635 = arith.extui %ge3A_634 : i1 to i32
        %cond3A_636 = arith.constant 0 : i32
        %cond3A_637 = arith.cmpi ne, %convert_element_type3A_635, %cond3A_636 : i32
        scf.if %cond3A_637 {
          %sub3A = arith.constant 4 : i32
          %sub3A_648 = arith.subi %add3A_558, %sub3A : i32
          %dma_wait3A_649 = arith.constant 0 : i32
          %dma_wait3A_650 = arith.constant 0 : i32
          %dma_wait3A_651 = tpu.memref_slice %arg9[%cond3A_562, %dma_wait3A_649, %dma_wait3A_650] : memref<4x128x128xf32, #tpu.memory_space<vmem>> -> memref<1x128x128xf32, #tpu.memory_space<vmem>>
          %dma_wait3A_652 = tpu.memref_squeeze %dma_wait3A_651 : memref<1x128x128xf32, #tpu.memory_space<vmem>> -> memref<128x128xf32, #tpu.memory_space<vmem>>
          %dma_wait3A_653 = arith.constant 0 : i32
          %dma_wait3A_654 = tpu.memref_slice %arg8[%sub3A_648, %dma_wait3A_653] : memref<80x128xi32, #tpu.memory_space<vmem>> -> memref<1x128xi32, #tpu.memory_space<vmem>>
          %dma_wait3A_655 = tpu.memref_squeeze %dma_wait3A_654 : memref<1x128xi32, #tpu.memory_space<vmem>> -> memref<128xi32, #tpu.memory_space<vmem>>
          %dma_wait3A_656 = arith.constant 0 : i32
          %dma_wait3A_657 = arith.constant 0 : i32
          %dma_wait3A_658 = tpu.memref_slice %arg11[%dma_wait3A_656, %dma_wait3A_657] : memref<3072x128xf32, #tpu.memory_space<vmem_shared>> -> memref<3072x128xf32, #tpu.memory_space<vmem_shared>>
          tpu.wait_indirect_dma semaphore(%arg16 : memref<!tpu.dma_semaphore, #tpu.memory_space<semaphore_mem>>) src(%dma_wait3A_652 : memref<128x128xf32, #tpu.memory_space<vmem>>) dst(%dma_wait3A_658 : memref<3072x128xf32, #tpu.memory_space<vmem_shared>>)
        } else {
        }
        %dma_start3A_638 = arith.constant 0 : i32
        %dma_start3A_639 = arith.constant 0 : i32
        %dma_start3A_640 = tpu.memref_slice %arg9[%cond3A_562, %dma_start3A_638, %dma_start3A_639] : memref<4x128x128xf32, #tpu.memory_space<vmem>> -> memref<1x128x128xf32, #tpu.memory_space<vmem>>
        %dma_start3A_641 = tpu.memref_squeeze %dma_start3A_640 : memref<1x128x128xf32, #tpu.memory_space<vmem>> -> memref<128x128xf32, #tpu.memory_space<vmem>>
        %dma_start3A_642 = arith.constant 0 : i32
        %dma_start3A_643 = tpu.memref_slice %arg6[%add3A_558, %dma_start3A_642] : memref<80x128xi32, #tpu.memory_space<vmem>> -> memref<1x128xi32, #tpu.memory_space<vmem>>
        %dma_start3A_644 = tpu.memref_squeeze %dma_start3A_643 : memref<1x128xi32, #tpu.memory_space<vmem>> -> memref<128xi32, #tpu.memory_space<vmem>>
        %dma_start3A_645 = arith.constant 0 : i32
        %dma_start3A_646 = arith.constant 0 : i32
        %dma_start3A_647 = tpu.memref_slice %arg2[%dma_start3A_645, %dma_start3A_646] : memref<20000x128xf32, #tpu.memory_space<hbm>> -> memref<20000x128xf32, #tpu.memory_space<hbm>>
        tpu.enqueue_indirect_dma source(%dma_start3A_647 : memref<20000x128xf32, #tpu.memory_space<hbm>>) target(%dma_start3A_641 : memref<128x128xf32, #tpu.memory_space<vmem>>) offsets(%dma_start3A_644 : memref<128xi32, #tpu.memory_space<vmem>>) semaphore(%arg12 : memref<!tpu.dma_semaphore, #tpu.memory_space<semaphore_mem>>)
      } else {
      }
      %mul3A_565 = arith.constant 4 : i32
      %mul3A_566 = arith.muli %scan3A_498, %mul3A_565 : i32
      %add3A_567 = arith.constant 2 : i32
      %add3A_568 = arith.addi %mul3A_566, %add3A_567 : i32
      %dma_wait3A_569 = arith.constant 2 : i32
      %dma_wait3A_570 = arith.constant 0 : i32
      %dma_wait3A_571 = arith.constant 0 : i32
      %dma_wait3A_572 = tpu.memref_slice %arg9[%dma_wait3A_569, %dma_wait3A_570, %dma_wait3A_571] : memref<4x128x128xf32, #tpu.memory_space<vmem>> -> memref<1x128x128xf32, #tpu.memory_space<vmem>>
      %dma_wait3A_573 = tpu.memref_squeeze %dma_wait3A_572 : memref<1x128x128xf32, #tpu.memory_space<vmem>> -> memref<128x128xf32, #tpu.memory_space<vmem>>
      %dma_wait3A_574 = arith.constant 0 : i32
      %dma_wait3A_575 = tpu.memref_slice %arg6[%add3A_568, %dma_wait3A_574] : memref<80x128xi32, #tpu.memory_space<vmem>> -> memref<1x128xi32, #tpu.memory_space<vmem>>
      %dma_wait3A_576 = tpu.memref_squeeze %dma_wait3A_575 : memref<1x128xi32, #tpu.memory_space<vmem>> -> memref<128xi32, #tpu.memory_space<vmem>>
      %dma_wait3A_577 = arith.constant 0 : i32
      %dma_wait3A_578 = arith.constant 0 : i32
      %dma_wait3A_579 = tpu.memref_slice %arg2[%dma_wait3A_577, %dma_wait3A_578] : memref<20000x128xf32, #tpu.memory_space<hbm>> -> memref<20000x128xf32, #tpu.memory_space<hbm>>
      tpu.wait_indirect_dma semaphore(%arg14 : memref<!tpu.dma_semaphore, #tpu.memory_space<semaphore_mem>>) src(%dma_wait3A_579 : memref<20000x128xf32, #tpu.memory_space<hbm>>) dst(%dma_wait3A_573 : memref<128x128xf32, #tpu.memory_space<vmem>>)
      %dma_start3A_580 = arith.constant 2 : i32
      %dma_start3A_581 = arith.constant 0 : i32
      %dma_start3A_582 = arith.constant 0 : i32
      %dma_start3A_583 = tpu.memref_slice %arg9[%dma_start3A_580, %dma_start3A_581, %dma_start3A_582] : memref<4x128x128xf32, #tpu.memory_space<vmem>> -> memref<1x128x128xf32, #tpu.memory_space<vmem>>
      %dma_start3A_584 = tpu.memref_squeeze %dma_start3A_583 : memref<1x128x128xf32, #tpu.memory_space<vmem>> -> memref<128x128xf32, #tpu.memory_space<vmem>>
      %dma_start3A_585 = arith.constant 0 : i32
      %dma_start3A_586 = tpu.memref_slice %arg8[%add3A_568, %dma_start3A_585] : memref<80x128xi32, #tpu.memory_space<vmem>> -> memref<1x128xi32, #tpu.memory_space<vmem>>
      %dma_start3A_587 = tpu.memref_squeeze %dma_start3A_586 : memref<1x128xi32, #tpu.memory_space<vmem>> -> memref<128xi32, #tpu.memory_space<vmem>>
      %dma_start3A_588 = arith.constant 0 : i32
      %dma_start3A_589 = arith.constant 0 : i32
      %dma_start3A_590 = tpu.memref_slice %arg11[%dma_start3A_588, %dma_start3A_589] : memref<3072x128xf32, #tpu.memory_space<vmem_shared>> -> memref<3072x128xf32, #tpu.memory_space<vmem_shared>>
      tpu.enqueue_indirect_dma source(%dma_start3A_584 : memref<128x128xf32, #tpu.memory_space<vmem>>) target(%dma_start3A_590 : memref<3072x128xf32, #tpu.memory_space<vmem_shared>>) offsets(%dma_start3A_587 : memref<128xi32, #tpu.memory_space<vmem>>) semaphore(%arg18 : memref<!tpu.dma_semaphore, #tpu.memory_space<semaphore_mem>>) {add = true}
      %add3A_591 = arith.constant 3 : i32
      %add3A_592 = arith.addi %add3A_568, %add3A_591 : i32
      %lt3A_593 = arith.constant 80 : i32
      %lt3A_594 = arith.cmpi slt, %add3A_592, %lt3A_593 : i32
      %convert_element_type3A_595 = arith.extui %lt3A_594 : i1 to i32
      %cond3A_596 = arith.constant 1 : i32
      %cond3A_597 = arith.constant 0 : i32
      %cond3A_598 = arith.cmpi ne, %convert_element_type3A_595, %cond3A_597 : i32
      scf.if %cond3A_598 {
        %ge3A = arith.constant 4 : i32
        %ge3A_634 = arith.cmpi sge, %add3A_592, %ge3A : i32
        %convert_element_type3A_635 = arith.extui %ge3A_634 : i1 to i32
        %cond3A_636 = arith.constant 0 : i32
        %cond3A_637 = arith.cmpi ne, %convert_element_type3A_635, %cond3A_636 : i32
        scf.if %cond3A_637 {
          %sub3A = arith.constant 4 : i32
          %sub3A_648 = arith.subi %add3A_592, %sub3A : i32
          %dma_wait3A_649 = arith.constant 0 : i32
          %dma_wait3A_650 = arith.constant 0 : i32
          %dma_wait3A_651 = tpu.memref_slice %arg9[%cond3A_596, %dma_wait3A_649, %dma_wait3A_650] : memref<4x128x128xf32, #tpu.memory_space<vmem>> -> memref<1x128x128xf32, #tpu.memory_space<vmem>>
          %dma_wait3A_652 = tpu.memref_squeeze %dma_wait3A_651 : memref<1x128x128xf32, #tpu.memory_space<vmem>> -> memref<128x128xf32, #tpu.memory_space<vmem>>
          %dma_wait3A_653 = arith.constant 0 : i32
          %dma_wait3A_654 = tpu.memref_slice %arg8[%sub3A_648, %dma_wait3A_653] : memref<80x128xi32, #tpu.memory_space<vmem>> -> memref<1x128xi32, #tpu.memory_space<vmem>>
          %dma_wait3A_655 = tpu.memref_squeeze %dma_wait3A_654 : memref<1x128xi32, #tpu.memory_space<vmem>> -> memref<128xi32, #tpu.memory_space<vmem>>
          %dma_wait3A_656 = arith.constant 0 : i32
          %dma_wait3A_657 = arith.constant 0 : i32
          %dma_wait3A_658 = tpu.memref_slice %arg11[%dma_wait3A_656, %dma_wait3A_657] : memref<3072x128xf32, #tpu.memory_space<vmem_shared>> -> memref<3072x128xf32, #tpu.memory_space<vmem_shared>>
          tpu.wait_indirect_dma semaphore(%arg17 : memref<!tpu.dma_semaphore, #tpu.memory_space<semaphore_mem>>) src(%dma_wait3A_652 : memref<128x128xf32, #tpu.memory_space<vmem>>) dst(%dma_wait3A_658 : memref<3072x128xf32, #tpu.memory_space<vmem_shared>>)
        } else {
        }
        %dma_start3A_638 = arith.constant 0 : i32
        %dma_start3A_639 = arith.constant 0 : i32
        %dma_start3A_640 = tpu.memref_slice %arg9[%cond3A_596, %dma_start3A_638, %dma_start3A_639] : memref<4x128x128xf32, #tpu.memory_space<vmem>> -> memref<1x128x128xf32, #tpu.memory_space<vmem>>
        %dma_start3A_641 = tpu.memref_squeeze %dma_start3A_640 : memref<1x128x128xf32, #tpu.memory_space<vmem>> -> memref<128x128xf32, #tpu.memory_space<vmem>>
        %dma_start3A_642 = arith.constant 0 : i32
        %dma_start3A_643 = tpu.memref_slice %arg6[%add3A_592, %dma_start3A_642] : memref<80x128xi32, #tpu.memory_space<vmem>> -> memref<1x128xi32, #tpu.memory_space<vmem>>
        %dma_start3A_644 = tpu.memref_squeeze %dma_start3A_643 : memref<1x128xi32, #tpu.memory_space<vmem>> -> memref<128xi32, #tpu.memory_space<vmem>>
        %dma_start3A_645 = arith.constant 0 : i32
        %dma_start3A_646 = arith.constant 0 : i32
        %dma_start3A_647 = tpu.memref_slice %arg2[%dma_start3A_645, %dma_start3A_646] : memref<20000x128xf32, #tpu.memory_space<hbm>> -> memref<20000x128xf32, #tpu.memory_space<hbm>>
        tpu.enqueue_indirect_dma source(%dma_start3A_647 : memref<20000x128xf32, #tpu.memory_space<hbm>>) target(%dma_start3A_641 : memref<128x128xf32, #tpu.memory_space<vmem>>) offsets(%dma_start3A_644 : memref<128xi32, #tpu.memory_space<vmem>>) semaphore(%arg13 : memref<!tpu.dma_semaphore, #tpu.memory_space<semaphore_mem>>)
      } else {
      }
      %mul3A_599 = arith.constant 4 : i32
      %mul3A_600 = arith.muli %scan3A_498, %mul3A_599 : i32
      %add3A_601 = arith.constant 3 : i32
      %add3A_602 = arith.addi %mul3A_600, %add3A_601 : i32
      %dma_wait3A_603 = arith.constant 3 : i32
      %dma_wait3A_604 = arith.constant 0 : i32
      %dma_wait3A_605 = arith.constant 0 : i32
      %dma_wait3A_606 = tpu.memref_slice %arg9[%dma_wait3A_603, %dma_wait3A_604, %dma_wait3A_605] : memref<4x128x128xf32, #tpu.memory_space<vmem>> -> memref<1x128x128xf32, #tpu.memory_space<vmem>>
      %dma_wait3A_607 = tpu.memref_squeeze %dma_wait3A_606 : memref<1x128x128xf32, #tpu.memory_space<vmem>> -> memref<128x128xf32, #tpu.memory_space<vmem>>
      %dma_wait3A_608 = arith.constant 0 : i32
      %dma_wait3A_609 = tpu.memref_slice %arg6[%add3A_602, %dma_wait3A_608] : memref<80x128xi32, #tpu.memory_space<vmem>> -> memref<1x128xi32, #tpu.memory_space<vmem>>
      %dma_wait3A_610 = tpu.memref_squeeze %dma_wait3A_609 : memref<1x128xi32, #tpu.memory_space<vmem>> -> memref<128xi32, #tpu.memory_space<vmem>>
      %dma_wait3A_611 = arith.constant 0 : i32
      %dma_wait3A_612 = arith.constant 0 : i32
      %dma_wait3A_613 = tpu.memref_slice %arg2[%dma_wait3A_611, %dma_wait3A_612] : memref<20000x128xf32, #tpu.memory_space<hbm>> -> memref<20000x128xf32, #tpu.memory_space<hbm>>
      tpu.wait_indirect_dma semaphore(%arg15 : memref<!tpu.dma_semaphore, #tpu.memory_space<semaphore_mem>>) src(%dma_wait3A_613 : memref<20000x128xf32, #tpu.memory_space<hbm>>) dst(%dma_wait3A_607 : memref<128x128xf32, #tpu.memory_space<vmem>>)
      %dma_start3A_614 = arith.constant 3 : i32
      %dma_start3A_615 = arith.constant 0 : i32
      %dma_start3A_616 = arith.constant 0 : i32
      %dma_start3A_617 = tpu.memref_slice %arg9[%dma_start3A_614, %dma_start3A_615, %dma_start3A_616] : memref<4x128x128xf32, #tpu.memory_space<vmem>> -> memref<1x128x128xf32, #tpu.memory_space<vmem>>
      %dma_start3A_618 = tpu.memref_squeeze %dma_start3A_617 : memref<1x128x128xf32, #tpu.memory_space<vmem>> -> memref<128x128xf32, #tpu.memory_space<vmem>>
      %dma_start3A_619 = arith.constant 0 : i32
      %dma_start3A_620 = tpu.memref_slice %arg8[%add3A_602, %dma_start3A_619] : memref<80x128xi32, #tpu.memory_space<vmem>> -> memref<1x128xi32, #tpu.memory_space<vmem>>
      %dma_start3A_621 = tpu.memref_squeeze %dma_start3A_620 : memref<1x128xi32, #tpu.memory_space<vmem>> -> memref<128xi32, #tpu.memory_space<vmem>>
      %dma_start3A_622 = arith.constant 0 : i32
      %dma_start3A_623 = arith.constant 0 : i32
      %dma_start3A_624 = tpu.memref_slice %arg11[%dma_start3A_622, %dma_start3A_623] : memref<3072x128xf32, #tpu.memory_space<vmem_shared>> -> memref<3072x128xf32, #tpu.memory_space<vmem_shared>>
      tpu.enqueue_indirect_dma source(%dma_start3A_618 : memref<128x128xf32, #tpu.memory_space<vmem>>) target(%dma_start3A_624 : memref<3072x128xf32, #tpu.memory_space<vmem_shared>>) offsets(%dma_start3A_621 : memref<128xi32, #tpu.memory_space<vmem>>) semaphore(%arg19 : memref<!tpu.dma_semaphore, #tpu.memory_space<semaphore_mem>>) {add = true}
      %add3A_625 = arith.constant 3 : i32
      %add3A_626 = arith.addi %add3A_602, %add3A_625 : i32
      %lt3A_627 = arith.constant 80 : i32
      %lt3A_628 = arith.cmpi slt, %add3A_626, %lt3A_627 : i32
      %convert_element_type3A_629 = arith.extui %lt3A_628 : i1 to i32
      %cond3A_630 = arith.constant 2 : i32
      %cond3A_631 = arith.constant 0 : i32
      %cond3A_632 = arith.cmpi ne, %convert_element_type3A_629, %cond3A_631 : i32
      scf.if %cond3A_632 {
        %ge3A = arith.constant 4 : i32
        %ge3A_634 = arith.cmpi sge, %add3A_626, %ge3A : i32
        %convert_element_type3A_635 = arith.extui %ge3A_634 : i1 to i32
        %cond3A_636 = arith.constant 0 : i32
        %cond3A_637 = arith.cmpi ne, %convert_element_type3A_635, %cond3A_636 : i32
        scf.if %cond3A_637 {
          %sub3A = arith.constant 4 : i32
          %sub3A_648 = arith.subi %add3A_626, %sub3A : i32
          %dma_wait3A_649 = arith.constant 0 : i32
          %dma_wait3A_650 = arith.constant 0 : i32
          %dma_wait3A_651 = tpu.memref_slice %arg9[%cond3A_630, %dma_wait3A_649, %dma_wait3A_650] : memref<4x128x128xf32, #tpu.memory_space<vmem>> -> memref<1x128x128xf32, #tpu.memory_space<vmem>>
          %dma_wait3A_652 = tpu.memref_squeeze %dma_wait3A_651 : memref<1x128x128xf32, #tpu.memory_space<vmem>> -> memref<128x128xf32, #tpu.memory_space<vmem>>
          %dma_wait3A_653 = arith.constant 0 : i32
          %dma_wait3A_654 = tpu.memref_slice %arg8[%sub3A_648, %dma_wait3A_653] : memref<80x128xi32, #tpu.memory_space<vmem>> -> memref<1x128xi32, #tpu.memory_space<vmem>>
          %dma_wait3A_655 = tpu.memref_squeeze %dma_wait3A_654 : memref<1x128xi32, #tpu.memory_space<vmem>> -> memref<128xi32, #tpu.memory_space<vmem>>
          %dma_wait3A_656 = arith.constant 0 : i32
          %dma_wait3A_657 = arith.constant 0 : i32
          %dma_wait3A_658 = tpu.memref_slice %arg11[%dma_wait3A_656, %dma_wait3A_657] : memref<3072x128xf32, #tpu.memory_space<vmem_shared>> -> memref<3072x128xf32, #tpu.memory_space<vmem_shared>>
          tpu.wait_indirect_dma semaphore(%arg18 : memref<!tpu.dma_semaphore, #tpu.memory_space<semaphore_mem>>) src(%dma_wait3A_652 : memref<128x128xf32, #tpu.memory_space<vmem>>) dst(%dma_wait3A_658 : memref<3072x128xf32, #tpu.memory_space<vmem_shared>>)
        } else {
        }
        %dma_start3A_638 = arith.constant 0 : i32
        %dma_start3A_639 = arith.constant 0 : i32
        %dma_start3A_640 = tpu.memref_slice %arg9[%cond3A_630, %dma_start3A_638, %dma_start3A_639] : memref<4x128x128xf32, #tpu.memory_space<vmem>> -> memref<1x128x128xf32, #tpu.memory_space<vmem>>
        %dma_start3A_641 = tpu.memref_squeeze %dma_start3A_640 : memref<1x128x128xf32, #tpu.memory_space<vmem>> -> memref<128x128xf32, #tpu.memory_space<vmem>>
        %dma_start3A_642 = arith.constant 0 : i32
        %dma_start3A_643 = tpu.memref_slice %arg6[%add3A_626, %dma_start3A_642] : memref<80x128xi32, #tpu.memory_space<vmem>> -> memref<1x128xi32, #tpu.memory_space<vmem>>
        %dma_start3A_644 = tpu.memref_squeeze %dma_start3A_643 : memref<1x128xi32, #tpu.memory_space<vmem>> -> memref<128xi32, #tpu.memory_space<vmem>>
        %dma_start3A_645 = arith.constant 0 : i32
        %dma_start3A_646 = arith.constant 0 : i32
        %dma_start3A_647 = tpu.memref_slice %arg2[%dma_start3A_645, %dma_start3A_646] : memref<20000x128xf32, #tpu.memory_space<hbm>> -> memref<20000x128xf32, #tpu.memory_space<hbm>>
        tpu.enqueue_indirect_dma source(%dma_start3A_647 : memref<20000x128xf32, #tpu.memory_space<hbm>>) target(%dma_start3A_641 : memref<128x128xf32, #tpu.memory_space<vmem>>) offsets(%dma_start3A_644 : memref<128xi32, #tpu.memory_space<vmem>>) semaphore(%arg14 : memref<!tpu.dma_semaphore, #tpu.memory_space<semaphore_mem>>)
      } else {
      }
      %scan3A_633 = arith.constant 0 : i32
      scf.yield %scan3A_633 : i32
    }
    %scan3A_82 = arith.constant 20 : i32
    %dma_wait3A = arith.constant 0 : i32
    %dma_wait3A_83 = arith.constant 76 : i32
    %dma_wait3A_84 = arith.constant 0 : i32
    %dma_wait3A_85 = arith.constant 0 : i32
    %dma_wait3A_86 = tpu.memref_slice %arg9[%dma_wait3A, %dma_wait3A_84, %dma_wait3A_85] : memref<4x128x128xf32, #tpu.memory_space<vmem>> -> memref<1x128x128xf32, #tpu.memory_space<vmem>>
    %dma_wait3A_87 = tpu.memref_squeeze %dma_wait3A_86 : memref<1x128x128xf32, #tpu.memory_space<vmem>> -> memref<128x128xf32, #tpu.memory_space<vmem>>
    %dma_wait3A_88 = arith.constant 0 : i32
    %dma_wait3A_89 = tpu.memref_slice %arg8[%dma_wait3A_83, %dma_wait3A_88] : memref<80x128xi32, #tpu.memory_space<vmem>> -> memref<1x128xi32, #tpu.memory_space<vmem>>
    %dma_wait3A_90 = tpu.memref_squeeze %dma_wait3A_89 : memref<1x128xi32, #tpu.memory_space<vmem>> -> memref<128xi32, #tpu.memory_space<vmem>>
    %dma_wait3A_91 = arith.constant 0 : i32
    %dma_wait3A_92 = arith.constant 0 : i32
    %dma_wait3A_93 = tpu.memref_slice %arg11[%dma_wait3A_91, %dma_wait3A_92] : memref<3072x128xf32, #tpu.memory_space<vmem_shared>> -> memref<3072x128xf32, #tpu.memory_space<vmem_shared>>
    tpu.wait_indirect_dma semaphore(%arg16 : memref<!tpu.dma_semaphore, #tpu.memory_space<semaphore_mem>>) src(%dma_wait3A_87 : memref<128x128xf32, #tpu.memory_space<vmem>>) dst(%dma_wait3A_93 : memref<3072x128xf32, #tpu.memory_space<vmem_shared>>)
    %dma_wait3A_94 = arith.constant 1 : i32
    %dma_wait3A_95 = arith.constant 77 : i32
    %dma_wait3A_96 = arith.constant 0 : i32
    %dma_wait3A_97 = arith.constant 0 : i32
    %dma_wait3A_98 = tpu.memref_slice %arg9[%dma_wait3A_94, %dma_wait3A_96, %dma_wait3A_97] : memref<4x128x128xf32, #tpu.memory_space<vmem>> -> memref<1x128x128xf32, #tpu.memory_space<vmem>>
    %dma_wait3A_99 = tpu.memref_squeeze %dma_wait3A_98 : memref<1x128x128xf32, #tpu.memory_space<vmem>> -> memref<128x128xf32, #tpu.memory_space<vmem>>
    %dma_wait3A_100 = arith.constant 0 : i32
    %dma_wait3A_101 = tpu.memref_slice %arg8[%dma_wait3A_95, %dma_wait3A_100] : memref<80x128xi32, #tpu.memory_space<vmem>> -> memref<1x128xi32, #tpu.memory_space<vmem>>
    %dma_wait3A_102 = tpu.memref_squeeze %dma_wait3A_101 : memref<1x128xi32, #tpu.memory_space<vmem>> -> memref<128xi32, #tpu.memory_space<vmem>>
    %dma_wait3A_103 = arith.constant 0 : i32
    %dma_wait3A_104 = arith.constant 0 : i32
    %dma_wait3A_105 = tpu.memref_slice %arg11[%dma_wait3A_103, %dma_wait3A_104] : memref<3072x128xf32, #tpu.memory_space<vmem_shared>> -> memref<3072x128xf32, #tpu.memory_space<vmem_shared>>
    tpu.wait_indirect_dma semaphore(%arg17 : memref<!tpu.dma_semaphore, #tpu.memory_space<semaphore_mem>>) src(%dma_wait3A_99 : memref<128x128xf32, #tpu.memory_space<vmem>>) dst(%dma_wait3A_105 : memref<3072x128xf32, #tpu.memory_space<vmem_shared>>)
    %dma_wait3A_106 = arith.constant 2 : i32
    %dma_wait3A_107 = arith.constant 78 : i32
    %dma_wait3A_108 = arith.constant 0 : i32
    %dma_wait3A_109 = arith.constant 0 : i32
    %dma_wait3A_110 = tpu.memref_slice %arg9[%dma_wait3A_106, %dma_wait3A_108, %dma_wait3A_109] : memref<4x128x128xf32, #tpu.memory_space<vmem>> -> memref<1x128x128xf32, #tpu.memory_space<vmem>>
    %dma_wait3A_111 = tpu.memref_squeeze %dma_wait3A_110 : memref<1x128x128xf32, #tpu.memory_space<vmem>> -> memref<128x128xf32, #tpu.memory_space<vmem>>
    %dma_wait3A_112 = arith.constant 0 : i32
    %dma_wait3A_113 = tpu.memref_slice %arg8[%dma_wait3A_107, %dma_wait3A_112] : memref<80x128xi32, #tpu.memory_space<vmem>> -> memref<1x128xi32, #tpu.memory_space<vmem>>
    %dma_wait3A_114 = tpu.memref_squeeze %dma_wait3A_113 : memref<1x128xi32, #tpu.memory_space<vmem>> -> memref<128xi32, #tpu.memory_space<vmem>>
    %dma_wait3A_115 = arith.constant 0 : i32
    %dma_wait3A_116 = arith.constant 0 : i32
    %dma_wait3A_117 = tpu.memref_slice %arg11[%dma_wait3A_115, %dma_wait3A_116] : memref<3072x128xf32, #tpu.memory_space<vmem_shared>> -> memref<3072x128xf32, #tpu.memory_space<vmem_shared>>
    tpu.wait_indirect_dma semaphore(%arg18 : memref<!tpu.dma_semaphore, #tpu.memory_space<semaphore_mem>>) src(%dma_wait3A_111 : memref<128x128xf32, #tpu.memory_space<vmem>>) dst(%dma_wait3A_117 : memref<3072x128xf32, #tpu.memory_space<vmem_shared>>)
    %dma_wait3A_118 = arith.constant 3 : i32
    %dma_wait3A_119 = arith.constant 79 : i32
    %dma_wait3A_120 = arith.constant 0 : i32
    %dma_wait3A_121 = arith.constant 0 : i32
    %dma_wait3A_122 = tpu.memref_slice %arg9[%dma_wait3A_118, %dma_wait3A_120, %dma_wait3A_121] : memref<4x128x128xf32, #tpu.memory_space<vmem>> -> memref<1x128x128xf32, #tpu.memory_space<vmem>>
    %dma_wait3A_123 = tpu.memref_squeeze %dma_wait3A_122 : memref<1x128x128xf32, #tpu.memory_space<vmem>> -> memref<128x128xf32, #tpu.memory_space<vmem>>
    %dma_wait3A_124 = arith.constant 0 : i32
    %dma_wait3A_125 = tpu.memref_slice %arg8[%dma_wait3A_119, %dma_wait3A_124] : memref<80x128xi32, #tpu.memory_space<vmem>> -> memref<1x128xi32, #tpu.memory_space<vmem>>
    %dma_wait3A_126 = tpu.memref_squeeze %dma_wait3A_125 : memref<1x128xi32, #tpu.memory_space<vmem>> -> memref<128xi32, #tpu.memory_space<vmem>>
    %dma_wait3A_127 = arith.constant 0 : i32
    %dma_wait3A_128 = arith.constant 0 : i32
    %dma_wait3A_129 = tpu.memref_slice %arg11[%dma_wait3A_127, %dma_wait3A_128] : memref<3072x128xf32, #tpu.memory_space<vmem_shared>> -> memref<3072x128xf32, #tpu.memory_space<vmem_shared>>
    tpu.wait_indirect_dma semaphore(%arg19 : memref<!tpu.dma_semaphore, #tpu.memory_space<semaphore_mem>>) src(%dma_wait3A_123 : memref<128x128xf32, #tpu.memory_space<vmem>>) dst(%dma_wait3A_129 : memref<3072x128xf32, #tpu.memory_space<vmem_shared>>)
    %barrier3A_130 = arith.constant 0 : index
    tpu.barrier barrier_id(%barrier3A_130)
    %mul3A_131 = arith.constant 192 : i32
    %mul3A_132 = arith.muli %arg1, %mul3A_131 : i32
    %mul3A_133 = arith.constant 192 : i32
    %mul3A_134 = arith.muli %arg1, %mul3A_133 : i32
    %run_scoped3A = arith.constant 0 : i32
    "tpu.region"() ({
      %run_scoped3A_498 = tpu.sem_alloc : memref<!tpu.dma_semaphore, #tpu.memory_space<semaphore_mem>>
      %dma_start3A_499 = arith.constant 0 : i32
      %dma_start3A_500 = tpu.memref_slice %arg5[%arg0, %run_scoped3A, %mul3A_134, %dma_start3A_499] : memref<2x4x3072x128xf32, #tpu.memory_space<hbm>> -> memref<1x1x192x128xf32, #tpu.memory_space<hbm>>
      %dma_start3A_501 = tpu.memref_squeeze %dma_start3A_500 : memref<1x1x192x128xf32, #tpu.memory_space<hbm>> -> memref<192x128xf32, #tpu.memory_space<hbm>>
      %dma_start3A_502 = arith.constant 0 : i32
      %dma_start3A_503 = tpu.memref_slice %arg11[%mul3A_132, %dma_start3A_502] : memref<3072x128xf32, #tpu.memory_space<vmem_shared>> -> memref<192x128xf32, #tpu.memory_space<vmem_shared>>
      tpu.enqueue_dma source(%dma_start3A_503 : memref<192x128xf32, #tpu.memory_space<vmem_shared>>) target(%dma_start3A_501 : memref<192x128xf32, #tpu.memory_space<hbm>>) target_semaphore(%run_scoped3A_498 : memref<!tpu.dma_semaphore, #tpu.memory_space<semaphore_mem>>)
      %dma_wait3A_504 = arith.constant 0 : i32
      %dma_wait3A_505 = tpu.memref_slice %arg5[%arg0, %run_scoped3A, %mul3A_134, %dma_wait3A_504] : memref<2x4x3072x128xf32, #tpu.memory_space<hbm>> -> memref<1x1x192x128xf32, #tpu.memory_space<hbm>>
      %dma_wait3A_506 = tpu.memref_squeeze %dma_wait3A_505 : memref<1x1x192x128xf32, #tpu.memory_space<hbm>> -> memref<192x128xf32, #tpu.memory_space<hbm>>
      %dma_wait3A_507 = arith.constant 0 : i32
      %dma_wait3A_508 = tpu.memref_slice %arg11[%mul3A_132, %dma_wait3A_507] : memref<3072x128xf32, #tpu.memory_space<vmem_shared>> -> memref<192x128xf32, #tpu.memory_space<vmem_shared>>
      tpu.wait_dma2 semaphore(%run_scoped3A_498 : memref<!tpu.dma_semaphore, #tpu.memory_space<semaphore_mem>>) src(%dma_wait3A_508 : memref<192x128xf32, #tpu.memory_space<vmem_shared>>) dst(%dma_wait3A_506 : memref<192x128xf32, #tpu.memory_space<hbm>>)
      tpu.yield
    }) : () -> ()
    %scan3A_135 = arith.constant 0 : i32
    %scan3A_136 = arith.constant 0 : i32
    %scan3A_137 = arith.constant 640 : i32
    %scan3A_138 = arith.addi %scan3A_136, %scan3A_137 : i32
    %scan3A_139 = arith.constant 1 : i32
    %scan3A_140 = scf.for %scan3A_498 = %scan3A_136 to %scan3A_138 step %scan3A_139 iter_args(%scan3A_499 = %scan3A_135) -> (i32)  : i32 {
      %jit3A = arith.constant 8 : i32
      %div3A = arith.divsi %scan3A_498, %jit3A : i32
      %sign3A = arith.constant 0 : i32
      %sign3A_500 = arith.cmpi sgt, %scan3A_498, %sign3A : i32
      %sign3A_501 = arith.extui %sign3A_500 : i1 to i32
      %sign3A_502 = arith.constant 0 : i32
      %sign3A_503 = arith.cmpi slt, %scan3A_498, %sign3A_502 : i32
      %sign3A_504 = arith.extui %sign3A_503 : i1 to i32
      %sign3A_505 = arith.subi %sign3A_501, %sign3A_504 : i32
      %sign3A_506 = arith.constant 0 : i32
      %sign3A_507 = arith.cmpi sgt, %jit3A, %sign3A_506 : i32
      %sign3A_508 = arith.extui %sign3A_507 : i1 to i32
      %sign3A_509 = arith.constant 0 : i32
      %sign3A_510 = arith.cmpi slt, %jit3A, %sign3A_509 : i32
      %sign3A_511 = arith.extui %sign3A_510 : i1 to i32
      %sign3A_512 = arith.subi %sign3A_508, %sign3A_511 : i32
      %ne3A = arith.cmpi ne, %sign3A_505, %sign3A_512 : i32
      %rem3A = arith.remsi %scan3A_498, %jit3A : i32
      %ne3A_513 = arith.constant 0 : i32
      %ne3A_514 = arith.cmpi ne, %rem3A, %ne3A_513 : i32
      %and3A = arith.andi %ne3A, %ne3A_514 : i1
      %sub3A = arith.constant 1 : i32
      %sub3A_515 = arith.subi %div3A, %sub3A : i32
      %select_n3A = arith.select %and3A, %sub3A_515, %div3A : i32
      %jit3A_516 = arith.constant 8 : i32
      %eq3A = arith.constant 0 : i32
      %eq3A_517 = arith.cmpi eq, %jit3A_516, %eq3A : i32
      %jit3A_518 = arith.constant 1 : i32
      %select_n3A_519 = arith.select %eq3A_517, %jit3A_518, %jit3A_516 : i32
      %rem3A_520 = arith.remsi %scan3A_498, %select_n3A_519 : i32
      %ne3A_521 = arith.constant 0 : i32
      %ne3A_522 = arith.cmpi ne, %rem3A_520, %ne3A_521 : i32
      %lt3A = arith.constant 0 : i32
      %lt3A_523 = arith.cmpi slt, %rem3A_520, %lt3A : i32
      %lt3A_524 = arith.constant 0 : i32
      %lt3A_525 = arith.cmpi slt, %select_n3A_519, %lt3A_524 : i32
      %ne3A_526 = arith.xori %lt3A_523, %lt3A_525 : i1
      %and3A_527 = arith.andi %ne3A_526, %ne3A_522 : i1
      %add3A_528 = arith.addi %rem3A_520, %select_n3A_519 : i32
      %select_n3A_529 = arith.select %and3A_527, %add3A_528, %rem3A_520 : i32
      %mul3A_530 = arith.constant 16 : i32
      %mul3A_531 = arith.muli %select_n3A_529, %mul3A_530 : i32
      %get3A = arith.index_cast %select_n3A : i32 to index
      %get3A_532 = arith.index_cast %mul3A_531 : i32 to index
      %get3A_533 = tpu.vector_load %arg7[%get3A, %get3A_532] {strides = array<i32>} : memref<80x128xi32, #tpu.memory_space<vmem>>, vector<1x16xi32>,
      %get3A_534 = vector.shape_cast %get3A_533 : vector<1x16xi32> to vector<16xi32>
      %sub3A_535 = arith.constant 3000 : i32
      %sub3A_536 = vector.broadcast %sub3A_535 : i32 to vector<16xi32>
      %sub3A_537 = arith.subi %get3A_534, %sub3A_536 : vector<16xi32>
      %ge3A = arith.constant 0 : i32
      %ge3A_538 = vector.broadcast %ge3A : i32 to vector<16xi32>
      %ge3A_539 = arith.cmpi sge, %sub3A_537, %ge3A_538 : vector<16xi32>
      %lt3A_540 = arith.constant 3000 : i32
      %lt3A_541 = vector.broadcast %lt3A_540 : i32 to vector<16xi32>
      %lt3A_542 = arith.cmpi slt, %sub3A_537, %lt3A_541 : vector<16xi32>
      %and3A_543 = arith.andi %ge3A_539, %lt3A_542 : vector<16xi1>
      %jit3A_544 = arith.constant 3000 : i32
      %broadcast_in_dim3A_545 = vector.broadcast %jit3A_544 : i32 to vector<16xi32>
      %select_n3A_546 = arith.select %and3A_543, %sub3A_537, %broadcast_in_dim3A_545 : vector<16xi1>, vector<16xi32>
      %swap3A = arith.index_cast %select_n3A : i32 to index
      %swap3A_547 = arith.index_cast %mul3A_531 : i32 to index
      %swap3A_548 = tpu.vector_load %arg8[%swap3A, %swap3A_547] {strides = array<i32>} : memref<80x128xi32, #tpu.memory_space<vmem>>, vector<1x16xi32>,
      %swap3A_549 = vector.shape_cast %swap3A_548 : vector<1x16xi32> to vector<16xi32>
      %swap3A_550 = vector.shape_cast %select_n3A_546 : vector<16xi32> to vector<1x16xi32>
      tpu.vector_store %arg8[%swap3A, %swap3A_547], %swap3A_550 {strides = array<i32>} : memref<80x128xi32, #tpu.memory_space<vmem>>, vector<1x16xi32>,
      %scan3A_551 = arith.constant 0 : i32
      scf.yield %scan3A_551 : i32
    }
    %scan3A_141 = arith.constant 640 : i32
    %mul3A_142 = arith.constant 192 : i32
    %mul3A_143 = arith.muli %arg1, %mul3A_142 : i32
    %add3A_144 = arith.constant 0 : i32
    %add3A_145 = arith.addi %mul3A_143, %add3A_144 : i32
    "tpu.region"() ({
      %run_scoped3A_498 = tpu.sem_alloc : memref<!tpu.dma_semaphore, #tpu.memory_space<semaphore_mem>>
      %dma_start3A_499 = arith.constant 0 : i32
      %dma_start3A_500 = tpu.memref_slice %arg11[%add3A_145, %dma_start3A_499] : memref<3072x128xf32, #tpu.memory_space<vmem_shared>> -> memref<48x128xf32, #tpu.memory_space<vmem_shared>>
      %dma_start3A_501 = arith.constant 0 : i32
      %dma_start3A_502 = tpu.memref_slice %arg11[%add3A_145, %dma_start3A_501] : memref<3072x128xf32, #tpu.memory_space<vmem_shared>> -> memref<48x128xf32, #tpu.memory_space<vmem_shared>>
      tpu.enqueue_dma source(%arg10 : memref<48x128xf32, #tpu.memory_space<vmem>>) target(%dma_start3A_502 : memref<48x128xf32, #tpu.memory_space<vmem_shared>>) target_semaphore(%run_scoped3A_498 : memref<!tpu.dma_semaphore, #tpu.memory_space<semaphore_mem>>)
      %dma_wait3A_503 = arith.constant 0 : i32
      %dma_wait3A_504 = tpu.memref_slice %arg11[%add3A_145, %dma_wait3A_503] : memref<3072x128xf32, #tpu.memory_space<vmem_shared>> -> memref<48x128xf32, #tpu.memory_space<vmem_shared>>
      %dma_wait3A_505 = arith.constant 0 : i32
      %dma_wait3A_506 = tpu.memref_slice %arg11[%add3A_145, %dma_wait3A_505] : memref<3072x128xf32, #tpu.memory_space<vmem_shared>> -> memref<48x128xf32, #tpu.memory_space<vmem_shared>>
      tpu.wait_dma2 semaphore(%run_scoped3A_498 : memref<!tpu.dma_semaphore, #tpu.memory_space<semaphore_mem>>) src(%arg10 : memref<48x128xf32, #tpu.memory_space<vmem>>) dst(%dma_wait3A_506 : memref<48x128xf32, #tpu.memory_space<vmem_shared>>)
      tpu.yield
    }) : () -> ()
    %mul3A_146 = arith.constant 192 : i32
    %mul3A_147 = arith.muli %arg1, %mul3A_146 : i32
    %add3A_148 = arith.constant 48 : i32
    %add3A_149 = arith.addi %mul3A_147, %add3A_148 : i32
    "tpu.region"() ({
      %run_scoped3A_498 = tpu.sem_alloc : memref<!tpu.dma_semaphore, #tpu.memory_space<semaphore_mem>>
      %dma_start3A_499 = arith.constant 0 : i32
      %dma_start3A_500 = tpu.memref_slice %arg11[%add3A_149, %dma_start3A_499] : memref<3072x128xf32, #tpu.memory_space<vmem_shared>> -> memref<48x128xf32, #tpu.memory_space<vmem_shared>>
      %dma_start3A_501 = arith.constant 0 : i32
      %dma_start3A_502 = tpu.memref_slice %arg11[%add3A_149, %dma_start3A_501] : memref<3072x128xf32, #tpu.memory_space<vmem_shared>> -> memref<48x128xf32, #tpu.memory_space<vmem_shared>>
      tpu.enqueue_dma source(%arg10 : memref<48x128xf32, #tpu.memory_space<vmem>>) target(%dma_start3A_502 : memref<48x128xf32, #tpu.memory_space<vmem_shared>>) target_semaphore(%run_scoped3A_498 : memref<!tpu.dma_semaphore, #tpu.memory_space<semaphore_mem>>)
      %dma_wait3A_503 = arith.constant 0 : i32
      %dma_wait3A_504 = tpu.memref_slice %arg11[%add3A_149, %dma_wait3A_503] : memref<3072x128xf32, #tpu.memory_space<vmem_shared>> -> memref<48x128xf32, #tpu.memory_space<vmem_shared>>
      %dma_wait3A_505 = arith.constant 0 : i32
      %dma_wait3A_506 = tpu.memref_slice %arg11[%add3A_149, %dma_wait3A_505] : memref<3072x128xf32, #tpu.memory_space<vmem_shared>> -> memref<48x128xf32, #tpu.memory_space<vmem_shared>>
      tpu.wait_dma2 semaphore(%run_scoped3A_498 : memref<!tpu.dma_semaphore, #tpu.memory_space<semaphore_mem>>) src(%arg10 : memref<48x128xf32, #tpu.memory_space<vmem>>) dst(%dma_wait3A_506 : memref<48x128xf32, #tpu.memory_space<vmem_shared>>)
      tpu.yield
    }) : () -> ()
    %mul3A_150 = arith.constant 192 : i32
    %mul3A_151 = arith.muli %arg1, %mul3A_150 : i32
    %add3A_152 = arith.constant 96 : i32
    %add3A_153 = arith.addi %mul3A_151, %add3A_152 : i32
    "tpu.region"() ({
      %run_scoped3A_498 = tpu.sem_alloc : memref<!tpu.dma_semaphore, #tpu.memory_space<semaphore_mem>>
      %dma_start3A_499 = arith.constant 0 : i32
      %dma_start3A_500 = tpu.memref_slice %arg11[%add3A_153, %dma_start3A_499] : memref<3072x128xf32, #tpu.memory_space<vmem_shared>> -> memref<48x128xf32, #tpu.memory_space<vmem_shared>>
      %dma_start3A_501 = arith.constant 0 : i32
      %dma_start3A_502 = tpu.memref_slice %arg11[%add3A_153, %dma_start3A_501] : memref<3072x128xf32, #tpu.memory_space<vmem_shared>> -> memref<48x128xf32, #tpu.memory_space<vmem_shared>>
      tpu.enqueue_dma source(%arg10 : memref<48x128xf32, #tpu.memory_space<vmem>>) target(%dma_start3A_502 : memref<48x128xf32, #tpu.memory_space<vmem_shared>>) target_semaphore(%run_scoped3A_498 : memref<!tpu.dma_semaphore, #tpu.memory_space<semaphore_mem>>)
      %dma_wait3A_503 = arith.constant 0 : i32
      %dma_wait3A_504 = tpu.memref_slice %arg11[%add3A_153, %dma_wait3A_503] : memref<3072x128xf32, #tpu.memory_space<vmem_shared>> -> memref<48x128xf32, #tpu.memory_space<vmem_shared>>
      %dma_wait3A_505 = arith.constant 0 : i32
      %dma_wait3A_506 = tpu.memref_slice %arg11[%add3A_153, %dma_wait3A_505] : memref<3072x128xf32, #tpu.memory_space<vmem_shared>> -> memref<48x128xf32, #tpu.memory_space<vmem_shared>>
      tpu.wait_dma2 semaphore(%run_scoped3A_498 : memref<!tpu.dma_semaphore, #tpu.memory_space<semaphore_mem>>) src(%arg10 : memref<48x128xf32, #tpu.memory_space<vmem>>) dst(%dma_wait3A_506 : memref<48x128xf32, #tpu.memory_space<vmem_shared>>)
      tpu.yield
    }) : () -> ()
    %mul3A_154 = arith.constant 192 : i32
    %mul3A_155 = arith.muli %arg1, %mul3A_154 : i32
    %add3A_156 = arith.constant 144 : i32
    %add3A_157 = arith.addi %mul3A_155, %add3A_156 : i32
    "tpu.region"() ({
      %run_scoped3A_498 = tpu.sem_alloc : memref<!tpu.dma_semaphore, #tpu.memory_space<semaphore_mem>>
      %dma_start3A_499 = arith.constant 0 : i32
      %dma_start3A_500 = tpu.memref_slice %arg11[%add3A_157, %dma_start3A_499] : memref<3072x128xf32, #tpu.memory_space<vmem_shared>> -> memref<48x128xf32, #tpu.memory_space<vmem_shared>>
      %dma_start3A_501 = arith.constant 0 : i32
      %dma_start3A_502 = tpu.memref_slice %arg11[%add3A_157, %dma_start3A_501] : memref<3072x128xf32, #tpu.memory_space<vmem_shared>> -> memref<48x128xf32, #tpu.memory_space<vmem_shared>>
      tpu.enqueue_dma source(%arg10 : memref<48x128xf32, #tpu.memory_space<vmem>>) target(%dma_start3A_502 : memref<48x128xf32, #tpu.memory_space<vmem_shared>>) target_semaphore(%run_scoped3A_498 : memref<!tpu.dma_semaphore, #tpu.memory_space<semaphore_mem>>)
      %dma_wait3A_503 = arith.constant 0 : i32
      %dma_wait3A_504 = tpu.memref_slice %arg11[%add3A_157, %dma_wait3A_503] : memref<3072x128xf32, #tpu.memory_space<vmem_shared>> -> memref<48x128xf32, #tpu.memory_space<vmem_shared>>
      %dma_wait3A_505 = arith.constant 0 : i32
      %dma_wait3A_506 = tpu.memref_slice %arg11[%add3A_157, %dma_wait3A_505] : memref<3072x128xf32, #tpu.memory_space<vmem_shared>> -> memref<48x128xf32, #tpu.memory_space<vmem_shared>>
      tpu.wait_dma2 semaphore(%run_scoped3A_498 : memref<!tpu.dma_semaphore, #tpu.memory_space<semaphore_mem>>) src(%arg10 : memref<48x128xf32, #tpu.memory_space<vmem>>) dst(%dma_wait3A_506 : memref<48x128xf32, #tpu.memory_space<vmem_shared>>)
      tpu.yield
    }) : () -> ()
    %barrier3A_158 = arith.constant 0 : index
    tpu.barrier barrier_id(%barrier3A_158)
    %dma_start3A_159 = arith.constant 0 : i32
    %dma_start3A_160 = arith.constant 0 : i32
    %dma_start3A_161 = arith.constant 0 : i32
    %dma_start3A_162 = arith.constant 0 : i32
    %dma_start3A_163 = tpu.memref_slice %arg9[%dma_start3A_160, %dma_start3A_161, %dma_start3A_162] : memref<4x128x128xf32, #tpu.memory_space<vmem>> -> memref<1x128x128xf32, #tpu.memory_space<vmem>>
    %dma_start3A_164 = tpu.memref_squeeze %dma_start3A_163 : memref<1x128x128xf32, #tpu.memory_space<vmem>> -> memref<128x128xf32, #tpu.memory_space<vmem>>
    %dma_start3A_165 = arith.constant 0 : i32
    %dma_start3A_166 = tpu.memref_slice %arg6[%dma_start3A_159, %dma_start3A_165] : memref<80x128xi32, #tpu.memory_space<vmem>> -> memref<1x128xi32, #tpu.memory_space<vmem>>
    %dma_start3A_167 = tpu.memref_squeeze %dma_start3A_166 : memref<1x128xi32, #tpu.memory_space<vmem>> -> memref<128xi32, #tpu.memory_space<vmem>>
    %dma_start3A_168 = arith.constant 0 : i32
    %dma_start3A_169 = arith.constant 0 : i32
    %dma_start3A_170 = tpu.memref_slice %arg2[%dma_start3A_168, %dma_start3A_169] : memref<20000x128xf32, #tpu.memory_space<hbm>> -> memref<20000x128xf32, #tpu.memory_space<hbm>>
    tpu.enqueue_indirect_dma source(%dma_start3A_170 : memref<20000x128xf32, #tpu.memory_space<hbm>>) target(%dma_start3A_164 : memref<128x128xf32, #tpu.memory_space<vmem>>) offsets(%dma_start3A_167 : memref<128xi32, #tpu.memory_space<vmem>>) semaphore(%arg12 : memref<!tpu.dma_semaphore, #tpu.memory_space<semaphore_mem>>)
    %dma_start3A_171 = arith.constant 1 : i32
    %dma_start3A_172 = arith.constant 1 : i32
    %dma_start3A_173 = arith.constant 0 : i32
    %dma_start3A_174 = arith.constant 0 : i32
    %dma_start3A_175 = tpu.memref_slice %arg9[%dma_start3A_172, %dma_start3A_173, %dma_start3A_174] : memref<4x128x128xf32, #tpu.memory_space<vmem>> -> memref<1x128x128xf32, #tpu.memory_space<vmem>>
    %dma_start3A_176 = tpu.memref_squeeze %dma_start3A_175 : memref<1x128x128xf32, #tpu.memory_space<vmem>> -> memref<128x128xf32, #tpu.memory_space<vmem>>
    %dma_start3A_177 = arith.constant 0 : i32
    %dma_start3A_178 = tpu.memref_slice %arg6[%dma_start3A_171, %dma_start3A_177] : memref<80x128xi32, #tpu.memory_space<vmem>> -> memref<1x128xi32, #tpu.memory_space<vmem>>
    %dma_start3A_179 = tpu.memref_squeeze %dma_start3A_178 : memref<1x128xi32, #tpu.memory_space<vmem>> -> memref<128xi32, #tpu.memory_space<vmem>>
    %dma_start3A_180 = arith.constant 0 : i32
    %dma_start3A_181 = arith.constant 0 : i32
    %dma_start3A_182 = tpu.memref_slice %arg2[%dma_start3A_180, %dma_start3A_181] : memref<20000x128xf32, #tpu.memory_space<hbm>> -> memref<20000x128xf32, #tpu.memory_space<hbm>>
    tpu.enqueue_indirect_dma source(%dma_start3A_182 : memref<20000x128xf32, #tpu.memory_space<hbm>>) target(%dma_start3A_176 : memref<128x128xf32, #tpu.memory_space<vmem>>) offsets(%dma_start3A_179 : memref<128xi32, #tpu.memory_space<vmem>>) semaphore(%arg13 : memref<!tpu.dma_semaphore, #tpu.memory_space<semaphore_mem>>)
    %dma_start3A_183 = arith.constant 2 : i32
    %dma_start3A_184 = arith.constant 2 : i32
    %dma_start3A_185 = arith.constant 0 : i32
    %dma_start3A_186 = arith.constant 0 : i32
    %dma_start3A_187 = tpu.memref_slice %arg9[%dma_start3A_184, %dma_start3A_185, %dma_start3A_186] : memref<4x128x128xf32, #tpu.memory_space<vmem>> -> memref<1x128x128xf32, #tpu.memory_space<vmem>>
    %dma_start3A_188 = tpu.memref_squeeze %dma_start3A_187 : memref<1x128x128xf32, #tpu.memory_space<vmem>> -> memref<128x128xf32, #tpu.memory_space<vmem>>
    %dma_start3A_189 = arith.constant 0 : i32
    %dma_start3A_190 = tpu.memref_slice %arg6[%dma_start3A_183, %dma_start3A_189] : memref<80x128xi32, #tpu.memory_space<vmem>> -> memref<1x128xi32, #tpu.memory_space<vmem>>
    %dma_start3A_191 = tpu.memref_squeeze %dma_start3A_190 : memref<1x128xi32, #tpu.memory_space<vmem>> -> memref<128xi32, #tpu.memory_space<vmem>>
    %dma_start3A_192 = arith.constant 0 : i32
    %dma_start3A_193 = arith.constant 0 : i32
    %dma_start3A_194 = tpu.memref_slice %arg2[%dma_start3A_192, %dma_start3A_193] : memref<20000x128xf32, #tpu.memory_space<hbm>> -> memref<20000x128xf32, #tpu.memory_space<hbm>>
    tpu.enqueue_indirect_dma source(%dma_start3A_194 : memref<20000x128xf32, #tpu.memory_space<hbm>>) target(%dma_start3A_188 : memref<128x128xf32, #tpu.memory_space<vmem>>) offsets(%dma_start3A_191 : memref<128xi32, #tpu.memory_space<vmem>>) semaphore(%arg14 : memref<!tpu.dma_semaphore, #tpu.memory_space<semaphore_mem>>)
    %scan3A_195 = arith.constant 0 : i32
    %scan3A_196 = arith.constant 0 : i32
    %scan3A_197 = arith.constant 20 : i32
    %scan3A_198 = arith.addi %scan3A_196, %scan3A_197 : i32
    %scan3A_199 = arith.constant 1 : i32
    %scan3A_200 = scf.for %scan3A_498 = %scan3A_196 to %scan3A_198 step %scan3A_199 iter_args(%scan3A_499 = %scan3A_195) -> (i32)  : i32 {
      %mul3A_500 = arith.constant 4 : i32
      %mul3A_501 = arith.muli %scan3A_498, %mul3A_500 : i32
      %add3A_502 = arith.constant 0 : i32
      %add3A_503 = arith.addi %mul3A_501, %add3A_502 : i32
      %dma_wait3A_504 = arith.constant 0 : i32
      %dma_wait3A_505 = arith.constant 0 : i32
      %dma_wait3A_506 = arith.constant 0 : i32
      %dma_wait3A_507 = tpu.memref_slice %arg9[%dma_wait3A_504, %dma_wait3A_505, %dma_wait3A_506] : memref<4x128x128xf32, #tpu.memory_space<vmem>> -> memref<1x128x128xf32, #tpu.memory_space<vmem>>
      %dma_wait3A_508 = tpu.memref_squeeze %dma_wait3A_507 : memref<1x128x128xf32, #tpu.memory_space<vmem>> -> memref<128x128xf32, #tpu.memory_space<vmem>>
      %dma_wait3A_509 = arith.constant 0 : i32
      %dma_wait3A_510 = tpu.memref_slice %arg6[%add3A_503, %dma_wait3A_509] : memref<80x128xi32, #tpu.memory_space<vmem>> -> memref<1x128xi32, #tpu.memory_space<vmem>>
      %dma_wait3A_511 = tpu.memref_squeeze %dma_wait3A_510 : memref<1x128xi32, #tpu.memory_space<vmem>> -> memref<128xi32, #tpu.memory_space<vmem>>
      %dma_wait3A_512 = arith.constant 0 : i32
      %dma_wait3A_513 = arith.constant 0 : i32
      %dma_wait3A_514 = tpu.memref_slice %arg2[%dma_wait3A_512, %dma_wait3A_513] : memref<20000x128xf32, #tpu.memory_space<hbm>> -> memref<20000x128xf32, #tpu.memory_space<hbm>>
      tpu.wait_indirect_dma semaphore(%arg12 : memref<!tpu.dma_semaphore, #tpu.memory_space<semaphore_mem>>) src(%dma_wait3A_514 : memref<20000x128xf32, #tpu.memory_space<hbm>>) dst(%dma_wait3A_508 : memref<128x128xf32, #tpu.memory_space<vmem>>)
      %dma_start3A_515 = arith.constant 0 : i32
      %dma_start3A_516 = arith.constant 0 : i32
      %dma_start3A_517 = arith.constant 0 : i32
      %dma_start3A_518 = tpu.memref_slice %arg9[%dma_start3A_515, %dma_start3A_516, %dma_start3A_517] : memref<4x128x128xf32, #tpu.memory_space<vmem>> -> memref<1x128x128xf32, #tpu.memory_space<vmem>>
      %dma_start3A_519 = tpu.memref_squeeze %dma_start3A_518 : memref<1x128x128xf32, #tpu.memory_space<vmem>> -> memref<128x128xf32, #tpu.memory_space<vmem>>
      %dma_start3A_520 = arith.constant 0 : i32
      %dma_start3A_521 = tpu.memref_slice %arg8[%add3A_503, %dma_start3A_520] : memref<80x128xi32, #tpu.memory_space<vmem>> -> memref<1x128xi32, #tpu.memory_space<vmem>>
      %dma_start3A_522 = tpu.memref_squeeze %dma_start3A_521 : memref<1x128xi32, #tpu.memory_space<vmem>> -> memref<128xi32, #tpu.memory_space<vmem>>
      %dma_start3A_523 = arith.constant 0 : i32
      %dma_start3A_524 = arith.constant 0 : i32
      %dma_start3A_525 = tpu.memref_slice %arg11[%dma_start3A_523, %dma_start3A_524] : memref<3072x128xf32, #tpu.memory_space<vmem_shared>> -> memref<3072x128xf32, #tpu.memory_space<vmem_shared>>
      tpu.enqueue_indirect_dma source(%dma_start3A_519 : memref<128x128xf32, #tpu.memory_space<vmem>>) target(%dma_start3A_525 : memref<3072x128xf32, #tpu.memory_space<vmem_shared>>) offsets(%dma_start3A_522 : memref<128xi32, #tpu.memory_space<vmem>>) semaphore(%arg16 : memref<!tpu.dma_semaphore, #tpu.memory_space<semaphore_mem>>) {add = true}
      %add3A_526 = arith.constant 3 : i32
      %add3A_527 = arith.addi %add3A_503, %add3A_526 : i32
      %lt3A = arith.constant 80 : i32
      %lt3A_528 = arith.cmpi slt, %add3A_527, %lt3A : i32
      %convert_element_type3A = arith.extui %lt3A_528 : i1 to i32
      %cond3A = arith.constant 3 : i32
      %cond3A_529 = arith.constant 0 : i32
      %cond3A_530 = arith.cmpi ne, %convert_element_type3A, %cond3A_529 : i32
      scf.if %cond3A_530 {
        %ge3A = arith.constant 4 : i32
        %ge3A_634 = arith.cmpi sge, %add3A_527, %ge3A : i32
        %convert_element_type3A_635 = arith.extui %ge3A_634 : i1 to i32
        %cond3A_636 = arith.constant 0 : i32
        %cond3A_637 = arith.cmpi ne, %convert_element_type3A_635, %cond3A_636 : i32
        scf.if %cond3A_637 {
          %sub3A = arith.constant 4 : i32
          %sub3A_648 = arith.subi %add3A_527, %sub3A : i32
          %dma_wait3A_649 = arith.constant 0 : i32
          %dma_wait3A_650 = arith.constant 0 : i32
          %dma_wait3A_651 = tpu.memref_slice %arg9[%cond3A, %dma_wait3A_649, %dma_wait3A_650] : memref<4x128x128xf32, #tpu.memory_space<vmem>> -> memref<1x128x128xf32, #tpu.memory_space<vmem>>
          %dma_wait3A_652 = tpu.memref_squeeze %dma_wait3A_651 : memref<1x128x128xf32, #tpu.memory_space<vmem>> -> memref<128x128xf32, #tpu.memory_space<vmem>>
          %dma_wait3A_653 = arith.constant 0 : i32
          %dma_wait3A_654 = tpu.memref_slice %arg8[%sub3A_648, %dma_wait3A_653] : memref<80x128xi32, #tpu.memory_space<vmem>> -> memref<1x128xi32, #tpu.memory_space<vmem>>
          %dma_wait3A_655 = tpu.memref_squeeze %dma_wait3A_654 : memref<1x128xi32, #tpu.memory_space<vmem>> -> memref<128xi32, #tpu.memory_space<vmem>>
          %dma_wait3A_656 = arith.constant 0 : i32
          %dma_wait3A_657 = arith.constant 0 : i32
          %dma_wait3A_658 = tpu.memref_slice %arg11[%dma_wait3A_656, %dma_wait3A_657] : memref<3072x128xf32, #tpu.memory_space<vmem_shared>> -> memref<3072x128xf32, #tpu.memory_space<vmem_shared>>
          tpu.wait_indirect_dma semaphore(%arg19 : memref<!tpu.dma_semaphore, #tpu.memory_space<semaphore_mem>>) src(%dma_wait3A_652 : memref<128x128xf32, #tpu.memory_space<vmem>>) dst(%dma_wait3A_658 : memref<3072x128xf32, #tpu.memory_space<vmem_shared>>)
        } else {
        }
        %dma_start3A_638 = arith.constant 0 : i32
        %dma_start3A_639 = arith.constant 0 : i32
        %dma_start3A_640 = tpu.memref_slice %arg9[%cond3A, %dma_start3A_638, %dma_start3A_639] : memref<4x128x128xf32, #tpu.memory_space<vmem>> -> memref<1x128x128xf32, #tpu.memory_space<vmem>>
        %dma_start3A_641 = tpu.memref_squeeze %dma_start3A_640 : memref<1x128x128xf32, #tpu.memory_space<vmem>> -> memref<128x128xf32, #tpu.memory_space<vmem>>
        %dma_start3A_642 = arith.constant 0 : i32
        %dma_start3A_643 = tpu.memref_slice %arg6[%add3A_527, %dma_start3A_642] : memref<80x128xi32, #tpu.memory_space<vmem>> -> memref<1x128xi32, #tpu.memory_space<vmem>>
        %dma_start3A_644 = tpu.memref_squeeze %dma_start3A_643 : memref<1x128xi32, #tpu.memory_space<vmem>> -> memref<128xi32, #tpu.memory_space<vmem>>
        %dma_start3A_645 = arith.constant 0 : i32
        %dma_start3A_646 = arith.constant 0 : i32
        %dma_start3A_647 = tpu.memref_slice %arg2[%dma_start3A_645, %dma_start3A_646] : memref<20000x128xf32, #tpu.memory_space<hbm>> -> memref<20000x128xf32, #tpu.memory_space<hbm>>
        tpu.enqueue_indirect_dma source(%dma_start3A_647 : memref<20000x128xf32, #tpu.memory_space<hbm>>) target(%dma_start3A_641 : memref<128x128xf32, #tpu.memory_space<vmem>>) offsets(%dma_start3A_644 : memref<128xi32, #tpu.memory_space<vmem>>) semaphore(%arg15 : memref<!tpu.dma_semaphore, #tpu.memory_space<semaphore_mem>>)
      } else {
      }
      %mul3A_531 = arith.constant 4 : i32
      %mul3A_532 = arith.muli %scan3A_498, %mul3A_531 : i32
      %add3A_533 = arith.constant 1 : i32
      %add3A_534 = arith.addi %mul3A_532, %add3A_533 : i32
      %dma_wait3A_535 = arith.constant 1 : i32
      %dma_wait3A_536 = arith.constant 0 : i32
      %dma_wait3A_537 = arith.constant 0 : i32
      %dma_wait3A_538 = tpu.memref_slice %arg9[%dma_wait3A_535, %dma_wait3A_536, %dma_wait3A_537] : memref<4x128x128xf32, #tpu.memory_space<vmem>> -> memref<1x128x128xf32, #tpu.memory_space<vmem>>
      %dma_wait3A_539 = tpu.memref_squeeze %dma_wait3A_538 : memref<1x128x128xf32, #tpu.memory_space<vmem>> -> memref<128x128xf32, #tpu.memory_space<vmem>>
      %dma_wait3A_540 = arith.constant 0 : i32
      %dma_wait3A_541 = tpu.memref_slice %arg6[%add3A_534, %dma_wait3A_540] : memref<80x128xi32, #tpu.memory_space<vmem>> -> memref<1x128xi32, #tpu.memory_space<vmem>>
      %dma_wait3A_542 = tpu.memref_squeeze %dma_wait3A_541 : memref<1x128xi32, #tpu.memory_space<vmem>> -> memref<128xi32, #tpu.memory_space<vmem>>
      %dma_wait3A_543 = arith.constant 0 : i32
      %dma_wait3A_544 = arith.constant 0 : i32
      %dma_wait3A_545 = tpu.memref_slice %arg2[%dma_wait3A_543, %dma_wait3A_544] : memref<20000x128xf32, #tpu.memory_space<hbm>> -> memref<20000x128xf32, #tpu.memory_space<hbm>>
      tpu.wait_indirect_dma semaphore(%arg13 : memref<!tpu.dma_semaphore, #tpu.memory_space<semaphore_mem>>) src(%dma_wait3A_545 : memref<20000x128xf32, #tpu.memory_space<hbm>>) dst(%dma_wait3A_539 : memref<128x128xf32, #tpu.memory_space<vmem>>)
      %dma_start3A_546 = arith.constant 1 : i32
      %dma_start3A_547 = arith.constant 0 : i32
      %dma_start3A_548 = arith.constant 0 : i32
      %dma_start3A_549 = tpu.memref_slice %arg9[%dma_start3A_546, %dma_start3A_547, %dma_start3A_548] : memref<4x128x128xf32, #tpu.memory_space<vmem>> -> memref<1x128x128xf32, #tpu.memory_space<vmem>>
      %dma_start3A_550 = tpu.memref_squeeze %dma_start3A_549 : memref<1x128x128xf32, #tpu.memory_space<vmem>> -> memref<128x128xf32, #tpu.memory_space<vmem>>
      %dma_start3A_551 = arith.constant 0 : i32
      %dma_start3A_552 = tpu.memref_slice %arg8[%add3A_534, %dma_start3A_551] : memref<80x128xi32, #tpu.memory_space<vmem>> -> memref<1x128xi32, #tpu.memory_space<vmem>>
      %dma_start3A_553 = tpu.memref_squeeze %dma_start3A_552 : memref<1x128xi32, #tpu.memory_space<vmem>> -> memref<128xi32, #tpu.memory_space<vmem>>
      %dma_start3A_554 = arith.constant 0 : i32
      %dma_start3A_555 = arith.constant 0 : i32
      %dma_start3A_556 = tpu.memref_slice %arg11[%dma_start3A_554, %dma_start3A_555] : memref<3072x128xf32, #tpu.memory_space<vmem_shared>> -> memref<3072x128xf32, #tpu.memory_space<vmem_shared>>
      tpu.enqueue_indirect_dma source(%dma_start3A_550 : memref<128x128xf32, #tpu.memory_space<vmem>>) target(%dma_start3A_556 : memref<3072x128xf32, #tpu.memory_space<vmem_shared>>) offsets(%dma_start3A_553 : memref<128xi32, #tpu.memory_space<vmem>>) semaphore(%arg17 : memref<!tpu.dma_semaphore, #tpu.memory_space<semaphore_mem>>) {add = true}
      %add3A_557 = arith.constant 3 : i32
      %add3A_558 = arith.addi %add3A_534, %add3A_557 : i32
      %lt3A_559 = arith.constant 80 : i32
      %lt3A_560 = arith.cmpi slt, %add3A_558, %lt3A_559 : i32
      %convert_element_type3A_561 = arith.extui %lt3A_560 : i1 to i32
      %cond3A_562 = arith.constant 0 : i32
      %cond3A_563 = arith.constant 0 : i32
      %cond3A_564 = arith.cmpi ne, %convert_element_type3A_561, %cond3A_563 : i32
      scf.if %cond3A_564 {
        %ge3A = arith.constant 4 : i32
        %ge3A_634 = arith.cmpi sge, %add3A_558, %ge3A : i32
        %convert_element_type3A_635 = arith.extui %ge3A_634 : i1 to i32
        %cond3A_636 = arith.constant 0 : i32
        %cond3A_637 = arith.cmpi ne, %convert_element_type3A_635, %cond3A_636 : i32
        scf.if %cond3A_637 {
          %sub3A = arith.constant 4 : i32
          %sub3A_648 = arith.subi %add3A_558, %sub3A : i32
          %dma_wait3A_649 = arith.constant 0 : i32
          %dma_wait3A_650 = arith.constant 0 : i32
          %dma_wait3A_651 = tpu.memref_slice %arg9[%cond3A_562, %dma_wait3A_649, %dma_wait3A_650] : memref<4x128x128xf32, #tpu.memory_space<vmem>> -> memref<1x128x128xf32, #tpu.memory_space<vmem>>
          %dma_wait3A_652 = tpu.memref_squeeze %dma_wait3A_651 : memref<1x128x128xf32, #tpu.memory_space<vmem>> -> memref<128x128xf32, #tpu.memory_space<vmem>>
          %dma_wait3A_653 = arith.constant 0 : i32
          %dma_wait3A_654 = tpu.memref_slice %arg8[%sub3A_648, %dma_wait3A_653] : memref<80x128xi32, #tpu.memory_space<vmem>> -> memref<1x128xi32, #tpu.memory_space<vmem>>
          %dma_wait3A_655 = tpu.memref_squeeze %dma_wait3A_654 : memref<1x128xi32, #tpu.memory_space<vmem>> -> memref<128xi32, #tpu.memory_space<vmem>>
          %dma_wait3A_656 = arith.constant 0 : i32
          %dma_wait3A_657 = arith.constant 0 : i32
          %dma_wait3A_658 = tpu.memref_slice %arg11[%dma_wait3A_656, %dma_wait3A_657] : memref<3072x128xf32, #tpu.memory_space<vmem_shared>> -> memref<3072x128xf32, #tpu.memory_space<vmem_shared>>
          tpu.wait_indirect_dma semaphore(%arg16 : memref<!tpu.dma_semaphore, #tpu.memory_space<semaphore_mem>>) src(%dma_wait3A_652 : memref<128x128xf32, #tpu.memory_space<vmem>>) dst(%dma_wait3A_658 : memref<3072x128xf32, #tpu.memory_space<vmem_shared>>)
        } else {
        }
        %dma_start3A_638 = arith.constant 0 : i32
        %dma_start3A_639 = arith.constant 0 : i32
        %dma_start3A_640 = tpu.memref_slice %arg9[%cond3A_562, %dma_start3A_638, %dma_start3A_639] : memref<4x128x128xf32, #tpu.memory_space<vmem>> -> memref<1x128x128xf32, #tpu.memory_space<vmem>>
        %dma_start3A_641 = tpu.memref_squeeze %dma_start3A_640 : memref<1x128x128xf32, #tpu.memory_space<vmem>> -> memref<128x128xf32, #tpu.memory_space<vmem>>
        %dma_start3A_642 = arith.constant 0 : i32
        %dma_start3A_643 = tpu.memref_slice %arg6[%add3A_558, %dma_start3A_642] : memref<80x128xi32, #tpu.memory_space<vmem>> -> memref<1x128xi32, #tpu.memory_space<vmem>>
        %dma_start3A_644 = tpu.memref_squeeze %dma_start3A_643 : memref<1x128xi32, #tpu.memory_space<vmem>> -> memref<128xi32, #tpu.memory_space<vmem>>
        %dma_start3A_645 = arith.constant 0 : i32
        %dma_start3A_646 = arith.constant 0 : i32
        %dma_start3A_647 = tpu.memref_slice %arg2[%dma_start3A_645, %dma_start3A_646] : memref<20000x128xf32, #tpu.memory_space<hbm>> -> memref<20000x128xf32, #tpu.memory_space<hbm>>
        tpu.enqueue_indirect_dma source(%dma_start3A_647 : memref<20000x128xf32, #tpu.memory_space<hbm>>) target(%dma_start3A_641 : memref<128x128xf32, #tpu.memory_space<vmem>>) offsets(%dma_start3A_644 : memref<128xi32, #tpu.memory_space<vmem>>) semaphore(%arg12 : memref<!tpu.dma_semaphore, #tpu.memory_space<semaphore_mem>>)
      } else {
      }
      %mul3A_565 = arith.constant 4 : i32
      %mul3A_566 = arith.muli %scan3A_498, %mul3A_565 : i32
      %add3A_567 = arith.constant 2 : i32
      %add3A_568 = arith.addi %mul3A_566, %add3A_567 : i32
      %dma_wait3A_569 = arith.constant 2 : i32
      %dma_wait3A_570 = arith.constant 0 : i32
      %dma_wait3A_571 = arith.constant 0 : i32
      %dma_wait3A_572 = tpu.memref_slice %arg9[%dma_wait3A_569, %dma_wait3A_570, %dma_wait3A_571] : memref<4x128x128xf32, #tpu.memory_space<vmem>> -> memref<1x128x128xf32, #tpu.memory_space<vmem>>
      %dma_wait3A_573 = tpu.memref_squeeze %dma_wait3A_572 : memref<1x128x128xf32, #tpu.memory_space<vmem>> -> memref<128x128xf32, #tpu.memory_space<vmem>>
      %dma_wait3A_574 = arith.constant 0 : i32
      %dma_wait3A_575 = tpu.memref_slice %arg6[%add3A_568, %dma_wait3A_574] : memref<80x128xi32, #tpu.memory_space<vmem>> -> memref<1x128xi32, #tpu.memory_space<vmem>>
      %dma_wait3A_576 = tpu.memref_squeeze %dma_wait3A_575 : memref<1x128xi32, #tpu.memory_space<vmem>> -> memref<128xi32, #tpu.memory_space<vmem>>
      %dma_wait3A_577 = arith.constant 0 : i32
      %dma_wait3A_578 = arith.constant 0 : i32
      %dma_wait3A_579 = tpu.memref_slice %arg2[%dma_wait3A_577, %dma_wait3A_578] : memref<20000x128xf32, #tpu.memory_space<hbm>> -> memref<20000x128xf32, #tpu.memory_space<hbm>>
      tpu.wait_indirect_dma semaphore(%arg14 : memref<!tpu.dma_semaphore, #tpu.memory_space<semaphore_mem>>) src(%dma_wait3A_579 : memref<20000x128xf32, #tpu.memory_space<hbm>>) dst(%dma_wait3A_573 : memref<128x128xf32, #tpu.memory_space<vmem>>)
      %dma_start3A_580 = arith.constant 2 : i32
      %dma_start3A_581 = arith.constant 0 : i32
      %dma_start3A_582 = arith.constant 0 : i32
      %dma_start3A_583 = tpu.memref_slice %arg9[%dma_start3A_580, %dma_start3A_581, %dma_start3A_582] : memref<4x128x128xf32, #tpu.memory_space<vmem>> -> memref<1x128x128xf32, #tpu.memory_space<vmem>>
      %dma_start3A_584 = tpu.memref_squeeze %dma_start3A_583 : memref<1x128x128xf32, #tpu.memory_space<vmem>> -> memref<128x128xf32, #tpu.memory_space<vmem>>
      %dma_start3A_585 = arith.constant 0 : i32
      %dma_start3A_586 = tpu.memref_slice %arg8[%add3A_568, %dma_start3A_585] : memref<80x128xi32, #tpu.memory_space<vmem>> -> memref<1x128xi32, #tpu.memory_space<vmem>>
      %dma_start3A_587 = tpu.memref_squeeze %dma_start3A_586 : memref<1x128xi32, #tpu.memory_space<vmem>> -> memref<128xi32, #tpu.memory_space<vmem>>
      %dma_start3A_588 = arith.constant 0 : i32
      %dma_start3A_589 = arith.constant 0 : i32
      %dma_start3A_590 = tpu.memref_slice %arg11[%dma_start3A_588, %dma_start3A_589] : memref<3072x128xf32, #tpu.memory_space<vmem_shared>> -> memref<3072x128xf32, #tpu.memory_space<vmem_shared>>
      tpu.enqueue_indirect_dma source(%dma_start3A_584 : memref<128x128xf32, #tpu.memory_space<vmem>>) target(%dma_start3A_590 : memref<3072x128xf32, #tpu.memory_space<vmem_shared>>) offsets(%dma_start3A_587 : memref<128xi32, #tpu.memory_space<vmem>>) semaphore(%arg18 : memref<!tpu.dma_semaphore, #tpu.memory_space<semaphore_mem>>) {add = true}
      %add3A_591 = arith.constant 3 : i32
      %add3A_592 = arith.addi %add3A_568, %add3A_591 : i32
      %lt3A_593 = arith.constant 80 : i32
      %lt3A_594 = arith.cmpi slt, %add3A_592, %lt3A_593 : i32
      %convert_element_type3A_595 = arith.extui %lt3A_594 : i1 to i32
      %cond3A_596 = arith.constant 1 : i32
      %cond3A_597 = arith.constant 0 : i32
      %cond3A_598 = arith.cmpi ne, %convert_element_type3A_595, %cond3A_597 : i32
      scf.if %cond3A_598 {
        %ge3A = arith.constant 4 : i32
        %ge3A_634 = arith.cmpi sge, %add3A_592, %ge3A : i32
        %convert_element_type3A_635 = arith.extui %ge3A_634 : i1 to i32
        %cond3A_636 = arith.constant 0 : i32
        %cond3A_637 = arith.cmpi ne, %convert_element_type3A_635, %cond3A_636 : i32
        scf.if %cond3A_637 {
          %sub3A = arith.constant 4 : i32
          %sub3A_648 = arith.subi %add3A_592, %sub3A : i32
          %dma_wait3A_649 = arith.constant 0 : i32
          %dma_wait3A_650 = arith.constant 0 : i32
          %dma_wait3A_651 = tpu.memref_slice %arg9[%cond3A_596, %dma_wait3A_649, %dma_wait3A_650] : memref<4x128x128xf32, #tpu.memory_space<vmem>> -> memref<1x128x128xf32, #tpu.memory_space<vmem>>
          %dma_wait3A_652 = tpu.memref_squeeze %dma_wait3A_651 : memref<1x128x128xf32, #tpu.memory_space<vmem>> -> memref<128x128xf32, #tpu.memory_space<vmem>>
          %dma_wait3A_653 = arith.constant 0 : i32
          %dma_wait3A_654 = tpu.memref_slice %arg8[%sub3A_648, %dma_wait3A_653] : memref<80x128xi32, #tpu.memory_space<vmem>> -> memref<1x128xi32, #tpu.memory_space<vmem>>
          %dma_wait3A_655 = tpu.memref_squeeze %dma_wait3A_654 : memref<1x128xi32, #tpu.memory_space<vmem>> -> memref<128xi32, #tpu.memory_space<vmem>>
          %dma_wait3A_656 = arith.constant 0 : i32
          %dma_wait3A_657 = arith.constant 0 : i32
          %dma_wait3A_658 = tpu.memref_slice %arg11[%dma_wait3A_656, %dma_wait3A_657] : memref<3072x128xf32, #tpu.memory_space<vmem_shared>> -> memref<3072x128xf32, #tpu.memory_space<vmem_shared>>
          tpu.wait_indirect_dma semaphore(%arg17 : memref<!tpu.dma_semaphore, #tpu.memory_space<semaphore_mem>>) src(%dma_wait3A_652 : memref<128x128xf32, #tpu.memory_space<vmem>>) dst(%dma_wait3A_658 : memref<3072x128xf32, #tpu.memory_space<vmem_shared>>)
        } else {
        }
        %dma_start3A_638 = arith.constant 0 : i32
        %dma_start3A_639 = arith.constant 0 : i32
        %dma_start3A_640 = tpu.memref_slice %arg9[%cond3A_596, %dma_start3A_638, %dma_start3A_639] : memref<4x128x128xf32, #tpu.memory_space<vmem>> -> memref<1x128x128xf32, #tpu.memory_space<vmem>>
        %dma_start3A_641 = tpu.memref_squeeze %dma_start3A_640 : memref<1x128x128xf32, #tpu.memory_space<vmem>> -> memref<128x128xf32, #tpu.memory_space<vmem>>
        %dma_start3A_642 = arith.constant 0 : i32
        %dma_start3A_643 = tpu.memref_slice %arg6[%add3A_592, %dma_start3A_642] : memref<80x128xi32, #tpu.memory_space<vmem>> -> memref<1x128xi32, #tpu.memory_space<vmem>>
        %dma_start3A_644 = tpu.memref_squeeze %dma_start3A_643 : memref<1x128xi32, #tpu.memory_space<vmem>> -> memref<128xi32, #tpu.memory_space<vmem>>
        %dma_start3A_645 = arith.constant 0 : i32
        %dma_start3A_646 = arith.constant 0 : i32
        %dma_start3A_647 = tpu.memref_slice %arg2[%dma_start3A_645, %dma_start3A_646] : memref<20000x128xf32, #tpu.memory_space<hbm>> -> memref<20000x128xf32, #tpu.memory_space<hbm>>
        tpu.enqueue_indirect_dma source(%dma_start3A_647 : memref<20000x128xf32, #tpu.memory_space<hbm>>) target(%dma_start3A_641 : memref<128x128xf32, #tpu.memory_space<vmem>>) offsets(%dma_start3A_644 : memref<128xi32, #tpu.memory_space<vmem>>) semaphore(%arg13 : memref<!tpu.dma_semaphore, #tpu.memory_space<semaphore_mem>>)
      } else {
      }
      %mul3A_599 = arith.constant 4 : i32
      %mul3A_600 = arith.muli %scan3A_498, %mul3A_599 : i32
      %add3A_601 = arith.constant 3 : i32
      %add3A_602 = arith.addi %mul3A_600, %add3A_601 : i32
      %dma_wait3A_603 = arith.constant 3 : i32
      %dma_wait3A_604 = arith.constant 0 : i32
      %dma_wait3A_605 = arith.constant 0 : i32
      %dma_wait3A_606 = tpu.memref_slice %arg9[%dma_wait3A_603, %dma_wait3A_604, %dma_wait3A_605] : memref<4x128x128xf32, #tpu.memory_space<vmem>> -> memref<1x128x128xf32, #tpu.memory_space<vmem>>
      %dma_wait3A_607 = tpu.memref_squeeze %dma_wait3A_606 : memref<1x128x128xf32, #tpu.memory_space<vmem>> -> memref<128x128xf32, #tpu.memory_space<vmem>>
      %dma_wait3A_608 = arith.constant 0 : i32
      %dma_wait3A_609 = tpu.memref_slice %arg6[%add3A_602, %dma_wait3A_608] : memref<80x128xi32, #tpu.memory_space<vmem>> -> memref<1x128xi32, #tpu.memory_space<vmem>>
      %dma_wait3A_610 = tpu.memref_squeeze %dma_wait3A_609 : memref<1x128xi32, #tpu.memory_space<vmem>> -> memref<128xi32, #tpu.memory_space<vmem>>
      %dma_wait3A_611 = arith.constant 0 : i32
      %dma_wait3A_612 = arith.constant 0 : i32
      %dma_wait3A_613 = tpu.memref_slice %arg2[%dma_wait3A_611, %dma_wait3A_612] : memref<20000x128xf32, #tpu.memory_space<hbm>> -> memref<20000x128xf32, #tpu.memory_space<hbm>>
      tpu.wait_indirect_dma semaphore(%arg15 : memref<!tpu.dma_semaphore, #tpu.memory_space<semaphore_mem>>) src(%dma_wait3A_613 : memref<20000x128xf32, #tpu.memory_space<hbm>>) dst(%dma_wait3A_607 : memref<128x128xf32, #tpu.memory_space<vmem>>)
      %dma_start3A_614 = arith.constant 3 : i32
      %dma_start3A_615 = arith.constant 0 : i32
      %dma_start3A_616 = arith.constant 0 : i32
      %dma_start3A_617 = tpu.memref_slice %arg9[%dma_start3A_614, %dma_start3A_615, %dma_start3A_616] : memref<4x128x128xf32, #tpu.memory_space<vmem>> -> memref<1x128x128xf32, #tpu.memory_space<vmem>>
      %dma_start3A_618 = tpu.memref_squeeze %dma_start3A_617 : memref<1x128x128xf32, #tpu.memory_space<vmem>> -> memref<128x128xf32, #tpu.memory_space<vmem>>
      %dma_start3A_619 = arith.constant 0 : i32
      %dma_start3A_620 = tpu.memref_slice %arg8[%add3A_602, %dma_start3A_619] : memref<80x128xi32, #tpu.memory_space<vmem>> -> memref<1x128xi32, #tpu.memory_space<vmem>>
      %dma_start3A_621 = tpu.memref_squeeze %dma_start3A_620 : memref<1x128xi32, #tpu.memory_space<vmem>> -> memref<128xi32, #tpu.memory_space<vmem>>
      %dma_start3A_622 = arith.constant 0 : i32
      %dma_start3A_623 = arith.constant 0 : i32
      %dma_start3A_624 = tpu.memref_slice %arg11[%dma_start3A_622, %dma_start3A_623] : memref<3072x128xf32, #tpu.memory_space<vmem_shared>> -> memref<3072x128xf32, #tpu.memory_space<vmem_shared>>
      tpu.enqueue_indirect_dma source(%dma_start3A_618 : memref<128x128xf32, #tpu.memory_space<vmem>>) target(%dma_start3A_624 : memref<3072x128xf32, #tpu.memory_space<vmem_shared>>) offsets(%dma_start3A_621 : memref<128xi32, #tpu.memory_space<vmem>>) semaphore(%arg19 : memref<!tpu.dma_semaphore, #tpu.memory_space<semaphore_mem>>) {add = true}
      %add3A_625 = arith.constant 3 : i32
      %add3A_626 = arith.addi %add3A_602, %add3A_625 : i32
      %lt3A_627 = arith.constant 80 : i32
      %lt3A_628 = arith.cmpi slt, %add3A_626, %lt3A_627 : i32
      %convert_element_type3A_629 = arith.extui %lt3A_628 : i1 to i32
      %cond3A_630 = arith.constant 2 : i32
      %cond3A_631 = arith.constant 0 : i32
      %cond3A_632 = arith.cmpi ne, %convert_element_type3A_629, %cond3A_631 : i32
      scf.if %cond3A_632 {
        %ge3A = arith.constant 4 : i32
        %ge3A_634 = arith.cmpi sge, %add3A_626, %ge3A : i32
        %convert_element_type3A_635 = arith.extui %ge3A_634 : i1 to i32
        %cond3A_636 = arith.constant 0 : i32
        %cond3A_637 = arith.cmpi ne, %convert_element_type3A_635, %cond3A_636 : i32
        scf.if %cond3A_637 {
          %sub3A = arith.constant 4 : i32
          %sub3A_648 = arith.subi %add3A_626, %sub3A : i32
          %dma_wait3A_649 = arith.constant 0 : i32
          %dma_wait3A_650 = arith.constant 0 : i32
          %dma_wait3A_651 = tpu.memref_slice %arg9[%cond3A_630, %dma_wait3A_649, %dma_wait3A_650] : memref<4x128x128xf32, #tpu.memory_space<vmem>> -> memref<1x128x128xf32, #tpu.memory_space<vmem>>
          %dma_wait3A_652 = tpu.memref_squeeze %dma_wait3A_651 : memref<1x128x128xf32, #tpu.memory_space<vmem>> -> memref<128x128xf32, #tpu.memory_space<vmem>>
          %dma_wait3A_653 = arith.constant 0 : i32
          %dma_wait3A_654 = tpu.memref_slice %arg8[%sub3A_648, %dma_wait3A_653] : memref<80x128xi32, #tpu.memory_space<vmem>> -> memref<1x128xi32, #tpu.memory_space<vmem>>
          %dma_wait3A_655 = tpu.memref_squeeze %dma_wait3A_654 : memref<1x128xi32, #tpu.memory_space<vmem>> -> memref<128xi32, #tpu.memory_space<vmem>>
          %dma_wait3A_656 = arith.constant 0 : i32
          %dma_wait3A_657 = arith.constant 0 : i32
          %dma_wait3A_658 = tpu.memref_slice %arg11[%dma_wait3A_656, %dma_wait3A_657] : memref<3072x128xf32, #tpu.memory_space<vmem_shared>> -> memref<3072x128xf32, #tpu.memory_space<vmem_shared>>
          tpu.wait_indirect_dma semaphore(%arg18 : memref<!tpu.dma_semaphore, #tpu.memory_space<semaphore_mem>>) src(%dma_wait3A_652 : memref<128x128xf32, #tpu.memory_space<vmem>>) dst(%dma_wait3A_658 : memref<3072x128xf32, #tpu.memory_space<vmem_shared>>)
        } else {
        }
        %dma_start3A_638 = arith.constant 0 : i32
        %dma_start3A_639 = arith.constant 0 : i32
        %dma_start3A_640 = tpu.memref_slice %arg9[%cond3A_630, %dma_start3A_638, %dma_start3A_639] : memref<4x128x128xf32, #tpu.memory_space<vmem>> -> memref<1x128x128xf32, #tpu.memory_space<vmem>>
        %dma_start3A_641 = tpu.memref_squeeze %dma_start3A_640 : memref<1x128x128xf32, #tpu.memory_space<vmem>> -> memref<128x128xf32, #tpu.memory_space<vmem>>
        %dma_start3A_642 = arith.constant 0 : i32
        %dma_start3A_643 = tpu.memref_slice %arg6[%add3A_626, %dma_start3A_642] : memref<80x128xi32, #tpu.memory_space<vmem>> -> memref<1x128xi32, #tpu.memory_space<vmem>>
        %dma_start3A_644 = tpu.memref_squeeze %dma_start3A_643 : memref<1x128xi32, #tpu.memory_space<vmem>> -> memref<128xi32, #tpu.memory_space<vmem>>
        %dma_start3A_645 = arith.constant 0 : i32
        %dma_start3A_646 = arith.constant 0 : i32
        %dma_start3A_647 = tpu.memref_slice %arg2[%dma_start3A_645, %dma_start3A_646] : memref<20000x128xf32, #tpu.memory_space<hbm>> -> memref<20000x128xf32, #tpu.memory_space<hbm>>
        tpu.enqueue_indirect_dma source(%dma_start3A_647 : memref<20000x128xf32, #tpu.memory_space<hbm>>) target(%dma_start3A_641 : memref<128x128xf32, #tpu.memory_space<vmem>>) offsets(%dma_start3A_644 : memref<128xi32, #tpu.memory_space<vmem>>) semaphore(%arg14 : memref<!tpu.dma_semaphore, #tpu.memory_space<semaphore_mem>>)
      } else {
      }
      %scan3A_633 = arith.constant 0 : i32
      scf.yield %scan3A_633 : i32
    }
    %scan3A_201 = arith.constant 20 : i32
    %dma_wait3A_202 = arith.constant 0 : i32
    %dma_wait3A_203 = arith.constant 76 : i32
    %dma_wait3A_204 = arith.constant 0 : i32
    %dma_wait3A_205 = arith.constant 0 : i32
    %dma_wait3A_206 = tpu.memref_slice %arg9[%dma_wait3A_202, %dma_wait3A_204, %dma_wait3A_205] : memref<4x128x128xf32, #tpu.memory_space<vmem>> -> memref<1x128x128xf32, #tpu.memory_space<vmem>>
    %dma_wait3A_207 = tpu.memref_squeeze %dma_wait3A_206 : memref<1x128x128xf32, #tpu.memory_space<vmem>> -> memref<128x128xf32, #tpu.memory_space<vmem>>
    %dma_wait3A_208 = arith.constant 0 : i32
    %dma_wait3A_209 = tpu.memref_slice %arg8[%dma_wait3A_203, %dma_wait3A_208] : memref<80x128xi32, #tpu.memory_space<vmem>> -> memref<1x128xi32, #tpu.memory_space<vmem>>
    %dma_wait3A_210 = tpu.memref_squeeze %dma_wait3A_209 : memref<1x128xi32, #tpu.memory_space<vmem>> -> memref<128xi32, #tpu.memory_space<vmem>>
    %dma_wait3A_211 = arith.constant 0 : i32
    %dma_wait3A_212 = arith.constant 0 : i32
    %dma_wait3A_213 = tpu.memref_slice %arg11[%dma_wait3A_211, %dma_wait3A_212] : memref<3072x128xf32, #tpu.memory_space<vmem_shared>> -> memref<3072x128xf32, #tpu.memory_space<vmem_shared>>
    tpu.wait_indirect_dma semaphore(%arg16 : memref<!tpu.dma_semaphore, #tpu.memory_space<semaphore_mem>>) src(%dma_wait3A_207 : memref<128x128xf32, #tpu.memory_space<vmem>>) dst(%dma_wait3A_213 : memref<3072x128xf32, #tpu.memory_space<vmem_shared>>)
    %dma_wait3A_214 = arith.constant 1 : i32
    %dma_wait3A_215 = arith.constant 77 : i32
    %dma_wait3A_216 = arith.constant 0 : i32
    %dma_wait3A_217 = arith.constant 0 : i32
    %dma_wait3A_218 = tpu.memref_slice %arg9[%dma_wait3A_214, %dma_wait3A_216, %dma_wait3A_217] : memref<4x128x128xf32, #tpu.memory_space<vmem>> -> memref<1x128x128xf32, #tpu.memory_space<vmem>>
    %dma_wait3A_219 = tpu.memref_squeeze %dma_wait3A_218 : memref<1x128x128xf32, #tpu.memory_space<vmem>> -> memref<128x128xf32, #tpu.memory_space<vmem>>
    %dma_wait3A_220 = arith.constant 0 : i32
    %dma_wait3A_221 = tpu.memref_slice %arg8[%dma_wait3A_215, %dma_wait3A_220] : memref<80x128xi32, #tpu.memory_space<vmem>> -> memref<1x128xi32, #tpu.memory_space<vmem>>
    %dma_wait3A_222 = tpu.memref_squeeze %dma_wait3A_221 : memref<1x128xi32, #tpu.memory_space<vmem>> -> memref<128xi32, #tpu.memory_space<vmem>>
    %dma_wait3A_223 = arith.constant 0 : i32
    %dma_wait3A_224 = arith.constant 0 : i32
    %dma_wait3A_225 = tpu.memref_slice %arg11[%dma_wait3A_223, %dma_wait3A_224] : memref<3072x128xf32, #tpu.memory_space<vmem_shared>> -> memref<3072x128xf32, #tpu.memory_space<vmem_shared>>
    tpu.wait_indirect_dma semaphore(%arg17 : memref<!tpu.dma_semaphore, #tpu.memory_space<semaphore_mem>>) src(%dma_wait3A_219 : memref<128x128xf32, #tpu.memory_space<vmem>>) dst(%dma_wait3A_225 : memref<3072x128xf32, #tpu.memory_space<vmem_shared>>)
    %dma_wait3A_226 = arith.constant 2 : i32
    %dma_wait3A_227 = arith.constant 78 : i32
    %dma_wait3A_228 = arith.constant 0 : i32
    %dma_wait3A_229 = arith.constant 0 : i32
    %dma_wait3A_230 = tpu.memref_slice %arg9[%dma_wait3A_226, %dma_wait3A_228, %dma_wait3A_229] : memref<4x128x128xf32, #tpu.memory_space<vmem>> -> memref<1x128x128xf32, #tpu.memory_space<vmem>>
    %dma_wait3A_231 = tpu.memref_squeeze %dma_wait3A_230 : memref<1x128x128xf32, #tpu.memory_space<vmem>> -> memref<128x128xf32, #tpu.memory_space<vmem>>
    %dma_wait3A_232 = arith.constant 0 : i32
    %dma_wait3A_233 = tpu.memref_slice %arg8[%dma_wait3A_227, %dma_wait3A_232] : memref<80x128xi32, #tpu.memory_space<vmem>> -> memref<1x128xi32, #tpu.memory_space<vmem>>
    %dma_wait3A_234 = tpu.memref_squeeze %dma_wait3A_233 : memref<1x128xi32, #tpu.memory_space<vmem>> -> memref<128xi32, #tpu.memory_space<vmem>>
    %dma_wait3A_235 = arith.constant 0 : i32
    %dma_wait3A_236 = arith.constant 0 : i32
    %dma_wait3A_237 = tpu.memref_slice %arg11[%dma_wait3A_235, %dma_wait3A_236] : memref<3072x128xf32, #tpu.memory_space<vmem_shared>> -> memref<3072x128xf32, #tpu.memory_space<vmem_shared>>
    tpu.wait_indirect_dma semaphore(%arg18 : memref<!tpu.dma_semaphore, #tpu.memory_space<semaphore_mem>>) src(%dma_wait3A_231 : memref<128x128xf32, #tpu.memory_space<vmem>>) dst(%dma_wait3A_237 : memref<3072x128xf32, #tpu.memory_space<vmem_shared>>)
    %dma_wait3A_238 = arith.constant 3 : i32
    %dma_wait3A_239 = arith.constant 79 : i32
    %dma_wait3A_240 = arith.constant 0 : i32
    %dma_wait3A_241 = arith.constant 0 : i32
    %dma_wait3A_242 = tpu.memref_slice %arg9[%dma_wait3A_238, %dma_wait3A_240, %dma_wait3A_241] : memref<4x128x128xf32, #tpu.memory_space<vmem>> -> memref<1x128x128xf32, #tpu.memory_space<vmem>>
    %dma_wait3A_243 = tpu.memref_squeeze %dma_wait3A_242 : memref<1x128x128xf32, #tpu.memory_space<vmem>> -> memref<128x128xf32, #tpu.memory_space<vmem>>
    %dma_wait3A_244 = arith.constant 0 : i32
    %dma_wait3A_245 = tpu.memref_slice %arg8[%dma_wait3A_239, %dma_wait3A_244] : memref<80x128xi32, #tpu.memory_space<vmem>> -> memref<1x128xi32, #tpu.memory_space<vmem>>
    %dma_wait3A_246 = tpu.memref_squeeze %dma_wait3A_245 : memref<1x128xi32, #tpu.memory_space<vmem>> -> memref<128xi32, #tpu.memory_space<vmem>>
    %dma_wait3A_247 = arith.constant 0 : i32
    %dma_wait3A_248 = arith.constant 0 : i32
    %dma_wait3A_249 = tpu.memref_slice %arg11[%dma_wait3A_247, %dma_wait3A_248] : memref<3072x128xf32, #tpu.memory_space<vmem_shared>> -> memref<3072x128xf32, #tpu.memory_space<vmem_shared>>
    tpu.wait_indirect_dma semaphore(%arg19 : memref<!tpu.dma_semaphore, #tpu.memory_space<semaphore_mem>>) src(%dma_wait3A_243 : memref<128x128xf32, #tpu.memory_space<vmem>>) dst(%dma_wait3A_249 : memref<3072x128xf32, #tpu.memory_space<vmem_shared>>)
    %barrier3A_250 = arith.constant 0 : index
    tpu.barrier barrier_id(%barrier3A_250)
    %mul3A_251 = arith.constant 192 : i32
    %mul3A_252 = arith.muli %arg1, %mul3A_251 : i32
    %mul3A_253 = arith.constant 192 : i32
    %mul3A_254 = arith.muli %arg1, %mul3A_253 : i32
    %run_scoped3A_255 = arith.constant 1 : i32
    "tpu.region"() ({
      %run_scoped3A_498 = tpu.sem_alloc : memref<!tpu.dma_semaphore, #tpu.memory_space<semaphore_mem>>
      %dma_start3A_499 = arith.constant 0 : i32
      %dma_start3A_500 = tpu.memref_slice %arg5[%arg0, %run_scoped3A_255, %mul3A_254, %dma_start3A_499] : memref<2x4x3072x128xf32, #tpu.memory_space<hbm>> -> memref<1x1x192x128xf32, #tpu.memory_space<hbm>>
      %dma_start3A_501 = tpu.memref_squeeze %dma_start3A_500 : memref<1x1x192x128xf32, #tpu.memory_space<hbm>> -> memref<192x128xf32, #tpu.memory_space<hbm>>
      %dma_start3A_502 = arith.constant 0 : i32
      %dma_start3A_503 = tpu.memref_slice %arg11[%mul3A_252, %dma_start3A_502] : memref<3072x128xf32, #tpu.memory_space<vmem_shared>> -> memref<192x128xf32, #tpu.memory_space<vmem_shared>>
      tpu.enqueue_dma source(%dma_start3A_503 : memref<192x128xf32, #tpu.memory_space<vmem_shared>>) target(%dma_start3A_501 : memref<192x128xf32, #tpu.memory_space<hbm>>) target_semaphore(%run_scoped3A_498 : memref<!tpu.dma_semaphore, #tpu.memory_space<semaphore_mem>>)
      %dma_wait3A_504 = arith.constant 0 : i32
      %dma_wait3A_505 = tpu.memref_slice %arg5[%arg0, %run_scoped3A_255, %mul3A_254, %dma_wait3A_504] : memref<2x4x3072x128xf32, #tpu.memory_space<hbm>> -> memref<1x1x192x128xf32, #tpu.memory_space<hbm>>
      %dma_wait3A_506 = tpu.memref_squeeze %dma_wait3A_505 : memref<1x1x192x128xf32, #tpu.memory_space<hbm>> -> memref<192x128xf32, #tpu.memory_space<hbm>>
      %dma_wait3A_507 = arith.constant 0 : i32
      %dma_wait3A_508 = tpu.memref_slice %arg11[%mul3A_252, %dma_wait3A_507] : memref<3072x128xf32, #tpu.memory_space<vmem_shared>> -> memref<192x128xf32, #tpu.memory_space<vmem_shared>>
      tpu.wait_dma2 semaphore(%run_scoped3A_498 : memref<!tpu.dma_semaphore, #tpu.memory_space<semaphore_mem>>) src(%dma_wait3A_508 : memref<192x128xf32, #tpu.memory_space<vmem_shared>>) dst(%dma_wait3A_506 : memref<192x128xf32, #tpu.memory_space<hbm>>)
      tpu.yield
    }) : () -> ()
    %scan3A_256 = arith.constant 0 : i32
    %scan3A_257 = arith.constant 0 : i32
    %scan3A_258 = arith.constant 640 : i32
    %scan3A_259 = arith.addi %scan3A_257, %scan3A_258 : i32
    %scan3A_260 = arith.constant 1 : i32
    %scan3A_261 = scf.for %scan3A_498 = %scan3A_257 to %scan3A_259 step %scan3A_260 iter_args(%scan3A_499 = %scan3A_256) -> (i32)  : i32 {
      %jit3A = arith.constant 8 : i32
      %div3A = arith.divsi %scan3A_498, %jit3A : i32
      %sign3A = arith.constant 0 : i32
      %sign3A_500 = arith.cmpi sgt, %scan3A_498, %sign3A : i32
      %sign3A_501 = arith.extui %sign3A_500 : i1 to i32
      %sign3A_502 = arith.constant 0 : i32
      %sign3A_503 = arith.cmpi slt, %scan3A_498, %sign3A_502 : i32
      %sign3A_504 = arith.extui %sign3A_503 : i1 to i32
      %sign3A_505 = arith.subi %sign3A_501, %sign3A_504 : i32
      %sign3A_506 = arith.constant 0 : i32
      %sign3A_507 = arith.cmpi sgt, %jit3A, %sign3A_506 : i32
      %sign3A_508 = arith.extui %sign3A_507 : i1 to i32
      %sign3A_509 = arith.constant 0 : i32
      %sign3A_510 = arith.cmpi slt, %jit3A, %sign3A_509 : i32
      %sign3A_511 = arith.extui %sign3A_510 : i1 to i32
      %sign3A_512 = arith.subi %sign3A_508, %sign3A_511 : i32
      %ne3A = arith.cmpi ne, %sign3A_505, %sign3A_512 : i32
      %rem3A = arith.remsi %scan3A_498, %jit3A : i32
      %ne3A_513 = arith.constant 0 : i32
      %ne3A_514 = arith.cmpi ne, %rem3A, %ne3A_513 : i32
      %and3A = arith.andi %ne3A, %ne3A_514 : i1
      %sub3A = arith.constant 1 : i32
      %sub3A_515 = arith.subi %div3A, %sub3A : i32
      %select_n3A = arith.select %and3A, %sub3A_515, %div3A : i32
      %jit3A_516 = arith.constant 8 : i32
      %eq3A = arith.constant 0 : i32
      %eq3A_517 = arith.cmpi eq, %jit3A_516, %eq3A : i32
      %jit3A_518 = arith.constant 1 : i32
      %select_n3A_519 = arith.select %eq3A_517, %jit3A_518, %jit3A_516 : i32
      %rem3A_520 = arith.remsi %scan3A_498, %select_n3A_519 : i32
      %ne3A_521 = arith.constant 0 : i32
      %ne3A_522 = arith.cmpi ne, %rem3A_520, %ne3A_521 : i32
      %lt3A = arith.constant 0 : i32
      %lt3A_523 = arith.cmpi slt, %rem3A_520, %lt3A : i32
      %lt3A_524 = arith.constant 0 : i32
      %lt3A_525 = arith.cmpi slt, %select_n3A_519, %lt3A_524 : i32
      %ne3A_526 = arith.xori %lt3A_523, %lt3A_525 : i1
      %and3A_527 = arith.andi %ne3A_526, %ne3A_522 : i1
      %add3A_528 = arith.addi %rem3A_520, %select_n3A_519 : i32
      %select_n3A_529 = arith.select %and3A_527, %add3A_528, %rem3A_520 : i32
      %mul3A_530 = arith.constant 16 : i32
      %mul3A_531 = arith.muli %select_n3A_529, %mul3A_530 : i32
      %get3A = arith.index_cast %select_n3A : i32 to index
      %get3A_532 = arith.index_cast %mul3A_531 : i32 to index
      %get3A_533 = tpu.vector_load %arg7[%get3A, %get3A_532] {strides = array<i32>} : memref<80x128xi32, #tpu.memory_space<vmem>>, vector<1x16xi32>,
      %get3A_534 = vector.shape_cast %get3A_533 : vector<1x16xi32> to vector<16xi32>
      %sub3A_535 = arith.constant 6000 : i32
      %sub3A_536 = vector.broadcast %sub3A_535 : i32 to vector<16xi32>
      %sub3A_537 = arith.subi %get3A_534, %sub3A_536 : vector<16xi32>
      %ge3A = arith.constant 0 : i32
      %ge3A_538 = vector.broadcast %ge3A : i32 to vector<16xi32>
      %ge3A_539 = arith.cmpi sge, %sub3A_537, %ge3A_538 : vector<16xi32>
      %lt3A_540 = arith.constant 3000 : i32
      %lt3A_541 = vector.broadcast %lt3A_540 : i32 to vector<16xi32>
      %lt3A_542 = arith.cmpi slt, %sub3A_537, %lt3A_541 : vector<16xi32>
      %and3A_543 = arith.andi %ge3A_539, %lt3A_542 : vector<16xi1>
      %jit3A_544 = arith.constant 3000 : i32
      %broadcast_in_dim3A_545 = vector.broadcast %jit3A_544 : i32 to vector<16xi32>
      %select_n3A_546 = arith.select %and3A_543, %sub3A_537, %broadcast_in_dim3A_545 : vector<16xi1>, vector<16xi32>
      %swap3A = arith.index_cast %select_n3A : i32 to index
      %swap3A_547 = arith.index_cast %mul3A_531 : i32 to index
      %swap3A_548 = tpu.vector_load %arg8[%swap3A, %swap3A_547] {strides = array<i32>} : memref<80x128xi32, #tpu.memory_space<vmem>>, vector<1x16xi32>,
      %swap3A_549 = vector.shape_cast %swap3A_548 : vector<1x16xi32> to vector<16xi32>
      %swap3A_550 = vector.shape_cast %select_n3A_546 : vector<16xi32> to vector<1x16xi32>
      tpu.vector_store %arg8[%swap3A, %swap3A_547], %swap3A_550 {strides = array<i32>} : memref<80x128xi32, #tpu.memory_space<vmem>>, vector<1x16xi32>,
      %scan3A_551 = arith.constant 0 : i32
      scf.yield %scan3A_551 : i32
    }
    %scan3A_262 = arith.constant 640 : i32
    %mul3A_263 = arith.constant 192 : i32
    %mul3A_264 = arith.muli %arg1, %mul3A_263 : i32
    %add3A_265 = arith.constant 0 : i32
    %add3A_266 = arith.addi %mul3A_264, %add3A_265 : i32
    "tpu.region"() ({
      %run_scoped3A_498 = tpu.sem_alloc : memref<!tpu.dma_semaphore, #tpu.memory_space<semaphore_mem>>
      %dma_start3A_499 = arith.constant 0 : i32
      %dma_start3A_500 = tpu.memref_slice %arg11[%add3A_266, %dma_start3A_499] : memref<3072x128xf32, #tpu.memory_space<vmem_shared>> -> memref<48x128xf32, #tpu.memory_space<vmem_shared>>
      %dma_start3A_501 = arith.constant 0 : i32
      %dma_start3A_502 = tpu.memref_slice %arg11[%add3A_266, %dma_start3A_501] : memref<3072x128xf32, #tpu.memory_space<vmem_shared>> -> memref<48x128xf32, #tpu.memory_space<vmem_shared>>
      tpu.enqueue_dma source(%arg10 : memref<48x128xf32, #tpu.memory_space<vmem>>) target(%dma_start3A_502 : memref<48x128xf32, #tpu.memory_space<vmem_shared>>) target_semaphore(%run_scoped3A_498 : memref<!tpu.dma_semaphore, #tpu.memory_space<semaphore_mem>>)
      %dma_wait3A_503 = arith.constant 0 : i32
      %dma_wait3A_504 = tpu.memref_slice %arg11[%add3A_266, %dma_wait3A_503] : memref<3072x128xf32, #tpu.memory_space<vmem_shared>> -> memref<48x128xf32, #tpu.memory_space<vmem_shared>>
      %dma_wait3A_505 = arith.constant 0 : i32
      %dma_wait3A_506 = tpu.memref_slice %arg11[%add3A_266, %dma_wait3A_505] : memref<3072x128xf32, #tpu.memory_space<vmem_shared>> -> memref<48x128xf32, #tpu.memory_space<vmem_shared>>
      tpu.wait_dma2 semaphore(%run_scoped3A_498 : memref<!tpu.dma_semaphore, #tpu.memory_space<semaphore_mem>>) src(%arg10 : memref<48x128xf32, #tpu.memory_space<vmem>>) dst(%dma_wait3A_506 : memref<48x128xf32, #tpu.memory_space<vmem_shared>>)
      tpu.yield
    }) : () -> ()
    %mul3A_267 = arith.constant 192 : i32
    %mul3A_268 = arith.muli %arg1, %mul3A_267 : i32
    %add3A_269 = arith.constant 48 : i32
    %add3A_270 = arith.addi %mul3A_268, %add3A_269 : i32
    "tpu.region"() ({
      %run_scoped3A_498 = tpu.sem_alloc : memref<!tpu.dma_semaphore, #tpu.memory_space<semaphore_mem>>
      %dma_start3A_499 = arith.constant 0 : i32
      %dma_start3A_500 = tpu.memref_slice %arg11[%add3A_270, %dma_start3A_499] : memref<3072x128xf32, #tpu.memory_space<vmem_shared>> -> memref<48x128xf32, #tpu.memory_space<vmem_shared>>
      %dma_start3A_501 = arith.constant 0 : i32
      %dma_start3A_502 = tpu.memref_slice %arg11[%add3A_270, %dma_start3A_501] : memref<3072x128xf32, #tpu.memory_space<vmem_shared>> -> memref<48x128xf32, #tpu.memory_space<vmem_shared>>
      tpu.enqueue_dma source(%arg10 : memref<48x128xf32, #tpu.memory_space<vmem>>) target(%dma_start3A_502 : memref<48x128xf32, #tpu.memory_space<vmem_shared>>) target_semaphore(%run_scoped3A_498 : memref<!tpu.dma_semaphore, #tpu.memory_space<semaphore_mem>>)
      %dma_wait3A_503 = arith.constant 0 : i32
      %dma_wait3A_504 = tpu.memref_slice %arg11[%add3A_270, %dma_wait3A_503] : memref<3072x128xf32, #tpu.memory_space<vmem_shared>> -> memref<48x128xf32, #tpu.memory_space<vmem_shared>>
      %dma_wait3A_505 = arith.constant 0 : i32
      %dma_wait3A_506 = tpu.memref_slice %arg11[%add3A_270, %dma_wait3A_505] : memref<3072x128xf32, #tpu.memory_space<vmem_shared>> -> memref<48x128xf32, #tpu.memory_space<vmem_shared>>
      tpu.wait_dma2 semaphore(%run_scoped3A_498 : memref<!tpu.dma_semaphore, #tpu.memory_space<semaphore_mem>>) src(%arg10 : memref<48x128xf32, #tpu.memory_space<vmem>>) dst(%dma_wait3A_506 : memref<48x128xf32, #tpu.memory_space<vmem_shared>>)
      tpu.yield
    }) : () -> ()
    %mul3A_271 = arith.constant 192 : i32
    %mul3A_272 = arith.muli %arg1, %mul3A_271 : i32
    %add3A_273 = arith.constant 96 : i32
    %add3A_274 = arith.addi %mul3A_272, %add3A_273 : i32
    "tpu.region"() ({
      %run_scoped3A_498 = tpu.sem_alloc : memref<!tpu.dma_semaphore, #tpu.memory_space<semaphore_mem>>
      %dma_start3A_499 = arith.constant 0 : i32
      %dma_start3A_500 = tpu.memref_slice %arg11[%add3A_274, %dma_start3A_499] : memref<3072x128xf32, #tpu.memory_space<vmem_shared>> -> memref<48x128xf32, #tpu.memory_space<vmem_shared>>
      %dma_start3A_501 = arith.constant 0 : i32
      %dma_start3A_502 = tpu.memref_slice %arg11[%add3A_274, %dma_start3A_501] : memref<3072x128xf32, #tpu.memory_space<vmem_shared>> -> memref<48x128xf32, #tpu.memory_space<vmem_shared>>
      tpu.enqueue_dma source(%arg10 : memref<48x128xf32, #tpu.memory_space<vmem>>) target(%dma_start3A_502 : memref<48x128xf32, #tpu.memory_space<vmem_shared>>) target_semaphore(%run_scoped3A_498 : memref<!tpu.dma_semaphore, #tpu.memory_space<semaphore_mem>>)
      %dma_wait3A_503 = arith.constant 0 : i32
      %dma_wait3A_504 = tpu.memref_slice %arg11[%add3A_274, %dma_wait3A_503] : memref<3072x128xf32, #tpu.memory_space<vmem_shared>> -> memref<48x128xf32, #tpu.memory_space<vmem_shared>>
      %dma_wait3A_505 = arith.constant 0 : i32
      %dma_wait3A_506 = tpu.memref_slice %arg11[%add3A_274, %dma_wait3A_505] : memref<3072x128xf32, #tpu.memory_space<vmem_shared>> -> memref<48x128xf32, #tpu.memory_space<vmem_shared>>
      tpu.wait_dma2 semaphore(%run_scoped3A_498 : memref<!tpu.dma_semaphore, #tpu.memory_space<semaphore_mem>>) src(%arg10 : memref<48x128xf32, #tpu.memory_space<vmem>>) dst(%dma_wait3A_506 : memref<48x128xf32, #tpu.memory_space<vmem_shared>>)
      tpu.yield
    }) : () -> ()
    %mul3A_275 = arith.constant 192 : i32
    %mul3A_276 = arith.muli %arg1, %mul3A_275 : i32
    %add3A_277 = arith.constant 144 : i32
    %add3A_278 = arith.addi %mul3A_276, %add3A_277 : i32
    "tpu.region"() ({
      %run_scoped3A_498 = tpu.sem_alloc : memref<!tpu.dma_semaphore, #tpu.memory_space<semaphore_mem>>
      %dma_start3A_499 = arith.constant 0 : i32
      %dma_start3A_500 = tpu.memref_slice %arg11[%add3A_278, %dma_start3A_499] : memref<3072x128xf32, #tpu.memory_space<vmem_shared>> -> memref<48x128xf32, #tpu.memory_space<vmem_shared>>
      %dma_start3A_501 = arith.constant 0 : i32
      %dma_start3A_502 = tpu.memref_slice %arg11[%add3A_278, %dma_start3A_501] : memref<3072x128xf32, #tpu.memory_space<vmem_shared>> -> memref<48x128xf32, #tpu.memory_space<vmem_shared>>
      tpu.enqueue_dma source(%arg10 : memref<48x128xf32, #tpu.memory_space<vmem>>) target(%dma_start3A_502 : memref<48x128xf32, #tpu.memory_space<vmem_shared>>) target_semaphore(%run_scoped3A_498 : memref<!tpu.dma_semaphore, #tpu.memory_space<semaphore_mem>>)
      %dma_wait3A_503 = arith.constant 0 : i32
      %dma_wait3A_504 = tpu.memref_slice %arg11[%add3A_278, %dma_wait3A_503] : memref<3072x128xf32, #tpu.memory_space<vmem_shared>> -> memref<48x128xf32, #tpu.memory_space<vmem_shared>>
      %dma_wait3A_505 = arith.constant 0 : i32
      %dma_wait3A_506 = tpu.memref_slice %arg11[%add3A_278, %dma_wait3A_505] : memref<3072x128xf32, #tpu.memory_space<vmem_shared>> -> memref<48x128xf32, #tpu.memory_space<vmem_shared>>
      tpu.wait_dma2 semaphore(%run_scoped3A_498 : memref<!tpu.dma_semaphore, #tpu.memory_space<semaphore_mem>>) src(%arg10 : memref<48x128xf32, #tpu.memory_space<vmem>>) dst(%dma_wait3A_506 : memref<48x128xf32, #tpu.memory_space<vmem_shared>>)
      tpu.yield
    }) : () -> ()
    %barrier3A_279 = arith.constant 0 : index
    tpu.barrier barrier_id(%barrier3A_279)
    %dma_start3A_280 = arith.constant 0 : i32
    %dma_start3A_281 = arith.constant 0 : i32
    %dma_start3A_282 = arith.constant 0 : i32
    %dma_start3A_283 = arith.constant 0 : i32
    %dma_start3A_284 = tpu.memref_slice %arg9[%dma_start3A_281, %dma_start3A_282, %dma_start3A_283] : memref<4x128x128xf32, #tpu.memory_space<vmem>> -> memref<1x128x128xf32, #tpu.memory_space<vmem>>
    %dma_start3A_285 = tpu.memref_squeeze %dma_start3A_284 : memref<1x128x128xf32, #tpu.memory_space<vmem>> -> memref<128x128xf32, #tpu.memory_space<vmem>>
    %dma_start3A_286 = arith.constant 0 : i32
    %dma_start3A_287 = tpu.memref_slice %arg6[%dma_start3A_280, %dma_start3A_286] : memref<80x128xi32, #tpu.memory_space<vmem>> -> memref<1x128xi32, #tpu.memory_space<vmem>>
    %dma_start3A_288 = tpu.memref_squeeze %dma_start3A_287 : memref<1x128xi32, #tpu.memory_space<vmem>> -> memref<128xi32, #tpu.memory_space<vmem>>
    %dma_start3A_289 = arith.constant 0 : i32
    %dma_start3A_290 = arith.constant 0 : i32
    %dma_start3A_291 = tpu.memref_slice %arg2[%dma_start3A_289, %dma_start3A_290] : memref<20000x128xf32, #tpu.memory_space<hbm>> -> memref<20000x128xf32, #tpu.memory_space<hbm>>
    tpu.enqueue_indirect_dma source(%dma_start3A_291 : memref<20000x128xf32, #tpu.memory_space<hbm>>) target(%dma_start3A_285 : memref<128x128xf32, #tpu.memory_space<vmem>>) offsets(%dma_start3A_288 : memref<128xi32, #tpu.memory_space<vmem>>) semaphore(%arg12 : memref<!tpu.dma_semaphore, #tpu.memory_space<semaphore_mem>>)
    %dma_start3A_292 = arith.constant 1 : i32
    %dma_start3A_293 = arith.constant 1 : i32
    %dma_start3A_294 = arith.constant 0 : i32
    %dma_start3A_295 = arith.constant 0 : i32
    %dma_start3A_296 = tpu.memref_slice %arg9[%dma_start3A_293, %dma_start3A_294, %dma_start3A_295] : memref<4x128x128xf32, #tpu.memory_space<vmem>> -> memref<1x128x128xf32, #tpu.memory_space<vmem>>
    %dma_start3A_297 = tpu.memref_squeeze %dma_start3A_296 : memref<1x128x128xf32, #tpu.memory_space<vmem>> -> memref<128x128xf32, #tpu.memory_space<vmem>>
    %dma_start3A_298 = arith.constant 0 : i32
    %dma_start3A_299 = tpu.memref_slice %arg6[%dma_start3A_292, %dma_start3A_298] : memref<80x128xi32, #tpu.memory_space<vmem>> -> memref<1x128xi32, #tpu.memory_space<vmem>>
    %dma_start3A_300 = tpu.memref_squeeze %dma_start3A_299 : memref<1x128xi32, #tpu.memory_space<vmem>> -> memref<128xi32, #tpu.memory_space<vmem>>
    %dma_start3A_301 = arith.constant 0 : i32
    %dma_start3A_302 = arith.constant 0 : i32
    %dma_start3A_303 = tpu.memref_slice %arg2[%dma_start3A_301, %dma_start3A_302] : memref<20000x128xf32, #tpu.memory_space<hbm>> -> memref<20000x128xf32, #tpu.memory_space<hbm>>
    tpu.enqueue_indirect_dma source(%dma_start3A_303 : memref<20000x128xf32, #tpu.memory_space<hbm>>) target(%dma_start3A_297 : memref<128x128xf32, #tpu.memory_space<vmem>>) offsets(%dma_start3A_300 : memref<128xi32, #tpu.memory_space<vmem>>) semaphore(%arg13 : memref<!tpu.dma_semaphore, #tpu.memory_space<semaphore_mem>>)
    %dma_start3A_304 = arith.constant 2 : i32
    %dma_start3A_305 = arith.constant 2 : i32
    %dma_start3A_306 = arith.constant 0 : i32
    %dma_start3A_307 = arith.constant 0 : i32
    %dma_start3A_308 = tpu.memref_slice %arg9[%dma_start3A_305, %dma_start3A_306, %dma_start3A_307] : memref<4x128x128xf32, #tpu.memory_space<vmem>> -> memref<1x128x128xf32, #tpu.memory_space<vmem>>
    %dma_start3A_309 = tpu.memref_squeeze %dma_start3A_308 : memref<1x128x128xf32, #tpu.memory_space<vmem>> -> memref<128x128xf32, #tpu.memory_space<vmem>>
    %dma_start3A_310 = arith.constant 0 : i32
    %dma_start3A_311 = tpu.memref_slice %arg6[%dma_start3A_304, %dma_start3A_310] : memref<80x128xi32, #tpu.memory_space<vmem>> -> memref<1x128xi32, #tpu.memory_space<vmem>>
    %dma_start3A_312 = tpu.memref_squeeze %dma_start3A_311 : memref<1x128xi32, #tpu.memory_space<vmem>> -> memref<128xi32, #tpu.memory_space<vmem>>
    %dma_start3A_313 = arith.constant 0 : i32
    %dma_start3A_314 = arith.constant 0 : i32
    %dma_start3A_315 = tpu.memref_slice %arg2[%dma_start3A_313, %dma_start3A_314] : memref<20000x128xf32, #tpu.memory_space<hbm>> -> memref<20000x128xf32, #tpu.memory_space<hbm>>
    tpu.enqueue_indirect_dma source(%dma_start3A_315 : memref<20000x128xf32, #tpu.memory_space<hbm>>) target(%dma_start3A_309 : memref<128x128xf32, #tpu.memory_space<vmem>>) offsets(%dma_start3A_312 : memref<128xi32, #tpu.memory_space<vmem>>) semaphore(%arg14 : memref<!tpu.dma_semaphore, #tpu.memory_space<semaphore_mem>>)
    %scan3A_316 = arith.constant 0 : i32
    %scan3A_317 = arith.constant 0 : i32
    %scan3A_318 = arith.constant 20 : i32
    %scan3A_319 = arith.addi %scan3A_317, %scan3A_318 : i32
    %scan3A_320 = arith.constant 1 : i32
    %scan3A_321 = scf.for %scan3A_498 = %scan3A_317 to %scan3A_319 step %scan3A_320 iter_args(%scan3A_499 = %scan3A_316) -> (i32)  : i32 {
      %mul3A_500 = arith.constant 4 : i32
      %mul3A_501 = arith.muli %scan3A_498, %mul3A_500 : i32
      %add3A_502 = arith.constant 0 : i32
      %add3A_503 = arith.addi %mul3A_501, %add3A_502 : i32
      %dma_wait3A_504 = arith.constant 0 : i32
      %dma_wait3A_505 = arith.constant 0 : i32
      %dma_wait3A_506 = arith.constant 0 : i32
      %dma_wait3A_507 = tpu.memref_slice %arg9[%dma_wait3A_504, %dma_wait3A_505, %dma_wait3A_506] : memref<4x128x128xf32, #tpu.memory_space<vmem>> -> memref<1x128x128xf32, #tpu.memory_space<vmem>>
      %dma_wait3A_508 = tpu.memref_squeeze %dma_wait3A_507 : memref<1x128x128xf32, #tpu.memory_space<vmem>> -> memref<128x128xf32, #tpu.memory_space<vmem>>
      %dma_wait3A_509 = arith.constant 0 : i32
      %dma_wait3A_510 = tpu.memref_slice %arg6[%add3A_503, %dma_wait3A_509] : memref<80x128xi32, #tpu.memory_space<vmem>> -> memref<1x128xi32, #tpu.memory_space<vmem>>
      %dma_wait3A_511 = tpu.memref_squeeze %dma_wait3A_510 : memref<1x128xi32, #tpu.memory_space<vmem>> -> memref<128xi32, #tpu.memory_space<vmem>>
      %dma_wait3A_512 = arith.constant 0 : i32
      %dma_wait3A_513 = arith.constant 0 : i32
      %dma_wait3A_514 = tpu.memref_slice %arg2[%dma_wait3A_512, %dma_wait3A_513] : memref<20000x128xf32, #tpu.memory_space<hbm>> -> memref<20000x128xf32, #tpu.memory_space<hbm>>
      tpu.wait_indirect_dma semaphore(%arg12 : memref<!tpu.dma_semaphore, #tpu.memory_space<semaphore_mem>>) src(%dma_wait3A_514 : memref<20000x128xf32, #tpu.memory_space<hbm>>) dst(%dma_wait3A_508 : memref<128x128xf32, #tpu.memory_space<vmem>>)
      %dma_start3A_515 = arith.constant 0 : i32
      %dma_start3A_516 = arith.constant 0 : i32
      %dma_start3A_517 = arith.constant 0 : i32
      %dma_start3A_518 = tpu.memref_slice %arg9[%dma_start3A_515, %dma_start3A_516, %dma_start3A_517] : memref<4x128x128xf32, #tpu.memory_space<vmem>> -> memref<1x128x128xf32, #tpu.memory_space<vmem>>
      %dma_start3A_519 = tpu.memref_squeeze %dma_start3A_518 : memref<1x128x128xf32, #tpu.memory_space<vmem>> -> memref<128x128xf32, #tpu.memory_space<vmem>>
      %dma_start3A_520 = arith.constant 0 : i32
      %dma_start3A_521 = tpu.memref_slice %arg8[%add3A_503, %dma_start3A_520] : memref<80x128xi32, #tpu.memory_space<vmem>> -> memref<1x128xi32, #tpu.memory_space<vmem>>
      %dma_start3A_522 = tpu.memref_squeeze %dma_start3A_521 : memref<1x128xi32, #tpu.memory_space<vmem>> -> memref<128xi32, #tpu.memory_space<vmem>>
      %dma_start3A_523 = arith.constant 0 : i32
      %dma_start3A_524 = arith.constant 0 : i32
      %dma_start3A_525 = tpu.memref_slice %arg11[%dma_start3A_523, %dma_start3A_524] : memref<3072x128xf32, #tpu.memory_space<vmem_shared>> -> memref<3072x128xf32, #tpu.memory_space<vmem_shared>>
      tpu.enqueue_indirect_dma source(%dma_start3A_519 : memref<128x128xf32, #tpu.memory_space<vmem>>) target(%dma_start3A_525 : memref<3072x128xf32, #tpu.memory_space<vmem_shared>>) offsets(%dma_start3A_522 : memref<128xi32, #tpu.memory_space<vmem>>) semaphore(%arg16 : memref<!tpu.dma_semaphore, #tpu.memory_space<semaphore_mem>>) {add = true}
      %add3A_526 = arith.constant 3 : i32
      %add3A_527 = arith.addi %add3A_503, %add3A_526 : i32
      %lt3A = arith.constant 80 : i32
      %lt3A_528 = arith.cmpi slt, %add3A_527, %lt3A : i32
      %convert_element_type3A = arith.extui %lt3A_528 : i1 to i32
      %cond3A = arith.constant 3 : i32
      %cond3A_529 = arith.constant 0 : i32
      %cond3A_530 = arith.cmpi ne, %convert_element_type3A, %cond3A_529 : i32
      scf.if %cond3A_530 {
        %ge3A = arith.constant 4 : i32
        %ge3A_634 = arith.cmpi sge, %add3A_527, %ge3A : i32
        %convert_element_type3A_635 = arith.extui %ge3A_634 : i1 to i32
        %cond3A_636 = arith.constant 0 : i32
        %cond3A_637 = arith.cmpi ne, %convert_element_type3A_635, %cond3A_636 : i32
        scf.if %cond3A_637 {
          %sub3A = arith.constant 4 : i32
          %sub3A_648 = arith.subi %add3A_527, %sub3A : i32
          %dma_wait3A_649 = arith.constant 0 : i32
          %dma_wait3A_650 = arith.constant 0 : i32
          %dma_wait3A_651 = tpu.memref_slice %arg9[%cond3A, %dma_wait3A_649, %dma_wait3A_650] : memref<4x128x128xf32, #tpu.memory_space<vmem>> -> memref<1x128x128xf32, #tpu.memory_space<vmem>>
          %dma_wait3A_652 = tpu.memref_squeeze %dma_wait3A_651 : memref<1x128x128xf32, #tpu.memory_space<vmem>> -> memref<128x128xf32, #tpu.memory_space<vmem>>
          %dma_wait3A_653 = arith.constant 0 : i32
          %dma_wait3A_654 = tpu.memref_slice %arg8[%sub3A_648, %dma_wait3A_653] : memref<80x128xi32, #tpu.memory_space<vmem>> -> memref<1x128xi32, #tpu.memory_space<vmem>>
          %dma_wait3A_655 = tpu.memref_squeeze %dma_wait3A_654 : memref<1x128xi32, #tpu.memory_space<vmem>> -> memref<128xi32, #tpu.memory_space<vmem>>
          %dma_wait3A_656 = arith.constant 0 : i32
          %dma_wait3A_657 = arith.constant 0 : i32
          %dma_wait3A_658 = tpu.memref_slice %arg11[%dma_wait3A_656, %dma_wait3A_657] : memref<3072x128xf32, #tpu.memory_space<vmem_shared>> -> memref<3072x128xf32, #tpu.memory_space<vmem_shared>>
          tpu.wait_indirect_dma semaphore(%arg19 : memref<!tpu.dma_semaphore, #tpu.memory_space<semaphore_mem>>) src(%dma_wait3A_652 : memref<128x128xf32, #tpu.memory_space<vmem>>) dst(%dma_wait3A_658 : memref<3072x128xf32, #tpu.memory_space<vmem_shared>>)
        } else {
        }
        %dma_start3A_638 = arith.constant 0 : i32
        %dma_start3A_639 = arith.constant 0 : i32
        %dma_start3A_640 = tpu.memref_slice %arg9[%cond3A, %dma_start3A_638, %dma_start3A_639] : memref<4x128x128xf32, #tpu.memory_space<vmem>> -> memref<1x128x128xf32, #tpu.memory_space<vmem>>
        %dma_start3A_641 = tpu.memref_squeeze %dma_start3A_640 : memref<1x128x128xf32, #tpu.memory_space<vmem>> -> memref<128x128xf32, #tpu.memory_space<vmem>>
        %dma_start3A_642 = arith.constant 0 : i32
        %dma_start3A_643 = tpu.memref_slice %arg6[%add3A_527, %dma_start3A_642] : memref<80x128xi32, #tpu.memory_space<vmem>> -> memref<1x128xi32, #tpu.memory_space<vmem>>
        %dma_start3A_644 = tpu.memref_squeeze %dma_start3A_643 : memref<1x128xi32, #tpu.memory_space<vmem>> -> memref<128xi32, #tpu.memory_space<vmem>>
        %dma_start3A_645 = arith.constant 0 : i32
        %dma_start3A_646 = arith.constant 0 : i32
        %dma_start3A_647 = tpu.memref_slice %arg2[%dma_start3A_645, %dma_start3A_646] : memref<20000x128xf32, #tpu.memory_space<hbm>> -> memref<20000x128xf32, #tpu.memory_space<hbm>>
        tpu.enqueue_indirect_dma source(%dma_start3A_647 : memref<20000x128xf32, #tpu.memory_space<hbm>>) target(%dma_start3A_641 : memref<128x128xf32, #tpu.memory_space<vmem>>) offsets(%dma_start3A_644 : memref<128xi32, #tpu.memory_space<vmem>>) semaphore(%arg15 : memref<!tpu.dma_semaphore, #tpu.memory_space<semaphore_mem>>)
      } else {
      }
      %mul3A_531 = arith.constant 4 : i32
      %mul3A_532 = arith.muli %scan3A_498, %mul3A_531 : i32
      %add3A_533 = arith.constant 1 : i32
      %add3A_534 = arith.addi %mul3A_532, %add3A_533 : i32
      %dma_wait3A_535 = arith.constant 1 : i32
      %dma_wait3A_536 = arith.constant 0 : i32
      %dma_wait3A_537 = arith.constant 0 : i32
      %dma_wait3A_538 = tpu.memref_slice %arg9[%dma_wait3A_535, %dma_wait3A_536, %dma_wait3A_537] : memref<4x128x128xf32, #tpu.memory_space<vmem>> -> memref<1x128x128xf32, #tpu.memory_space<vmem>>
      %dma_wait3A_539 = tpu.memref_squeeze %dma_wait3A_538 : memref<1x128x128xf32, #tpu.memory_space<vmem>> -> memref<128x128xf32, #tpu.memory_space<vmem>>
      %dma_wait3A_540 = arith.constant 0 : i32
      %dma_wait3A_541 = tpu.memref_slice %arg6[%add3A_534, %dma_wait3A_540] : memref<80x128xi32, #tpu.memory_space<vmem>> -> memref<1x128xi32, #tpu.memory_space<vmem>>
      %dma_wait3A_542 = tpu.memref_squeeze %dma_wait3A_541 : memref<1x128xi32, #tpu.memory_space<vmem>> -> memref<128xi32, #tpu.memory_space<vmem>>
      %dma_wait3A_543 = arith.constant 0 : i32
      %dma_wait3A_544 = arith.constant 0 : i32
      %dma_wait3A_545 = tpu.memref_slice %arg2[%dma_wait3A_543, %dma_wait3A_544] : memref<20000x128xf32, #tpu.memory_space<hbm>> -> memref<20000x128xf32, #tpu.memory_space<hbm>>
      tpu.wait_indirect_dma semaphore(%arg13 : memref<!tpu.dma_semaphore, #tpu.memory_space<semaphore_mem>>) src(%dma_wait3A_545 : memref<20000x128xf32, #tpu.memory_space<hbm>>) dst(%dma_wait3A_539 : memref<128x128xf32, #tpu.memory_space<vmem>>)
      %dma_start3A_546 = arith.constant 1 : i32
      %dma_start3A_547 = arith.constant 0 : i32
      %dma_start3A_548 = arith.constant 0 : i32
      %dma_start3A_549 = tpu.memref_slice %arg9[%dma_start3A_546, %dma_start3A_547, %dma_start3A_548] : memref<4x128x128xf32, #tpu.memory_space<vmem>> -> memref<1x128x128xf32, #tpu.memory_space<vmem>>
      %dma_start3A_550 = tpu.memref_squeeze %dma_start3A_549 : memref<1x128x128xf32, #tpu.memory_space<vmem>> -> memref<128x128xf32, #tpu.memory_space<vmem>>
      %dma_start3A_551 = arith.constant 0 : i32
      %dma_start3A_552 = tpu.memref_slice %arg8[%add3A_534, %dma_start3A_551] : memref<80x128xi32, #tpu.memory_space<vmem>> -> memref<1x128xi32, #tpu.memory_space<vmem>>
      %dma_start3A_553 = tpu.memref_squeeze %dma_start3A_552 : memref<1x128xi32, #tpu.memory_space<vmem>> -> memref<128xi32, #tpu.memory_space<vmem>>
      %dma_start3A_554 = arith.constant 0 : i32
      %dma_start3A_555 = arith.constant 0 : i32
      %dma_start3A_556 = tpu.memref_slice %arg11[%dma_start3A_554, %dma_start3A_555] : memref<3072x128xf32, #tpu.memory_space<vmem_shared>> -> memref<3072x128xf32, #tpu.memory_space<vmem_shared>>
      tpu.enqueue_indirect_dma source(%dma_start3A_550 : memref<128x128xf32, #tpu.memory_space<vmem>>) target(%dma_start3A_556 : memref<3072x128xf32, #tpu.memory_space<vmem_shared>>) offsets(%dma_start3A_553 : memref<128xi32, #tpu.memory_space<vmem>>) semaphore(%arg17 : memref<!tpu.dma_semaphore, #tpu.memory_space<semaphore_mem>>) {add = true}
      %add3A_557 = arith.constant 3 : i32
      %add3A_558 = arith.addi %add3A_534, %add3A_557 : i32
      %lt3A_559 = arith.constant 80 : i32
      %lt3A_560 = arith.cmpi slt, %add3A_558, %lt3A_559 : i32
      %convert_element_type3A_561 = arith.extui %lt3A_560 : i1 to i32
      %cond3A_562 = arith.constant 0 : i32
      %cond3A_563 = arith.constant 0 : i32
      %cond3A_564 = arith.cmpi ne, %convert_element_type3A_561, %cond3A_563 : i32
      scf.if %cond3A_564 {
        %ge3A = arith.constant 4 : i32
        %ge3A_634 = arith.cmpi sge, %add3A_558, %ge3A : i32
        %convert_element_type3A_635 = arith.extui %ge3A_634 : i1 to i32
        %cond3A_636 = arith.constant 0 : i32
        %cond3A_637 = arith.cmpi ne, %convert_element_type3A_635, %cond3A_636 : i32
        scf.if %cond3A_637 {
          %sub3A = arith.constant 4 : i32
          %sub3A_648 = arith.subi %add3A_558, %sub3A : i32
          %dma_wait3A_649 = arith.constant 0 : i32
          %dma_wait3A_650 = arith.constant 0 : i32
          %dma_wait3A_651 = tpu.memref_slice %arg9[%cond3A_562, %dma_wait3A_649, %dma_wait3A_650] : memref<4x128x128xf32, #tpu.memory_space<vmem>> -> memref<1x128x128xf32, #tpu.memory_space<vmem>>
          %dma_wait3A_652 = tpu.memref_squeeze %dma_wait3A_651 : memref<1x128x128xf32, #tpu.memory_space<vmem>> -> memref<128x128xf32, #tpu.memory_space<vmem>>
          %dma_wait3A_653 = arith.constant 0 : i32
          %dma_wait3A_654 = tpu.memref_slice %arg8[%sub3A_648, %dma_wait3A_653] : memref<80x128xi32, #tpu.memory_space<vmem>> -> memref<1x128xi32, #tpu.memory_space<vmem>>
          %dma_wait3A_655 = tpu.memref_squeeze %dma_wait3A_654 : memref<1x128xi32, #tpu.memory_space<vmem>> -> memref<128xi32, #tpu.memory_space<vmem>>
          %dma_wait3A_656 = arith.constant 0 : i32
          %dma_wait3A_657 = arith.constant 0 : i32
          %dma_wait3A_658 = tpu.memref_slice %arg11[%dma_wait3A_656, %dma_wait3A_657] : memref<3072x128xf32, #tpu.memory_space<vmem_shared>> -> memref<3072x128xf32, #tpu.memory_space<vmem_shared>>
          tpu.wait_indirect_dma semaphore(%arg16 : memref<!tpu.dma_semaphore, #tpu.memory_space<semaphore_mem>>) src(%dma_wait3A_652 : memref<128x128xf32, #tpu.memory_space<vmem>>) dst(%dma_wait3A_658 : memref<3072x128xf32, #tpu.memory_space<vmem_shared>>)
        } else {
        }
        %dma_start3A_638 = arith.constant 0 : i32
        %dma_start3A_639 = arith.constant 0 : i32
        %dma_start3A_640 = tpu.memref_slice %arg9[%cond3A_562, %dma_start3A_638, %dma_start3A_639] : memref<4x128x128xf32, #tpu.memory_space<vmem>> -> memref<1x128x128xf32, #tpu.memory_space<vmem>>
        %dma_start3A_641 = tpu.memref_squeeze %dma_start3A_640 : memref<1x128x128xf32, #tpu.memory_space<vmem>> -> memref<128x128xf32, #tpu.memory_space<vmem>>
        %dma_start3A_642 = arith.constant 0 : i32
        %dma_start3A_643 = tpu.memref_slice %arg6[%add3A_558, %dma_start3A_642] : memref<80x128xi32, #tpu.memory_space<vmem>> -> memref<1x128xi32, #tpu.memory_space<vmem>>
        %dma_start3A_644 = tpu.memref_squeeze %dma_start3A_643 : memref<1x128xi32, #tpu.memory_space<vmem>> -> memref<128xi32, #tpu.memory_space<vmem>>
        %dma_start3A_645 = arith.constant 0 : i32
        %dma_start3A_646 = arith.constant 0 : i32
        %dma_start3A_647 = tpu.memref_slice %arg2[%dma_start3A_645, %dma_start3A_646] : memref<20000x128xf32, #tpu.memory_space<hbm>> -> memref<20000x128xf32, #tpu.memory_space<hbm>>
        tpu.enqueue_indirect_dma source(%dma_start3A_647 : memref<20000x128xf32, #tpu.memory_space<hbm>>) target(%dma_start3A_641 : memref<128x128xf32, #tpu.memory_space<vmem>>) offsets(%dma_start3A_644 : memref<128xi32, #tpu.memory_space<vmem>>) semaphore(%arg12 : memref<!tpu.dma_semaphore, #tpu.memory_space<semaphore_mem>>)
      } else {
      }
      %mul3A_565 = arith.constant 4 : i32
      %mul3A_566 = arith.muli %scan3A_498, %mul3A_565 : i32
      %add3A_567 = arith.constant 2 : i32
      %add3A_568 = arith.addi %mul3A_566, %add3A_567 : i32
      %dma_wait3A_569 = arith.constant 2 : i32
      %dma_wait3A_570 = arith.constant 0 : i32
      %dma_wait3A_571 = arith.constant 0 : i32
      %dma_wait3A_572 = tpu.memref_slice %arg9[%dma_wait3A_569, %dma_wait3A_570, %dma_wait3A_571] : memref<4x128x128xf32, #tpu.memory_space<vmem>> -> memref<1x128x128xf32, #tpu.memory_space<vmem>>
      %dma_wait3A_573 = tpu.memref_squeeze %dma_wait3A_572 : memref<1x128x128xf32, #tpu.memory_space<vmem>> -> memref<128x128xf32, #tpu.memory_space<vmem>>
      %dma_wait3A_574 = arith.constant 0 : i32
      %dma_wait3A_575 = tpu.memref_slice %arg6[%add3A_568, %dma_wait3A_574] : memref<80x128xi32, #tpu.memory_space<vmem>> -> memref<1x128xi32, #tpu.memory_space<vmem>>
      %dma_wait3A_576 = tpu.memref_squeeze %dma_wait3A_575 : memref<1x128xi32, #tpu.memory_space<vmem>> -> memref<128xi32, #tpu.memory_space<vmem>>
      %dma_wait3A_577 = arith.constant 0 : i32
      %dma_wait3A_578 = arith.constant 0 : i32
      %dma_wait3A_579 = tpu.memref_slice %arg2[%dma_wait3A_577, %dma_wait3A_578] : memref<20000x128xf32, #tpu.memory_space<hbm>> -> memref<20000x128xf32, #tpu.memory_space<hbm>>
      tpu.wait_indirect_dma semaphore(%arg14 : memref<!tpu.dma_semaphore, #tpu.memory_space<semaphore_mem>>) src(%dma_wait3A_579 : memref<20000x128xf32, #tpu.memory_space<hbm>>) dst(%dma_wait3A_573 : memref<128x128xf32, #tpu.memory_space<vmem>>)
      %dma_start3A_580 = arith.constant 2 : i32
      %dma_start3A_581 = arith.constant 0 : i32
      %dma_start3A_582 = arith.constant 0 : i32
      %dma_start3A_583 = tpu.memref_slice %arg9[%dma_start3A_580, %dma_start3A_581, %dma_start3A_582] : memref<4x128x128xf32, #tpu.memory_space<vmem>> -> memref<1x128x128xf32, #tpu.memory_space<vmem>>
      %dma_start3A_584 = tpu.memref_squeeze %dma_start3A_583 : memref<1x128x128xf32, #tpu.memory_space<vmem>> -> memref<128x128xf32, #tpu.memory_space<vmem>>
      %dma_start3A_585 = arith.constant 0 : i32
      %dma_start3A_586 = tpu.memref_slice %arg8[%add3A_568, %dma_start3A_585] : memref<80x128xi32, #tpu.memory_space<vmem>> -> memref<1x128xi32, #tpu.memory_space<vmem>>
      %dma_start3A_587 = tpu.memref_squeeze %dma_start3A_586 : memref<1x128xi32, #tpu.memory_space<vmem>> -> memref<128xi32, #tpu.memory_space<vmem>>
      %dma_start3A_588 = arith.constant 0 : i32
      %dma_start3A_589 = arith.constant 0 : i32
      %dma_start3A_590 = tpu.memref_slice %arg11[%dma_start3A_588, %dma_start3A_589] : memref<3072x128xf32, #tpu.memory_space<vmem_shared>> -> memref<3072x128xf32, #tpu.memory_space<vmem_shared>>
      tpu.enqueue_indirect_dma source(%dma_start3A_584 : memref<128x128xf32, #tpu.memory_space<vmem>>) target(%dma_start3A_590 : memref<3072x128xf32, #tpu.memory_space<vmem_shared>>) offsets(%dma_start3A_587 : memref<128xi32, #tpu.memory_space<vmem>>) semaphore(%arg18 : memref<!tpu.dma_semaphore, #tpu.memory_space<semaphore_mem>>) {add = true}
      %add3A_591 = arith.constant 3 : i32
      %add3A_592 = arith.addi %add3A_568, %add3A_591 : i32
      %lt3A_593 = arith.constant 80 : i32
      %lt3A_594 = arith.cmpi slt, %add3A_592, %lt3A_593 : i32
      %convert_element_type3A_595 = arith.extui %lt3A_594 : i1 to i32
      %cond3A_596 = arith.constant 1 : i32
      %cond3A_597 = arith.constant 0 : i32
      %cond3A_598 = arith.cmpi ne, %convert_element_type3A_595, %cond3A_597 : i32
      scf.if %cond3A_598 {
        %ge3A = arith.constant 4 : i32
        %ge3A_634 = arith.cmpi sge, %add3A_592, %ge3A : i32
        %convert_element_type3A_635 = arith.extui %ge3A_634 : i1 to i32
        %cond3A_636 = arith.constant 0 : i32
        %cond3A_637 = arith.cmpi ne, %convert_element_type3A_635, %cond3A_636 : i32
        scf.if %cond3A_637 {
          %sub3A = arith.constant 4 : i32
          %sub3A_648 = arith.subi %add3A_592, %sub3A : i32
          %dma_wait3A_649 = arith.constant 0 : i32
          %dma_wait3A_650 = arith.constant 0 : i32
          %dma_wait3A_651 = tpu.memref_slice %arg9[%cond3A_596, %dma_wait3A_649, %dma_wait3A_650] : memref<4x128x128xf32, #tpu.memory_space<vmem>> -> memref<1x128x128xf32, #tpu.memory_space<vmem>>
          %dma_wait3A_652 = tpu.memref_squeeze %dma_wait3A_651 : memref<1x128x128xf32, #tpu.memory_space<vmem>> -> memref<128x128xf32, #tpu.memory_space<vmem>>
          %dma_wait3A_653 = arith.constant 0 : i32
          %dma_wait3A_654 = tpu.memref_slice %arg8[%sub3A_648, %dma_wait3A_653] : memref<80x128xi32, #tpu.memory_space<vmem>> -> memref<1x128xi32, #tpu.memory_space<vmem>>
          %dma_wait3A_655 = tpu.memref_squeeze %dma_wait3A_654 : memref<1x128xi32, #tpu.memory_space<vmem>> -> memref<128xi32, #tpu.memory_space<vmem>>
          %dma_wait3A_656 = arith.constant 0 : i32
          %dma_wait3A_657 = arith.constant 0 : i32
          %dma_wait3A_658 = tpu.memref_slice %arg11[%dma_wait3A_656, %dma_wait3A_657] : memref<3072x128xf32, #tpu.memory_space<vmem_shared>> -> memref<3072x128xf32, #tpu.memory_space<vmem_shared>>
          tpu.wait_indirect_dma semaphore(%arg17 : memref<!tpu.dma_semaphore, #tpu.memory_space<semaphore_mem>>) src(%dma_wait3A_652 : memref<128x128xf32, #tpu.memory_space<vmem>>) dst(%dma_wait3A_658 : memref<3072x128xf32, #tpu.memory_space<vmem_shared>>)
        } else {
        }
        %dma_start3A_638 = arith.constant 0 : i32
        %dma_start3A_639 = arith.constant 0 : i32
        %dma_start3A_640 = tpu.memref_slice %arg9[%cond3A_596, %dma_start3A_638, %dma_start3A_639] : memref<4x128x128xf32, #tpu.memory_space<vmem>> -> memref<1x128x128xf32, #tpu.memory_space<vmem>>
        %dma_start3A_641 = tpu.memref_squeeze %dma_start3A_640 : memref<1x128x128xf32, #tpu.memory_space<vmem>> -> memref<128x128xf32, #tpu.memory_space<vmem>>
        %dma_start3A_642 = arith.constant 0 : i32
        %dma_start3A_643 = tpu.memref_slice %arg6[%add3A_592, %dma_start3A_642] : memref<80x128xi32, #tpu.memory_space<vmem>> -> memref<1x128xi32, #tpu.memory_space<vmem>>
        %dma_start3A_644 = tpu.memref_squeeze %dma_start3A_643 : memref<1x128xi32, #tpu.memory_space<vmem>> -> memref<128xi32, #tpu.memory_space<vmem>>
        %dma_start3A_645 = arith.constant 0 : i32
        %dma_start3A_646 = arith.constant 0 : i32
        %dma_start3A_647 = tpu.memref_slice %arg2[%dma_start3A_645, %dma_start3A_646] : memref<20000x128xf32, #tpu.memory_space<hbm>> -> memref<20000x128xf32, #tpu.memory_space<hbm>>
        tpu.enqueue_indirect_dma source(%dma_start3A_647 : memref<20000x128xf32, #tpu.memory_space<hbm>>) target(%dma_start3A_641 : memref<128x128xf32, #tpu.memory_space<vmem>>) offsets(%dma_start3A_644 : memref<128xi32, #tpu.memory_space<vmem>>) semaphore(%arg13 : memref<!tpu.dma_semaphore, #tpu.memory_space<semaphore_mem>>)
      } else {
      }
      %mul3A_599 = arith.constant 4 : i32
      %mul3A_600 = arith.muli %scan3A_498, %mul3A_599 : i32
      %add3A_601 = arith.constant 3 : i32
      %add3A_602 = arith.addi %mul3A_600, %add3A_601 : i32
      %dma_wait3A_603 = arith.constant 3 : i32
      %dma_wait3A_604 = arith.constant 0 : i32
      %dma_wait3A_605 = arith.constant 0 : i32
      %dma_wait3A_606 = tpu.memref_slice %arg9[%dma_wait3A_603, %dma_wait3A_604, %dma_wait3A_605] : memref<4x128x128xf32, #tpu.memory_space<vmem>> -> memref<1x128x128xf32, #tpu.memory_space<vmem>>
      %dma_wait3A_607 = tpu.memref_squeeze %dma_wait3A_606 : memref<1x128x128xf32, #tpu.memory_space<vmem>> -> memref<128x128xf32, #tpu.memory_space<vmem>>
      %dma_wait3A_608 = arith.constant 0 : i32
      %dma_wait3A_609 = tpu.memref_slice %arg6[%add3A_602, %dma_wait3A_608] : memref<80x128xi32, #tpu.memory_space<vmem>> -> memref<1x128xi32, #tpu.memory_space<vmem>>
      %dma_wait3A_610 = tpu.memref_squeeze %dma_wait3A_609 : memref<1x128xi32, #tpu.memory_space<vmem>> -> memref<128xi32, #tpu.memory_space<vmem>>
      %dma_wait3A_611 = arith.constant 0 : i32
      %dma_wait3A_612 = arith.constant 0 : i32
      %dma_wait3A_613 = tpu.memref_slice %arg2[%dma_wait3A_611, %dma_wait3A_612] : memref<20000x128xf32, #tpu.memory_space<hbm>> -> memref<20000x128xf32, #tpu.memory_space<hbm>>
      tpu.wait_indirect_dma semaphore(%arg15 : memref<!tpu.dma_semaphore, #tpu.memory_space<semaphore_mem>>) src(%dma_wait3A_613 : memref<20000x128xf32, #tpu.memory_space<hbm>>) dst(%dma_wait3A_607 : memref<128x128xf32, #tpu.memory_space<vmem>>)
      %dma_start3A_614 = arith.constant 3 : i32
      %dma_start3A_615 = arith.constant 0 : i32
      %dma_start3A_616 = arith.constant 0 : i32
      %dma_start3A_617 = tpu.memref_slice %arg9[%dma_start3A_614, %dma_start3A_615, %dma_start3A_616] : memref<4x128x128xf32, #tpu.memory_space<vmem>> -> memref<1x128x128xf32, #tpu.memory_space<vmem>>
      %dma_start3A_618 = tpu.memref_squeeze %dma_start3A_617 : memref<1x128x128xf32, #tpu.memory_space<vmem>> -> memref<128x128xf32, #tpu.memory_space<vmem>>
      %dma_start3A_619 = arith.constant 0 : i32
      %dma_start3A_620 = tpu.memref_slice %arg8[%add3A_602, %dma_start3A_619] : memref<80x128xi32, #tpu.memory_space<vmem>> -> memref<1x128xi32, #tpu.memory_space<vmem>>
      %dma_start3A_621 = tpu.memref_squeeze %dma_start3A_620 : memref<1x128xi32, #tpu.memory_space<vmem>> -> memref<128xi32, #tpu.memory_space<vmem>>
      %dma_start3A_622 = arith.constant 0 : i32
      %dma_start3A_623 = arith.constant 0 : i32
      %dma_start3A_624 = tpu.memref_slice %arg11[%dma_start3A_622, %dma_start3A_623] : memref<3072x128xf32, #tpu.memory_space<vmem_shared>> -> memref<3072x128xf32, #tpu.memory_space<vmem_shared>>
      tpu.enqueue_indirect_dma source(%dma_start3A_618 : memref<128x128xf32, #tpu.memory_space<vmem>>) target(%dma_start3A_624 : memref<3072x128xf32, #tpu.memory_space<vmem_shared>>) offsets(%dma_start3A_621 : memref<128xi32, #tpu.memory_space<vmem>>) semaphore(%arg19 : memref<!tpu.dma_semaphore, #tpu.memory_space<semaphore_mem>>) {add = true}
      %add3A_625 = arith.constant 3 : i32
      %add3A_626 = arith.addi %add3A_602, %add3A_625 : i32
      %lt3A_627 = arith.constant 80 : i32
      %lt3A_628 = arith.cmpi slt, %add3A_626, %lt3A_627 : i32
      %convert_element_type3A_629 = arith.extui %lt3A_628 : i1 to i32
      %cond3A_630 = arith.constant 2 : i32
      %cond3A_631 = arith.constant 0 : i32
      %cond3A_632 = arith.cmpi ne, %convert_element_type3A_629, %cond3A_631 : i32
      scf.if %cond3A_632 {
        %ge3A = arith.constant 4 : i32
        %ge3A_634 = arith.cmpi sge, %add3A_626, %ge3A : i32
        %convert_element_type3A_635 = arith.extui %ge3A_634 : i1 to i32
        %cond3A_636 = arith.constant 0 : i32
        %cond3A_637 = arith.cmpi ne, %convert_element_type3A_635, %cond3A_636 : i32
        scf.if %cond3A_637 {
          %sub3A = arith.constant 4 : i32
          %sub3A_648 = arith.subi %add3A_626, %sub3A : i32
          %dma_wait3A_649 = arith.constant 0 : i32
          %dma_wait3A_650 = arith.constant 0 : i32
          %dma_wait3A_651 = tpu.memref_slice %arg9[%cond3A_630, %dma_wait3A_649, %dma_wait3A_650] : memref<4x128x128xf32, #tpu.memory_space<vmem>> -> memref<1x128x128xf32, #tpu.memory_space<vmem>>
          %dma_wait3A_652 = tpu.memref_squeeze %dma_wait3A_651 : memref<1x128x128xf32, #tpu.memory_space<vmem>> -> memref<128x128xf32, #tpu.memory_space<vmem>>
          %dma_wait3A_653 = arith.constant 0 : i32
          %dma_wait3A_654 = tpu.memref_slice %arg8[%sub3A_648, %dma_wait3A_653] : memref<80x128xi32, #tpu.memory_space<vmem>> -> memref<1x128xi32, #tpu.memory_space<vmem>>
          %dma_wait3A_655 = tpu.memref_squeeze %dma_wait3A_654 : memref<1x128xi32, #tpu.memory_space<vmem>> -> memref<128xi32, #tpu.memory_space<vmem>>
          %dma_wait3A_656 = arith.constant 0 : i32
          %dma_wait3A_657 = arith.constant 0 : i32
          %dma_wait3A_658 = tpu.memref_slice %arg11[%dma_wait3A_656, %dma_wait3A_657] : memref<3072x128xf32, #tpu.memory_space<vmem_shared>> -> memref<3072x128xf32, #tpu.memory_space<vmem_shared>>
          tpu.wait_indirect_dma semaphore(%arg18 : memref<!tpu.dma_semaphore, #tpu.memory_space<semaphore_mem>>) src(%dma_wait3A_652 : memref<128x128xf32, #tpu.memory_space<vmem>>) dst(%dma_wait3A_658 : memref<3072x128xf32, #tpu.memory_space<vmem_shared>>)
        } else {
        }
        %dma_start3A_638 = arith.constant 0 : i32
        %dma_start3A_639 = arith.constant 0 : i32
        %dma_start3A_640 = tpu.memref_slice %arg9[%cond3A_630, %dma_start3A_638, %dma_start3A_639] : memref<4x128x128xf32, #tpu.memory_space<vmem>> -> memref<1x128x128xf32, #tpu.memory_space<vmem>>
        %dma_start3A_641 = tpu.memref_squeeze %dma_start3A_640 : memref<1x128x128xf32, #tpu.memory_space<vmem>> -> memref<128x128xf32, #tpu.memory_space<vmem>>
        %dma_start3A_642 = arith.constant 0 : i32
        %dma_start3A_643 = tpu.memref_slice %arg6[%add3A_626, %dma_start3A_642] : memref<80x128xi32, #tpu.memory_space<vmem>> -> memref<1x128xi32, #tpu.memory_space<vmem>>
        %dma_start3A_644 = tpu.memref_squeeze %dma_start3A_643 : memref<1x128xi32, #tpu.memory_space<vmem>> -> memref<128xi32, #tpu.memory_space<vmem>>
        %dma_start3A_645 = arith.constant 0 : i32
        %dma_start3A_646 = arith.constant 0 : i32
        %dma_start3A_647 = tpu.memref_slice %arg2[%dma_start3A_645, %dma_start3A_646] : memref<20000x128xf32, #tpu.memory_space<hbm>> -> memref<20000x128xf32, #tpu.memory_space<hbm>>
        tpu.enqueue_indirect_dma source(%dma_start3A_647 : memref<20000x128xf32, #tpu.memory_space<hbm>>) target(%dma_start3A_641 : memref<128x128xf32, #tpu.memory_space<vmem>>) offsets(%dma_start3A_644 : memref<128xi32, #tpu.memory_space<vmem>>) semaphore(%arg14 : memref<!tpu.dma_semaphore, #tpu.memory_space<semaphore_mem>>)
      } else {
      }
      %scan3A_633 = arith.constant 0 : i32
      scf.yield %scan3A_633 : i32
    }
    %scan3A_322 = arith.constant 20 : i32
    %dma_wait3A_323 = arith.constant 0 : i32
    %dma_wait3A_324 = arith.constant 76 : i32
    %dma_wait3A_325 = arith.constant 0 : i32
    %dma_wait3A_326 = arith.constant 0 : i32
    %dma_wait3A_327 = tpu.memref_slice %arg9[%dma_wait3A_323, %dma_wait3A_325, %dma_wait3A_326] : memref<4x128x128xf32, #tpu.memory_space<vmem>> -> memref<1x128x128xf32, #tpu.memory_space<vmem>>
    %dma_wait3A_328 = tpu.memref_squeeze %dma_wait3A_327 : memref<1x128x128xf32, #tpu.memory_space<vmem>> -> memref<128x128xf32, #tpu.memory_space<vmem>>
    %dma_wait3A_329 = arith.constant 0 : i32
    %dma_wait3A_330 = tpu.memref_slice %arg8[%dma_wait3A_324, %dma_wait3A_329] : memref<80x128xi32, #tpu.memory_space<vmem>> -> memref<1x128xi32, #tpu.memory_space<vmem>>
    %dma_wait3A_331 = tpu.memref_squeeze %dma_wait3A_330 : memref<1x128xi32, #tpu.memory_space<vmem>> -> memref<128xi32, #tpu.memory_space<vmem>>
    %dma_wait3A_332 = arith.constant 0 : i32
    %dma_wait3A_333 = arith.constant 0 : i32
    %dma_wait3A_334 = tpu.memref_slice %arg11[%dma_wait3A_332, %dma_wait3A_333] : memref<3072x128xf32, #tpu.memory_space<vmem_shared>> -> memref<3072x128xf32, #tpu.memory_space<vmem_shared>>
    tpu.wait_indirect_dma semaphore(%arg16 : memref<!tpu.dma_semaphore, #tpu.memory_space<semaphore_mem>>) src(%dma_wait3A_328 : memref<128x128xf32, #tpu.memory_space<vmem>>) dst(%dma_wait3A_334 : memref<3072x128xf32, #tpu.memory_space<vmem_shared>>)
    %dma_wait3A_335 = arith.constant 1 : i32
    %dma_wait3A_336 = arith.constant 77 : i32
    %dma_wait3A_337 = arith.constant 0 : i32
    %dma_wait3A_338 = arith.constant 0 : i32
    %dma_wait3A_339 = tpu.memref_slice %arg9[%dma_wait3A_335, %dma_wait3A_337, %dma_wait3A_338] : memref<4x128x128xf32, #tpu.memory_space<vmem>> -> memref<1x128x128xf32, #tpu.memory_space<vmem>>
    %dma_wait3A_340 = tpu.memref_squeeze %dma_wait3A_339 : memref<1x128x128xf32, #tpu.memory_space<vmem>> -> memref<128x128xf32, #tpu.memory_space<vmem>>
    %dma_wait3A_341 = arith.constant 0 : i32
    %dma_wait3A_342 = tpu.memref_slice %arg8[%dma_wait3A_336, %dma_wait3A_341] : memref<80x128xi32, #tpu.memory_space<vmem>> -> memref<1x128xi32, #tpu.memory_space<vmem>>
    %dma_wait3A_343 = tpu.memref_squeeze %dma_wait3A_342 : memref<1x128xi32, #tpu.memory_space<vmem>> -> memref<128xi32, #tpu.memory_space<vmem>>
    %dma_wait3A_344 = arith.constant 0 : i32
    %dma_wait3A_345 = arith.constant 0 : i32
    %dma_wait3A_346 = tpu.memref_slice %arg11[%dma_wait3A_344, %dma_wait3A_345] : memref<3072x128xf32, #tpu.memory_space<vmem_shared>> -> memref<3072x128xf32, #tpu.memory_space<vmem_shared>>
    tpu.wait_indirect_dma semaphore(%arg17 : memref<!tpu.dma_semaphore, #tpu.memory_space<semaphore_mem>>) src(%dma_wait3A_340 : memref<128x128xf32, #tpu.memory_space<vmem>>) dst(%dma_wait3A_346 : memref<3072x128xf32, #tpu.memory_space<vmem_shared>>)
    %dma_wait3A_347 = arith.constant 2 : i32
    %dma_wait3A_348 = arith.constant 78 : i32
    %dma_wait3A_349 = arith.constant 0 : i32
    %dma_wait3A_350 = arith.constant 0 : i32
    %dma_wait3A_351 = tpu.memref_slice %arg9[%dma_wait3A_347, %dma_wait3A_349, %dma_wait3A_350] : memref<4x128x128xf32, #tpu.memory_space<vmem>> -> memref<1x128x128xf32, #tpu.memory_space<vmem>>
    %dma_wait3A_352 = tpu.memref_squeeze %dma_wait3A_351 : memref<1x128x128xf32, #tpu.memory_space<vmem>> -> memref<128x128xf32, #tpu.memory_space<vmem>>
    %dma_wait3A_353 = arith.constant 0 : i32
    %dma_wait3A_354 = tpu.memref_slice %arg8[%dma_wait3A_348, %dma_wait3A_353] : memref<80x128xi32, #tpu.memory_space<vmem>> -> memref<1x128xi32, #tpu.memory_space<vmem>>
    %dma_wait3A_355 = tpu.memref_squeeze %dma_wait3A_354 : memref<1x128xi32, #tpu.memory_space<vmem>> -> memref<128xi32, #tpu.memory_space<vmem>>
    %dma_wait3A_356 = arith.constant 0 : i32
    %dma_wait3A_357 = arith.constant 0 : i32
    %dma_wait3A_358 = tpu.memref_slice %arg11[%dma_wait3A_356, %dma_wait3A_357] : memref<3072x128xf32, #tpu.memory_space<vmem_shared>> -> memref<3072x128xf32, #tpu.memory_space<vmem_shared>>
    tpu.wait_indirect_dma semaphore(%arg18 : memref<!tpu.dma_semaphore, #tpu.memory_space<semaphore_mem>>) src(%dma_wait3A_352 : memref<128x128xf32, #tpu.memory_space<vmem>>) dst(%dma_wait3A_358 : memref<3072x128xf32, #tpu.memory_space<vmem_shared>>)
    %dma_wait3A_359 = arith.constant 3 : i32
    %dma_wait3A_360 = arith.constant 79 : i32
    %dma_wait3A_361 = arith.constant 0 : i32
    %dma_wait3A_362 = arith.constant 0 : i32
    %dma_wait3A_363 = tpu.memref_slice %arg9[%dma_wait3A_359, %dma_wait3A_361, %dma_wait3A_362] : memref<4x128x128xf32, #tpu.memory_space<vmem>> -> memref<1x128x128xf32, #tpu.memory_space<vmem>>
    %dma_wait3A_364 = tpu.memref_squeeze %dma_wait3A_363 : memref<1x128x128xf32, #tpu.memory_space<vmem>> -> memref<128x128xf32, #tpu.memory_space<vmem>>
    %dma_wait3A_365 = arith.constant 0 : i32
    %dma_wait3A_366 = tpu.memref_slice %arg8[%dma_wait3A_360, %dma_wait3A_365] : memref<80x128xi32, #tpu.memory_space<vmem>> -> memref<1x128xi32, #tpu.memory_space<vmem>>
    %dma_wait3A_367 = tpu.memref_squeeze %dma_wait3A_366 : memref<1x128xi32, #tpu.memory_space<vmem>> -> memref<128xi32, #tpu.memory_space<vmem>>
    %dma_wait3A_368 = arith.constant 0 : i32
    %dma_wait3A_369 = arith.constant 0 : i32
    %dma_wait3A_370 = tpu.memref_slice %arg11[%dma_wait3A_368, %dma_wait3A_369] : memref<3072x128xf32, #tpu.memory_space<vmem_shared>> -> memref<3072x128xf32, #tpu.memory_space<vmem_shared>>
    tpu.wait_indirect_dma semaphore(%arg19 : memref<!tpu.dma_semaphore, #tpu.memory_space<semaphore_mem>>) src(%dma_wait3A_364 : memref<128x128xf32, #tpu.memory_space<vmem>>) dst(%dma_wait3A_370 : memref<3072x128xf32, #tpu.memory_space<vmem_shared>>)
    %barrier3A_371 = arith.constant 0 : index
    tpu.barrier barrier_id(%barrier3A_371)
    %mul3A_372 = arith.constant 192 : i32
    %mul3A_373 = arith.muli %arg1, %mul3A_372 : i32
    %mul3A_374 = arith.constant 192 : i32
    %mul3A_375 = arith.muli %arg1, %mul3A_374 : i32
    %run_scoped3A_376 = arith.constant 2 : i32
    "tpu.region"() ({
      %run_scoped3A_498 = tpu.sem_alloc : memref<!tpu.dma_semaphore, #tpu.memory_space<semaphore_mem>>
      %dma_start3A_499 = arith.constant 0 : i32
      %dma_start3A_500 = tpu.memref_slice %arg5[%arg0, %run_scoped3A_376, %mul3A_375, %dma_start3A_499] : memref<2x4x3072x128xf32, #tpu.memory_space<hbm>> -> memref<1x1x192x128xf32, #tpu.memory_space<hbm>>
      %dma_start3A_501 = tpu.memref_squeeze %dma_start3A_500 : memref<1x1x192x128xf32, #tpu.memory_space<hbm>> -> memref<192x128xf32, #tpu.memory_space<hbm>>
      %dma_start3A_502 = arith.constant 0 : i32
      %dma_start3A_503 = tpu.memref_slice %arg11[%mul3A_373, %dma_start3A_502] : memref<3072x128xf32, #tpu.memory_space<vmem_shared>> -> memref<192x128xf32, #tpu.memory_space<vmem_shared>>
      tpu.enqueue_dma source(%dma_start3A_503 : memref<192x128xf32, #tpu.memory_space<vmem_shared>>) target(%dma_start3A_501 : memref<192x128xf32, #tpu.memory_space<hbm>>) target_semaphore(%run_scoped3A_498 : memref<!tpu.dma_semaphore, #tpu.memory_space<semaphore_mem>>)
      %dma_wait3A_504 = arith.constant 0 : i32
      %dma_wait3A_505 = tpu.memref_slice %arg5[%arg0, %run_scoped3A_376, %mul3A_375, %dma_wait3A_504] : memref<2x4x3072x128xf32, #tpu.memory_space<hbm>> -> memref<1x1x192x128xf32, #tpu.memory_space<hbm>>
      %dma_wait3A_506 = tpu.memref_squeeze %dma_wait3A_505 : memref<1x1x192x128xf32, #tpu.memory_space<hbm>> -> memref<192x128xf32, #tpu.memory_space<hbm>>
      %dma_wait3A_507 = arith.constant 0 : i32
      %dma_wait3A_508 = tpu.memref_slice %arg11[%mul3A_373, %dma_wait3A_507] : memref<3072x128xf32, #tpu.memory_space<vmem_shared>> -> memref<192x128xf32, #tpu.memory_space<vmem_shared>>
      tpu.wait_dma2 semaphore(%run_scoped3A_498 : memref<!tpu.dma_semaphore, #tpu.memory_space<semaphore_mem>>) src(%dma_wait3A_508 : memref<192x128xf32, #tpu.memory_space<vmem_shared>>) dst(%dma_wait3A_506 : memref<192x128xf32, #tpu.memory_space<hbm>>)
      tpu.yield
    }) : () -> ()
    %scan3A_377 = arith.constant 0 : i32
    %scan3A_378 = arith.constant 0 : i32
    %scan3A_379 = arith.constant 640 : i32
    %scan3A_380 = arith.addi %scan3A_378, %scan3A_379 : i32
    %scan3A_381 = arith.constant 1 : i32
    %scan3A_382 = scf.for %scan3A_498 = %scan3A_378 to %scan3A_380 step %scan3A_381 iter_args(%scan3A_499 = %scan3A_377) -> (i32)  : i32 {
      %jit3A = arith.constant 8 : i32
      %div3A = arith.divsi %scan3A_498, %jit3A : i32
      %sign3A = arith.constant 0 : i32
      %sign3A_500 = arith.cmpi sgt, %scan3A_498, %sign3A : i32
      %sign3A_501 = arith.extui %sign3A_500 : i1 to i32
      %sign3A_502 = arith.constant 0 : i32
      %sign3A_503 = arith.cmpi slt, %scan3A_498, %sign3A_502 : i32
      %sign3A_504 = arith.extui %sign3A_503 : i1 to i32
      %sign3A_505 = arith.subi %sign3A_501, %sign3A_504 : i32
      %sign3A_506 = arith.constant 0 : i32
      %sign3A_507 = arith.cmpi sgt, %jit3A, %sign3A_506 : i32
      %sign3A_508 = arith.extui %sign3A_507 : i1 to i32
      %sign3A_509 = arith.constant 0 : i32
      %sign3A_510 = arith.cmpi slt, %jit3A, %sign3A_509 : i32
      %sign3A_511 = arith.extui %sign3A_510 : i1 to i32
      %sign3A_512 = arith.subi %sign3A_508, %sign3A_511 : i32
      %ne3A = arith.cmpi ne, %sign3A_505, %sign3A_512 : i32
      %rem3A = arith.remsi %scan3A_498, %jit3A : i32
      %ne3A_513 = arith.constant 0 : i32
      %ne3A_514 = arith.cmpi ne, %rem3A, %ne3A_513 : i32
      %and3A = arith.andi %ne3A, %ne3A_514 : i1
      %sub3A = arith.constant 1 : i32
      %sub3A_515 = arith.subi %div3A, %sub3A : i32
      %select_n3A = arith.select %and3A, %sub3A_515, %div3A : i32
      %jit3A_516 = arith.constant 8 : i32
      %eq3A = arith.constant 0 : i32
      %eq3A_517 = arith.cmpi eq, %jit3A_516, %eq3A : i32
      %jit3A_518 = arith.constant 1 : i32
      %select_n3A_519 = arith.select %eq3A_517, %jit3A_518, %jit3A_516 : i32
      %rem3A_520 = arith.remsi %scan3A_498, %select_n3A_519 : i32
      %ne3A_521 = arith.constant 0 : i32
      %ne3A_522 = arith.cmpi ne, %rem3A_520, %ne3A_521 : i32
      %lt3A = arith.constant 0 : i32
      %lt3A_523 = arith.cmpi slt, %rem3A_520, %lt3A : i32
      %lt3A_524 = arith.constant 0 : i32
      %lt3A_525 = arith.cmpi slt, %select_n3A_519, %lt3A_524 : i32
      %ne3A_526 = arith.xori %lt3A_523, %lt3A_525 : i1
      %and3A_527 = arith.andi %ne3A_526, %ne3A_522 : i1
      %add3A_528 = arith.addi %rem3A_520, %select_n3A_519 : i32
      %select_n3A_529 = arith.select %and3A_527, %add3A_528, %rem3A_520 : i32
      %mul3A_530 = arith.constant 16 : i32
      %mul3A_531 = arith.muli %select_n3A_529, %mul3A_530 : i32
      %get3A = arith.index_cast %select_n3A : i32 to index
      %get3A_532 = arith.index_cast %mul3A_531 : i32 to index
      %get3A_533 = tpu.vector_load %arg7[%get3A, %get3A_532] {strides = array<i32>} : memref<80x128xi32, #tpu.memory_space<vmem>>, vector<1x16xi32>,
      %get3A_534 = vector.shape_cast %get3A_533 : vector<1x16xi32> to vector<16xi32>
      %sub3A_535 = arith.constant 9000 : i32
      %sub3A_536 = vector.broadcast %sub3A_535 : i32 to vector<16xi32>
      %sub3A_537 = arith.subi %get3A_534, %sub3A_536 : vector<16xi32>
      %ge3A = arith.constant 0 : i32
      %ge3A_538 = vector.broadcast %ge3A : i32 to vector<16xi32>
      %ge3A_539 = arith.cmpi sge, %sub3A_537, %ge3A_538 : vector<16xi32>
      %lt3A_540 = arith.constant 3000 : i32
      %lt3A_541 = vector.broadcast %lt3A_540 : i32 to vector<16xi32>
      %lt3A_542 = arith.cmpi slt, %sub3A_537, %lt3A_541 : vector<16xi32>
      %and3A_543 = arith.andi %ge3A_539, %lt3A_542 : vector<16xi1>
      %jit3A_544 = arith.constant 3000 : i32
      %broadcast_in_dim3A_545 = vector.broadcast %jit3A_544 : i32 to vector<16xi32>
      %select_n3A_546 = arith.select %and3A_543, %sub3A_537, %broadcast_in_dim3A_545 : vector<16xi1>, vector<16xi32>
      %swap3A = arith.index_cast %select_n3A : i32 to index
      %swap3A_547 = arith.index_cast %mul3A_531 : i32 to index
      %swap3A_548 = tpu.vector_load %arg8[%swap3A, %swap3A_547] {strides = array<i32>} : memref<80x128xi32, #tpu.memory_space<vmem>>, vector<1x16xi32>,
      %swap3A_549 = vector.shape_cast %swap3A_548 : vector<1x16xi32> to vector<16xi32>
      %swap3A_550 = vector.shape_cast %select_n3A_546 : vector<16xi32> to vector<1x16xi32>
      tpu.vector_store %arg8[%swap3A, %swap3A_547], %swap3A_550 {strides = array<i32>} : memref<80x128xi32, #tpu.memory_space<vmem>>, vector<1x16xi32>,
      %scan3A_551 = arith.constant 0 : i32
      scf.yield %scan3A_551 : i32
    }
    %scan3A_383 = arith.constant 640 : i32
    %mul3A_384 = arith.constant 192 : i32
    %mul3A_385 = arith.muli %arg1, %mul3A_384 : i32
    %add3A_386 = arith.constant 0 : i32
    %add3A_387 = arith.addi %mul3A_385, %add3A_386 : i32
    "tpu.region"() ({
      %run_scoped3A_498 = tpu.sem_alloc : memref<!tpu.dma_semaphore, #tpu.memory_space<semaphore_mem>>
      %dma_start3A_499 = arith.constant 0 : i32
      %dma_start3A_500 = tpu.memref_slice %arg11[%add3A_387, %dma_start3A_499] : memref<3072x128xf32, #tpu.memory_space<vmem_shared>> -> memref<48x128xf32, #tpu.memory_space<vmem_shared>>
      %dma_start3A_501 = arith.constant 0 : i32
      %dma_start3A_502 = tpu.memref_slice %arg11[%add3A_387, %dma_start3A_501] : memref<3072x128xf32, #tpu.memory_space<vmem_shared>> -> memref<48x128xf32, #tpu.memory_space<vmem_shared>>
      tpu.enqueue_dma source(%arg10 : memref<48x128xf32, #tpu.memory_space<vmem>>) target(%dma_start3A_502 : memref<48x128xf32, #tpu.memory_space<vmem_shared>>) target_semaphore(%run_scoped3A_498 : memref<!tpu.dma_semaphore, #tpu.memory_space<semaphore_mem>>)
      %dma_wait3A_503 = arith.constant 0 : i32
      %dma_wait3A_504 = tpu.memref_slice %arg11[%add3A_387, %dma_wait3A_503] : memref<3072x128xf32, #tpu.memory_space<vmem_shared>> -> memref<48x128xf32, #tpu.memory_space<vmem_shared>>
      %dma_wait3A_505 = arith.constant 0 : i32
      %dma_wait3A_506 = tpu.memref_slice %arg11[%add3A_387, %dma_wait3A_505] : memref<3072x128xf32, #tpu.memory_space<vmem_shared>> -> memref<48x128xf32, #tpu.memory_space<vmem_shared>>
      tpu.wait_dma2 semaphore(%run_scoped3A_498 : memref<!tpu.dma_semaphore, #tpu.memory_space<semaphore_mem>>) src(%arg10 : memref<48x128xf32, #tpu.memory_space<vmem>>) dst(%dma_wait3A_506 : memref<48x128xf32, #tpu.memory_space<vmem_shared>>)
      tpu.yield
    }) : () -> ()
    %mul3A_388 = arith.constant 192 : i32
    %mul3A_389 = arith.muli %arg1, %mul3A_388 : i32
    %add3A_390 = arith.constant 48 : i32
    %add3A_391 = arith.addi %mul3A_389, %add3A_390 : i32
    "tpu.region"() ({
      %run_scoped3A_498 = tpu.sem_alloc : memref<!tpu.dma_semaphore, #tpu.memory_space<semaphore_mem>>
      %dma_start3A_499 = arith.constant 0 : i32
      %dma_start3A_500 = tpu.memref_slice %arg11[%add3A_391, %dma_start3A_499] : memref<3072x128xf32, #tpu.memory_space<vmem_shared>> -> memref<48x128xf32, #tpu.memory_space<vmem_shared>>
      %dma_start3A_501 = arith.constant 0 : i32
      %dma_start3A_502 = tpu.memref_slice %arg11[%add3A_391, %dma_start3A_501] : memref<3072x128xf32, #tpu.memory_space<vmem_shared>> -> memref<48x128xf32, #tpu.memory_space<vmem_shared>>
      tpu.enqueue_dma source(%arg10 : memref<48x128xf32, #tpu.memory_space<vmem>>) target(%dma_start3A_502 : memref<48x128xf32, #tpu.memory_space<vmem_shared>>) target_semaphore(%run_scoped3A_498 : memref<!tpu.dma_semaphore, #tpu.memory_space<semaphore_mem>>)
      %dma_wait3A_503 = arith.constant 0 : i32
      %dma_wait3A_504 = tpu.memref_slice %arg11[%add3A_391, %dma_wait3A_503] : memref<3072x128xf32, #tpu.memory_space<vmem_shared>> -> memref<48x128xf32, #tpu.memory_space<vmem_shared>>
      %dma_wait3A_505 = arith.constant 0 : i32
      %dma_wait3A_506 = tpu.memref_slice %arg11[%add3A_391, %dma_wait3A_505] : memref<3072x128xf32, #tpu.memory_space<vmem_shared>> -> memref<48x128xf32, #tpu.memory_space<vmem_shared>>
      tpu.wait_dma2 semaphore(%run_scoped3A_498 : memref<!tpu.dma_semaphore, #tpu.memory_space<semaphore_mem>>) src(%arg10 : memref<48x128xf32, #tpu.memory_space<vmem>>) dst(%dma_wait3A_506 : memref<48x128xf32, #tpu.memory_space<vmem_shared>>)
      tpu.yield
    }) : () -> ()
    %mul3A_392 = arith.constant 192 : i32
    %mul3A_393 = arith.muli %arg1, %mul3A_392 : i32
    %add3A_394 = arith.constant 96 : i32
    %add3A_395 = arith.addi %mul3A_393, %add3A_394 : i32
    "tpu.region"() ({
      %run_scoped3A_498 = tpu.sem_alloc : memref<!tpu.dma_semaphore, #tpu.memory_space<semaphore_mem>>
      %dma_start3A_499 = arith.constant 0 : i32
      %dma_start3A_500 = tpu.memref_slice %arg11[%add3A_395, %dma_start3A_499] : memref<3072x128xf32, #tpu.memory_space<vmem_shared>> -> memref<48x128xf32, #tpu.memory_space<vmem_shared>>
      %dma_start3A_501 = arith.constant 0 : i32
      %dma_start3A_502 = tpu.memref_slice %arg11[%add3A_395, %dma_start3A_501] : memref<3072x128xf32, #tpu.memory_space<vmem_shared>> -> memref<48x128xf32, #tpu.memory_space<vmem_shared>>
      tpu.enqueue_dma source(%arg10 : memref<48x128xf32, #tpu.memory_space<vmem>>) target(%dma_start3A_502 : memref<48x128xf32, #tpu.memory_space<vmem_shared>>) target_semaphore(%run_scoped3A_498 : memref<!tpu.dma_semaphore, #tpu.memory_space<semaphore_mem>>)
      %dma_wait3A_503 = arith.constant 0 : i32
      %dma_wait3A_504 = tpu.memref_slice %arg11[%add3A_395, %dma_wait3A_503] : memref<3072x128xf32, #tpu.memory_space<vmem_shared>> -> memref<48x128xf32, #tpu.memory_space<vmem_shared>>
      %dma_wait3A_505 = arith.constant 0 : i32
      %dma_wait3A_506 = tpu.memref_slice %arg11[%add3A_395, %dma_wait3A_505] : memref<3072x128xf32, #tpu.memory_space<vmem_shared>> -> memref<48x128xf32, #tpu.memory_space<vmem_shared>>
      tpu.wait_dma2 semaphore(%run_scoped3A_498 : memref<!tpu.dma_semaphore, #tpu.memory_space<semaphore_mem>>) src(%arg10 : memref<48x128xf32, #tpu.memory_space<vmem>>) dst(%dma_wait3A_506 : memref<48x128xf32, #tpu.memory_space<vmem_shared>>)
      tpu.yield
    }) : () -> ()
    %mul3A_396 = arith.constant 192 : i32
    %mul3A_397 = arith.muli %arg1, %mul3A_396 : i32
    %add3A_398 = arith.constant 144 : i32
    %add3A_399 = arith.addi %mul3A_397, %add3A_398 : i32
    "tpu.region"() ({
      %run_scoped3A_498 = tpu.sem_alloc : memref<!tpu.dma_semaphore, #tpu.memory_space<semaphore_mem>>
      %dma_start3A_499 = arith.constant 0 : i32
      %dma_start3A_500 = tpu.memref_slice %arg11[%add3A_399, %dma_start3A_499] : memref<3072x128xf32, #tpu.memory_space<vmem_shared>> -> memref<48x128xf32, #tpu.memory_space<vmem_shared>>
      %dma_start3A_501 = arith.constant 0 : i32
      %dma_start3A_502 = tpu.memref_slice %arg11[%add3A_399, %dma_start3A_501] : memref<3072x128xf32, #tpu.memory_space<vmem_shared>> -> memref<48x128xf32, #tpu.memory_space<vmem_shared>>
      tpu.enqueue_dma source(%arg10 : memref<48x128xf32, #tpu.memory_space<vmem>>) target(%dma_start3A_502 : memref<48x128xf32, #tpu.memory_space<vmem_shared>>) target_semaphore(%run_scoped3A_498 : memref<!tpu.dma_semaphore, #tpu.memory_space<semaphore_mem>>)
      %dma_wait3A_503 = arith.constant 0 : i32
      %dma_wait3A_504 = tpu.memref_slice %arg11[%add3A_399, %dma_wait3A_503] : memref<3072x128xf32, #tpu.memory_space<vmem_shared>> -> memref<48x128xf32, #tpu.memory_space<vmem_shared>>
      %dma_wait3A_505 = arith.constant 0 : i32
      %dma_wait3A_506 = tpu.memref_slice %arg11[%add3A_399, %dma_wait3A_505] : memref<3072x128xf32, #tpu.memory_space<vmem_shared>> -> memref<48x128xf32, #tpu.memory_space<vmem_shared>>
      tpu.wait_dma2 semaphore(%run_scoped3A_498 : memref<!tpu.dma_semaphore, #tpu.memory_space<semaphore_mem>>) src(%arg10 : memref<48x128xf32, #tpu.memory_space<vmem>>) dst(%dma_wait3A_506 : memref<48x128xf32, #tpu.memory_space<vmem_shared>>)
      tpu.yield
    }) : () -> ()
    %barrier3A_400 = arith.constant 0 : index
    tpu.barrier barrier_id(%barrier3A_400)
    %dma_start3A_401 = arith.constant 0 : i32
    %dma_start3A_402 = arith.constant 0 : i32
    %dma_start3A_403 = arith.constant 0 : i32
    %dma_start3A_404 = arith.constant 0 : i32
    %dma_start3A_405 = tpu.memref_slice %arg9[%dma_start3A_402, %dma_start3A_403, %dma_start3A_404] : memref<4x128x128xf32, #tpu.memory_space<vmem>> -> memref<1x128x128xf32, #tpu.memory_space<vmem>>
    %dma_start3A_406 = tpu.memref_squeeze %dma_start3A_405 : memref<1x128x128xf32, #tpu.memory_space<vmem>> -> memref<128x128xf32, #tpu.memory_space<vmem>>
    %dma_start3A_407 = arith.constant 0 : i32
    %dma_start3A_408 = tpu.memref_slice %arg6[%dma_start3A_401, %dma_start3A_407] : memref<80x128xi32, #tpu.memory_space<vmem>> -> memref<1x128xi32, #tpu.memory_space<vmem>>
    %dma_start3A_409 = tpu.memref_squeeze %dma_start3A_408 : memref<1x128xi32, #tpu.memory_space<vmem>> -> memref<128xi32, #tpu.memory_space<vmem>>
    %dma_start3A_410 = arith.constant 0 : i32
    %dma_start3A_411 = arith.constant 0 : i32
    %dma_start3A_412 = tpu.memref_slice %arg2[%dma_start3A_410, %dma_start3A_411] : memref<20000x128xf32, #tpu.memory_space<hbm>> -> memref<20000x128xf32, #tpu.memory_space<hbm>>
    tpu.enqueue_indirect_dma source(%dma_start3A_412 : memref<20000x128xf32, #tpu.memory_space<hbm>>) target(%dma_start3A_406 : memref<128x128xf32, #tpu.memory_space<vmem>>) offsets(%dma_start3A_409 : memref<128xi32, #tpu.memory_space<vmem>>) semaphore(%arg12 : memref<!tpu.dma_semaphore, #tpu.memory_space<semaphore_mem>>)
    %dma_start3A_413 = arith.constant 1 : i32
    %dma_start3A_414 = arith.constant 1 : i32
    %dma_start3A_415 = arith.constant 0 : i32
    %dma_start3A_416 = arith.constant 0 : i32
    %dma_start3A_417 = tpu.memref_slice %arg9[%dma_start3A_414, %dma_start3A_415, %dma_start3A_416] : memref<4x128x128xf32, #tpu.memory_space<vmem>> -> memref<1x128x128xf32, #tpu.memory_space<vmem>>
    %dma_start3A_418 = tpu.memref_squeeze %dma_start3A_417 : memref<1x128x128xf32, #tpu.memory_space<vmem>> -> memref<128x128xf32, #tpu.memory_space<vmem>>
    %dma_start3A_419 = arith.constant 0 : i32
    %dma_start3A_420 = tpu.memref_slice %arg6[%dma_start3A_413, %dma_start3A_419] : memref<80x128xi32, #tpu.memory_space<vmem>> -> memref<1x128xi32, #tpu.memory_space<vmem>>
    %dma_start3A_421 = tpu.memref_squeeze %dma_start3A_420 : memref<1x128xi32, #tpu.memory_space<vmem>> -> memref<128xi32, #tpu.memory_space<vmem>>
    %dma_start3A_422 = arith.constant 0 : i32
    %dma_start3A_423 = arith.constant 0 : i32
    %dma_start3A_424 = tpu.memref_slice %arg2[%dma_start3A_422, %dma_start3A_423] : memref<20000x128xf32, #tpu.memory_space<hbm>> -> memref<20000x128xf32, #tpu.memory_space<hbm>>
    tpu.enqueue_indirect_dma source(%dma_start3A_424 : memref<20000x128xf32, #tpu.memory_space<hbm>>) target(%dma_start3A_418 : memref<128x128xf32, #tpu.memory_space<vmem>>) offsets(%dma_start3A_421 : memref<128xi32, #tpu.memory_space<vmem>>) semaphore(%arg13 : memref<!tpu.dma_semaphore, #tpu.memory_space<semaphore_mem>>)
    %dma_start3A_425 = arith.constant 2 : i32
    %dma_start3A_426 = arith.constant 2 : i32
    %dma_start3A_427 = arith.constant 0 : i32
    %dma_start3A_428 = arith.constant 0 : i32
    %dma_start3A_429 = tpu.memref_slice %arg9[%dma_start3A_426, %dma_start3A_427, %dma_start3A_428] : memref<4x128x128xf32, #tpu.memory_space<vmem>> -> memref<1x128x128xf32, #tpu.memory_space<vmem>>
    %dma_start3A_430 = tpu.memref_squeeze %dma_start3A_429 : memref<1x128x128xf32, #tpu.memory_space<vmem>> -> memref<128x128xf32, #tpu.memory_space<vmem>>
    %dma_start3A_431 = arith.constant 0 : i32
    %dma_start3A_432 = tpu.memref_slice %arg6[%dma_start3A_425, %dma_start3A_431] : memref<80x128xi32, #tpu.memory_space<vmem>> -> memref<1x128xi32, #tpu.memory_space<vmem>>
    %dma_start3A_433 = tpu.memref_squeeze %dma_start3A_432 : memref<1x128xi32, #tpu.memory_space<vmem>> -> memref<128xi32, #tpu.memory_space<vmem>>
    %dma_start3A_434 = arith.constant 0 : i32
    %dma_start3A_435 = arith.constant 0 : i32
    %dma_start3A_436 = tpu.memref_slice %arg2[%dma_start3A_434, %dma_start3A_435] : memref<20000x128xf32, #tpu.memory_space<hbm>> -> memref<20000x128xf32, #tpu.memory_space<hbm>>
    tpu.enqueue_indirect_dma source(%dma_start3A_436 : memref<20000x128xf32, #tpu.memory_space<hbm>>) target(%dma_start3A_430 : memref<128x128xf32, #tpu.memory_space<vmem>>) offsets(%dma_start3A_433 : memref<128xi32, #tpu.memory_space<vmem>>) semaphore(%arg14 : memref<!tpu.dma_semaphore, #tpu.memory_space<semaphore_mem>>)
    %scan3A_437 = arith.constant 0 : i32
    %scan3A_438 = arith.constant 0 : i32
    %scan3A_439 = arith.constant 20 : i32
    %scan3A_440 = arith.addi %scan3A_438, %scan3A_439 : i32
    %scan3A_441 = arith.constant 1 : i32
    %scan3A_442 = scf.for %scan3A_498 = %scan3A_438 to %scan3A_440 step %scan3A_441 iter_args(%scan3A_499 = %scan3A_437) -> (i32)  : i32 {
      %mul3A_500 = arith.constant 4 : i32
      %mul3A_501 = arith.muli %scan3A_498, %mul3A_500 : i32
      %add3A_502 = arith.constant 0 : i32
      %add3A_503 = arith.addi %mul3A_501, %add3A_502 : i32
      %dma_wait3A_504 = arith.constant 0 : i32
      %dma_wait3A_505 = arith.constant 0 : i32
      %dma_wait3A_506 = arith.constant 0 : i32
      %dma_wait3A_507 = tpu.memref_slice %arg9[%dma_wait3A_504, %dma_wait3A_505, %dma_wait3A_506] : memref<4x128x128xf32, #tpu.memory_space<vmem>> -> memref<1x128x128xf32, #tpu.memory_space<vmem>>
      %dma_wait3A_508 = tpu.memref_squeeze %dma_wait3A_507 : memref<1x128x128xf32, #tpu.memory_space<vmem>> -> memref<128x128xf32, #tpu.memory_space<vmem>>
      %dma_wait3A_509 = arith.constant 0 : i32
      %dma_wait3A_510 = tpu.memref_slice %arg6[%add3A_503, %dma_wait3A_509] : memref<80x128xi32, #tpu.memory_space<vmem>> -> memref<1x128xi32, #tpu.memory_space<vmem>>
      %dma_wait3A_511 = tpu.memref_squeeze %dma_wait3A_510 : memref<1x128xi32, #tpu.memory_space<vmem>> -> memref<128xi32, #tpu.memory_space<vmem>>
      %dma_wait3A_512 = arith.constant 0 : i32
      %dma_wait3A_513 = arith.constant 0 : i32
      %dma_wait3A_514 = tpu.memref_slice %arg2[%dma_wait3A_512, %dma_wait3A_513] : memref<20000x128xf32, #tpu.memory_space<hbm>> -> memref<20000x128xf32, #tpu.memory_space<hbm>>
      tpu.wait_indirect_dma semaphore(%arg12 : memref<!tpu.dma_semaphore, #tpu.memory_space<semaphore_mem>>) src(%dma_wait3A_514 : memref<20000x128xf32, #tpu.memory_space<hbm>>) dst(%dma_wait3A_508 : memref<128x128xf32, #tpu.memory_space<vmem>>)
      %dma_start3A_515 = arith.constant 0 : i32
      %dma_start3A_516 = arith.constant 0 : i32
      %dma_start3A_517 = arith.constant 0 : i32
      %dma_start3A_518 = tpu.memref_slice %arg9[%dma_start3A_515, %dma_start3A_516, %dma_start3A_517] : memref<4x128x128xf32, #tpu.memory_space<vmem>> -> memref<1x128x128xf32, #tpu.memory_space<vmem>>
      %dma_start3A_519 = tpu.memref_squeeze %dma_start3A_518 : memref<1x128x128xf32, #tpu.memory_space<vmem>> -> memref<128x128xf32, #tpu.memory_space<vmem>>
      %dma_start3A_520 = arith.constant 0 : i32
      %dma_start3A_521 = tpu.memref_slice %arg8[%add3A_503, %dma_start3A_520] : memref<80x128xi32, #tpu.memory_space<vmem>> -> memref<1x128xi32, #tpu.memory_space<vmem>>
      %dma_start3A_522 = tpu.memref_squeeze %dma_start3A_521 : memref<1x128xi32, #tpu.memory_space<vmem>> -> memref<128xi32, #tpu.memory_space<vmem>>
      %dma_start3A_523 = arith.constant 0 : i32
      %dma_start3A_524 = arith.constant 0 : i32
      %dma_start3A_525 = tpu.memref_slice %arg11[%dma_start3A_523, %dma_start3A_524] : memref<3072x128xf32, #tpu.memory_space<vmem_shared>> -> memref<3072x128xf32, #tpu.memory_space<vmem_shared>>
      tpu.enqueue_indirect_dma source(%dma_start3A_519 : memref<128x128xf32, #tpu.memory_space<vmem>>) target(%dma_start3A_525 : memref<3072x128xf32, #tpu.memory_space<vmem_shared>>) offsets(%dma_start3A_522 : memref<128xi32, #tpu.memory_space<vmem>>) semaphore(%arg16 : memref<!tpu.dma_semaphore, #tpu.memory_space<semaphore_mem>>) {add = true}
      %add3A_526 = arith.constant 3 : i32
      %add3A_527 = arith.addi %add3A_503, %add3A_526 : i32
      %lt3A = arith.constant 80 : i32
      %lt3A_528 = arith.cmpi slt, %add3A_527, %lt3A : i32
      %convert_element_type3A = arith.extui %lt3A_528 : i1 to i32
      %cond3A = arith.constant 3 : i32
      %cond3A_529 = arith.constant 0 : i32
      %cond3A_530 = arith.cmpi ne, %convert_element_type3A, %cond3A_529 : i32
      scf.if %cond3A_530 {
        %ge3A = arith.constant 4 : i32
        %ge3A_634 = arith.cmpi sge, %add3A_527, %ge3A : i32
        %convert_element_type3A_635 = arith.extui %ge3A_634 : i1 to i32
        %cond3A_636 = arith.constant 0 : i32
        %cond3A_637 = arith.cmpi ne, %convert_element_type3A_635, %cond3A_636 : i32
        scf.if %cond3A_637 {
          %sub3A = arith.constant 4 : i32
          %sub3A_648 = arith.subi %add3A_527, %sub3A : i32
          %dma_wait3A_649 = arith.constant 0 : i32
          %dma_wait3A_650 = arith.constant 0 : i32
          %dma_wait3A_651 = tpu.memref_slice %arg9[%cond3A, %dma_wait3A_649, %dma_wait3A_650] : memref<4x128x128xf32, #tpu.memory_space<vmem>> -> memref<1x128x128xf32, #tpu.memory_space<vmem>>
          %dma_wait3A_652 = tpu.memref_squeeze %dma_wait3A_651 : memref<1x128x128xf32, #tpu.memory_space<vmem>> -> memref<128x128xf32, #tpu.memory_space<vmem>>
          %dma_wait3A_653 = arith.constant 0 : i32
          %dma_wait3A_654 = tpu.memref_slice %arg8[%sub3A_648, %dma_wait3A_653] : memref<80x128xi32, #tpu.memory_space<vmem>> -> memref<1x128xi32, #tpu.memory_space<vmem>>
          %dma_wait3A_655 = tpu.memref_squeeze %dma_wait3A_654 : memref<1x128xi32, #tpu.memory_space<vmem>> -> memref<128xi32, #tpu.memory_space<vmem>>
          %dma_wait3A_656 = arith.constant 0 : i32
          %dma_wait3A_657 = arith.constant 0 : i32
          %dma_wait3A_658 = tpu.memref_slice %arg11[%dma_wait3A_656, %dma_wait3A_657] : memref<3072x128xf32, #tpu.memory_space<vmem_shared>> -> memref<3072x128xf32, #tpu.memory_space<vmem_shared>>
          tpu.wait_indirect_dma semaphore(%arg19 : memref<!tpu.dma_semaphore, #tpu.memory_space<semaphore_mem>>) src(%dma_wait3A_652 : memref<128x128xf32, #tpu.memory_space<vmem>>) dst(%dma_wait3A_658 : memref<3072x128xf32, #tpu.memory_space<vmem_shared>>)
        } else {
        }
        %dma_start3A_638 = arith.constant 0 : i32
        %dma_start3A_639 = arith.constant 0 : i32
        %dma_start3A_640 = tpu.memref_slice %arg9[%cond3A, %dma_start3A_638, %dma_start3A_639] : memref<4x128x128xf32, #tpu.memory_space<vmem>> -> memref<1x128x128xf32, #tpu.memory_space<vmem>>
        %dma_start3A_641 = tpu.memref_squeeze %dma_start3A_640 : memref<1x128x128xf32, #tpu.memory_space<vmem>> -> memref<128x128xf32, #tpu.memory_space<vmem>>
        %dma_start3A_642 = arith.constant 0 : i32
        %dma_start3A_643 = tpu.memref_slice %arg6[%add3A_527, %dma_start3A_642] : memref<80x128xi32, #tpu.memory_space<vmem>> -> memref<1x128xi32, #tpu.memory_space<vmem>>
        %dma_start3A_644 = tpu.memref_squeeze %dma_start3A_643 : memref<1x128xi32, #tpu.memory_space<vmem>> -> memref<128xi32, #tpu.memory_space<vmem>>
        %dma_start3A_645 = arith.constant 0 : i32
        %dma_start3A_646 = arith.constant 0 : i32
        %dma_start3A_647 = tpu.memref_slice %arg2[%dma_start3A_645, %dma_start3A_646] : memref<20000x128xf32, #tpu.memory_space<hbm>> -> memref<20000x128xf32, #tpu.memory_space<hbm>>
        tpu.enqueue_indirect_dma source(%dma_start3A_647 : memref<20000x128xf32, #tpu.memory_space<hbm>>) target(%dma_start3A_641 : memref<128x128xf32, #tpu.memory_space<vmem>>) offsets(%dma_start3A_644 : memref<128xi32, #tpu.memory_space<vmem>>) semaphore(%arg15 : memref<!tpu.dma_semaphore, #tpu.memory_space<semaphore_mem>>)
      } else {
      }
      %mul3A_531 = arith.constant 4 : i32
      %mul3A_532 = arith.muli %scan3A_498, %mul3A_531 : i32
      %add3A_533 = arith.constant 1 : i32
      %add3A_534 = arith.addi %mul3A_532, %add3A_533 : i32
      %dma_wait3A_535 = arith.constant 1 : i32
      %dma_wait3A_536 = arith.constant 0 : i32
      %dma_wait3A_537 = arith.constant 0 : i32
      %dma_wait3A_538 = tpu.memref_slice %arg9[%dma_wait3A_535, %dma_wait3A_536, %dma_wait3A_537] : memref<4x128x128xf32, #tpu.memory_space<vmem>> -> memref<1x128x128xf32, #tpu.memory_space<vmem>>
      %dma_wait3A_539 = tpu.memref_squeeze %dma_wait3A_538 : memref<1x128x128xf32, #tpu.memory_space<vmem>> -> memref<128x128xf32, #tpu.memory_space<vmem>>
      %dma_wait3A_540 = arith.constant 0 : i32
      %dma_wait3A_541 = tpu.memref_slice %arg6[%add3A_534, %dma_wait3A_540] : memref<80x128xi32, #tpu.memory_space<vmem>> -> memref<1x128xi32, #tpu.memory_space<vmem>>
      %dma_wait3A_542 = tpu.memref_squeeze %dma_wait3A_541 : memref<1x128xi32, #tpu.memory_space<vmem>> -> memref<128xi32, #tpu.memory_space<vmem>>
      %dma_wait3A_543 = arith.constant 0 : i32
      %dma_wait3A_544 = arith.constant 0 : i32
      %dma_wait3A_545 = tpu.memref_slice %arg2[%dma_wait3A_543, %dma_wait3A_544] : memref<20000x128xf32, #tpu.memory_space<hbm>> -> memref<20000x128xf32, #tpu.memory_space<hbm>>
      tpu.wait_indirect_dma semaphore(%arg13 : memref<!tpu.dma_semaphore, #tpu.memory_space<semaphore_mem>>) src(%dma_wait3A_545 : memref<20000x128xf32, #tpu.memory_space<hbm>>) dst(%dma_wait3A_539 : memref<128x128xf32, #tpu.memory_space<vmem>>)
      %dma_start3A_546 = arith.constant 1 : i32
      %dma_start3A_547 = arith.constant 0 : i32
      %dma_start3A_548 = arith.constant 0 : i32
      %dma_start3A_549 = tpu.memref_slice %arg9[%dma_start3A_546, %dma_start3A_547, %dma_start3A_548] : memref<4x128x128xf32, #tpu.memory_space<vmem>> -> memref<1x128x128xf32, #tpu.memory_space<vmem>>
      %dma_start3A_550 = tpu.memref_squeeze %dma_start3A_549 : memref<1x128x128xf32, #tpu.memory_space<vmem>> -> memref<128x128xf32, #tpu.memory_space<vmem>>
      %dma_start3A_551 = arith.constant 0 : i32
      %dma_start3A_552 = tpu.memref_slice %arg8[%add3A_534, %dma_start3A_551] : memref<80x128xi32, #tpu.memory_space<vmem>> -> memref<1x128xi32, #tpu.memory_space<vmem>>
      %dma_start3A_553 = tpu.memref_squeeze %dma_start3A_552 : memref<1x128xi32, #tpu.memory_space<vmem>> -> memref<128xi32, #tpu.memory_space<vmem>>
      %dma_start3A_554 = arith.constant 0 : i32
      %dma_start3A_555 = arith.constant 0 : i32
      %dma_start3A_556 = tpu.memref_slice %arg11[%dma_start3A_554, %dma_start3A_555] : memref<3072x128xf32, #tpu.memory_space<vmem_shared>> -> memref<3072x128xf32, #tpu.memory_space<vmem_shared>>
      tpu.enqueue_indirect_dma source(%dma_start3A_550 : memref<128x128xf32, #tpu.memory_space<vmem>>) target(%dma_start3A_556 : memref<3072x128xf32, #tpu.memory_space<vmem_shared>>) offsets(%dma_start3A_553 : memref<128xi32, #tpu.memory_space<vmem>>) semaphore(%arg17 : memref<!tpu.dma_semaphore, #tpu.memory_space<semaphore_mem>>) {add = true}
      %add3A_557 = arith.constant 3 : i32
      %add3A_558 = arith.addi %add3A_534, %add3A_557 : i32
      %lt3A_559 = arith.constant 80 : i32
      %lt3A_560 = arith.cmpi slt, %add3A_558, %lt3A_559 : i32
      %convert_element_type3A_561 = arith.extui %lt3A_560 : i1 to i32
      %cond3A_562 = arith.constant 0 : i32
      %cond3A_563 = arith.constant 0 : i32
      %cond3A_564 = arith.cmpi ne, %convert_element_type3A_561, %cond3A_563 : i32
      scf.if %cond3A_564 {
        %ge3A = arith.constant 4 : i32
        %ge3A_634 = arith.cmpi sge, %add3A_558, %ge3A : i32
        %convert_element_type3A_635 = arith.extui %ge3A_634 : i1 to i32
        %cond3A_636 = arith.constant 0 : i32
        %cond3A_637 = arith.cmpi ne, %convert_element_type3A_635, %cond3A_636 : i32
        scf.if %cond3A_637 {
          %sub3A = arith.constant 4 : i32
          %sub3A_648 = arith.subi %add3A_558, %sub3A : i32
          %dma_wait3A_649 = arith.constant 0 : i32
          %dma_wait3A_650 = arith.constant 0 : i32
          %dma_wait3A_651 = tpu.memref_slice %arg9[%cond3A_562, %dma_wait3A_649, %dma_wait3A_650] : memref<4x128x128xf32, #tpu.memory_space<vmem>> -> memref<1x128x128xf32, #tpu.memory_space<vmem>>
          %dma_wait3A_652 = tpu.memref_squeeze %dma_wait3A_651 : memref<1x128x128xf32, #tpu.memory_space<vmem>> -> memref<128x128xf32, #tpu.memory_space<vmem>>
          %dma_wait3A_653 = arith.constant 0 : i32
          %dma_wait3A_654 = tpu.memref_slice %arg8[%sub3A_648, %dma_wait3A_653] : memref<80x128xi32, #tpu.memory_space<vmem>> -> memref<1x128xi32, #tpu.memory_space<vmem>>
          %dma_wait3A_655 = tpu.memref_squeeze %dma_wait3A_654 : memref<1x128xi32, #tpu.memory_space<vmem>> -> memref<128xi32, #tpu.memory_space<vmem>>
          %dma_wait3A_656 = arith.constant 0 : i32
          %dma_wait3A_657 = arith.constant 0 : i32
          %dma_wait3A_658 = tpu.memref_slice %arg11[%dma_wait3A_656, %dma_wait3A_657] : memref<3072x128xf32, #tpu.memory_space<vmem_shared>> -> memref<3072x128xf32, #tpu.memory_space<vmem_shared>>
          tpu.wait_indirect_dma semaphore(%arg16 : memref<!tpu.dma_semaphore, #tpu.memory_space<semaphore_mem>>) src(%dma_wait3A_652 : memref<128x128xf32, #tpu.memory_space<vmem>>) dst(%dma_wait3A_658 : memref<3072x128xf32, #tpu.memory_space<vmem_shared>>)
        } else {
        }
        %dma_start3A_638 = arith.constant 0 : i32
        %dma_start3A_639 = arith.constant 0 : i32
        %dma_start3A_640 = tpu.memref_slice %arg9[%cond3A_562, %dma_start3A_638, %dma_start3A_639] : memref<4x128x128xf32, #tpu.memory_space<vmem>> -> memref<1x128x128xf32, #tpu.memory_space<vmem>>
        %dma_start3A_641 = tpu.memref_squeeze %dma_start3A_640 : memref<1x128x128xf32, #tpu.memory_space<vmem>> -> memref<128x128xf32, #tpu.memory_space<vmem>>
        %dma_start3A_642 = arith.constant 0 : i32
        %dma_start3A_643 = tpu.memref_slice %arg6[%add3A_558, %dma_start3A_642] : memref<80x128xi32, #tpu.memory_space<vmem>> -> memref<1x128xi32, #tpu.memory_space<vmem>>
        %dma_start3A_644 = tpu.memref_squeeze %dma_start3A_643 : memref<1x128xi32, #tpu.memory_space<vmem>> -> memref<128xi32, #tpu.memory_space<vmem>>
        %dma_start3A_645 = arith.constant 0 : i32
        %dma_start3A_646 = arith.constant 0 : i32
        %dma_start3A_647 = tpu.memref_slice %arg2[%dma_start3A_645, %dma_start3A_646] : memref<20000x128xf32, #tpu.memory_space<hbm>> -> memref<20000x128xf32, #tpu.memory_space<hbm>>
        tpu.enqueue_indirect_dma source(%dma_start3A_647 : memref<20000x128xf32, #tpu.memory_space<hbm>>) target(%dma_start3A_641 : memref<128x128xf32, #tpu.memory_space<vmem>>) offsets(%dma_start3A_644 : memref<128xi32, #tpu.memory_space<vmem>>) semaphore(%arg12 : memref<!tpu.dma_semaphore, #tpu.memory_space<semaphore_mem>>)
      } else {
      }
      %mul3A_565 = arith.constant 4 : i32
      %mul3A_566 = arith.muli %scan3A_498, %mul3A_565 : i32
      %add3A_567 = arith.constant 2 : i32
      %add3A_568 = arith.addi %mul3A_566, %add3A_567 : i32
      %dma_wait3A_569 = arith.constant 2 : i32
      %dma_wait3A_570 = arith.constant 0 : i32
      %dma_wait3A_571 = arith.constant 0 : i32
      %dma_wait3A_572 = tpu.memref_slice %arg9[%dma_wait3A_569, %dma_wait3A_570, %dma_wait3A_571] : memref<4x128x128xf32, #tpu.memory_space<vmem>> -> memref<1x128x128xf32, #tpu.memory_space<vmem>>
      %dma_wait3A_573 = tpu.memref_squeeze %dma_wait3A_572 : memref<1x128x128xf32, #tpu.memory_space<vmem>> -> memref<128x128xf32, #tpu.memory_space<vmem>>
      %dma_wait3A_574 = arith.constant 0 : i32
      %dma_wait3A_575 = tpu.memref_slice %arg6[%add3A_568, %dma_wait3A_574] : memref<80x128xi32, #tpu.memory_space<vmem>> -> memref<1x128xi32, #tpu.memory_space<vmem>>
      %dma_wait3A_576 = tpu.memref_squeeze %dma_wait3A_575 : memref<1x128xi32, #tpu.memory_space<vmem>> -> memref<128xi32, #tpu.memory_space<vmem>>
      %dma_wait3A_577 = arith.constant 0 : i32
      %dma_wait3A_578 = arith.constant 0 : i32
      %dma_wait3A_579 = tpu.memref_slice %arg2[%dma_wait3A_577, %dma_wait3A_578] : memref<20000x128xf32, #tpu.memory_space<hbm>> -> memref<20000x128xf32, #tpu.memory_space<hbm>>
      tpu.wait_indirect_dma semaphore(%arg14 : memref<!tpu.dma_semaphore, #tpu.memory_space<semaphore_mem>>) src(%dma_wait3A_579 : memref<20000x128xf32, #tpu.memory_space<hbm>>) dst(%dma_wait3A_573 : memref<128x128xf32, #tpu.memory_space<vmem>>)
      %dma_start3A_580 = arith.constant 2 : i32
      %dma_start3A_581 = arith.constant 0 : i32
      %dma_start3A_582 = arith.constant 0 : i32
      %dma_start3A_583 = tpu.memref_slice %arg9[%dma_start3A_580, %dma_start3A_581, %dma_start3A_582] : memref<4x128x128xf32, #tpu.memory_space<vmem>> -> memref<1x128x128xf32, #tpu.memory_space<vmem>>
      %dma_start3A_584 = tpu.memref_squeeze %dma_start3A_583 : memref<1x128x128xf32, #tpu.memory_space<vmem>> -> memref<128x128xf32, #tpu.memory_space<vmem>>
      %dma_start3A_585 = arith.constant 0 : i32
      %dma_start3A_586 = tpu.memref_slice %arg8[%add3A_568, %dma_start3A_585] : memref<80x128xi32, #tpu.memory_space<vmem>> -> memref<1x128xi32, #tpu.memory_space<vmem>>
      %dma_start3A_587 = tpu.memref_squeeze %dma_start3A_586 : memref<1x128xi32, #tpu.memory_space<vmem>> -> memref<128xi32, #tpu.memory_space<vmem>>
      %dma_start3A_588 = arith.constant 0 : i32
      %dma_start3A_589 = arith.constant 0 : i32
      %dma_start3A_590 = tpu.memref_slice %arg11[%dma_start3A_588, %dma_start3A_589] : memref<3072x128xf32, #tpu.memory_space<vmem_shared>> -> memref<3072x128xf32, #tpu.memory_space<vmem_shared>>
      tpu.enqueue_indirect_dma source(%dma_start3A_584 : memref<128x128xf32, #tpu.memory_space<vmem>>) target(%dma_start3A_590 : memref<3072x128xf32, #tpu.memory_space<vmem_shared>>) offsets(%dma_start3A_587 : memref<128xi32, #tpu.memory_space<vmem>>) semaphore(%arg18 : memref<!tpu.dma_semaphore, #tpu.memory_space<semaphore_mem>>) {add = true}
      %add3A_591 = arith.constant 3 : i32
      %add3A_592 = arith.addi %add3A_568, %add3A_591 : i32
      %lt3A_593 = arith.constant 80 : i32
      %lt3A_594 = arith.cmpi slt, %add3A_592, %lt3A_593 : i32
      %convert_element_type3A_595 = arith.extui %lt3A_594 : i1 to i32
      %cond3A_596 = arith.constant 1 : i32
      %cond3A_597 = arith.constant 0 : i32
      %cond3A_598 = arith.cmpi ne, %convert_element_type3A_595, %cond3A_597 : i32
      scf.if %cond3A_598 {
        %ge3A = arith.constant 4 : i32
        %ge3A_634 = arith.cmpi sge, %add3A_592, %ge3A : i32
        %convert_element_type3A_635 = arith.extui %ge3A_634 : i1 to i32
        %cond3A_636 = arith.constant 0 : i32
        %cond3A_637 = arith.cmpi ne, %convert_element_type3A_635, %cond3A_636 : i32
        scf.if %cond3A_637 {
          %sub3A = arith.constant 4 : i32
          %sub3A_648 = arith.subi %add3A_592, %sub3A : i32
          %dma_wait3A_649 = arith.constant 0 : i32
          %dma_wait3A_650 = arith.constant 0 : i32
          %dma_wait3A_651 = tpu.memref_slice %arg9[%cond3A_596, %dma_wait3A_649, %dma_wait3A_650] : memref<4x128x128xf32, #tpu.memory_space<vmem>> -> memref<1x128x128xf32, #tpu.memory_space<vmem>>
          %dma_wait3A_652 = tpu.memref_squeeze %dma_wait3A_651 : memref<1x128x128xf32, #tpu.memory_space<vmem>> -> memref<128x128xf32, #tpu.memory_space<vmem>>
          %dma_wait3A_653 = arith.constant 0 : i32
          %dma_wait3A_654 = tpu.memref_slice %arg8[%sub3A_648, %dma_wait3A_653] : memref<80x128xi32, #tpu.memory_space<vmem>> -> memref<1x128xi32, #tpu.memory_space<vmem>>
          %dma_wait3A_655 = tpu.memref_squeeze %dma_wait3A_654 : memref<1x128xi32, #tpu.memory_space<vmem>> -> memref<128xi32, #tpu.memory_space<vmem>>
          %dma_wait3A_656 = arith.constant 0 : i32
          %dma_wait3A_657 = arith.constant 0 : i32
          %dma_wait3A_658 = tpu.memref_slice %arg11[%dma_wait3A_656, %dma_wait3A_657] : memref<3072x128xf32, #tpu.memory_space<vmem_shared>> -> memref<3072x128xf32, #tpu.memory_space<vmem_shared>>
          tpu.wait_indirect_dma semaphore(%arg17 : memref<!tpu.dma_semaphore, #tpu.memory_space<semaphore_mem>>) src(%dma_wait3A_652 : memref<128x128xf32, #tpu.memory_space<vmem>>) dst(%dma_wait3A_658 : memref<3072x128xf32, #tpu.memory_space<vmem_shared>>)
        } else {
        }
        %dma_start3A_638 = arith.constant 0 : i32
        %dma_start3A_639 = arith.constant 0 : i32
        %dma_start3A_640 = tpu.memref_slice %arg9[%cond3A_596, %dma_start3A_638, %dma_start3A_639] : memref<4x128x128xf32, #tpu.memory_space<vmem>> -> memref<1x128x128xf32, #tpu.memory_space<vmem>>
        %dma_start3A_641 = tpu.memref_squeeze %dma_start3A_640 : memref<1x128x128xf32, #tpu.memory_space<vmem>> -> memref<128x128xf32, #tpu.memory_space<vmem>>
        %dma_start3A_642 = arith.constant 0 : i32
        %dma_start3A_643 = tpu.memref_slice %arg6[%add3A_592, %dma_start3A_642] : memref<80x128xi32, #tpu.memory_space<vmem>> -> memref<1x128xi32, #tpu.memory_space<vmem>>
        %dma_start3A_644 = tpu.memref_squeeze %dma_start3A_643 : memref<1x128xi32, #tpu.memory_space<vmem>> -> memref<128xi32, #tpu.memory_space<vmem>>
        %dma_start3A_645 = arith.constant 0 : i32
        %dma_start3A_646 = arith.constant 0 : i32
        %dma_start3A_647 = tpu.memref_slice %arg2[%dma_start3A_645, %dma_start3A_646] : memref<20000x128xf32, #tpu.memory_space<hbm>> -> memref<20000x128xf32, #tpu.memory_space<hbm>>
        tpu.enqueue_indirect_dma source(%dma_start3A_647 : memref<20000x128xf32, #tpu.memory_space<hbm>>) target(%dma_start3A_641 : memref<128x128xf32, #tpu.memory_space<vmem>>) offsets(%dma_start3A_644 : memref<128xi32, #tpu.memory_space<vmem>>) semaphore(%arg13 : memref<!tpu.dma_semaphore, #tpu.memory_space<semaphore_mem>>)
      } else {
      }
      %mul3A_599 = arith.constant 4 : i32
      %mul3A_600 = arith.muli %scan3A_498, %mul3A_599 : i32
      %add3A_601 = arith.constant 3 : i32
      %add3A_602 = arith.addi %mul3A_600, %add3A_601 : i32
      %dma_wait3A_603 = arith.constant 3 : i32
      %dma_wait3A_604 = arith.constant 0 : i32
      %dma_wait3A_605 = arith.constant 0 : i32
      %dma_wait3A_606 = tpu.memref_slice %arg9[%dma_wait3A_603, %dma_wait3A_604, %dma_wait3A_605] : memref<4x128x128xf32, #tpu.memory_space<vmem>> -> memref<1x128x128xf32, #tpu.memory_space<vmem>>
      %dma_wait3A_607 = tpu.memref_squeeze %dma_wait3A_606 : memref<1x128x128xf32, #tpu.memory_space<vmem>> -> memref<128x128xf32, #tpu.memory_space<vmem>>
      %dma_wait3A_608 = arith.constant 0 : i32
      %dma_wait3A_609 = tpu.memref_slice %arg6[%add3A_602, %dma_wait3A_608] : memref<80x128xi32, #tpu.memory_space<vmem>> -> memref<1x128xi32, #tpu.memory_space<vmem>>
      %dma_wait3A_610 = tpu.memref_squeeze %dma_wait3A_609 : memref<1x128xi32, #tpu.memory_space<vmem>> -> memref<128xi32, #tpu.memory_space<vmem>>
      %dma_wait3A_611 = arith.constant 0 : i32
      %dma_wait3A_612 = arith.constant 0 : i32
      %dma_wait3A_613 = tpu.memref_slice %arg2[%dma_wait3A_611, %dma_wait3A_612] : memref<20000x128xf32, #tpu.memory_space<hbm>> -> memref<20000x128xf32, #tpu.memory_space<hbm>>
      tpu.wait_indirect_dma semaphore(%arg15 : memref<!tpu.dma_semaphore, #tpu.memory_space<semaphore_mem>>) src(%dma_wait3A_613 : memref<20000x128xf32, #tpu.memory_space<hbm>>) dst(%dma_wait3A_607 : memref<128x128xf32, #tpu.memory_space<vmem>>)
      %dma_start3A_614 = arith.constant 3 : i32
      %dma_start3A_615 = arith.constant 0 : i32
      %dma_start3A_616 = arith.constant 0 : i32
      %dma_start3A_617 = tpu.memref_slice %arg9[%dma_start3A_614, %dma_start3A_615, %dma_start3A_616] : memref<4x128x128xf32, #tpu.memory_space<vmem>> -> memref<1x128x128xf32, #tpu.memory_space<vmem>>
      %dma_start3A_618 = tpu.memref_squeeze %dma_start3A_617 : memref<1x128x128xf32, #tpu.memory_space<vmem>> -> memref<128x128xf32, #tpu.memory_space<vmem>>
      %dma_start3A_619 = arith.constant 0 : i32
      %dma_start3A_620 = tpu.memref_slice %arg8[%add3A_602, %dma_start3A_619] : memref<80x128xi32, #tpu.memory_space<vmem>> -> memref<1x128xi32, #tpu.memory_space<vmem>>
      %dma_start3A_621 = tpu.memref_squeeze %dma_start3A_620 : memref<1x128xi32, #tpu.memory_space<vmem>> -> memref<128xi32, #tpu.memory_space<vmem>>
      %dma_start3A_622 = arith.constant 0 : i32
      %dma_start3A_623 = arith.constant 0 : i32
      %dma_start3A_624 = tpu.memref_slice %arg11[%dma_start3A_622, %dma_start3A_623] : memref<3072x128xf32, #tpu.memory_space<vmem_shared>> -> memref<3072x128xf32, #tpu.memory_space<vmem_shared>>
      tpu.enqueue_indirect_dma source(%dma_start3A_618 : memref<128x128xf32, #tpu.memory_space<vmem>>) target(%dma_start3A_624 : memref<3072x128xf32, #tpu.memory_space<vmem_shared>>) offsets(%dma_start3A_621 : memref<128xi32, #tpu.memory_space<vmem>>) semaphore(%arg19 : memref<!tpu.dma_semaphore, #tpu.memory_space<semaphore_mem>>) {add = true}
      %add3A_625 = arith.constant 3 : i32
      %add3A_626 = arith.addi %add3A_602, %add3A_625 : i32
      %lt3A_627 = arith.constant 80 : i32
      %lt3A_628 = arith.cmpi slt, %add3A_626, %lt3A_627 : i32
      %convert_element_type3A_629 = arith.extui %lt3A_628 : i1 to i32
      %cond3A_630 = arith.constant 2 : i32
      %cond3A_631 = arith.constant 0 : i32
      %cond3A_632 = arith.cmpi ne, %convert_element_type3A_629, %cond3A_631 : i32
      scf.if %cond3A_632 {
        %ge3A = arith.constant 4 : i32
        %ge3A_634 = arith.cmpi sge, %add3A_626, %ge3A : i32
        %convert_element_type3A_635 = arith.extui %ge3A_634 : i1 to i32
        %cond3A_636 = arith.constant 0 : i32
        %cond3A_637 = arith.cmpi ne, %convert_element_type3A_635, %cond3A_636 : i32
        scf.if %cond3A_637 {
          %sub3A = arith.constant 4 : i32
          %sub3A_648 = arith.subi %add3A_626, %sub3A : i32
          %dma_wait3A_649 = arith.constant 0 : i32
          %dma_wait3A_650 = arith.constant 0 : i32
          %dma_wait3A_651 = tpu.memref_slice %arg9[%cond3A_630, %dma_wait3A_649, %dma_wait3A_650] : memref<4x128x128xf32, #tpu.memory_space<vmem>> -> memref<1x128x128xf32, #tpu.memory_space<vmem>>
          %dma_wait3A_652 = tpu.memref_squeeze %dma_wait3A_651 : memref<1x128x128xf32, #tpu.memory_space<vmem>> -> memref<128x128xf32, #tpu.memory_space<vmem>>
          %dma_wait3A_653 = arith.constant 0 : i32
          %dma_wait3A_654 = tpu.memref_slice %arg8[%sub3A_648, %dma_wait3A_653] : memref<80x128xi32, #tpu.memory_space<vmem>> -> memref<1x128xi32, #tpu.memory_space<vmem>>
          %dma_wait3A_655 = tpu.memref_squeeze %dma_wait3A_654 : memref<1x128xi32, #tpu.memory_space<vmem>> -> memref<128xi32, #tpu.memory_space<vmem>>
          %dma_wait3A_656 = arith.constant 0 : i32
          %dma_wait3A_657 = arith.constant 0 : i32
          %dma_wait3A_658 = tpu.memref_slice %arg11[%dma_wait3A_656, %dma_wait3A_657] : memref<3072x128xf32, #tpu.memory_space<vmem_shared>> -> memref<3072x128xf32, #tpu.memory_space<vmem_shared>>
          tpu.wait_indirect_dma semaphore(%arg18 : memref<!tpu.dma_semaphore, #tpu.memory_space<semaphore_mem>>) src(%dma_wait3A_652 : memref<128x128xf32, #tpu.memory_space<vmem>>) dst(%dma_wait3A_658 : memref<3072x128xf32, #tpu.memory_space<vmem_shared>>)
        } else {
        }
        %dma_start3A_638 = arith.constant 0 : i32
        %dma_start3A_639 = arith.constant 0 : i32
        %dma_start3A_640 = tpu.memref_slice %arg9[%cond3A_630, %dma_start3A_638, %dma_start3A_639] : memref<4x128x128xf32, #tpu.memory_space<vmem>> -> memref<1x128x128xf32, #tpu.memory_space<vmem>>
        %dma_start3A_641 = tpu.memref_squeeze %dma_start3A_640 : memref<1x128x128xf32, #tpu.memory_space<vmem>> -> memref<128x128xf32, #tpu.memory_space<vmem>>
        %dma_start3A_642 = arith.constant 0 : i32
        %dma_start3A_643 = tpu.memref_slice %arg6[%add3A_626, %dma_start3A_642] : memref<80x128xi32, #tpu.memory_space<vmem>> -> memref<1x128xi32, #tpu.memory_space<vmem>>
        %dma_start3A_644 = tpu.memref_squeeze %dma_start3A_643 : memref<1x128xi32, #tpu.memory_space<vmem>> -> memref<128xi32, #tpu.memory_space<vmem>>
        %dma_start3A_645 = arith.constant 0 : i32
        %dma_start3A_646 = arith.constant 0 : i32
        %dma_start3A_647 = tpu.memref_slice %arg2[%dma_start3A_645, %dma_start3A_646] : memref<20000x128xf32, #tpu.memory_space<hbm>> -> memref<20000x128xf32, #tpu.memory_space<hbm>>
        tpu.enqueue_indirect_dma source(%dma_start3A_647 : memref<20000x128xf32, #tpu.memory_space<hbm>>) target(%dma_start3A_641 : memref<128x128xf32, #tpu.memory_space<vmem>>) offsets(%dma_start3A_644 : memref<128xi32, #tpu.memory_space<vmem>>) semaphore(%arg14 : memref<!tpu.dma_semaphore, #tpu.memory_space<semaphore_mem>>)
      } else {
      }
      %scan3A_633 = arith.constant 0 : i32
      scf.yield %scan3A_633 : i32
    }
    %scan3A_443 = arith.constant 20 : i32
    %dma_wait3A_444 = arith.constant 0 : i32
    %dma_wait3A_445 = arith.constant 76 : i32
    %dma_wait3A_446 = arith.constant 0 : i32
    %dma_wait3A_447 = arith.constant 0 : i32
    %dma_wait3A_448 = tpu.memref_slice %arg9[%dma_wait3A_444, %dma_wait3A_446, %dma_wait3A_447] : memref<4x128x128xf32, #tpu.memory_space<vmem>> -> memref<1x128x128xf32, #tpu.memory_space<vmem>>
    %dma_wait3A_449 = tpu.memref_squeeze %dma_wait3A_448 : memref<1x128x128xf32, #tpu.memory_space<vmem>> -> memref<128x128xf32, #tpu.memory_space<vmem>>
    %dma_wait3A_450 = arith.constant 0 : i32
    %dma_wait3A_451 = tpu.memref_slice %arg8[%dma_wait3A_445, %dma_wait3A_450] : memref<80x128xi32, #tpu.memory_space<vmem>> -> memref<1x128xi32, #tpu.memory_space<vmem>>
    %dma_wait3A_452 = tpu.memref_squeeze %dma_wait3A_451 : memref<1x128xi32, #tpu.memory_space<vmem>> -> memref<128xi32, #tpu.memory_space<vmem>>
    %dma_wait3A_453 = arith.constant 0 : i32
    %dma_wait3A_454 = arith.constant 0 : i32
    %dma_wait3A_455 = tpu.memref_slice %arg11[%dma_wait3A_453, %dma_wait3A_454] : memref<3072x128xf32, #tpu.memory_space<vmem_shared>> -> memref<3072x128xf32, #tpu.memory_space<vmem_shared>>
    tpu.wait_indirect_dma semaphore(%arg16 : memref<!tpu.dma_semaphore, #tpu.memory_space<semaphore_mem>>) src(%dma_wait3A_449 : memref<128x128xf32, #tpu.memory_space<vmem>>) dst(%dma_wait3A_455 : memref<3072x128xf32, #tpu.memory_space<vmem_shared>>)
    %dma_wait3A_456 = arith.constant 1 : i32
    %dma_wait3A_457 = arith.constant 77 : i32
    %dma_wait3A_458 = arith.constant 0 : i32
    %dma_wait3A_459 = arith.constant 0 : i32
    %dma_wait3A_460 = tpu.memref_slice %arg9[%dma_wait3A_456, %dma_wait3A_458, %dma_wait3A_459] : memref<4x128x128xf32, #tpu.memory_space<vmem>> -> memref<1x128x128xf32, #tpu.memory_space<vmem>>
    %dma_wait3A_461 = tpu.memref_squeeze %dma_wait3A_460 : memref<1x128x128xf32, #tpu.memory_space<vmem>> -> memref<128x128xf32, #tpu.memory_space<vmem>>
    %dma_wait3A_462 = arith.constant 0 : i32
    %dma_wait3A_463 = tpu.memref_slice %arg8[%dma_wait3A_457, %dma_wait3A_462] : memref<80x128xi32, #tpu.memory_space<vmem>> -> memref<1x128xi32, #tpu.memory_space<vmem>>
    %dma_wait3A_464 = tpu.memref_squeeze %dma_wait3A_463 : memref<1x128xi32, #tpu.memory_space<vmem>> -> memref<128xi32, #tpu.memory_space<vmem>>
    %dma_wait3A_465 = arith.constant 0 : i32
    %dma_wait3A_466 = arith.constant 0 : i32
    %dma_wait3A_467 = tpu.memref_slice %arg11[%dma_wait3A_465, %dma_wait3A_466] : memref<3072x128xf32, #tpu.memory_space<vmem_shared>> -> memref<3072x128xf32, #tpu.memory_space<vmem_shared>>
    tpu.wait_indirect_dma semaphore(%arg17 : memref<!tpu.dma_semaphore, #tpu.memory_space<semaphore_mem>>) src(%dma_wait3A_461 : memref<128x128xf32, #tpu.memory_space<vmem>>) dst(%dma_wait3A_467 : memref<3072x128xf32, #tpu.memory_space<vmem_shared>>)
    %dma_wait3A_468 = arith.constant 2 : i32
    %dma_wait3A_469 = arith.constant 78 : i32
    %dma_wait3A_470 = arith.constant 0 : i32
    %dma_wait3A_471 = arith.constant 0 : i32
    %dma_wait3A_472 = tpu.memref_slice %arg9[%dma_wait3A_468, %dma_wait3A_470, %dma_wait3A_471] : memref<4x128x128xf32, #tpu.memory_space<vmem>> -> memref<1x128x128xf32, #tpu.memory_space<vmem>>
    %dma_wait3A_473 = tpu.memref_squeeze %dma_wait3A_472 : memref<1x128x128xf32, #tpu.memory_space<vmem>> -> memref<128x128xf32, #tpu.memory_space<vmem>>
    %dma_wait3A_474 = arith.constant 0 : i32
    %dma_wait3A_475 = tpu.memref_slice %arg8[%dma_wait3A_469, %dma_wait3A_474] : memref<80x128xi32, #tpu.memory_space<vmem>> -> memref<1x128xi32, #tpu.memory_space<vmem>>
    %dma_wait3A_476 = tpu.memref_squeeze %dma_wait3A_475 : memref<1x128xi32, #tpu.memory_space<vmem>> -> memref<128xi32, #tpu.memory_space<vmem>>
    %dma_wait3A_477 = arith.constant 0 : i32
    %dma_wait3A_478 = arith.constant 0 : i32
    %dma_wait3A_479 = tpu.memref_slice %arg11[%dma_wait3A_477, %dma_wait3A_478] : memref<3072x128xf32, #tpu.memory_space<vmem_shared>> -> memref<3072x128xf32, #tpu.memory_space<vmem_shared>>
    tpu.wait_indirect_dma semaphore(%arg18 : memref<!tpu.dma_semaphore, #tpu.memory_space<semaphore_mem>>) src(%dma_wait3A_473 : memref<128x128xf32, #tpu.memory_space<vmem>>) dst(%dma_wait3A_479 : memref<3072x128xf32, #tpu.memory_space<vmem_shared>>)
    %dma_wait3A_480 = arith.constant 3 : i32
    %dma_wait3A_481 = arith.constant 79 : i32
    %dma_wait3A_482 = arith.constant 0 : i32
    %dma_wait3A_483 = arith.constant 0 : i32
    %dma_wait3A_484 = tpu.memref_slice %arg9[%dma_wait3A_480, %dma_wait3A_482, %dma_wait3A_483] : memref<4x128x128xf32, #tpu.memory_space<vmem>> -> memref<1x128x128xf32, #tpu.memory_space<vmem>>
    %dma_wait3A_485 = tpu.memref_squeeze %dma_wait3A_484 : memref<1x128x128xf32, #tpu.memory_space<vmem>> -> memref<128x128xf32, #tpu.memory_space<vmem>>
    %dma_wait3A_486 = arith.constant 0 : i32
    %dma_wait3A_487 = tpu.memref_slice %arg8[%dma_wait3A_481, %dma_wait3A_486] : memref<80x128xi32, #tpu.memory_space<vmem>> -> memref<1x128xi32, #tpu.memory_space<vmem>>
    %dma_wait3A_488 = tpu.memref_squeeze %dma_wait3A_487 : memref<1x128xi32, #tpu.memory_space<vmem>> -> memref<128xi32, #tpu.memory_space<vmem>>
    %dma_wait3A_489 = arith.constant 0 : i32
    %dma_wait3A_490 = arith.constant 0 : i32
    %dma_wait3A_491 = tpu.memref_slice %arg11[%dma_wait3A_489, %dma_wait3A_490] : memref<3072x128xf32, #tpu.memory_space<vmem_shared>> -> memref<3072x128xf32, #tpu.memory_space<vmem_shared>>
    tpu.wait_indirect_dma semaphore(%arg19 : memref<!tpu.dma_semaphore, #tpu.memory_space<semaphore_mem>>) src(%dma_wait3A_485 : memref<128x128xf32, #tpu.memory_space<vmem>>) dst(%dma_wait3A_491 : memref<3072x128xf32, #tpu.memory_space<vmem_shared>>)
    %barrier3A_492 = arith.constant 0 : index
    tpu.barrier barrier_id(%barrier3A_492)
    %mul3A_493 = arith.constant 192 : i32
    %mul3A_494 = arith.muli %arg1, %mul3A_493 : i32
    %mul3A_495 = arith.constant 192 : i32
    %mul3A_496 = arith.muli %arg1, %mul3A_495 : i32
    %run_scoped3A_497 = arith.constant 3 : i32
    "tpu.region"() ({
      %run_scoped3A_498 = tpu.sem_alloc : memref<!tpu.dma_semaphore, #tpu.memory_space<semaphore_mem>>
      %dma_start3A_499 = arith.constant 0 : i32
      %dma_start3A_500 = tpu.memref_slice %arg5[%arg0, %run_scoped3A_497, %mul3A_496, %dma_start3A_499] : memref<2x4x3072x128xf32, #tpu.memory_space<hbm>> -> memref<1x1x192x128xf32, #tpu.memory_space<hbm>>
      %dma_start3A_501 = tpu.memref_squeeze %dma_start3A_500 : memref<1x1x192x128xf32, #tpu.memory_space<hbm>> -> memref<192x128xf32, #tpu.memory_space<hbm>>
      %dma_start3A_502 = arith.constant 0 : i32
      %dma_start3A_503 = tpu.memref_slice %arg11[%mul3A_494, %dma_start3A_502] : memref<3072x128xf32, #tpu.memory_space<vmem_shared>> -> memref<192x128xf32, #tpu.memory_space<vmem_shared>>
      tpu.enqueue_dma source(%dma_start3A_503 : memref<192x128xf32, #tpu.memory_space<vmem_shared>>) target(%dma_start3A_501 : memref<192x128xf32, #tpu.memory_space<hbm>>) target_semaphore(%run_scoped3A_498 : memref<!tpu.dma_semaphore, #tpu.memory_space<semaphore_mem>>)
      %dma_wait3A_504 = arith.constant 0 : i32
      %dma_wait3A_505 = tpu.memref_slice %arg5[%arg0, %run_scoped3A_497, %mul3A_496, %dma_wait3A_504] : memref<2x4x3072x128xf32, #tpu.memory_space<hbm>> -> memref<1x1x192x128xf32, #tpu.memory_space<hbm>>
      %dma_wait3A_506 = tpu.memref_squeeze %dma_wait3A_505 : memref<1x1x192x128xf32, #tpu.memory_space<hbm>> -> memref<192x128xf32, #tpu.memory_space<hbm>>
      %dma_wait3A_507 = arith.constant 0 : i32
      %dma_wait3A_508 = tpu.memref_slice %arg11[%mul3A_494, %dma_wait3A_507] : memref<3072x128xf32, #tpu.memory_space<vmem_shared>> -> memref<192x128xf32, #tpu.memory_space<vmem_shared>>
      tpu.wait_dma2 semaphore(%run_scoped3A_498 : memref<!tpu.dma_semaphore, #tpu.memory_space<semaphore_mem>>) src(%dma_wait3A_508 : memref<192x128xf32, #tpu.memory_space<vmem_shared>>) dst(%dma_wait3A_506 : memref<192x128xf32, #tpu.memory_space<hbm>>)
      tpu.yield
    }) : () -> ()
    return
  }
}

module attributes {stable_mosaic.version = 14 : i64} {
  func.func @_prep_body(%arg0: i32, %arg1: memref<1000x256xf32, #tpu.memory_space<vmem>>, %arg2: memref<1x256xf32, #tpu.memory_space<vmem>>, %arg3: memref<1x256xf32, #tpu.memory_space<vmem>>, %arg4: memref<2x1000x128xf32, #tpu.memory_space<vmem>>) attributes {dimension_semantics = [#tpu.dimension_semantics<arbitrary>], iteration_bounds = array<i64: 10>, scalar_prefetch = 0 : i64, scratch_operands = 0 : i64, tpu.core_type = #tpu.core_type<tc>, window_params = [{transform_indices = @transform_0, window_bounds = array<i64: 1000, 256>}, {pipeline_mode = #tpu.pipeline_mode<synchronous>, transform_indices = @transform_1, window_bounds = array<i64: 1, 256>}, {pipeline_mode = #tpu.pipeline_mode<synchronous>, transform_indices = @transform_2, window_bounds = array<i64: 1, 256>}, {transform_indices = @transform_3, window_bounds = array<i64: 2, 1000, 128>}]} {
    %get3A = arith.constant 0 : index
    %get3A_0 = arith.constant 0 : index
    %get3A_1 = vector.load %arg1[%get3A, %get3A_0] : memref<1000x256xf32, #tpu.memory_space<vmem>>, vector<1000x256xf32>
    %get3A_2 = arith.constant 0 : index
    %get3A_3 = arith.constant 0 : index
    %get3A_4 = vector.load %arg2[%get3A_2, %get3A_3] : memref<1x256xf32, #tpu.memory_space<vmem>>, vector<1x256xf32>
    %sub3A = vector.broadcast %get3A_4 : vector<1x256xf32> to vector<1000x256xf32>
    %sub3A_5 = arith.subf %get3A_1, %sub3A : vector<1000x256xf32>
    %get3A_6 = arith.constant 0 : index
    %get3A_7 = arith.constant 0 : index
    %get3A_8 = vector.load %arg3[%get3A_6, %get3A_7] : memref<1x256xf32, #tpu.memory_space<vmem>>, vector<1x256xf32>
    %div3A = vector.broadcast %get3A_8 : vector<1x256xf32> to vector<1000x256xf32>
    %div3A_9 = arith.divf %sub3A_5, %div3A : vector<1000x256xf32>
    %slice3A = vector.extract_strided_slice %div3A_9 {offsets = [0, 0], sizes = [1000, 128], strides = [1, 1]} : vector<1000x256xf32> to vector<1000x128xf32>
    %swap3A = arith.constant 0 : index
    %swap3A_10 = arith.constant 0 : index
    %swap3A_11 = arith.constant 0 : index
    %swap3A_12 = vector.load %arg4[%swap3A, %swap3A_10, %swap3A_11] : memref<2x1000x128xf32, #tpu.memory_space<vmem>>, vector<1x1000x128xf32>
    %swap3A_13 = vector.shape_cast %swap3A_12 : vector<1x1000x128xf32> to vector<1000x128xf32>
    %swap3A_14 = vector.shape_cast %slice3A : vector<1000x128xf32> to vector<1x1000x128xf32>
    tpu.vector_store %arg4[%swap3A, %swap3A_10, %swap3A_11], %swap3A_14 {strides = array<i32>} : memref<2x1000x128xf32, #tpu.memory_space<vmem>>, vector<1x1000x128xf32>,
    %slice3A_15 = vector.extract_strided_slice %div3A_9 {offsets = [0, 128], sizes = [1000, 128], strides = [1, 1]} : vector<1000x256xf32> to vector<1000x128xf32>
    %swap3A_16 = arith.constant 1 : index
    %swap3A_17 = arith.constant 0 : index
    %swap3A_18 = arith.constant 0 : index
    %swap3A_19 = vector.load %arg4[%swap3A_16, %swap3A_17, %swap3A_18] : memref<2x1000x128xf32, #tpu.memory_space<vmem>>, vector<1x1000x128xf32>
    %swap3A_20 = vector.shape_cast %swap3A_19 : vector<1x1000x128xf32> to vector<1000x128xf32>
    %swap3A_21 = vector.shape_cast %slice3A_15 : vector<1000x128xf32> to vector<1x1000x128xf32>
    tpu.vector_store %arg4[%swap3A_16, %swap3A_17, %swap3A_18], %swap3A_21 {strides = array<i32>} : memref<2x1000x128xf32, #tpu.memory_space<vmem>>, vector<1x1000x128xf32>,
    return
  }
  func.func @transform_0(%arg0: i32) -> (i32, i32) {
    %c0_i32 = arith.constant 0 : i32
    %c0_i32_0 = arith.constant 0 : i32
    return %arg0, %c0_i32 : i32, i32
  }
  func.func @transform_1(%arg0: i32) -> (i32, i32) {
    %c0_i32 = arith.constant 0 : i32
    %c0_i32_0 = arith.constant 0 : i32
    %c0_i32_1 = arith.constant 0 : i32
    return %c0_i32, %c0_i32_0 : i32, i32
  }
  func.func @transform_2(%arg0: i32) -> (i32, i32) {
    %c0_i32 = arith.constant 0 : i32
    %c0_i32_0 = arith.constant 0 : i32
    %c0_i32_1 = arith.constant 0 : i32
    return %c0_i32, %c0_i32_0 : i32, i32
  }
  func.func @transform_3(%arg0: i32) -> (i32, i32, i32) {
    %c0_i32 = arith.constant 0 : i32
    %c0_i32_0 = arith.constant 0 : i32
    %c0_i32_1 = arith.constant 0 : i32
    return %c0_i32, %arg0, %c0_i32_0 : i32, i32, i32
  }
}

module attributes {stable_mosaic.version = 14 : i64} {
  func.func @_layer_body(%arg0: i32, %arg1: memref<2x1000x128xf32, #tpu.memory_space<vmem>>, %arg2: memref<2x1x1000x128xf32, #tpu.memory_space<vmem>>, %arg3: memref<2x1x1000x128xf32, #tpu.memory_space<vmem>>, %arg4: memref<2x128x256xf32, #tpu.memory_space<vmem>>, %arg5: memref<2x128x256xf32, #tpu.memory_space<vmem>>, %arg6: memref<1x256xf32, #tpu.memory_space<vmem>>, %arg7: memref<1x256xf32, #tpu.memory_space<vmem>>, %arg8: memref<1x256xf32, #tpu.memory_space<vmem>>, %arg9: memref<2x1000x128xf32, #tpu.memory_space<vmem>>) attributes {dimension_semantics = [#tpu.dimension_semantics<arbitrary>], iteration_bounds = array<i64: 10>, scalar_prefetch = 0 : i64, scratch_operands = 0 : i64, tpu.core_type = #tpu.core_type<tc>, window_params = [{transform_indices = @transform_0, window_bounds = array<i64: 2, 1000, 128>}, {transform_indices = @transform_1, window_bounds = array<i64: 2, 1, 1000, 128>}, {transform_indices = @transform_2, window_bounds = array<i64: 2, 1, 1000, 128>}, {pipeline_mode = #tpu.pipeline_mode<synchronous>, transform_indices = @transform_3, window_bounds = array<i64: 2, 128, 256>}, {pipeline_mode = #tpu.pipeline_mode<synchronous>, transform_indices = @transform_4, window_bounds = array<i64: 2, 128, 256>}, {pipeline_mode = #tpu.pipeline_mode<synchronous>, transform_indices = @transform_5, window_bounds = array<i64: 1, 256>}, {pipeline_mode = #tpu.pipeline_mode<synchronous>, transform_indices = @transform_6, window_bounds = array<i64: 1, 256>}, {pipeline_mode = #tpu.pipeline_mode<synchronous>, transform_indices = @transform_7, window_bounds = array<i64: 1, 256>}, {transform_indices = @transform_8, window_bounds = array<i64: 2, 1000, 128>}]} {
    %get3A = arith.constant 0 : index
    %get3A_0 = arith.constant 0 : index
    %get3A_1 = arith.constant 0 : index
    %get3A_2 = arith.constant 0 : index
    %get3A_3 = vector.load %arg3[%get3A, %get3A_0, %get3A_1, %get3A_2] : memref<2x1x1000x128xf32, #tpu.memory_space<vmem>>, vector<1x1x1000x128xf32>
    %get3A_4 = vector.shape_cast %get3A_3 : vector<1x1x1000x128xf32> to vector<1000x128xf32>
    %max3A = arith.constant 1.000000e+00 : f32
    %max3A_5 = vector.broadcast %max3A : f32 to vector<1000x128xf32>
    %max3A_6 = arith.maximumf %get3A_4, %max3A_5 : vector<1000x128xf32>
    %div3A = arith.constant 1.000000e+00 : f32
    %div3A_7 = vector.broadcast %div3A : f32 to vector<1000x128xf32>
    %div3A_8 = arith.divf %div3A_7, %max3A_6 : vector<1000x128xf32>
    %get3A_9 = arith.constant 0 : index
    %get3A_10 = arith.constant 0 : index
    %get3A_11 = arith.constant 0 : index
    %get3A_12 = vector.load %arg1[%get3A_9, %get3A_10, %get3A_11] : memref<2x1000x128xf32, #tpu.memory_space<vmem>>, vector<1x1000x128xf32>
    %get3A_13 = vector.shape_cast %get3A_12 : vector<1x1000x128xf32> to vector<1000x128xf32>
    %get3A_14 = arith.constant 0 : index
    %get3A_15 = arith.constant 0 : index
    %get3A_16 = arith.constant 0 : index
    %get3A_17 = vector.load %arg4[%get3A_14, %get3A_15, %get3A_16] : memref<2x128x256xf32, #tpu.memory_space<vmem>>, vector<1x128x256xf32>
    %get3A_18 = vector.shape_cast %get3A_17 : vector<1x128x256xf32> to vector<128x256xf32>
    %dot_general3A = arith.constant dense<0.000000e+00> : vector<1000x256xf32>
    %dot_general3A_19 = tpu.matmul %get3A_13, %get3A_18, %dot_general3A {dimension_numbers = #tpu.dot_dimension_numbers<[1], [0], [0], [1], [0, 0, 1, 1], [], []>, transpose_lhs_hint = false} : vector<1000x128xf32>, vector<128x256xf32>, vector<1000x256xf32> -> vector<1000x256xf32>
    %get3A_20 = arith.constant 1 : index
    %get3A_21 = arith.constant 0 : index
    %get3A_22 = arith.constant 0 : index
    %get3A_23 = vector.load %arg1[%get3A_20, %get3A_21, %get3A_22] : memref<2x1000x128xf32, #tpu.memory_space<vmem>>, vector<1x1000x128xf32>
    %get3A_24 = vector.shape_cast %get3A_23 : vector<1x1000x128xf32> to vector<1000x128xf32>
    %get3A_25 = arith.constant 1 : index
    %get3A_26 = arith.constant 0 : index
    %get3A_27 = arith.constant 0 : index
    %get3A_28 = vector.load %arg4[%get3A_25, %get3A_26, %get3A_27] : memref<2x128x256xf32, #tpu.memory_space<vmem>>, vector<1x128x256xf32>
    %get3A_29 = vector.shape_cast %get3A_28 : vector<1x128x256xf32> to vector<128x256xf32>
    %dot_general3A_30 = arith.constant dense<0.000000e+00> : vector<1000x256xf32>
    %dot_general3A_31 = tpu.matmul %get3A_24, %get3A_29, %dot_general3A_30 {dimension_numbers = #tpu.dot_dimension_numbers<[1], [0], [0], [1], [0, 0, 1, 1], [], []>, transpose_lhs_hint = false} : vector<1000x128xf32>, vector<128x256xf32>, vector<1000x256xf32> -> vector<1000x256xf32>
    %add3A = arith.addf %dot_general3A_19, %dot_general3A_31 : vector<1000x256xf32>
    %get3A_32 = arith.constant 0 : index
    %get3A_33 = arith.constant 0 : index
    %get3A_34 = arith.constant 0 : index
    %get3A_35 = arith.constant 0 : index
    %get3A_36 = vector.load %arg2[%get3A_32, %get3A_33, %get3A_34, %get3A_35] : memref<2x1x1000x128xf32, #tpu.memory_space<vmem>>, vector<1x1x1000x128xf32>
    %get3A_37 = vector.shape_cast %get3A_36 : vector<1x1x1000x128xf32> to vector<1000x128xf32>
    %mul3A = arith.mulf %get3A_37, %div3A_8 : vector<1000x128xf32>
    %get3A_38 = arith.constant 0 : index
    %get3A_39 = arith.constant 0 : index
    %get3A_40 = arith.constant 0 : index
    %get3A_41 = vector.load %arg5[%get3A_38, %get3A_39, %get3A_40] : memref<2x128x256xf32, #tpu.memory_space<vmem>>, vector<1x128x256xf32>
    %get3A_42 = vector.shape_cast %get3A_41 : vector<1x128x256xf32> to vector<128x256xf32>
    %dot_general3A_43 = arith.constant dense<0.000000e+00> : vector<1000x256xf32>
    %dot_general3A_44 = tpu.matmul %mul3A, %get3A_42, %dot_general3A_43 {dimension_numbers = #tpu.dot_dimension_numbers<[1], [0], [0], [1], [0, 0, 1, 1], [], []>, transpose_lhs_hint = false} : vector<1000x128xf32>, vector<128x256xf32>, vector<1000x256xf32> -> vector<1000x256xf32>
    %add3A_45 = arith.addf %add3A, %dot_general3A_44 : vector<1000x256xf32>
    %get3A_46 = arith.constant 1 : index
    %get3A_47 = arith.constant 0 : index
    %get3A_48 = arith.constant 0 : index
    %get3A_49 = arith.constant 0 : index
    %get3A_50 = vector.load %arg2[%get3A_46, %get3A_47, %get3A_48, %get3A_49] : memref<2x1x1000x128xf32, #tpu.memory_space<vmem>>, vector<1x1x1000x128xf32>
    %get3A_51 = vector.shape_cast %get3A_50 : vector<1x1x1000x128xf32> to vector<1000x128xf32>
    %mul3A_52 = arith.mulf %get3A_51, %div3A_8 : vector<1000x128xf32>
    %get3A_53 = arith.constant 1 : index
    %get3A_54 = arith.constant 0 : index
    %get3A_55 = arith.constant 0 : index
    %get3A_56 = vector.load %arg5[%get3A_53, %get3A_54, %get3A_55] : memref<2x128x256xf32, #tpu.memory_space<vmem>>, vector<1x128x256xf32>
    %get3A_57 = vector.shape_cast %get3A_56 : vector<1x128x256xf32> to vector<128x256xf32>
    %dot_general3A_58 = arith.constant dense<0.000000e+00> : vector<1000x256xf32>
    %dot_general3A_59 = tpu.matmul %mul3A_52, %get3A_57, %dot_general3A_58 {dimension_numbers = #tpu.dot_dimension_numbers<[1], [0], [0], [1], [0, 0, 1, 1], [], []>, transpose_lhs_hint = false} : vector<1000x128xf32>, vector<128x256xf32>, vector<1000x256xf32> -> vector<1000x256xf32>
    %add3A_60 = arith.addf %add3A_45, %dot_general3A_59 : vector<1000x256xf32>
    %get3A_61 = arith.constant 0 : index
    %get3A_62 = arith.constant 0 : index
    %get3A_63 = vector.load %arg6[%get3A_61, %get3A_62] : memref<1x256xf32, #tpu.memory_space<vmem>>, vector<1x256xf32>
    %add3A_64 = vector.broadcast %get3A_63 : vector<1x256xf32> to vector<1000x256xf32>
    %add3A_65 = arith.addf %add3A_60, %add3A_64 : vector<1000x256xf32>
    %reduce_sum3A = arith.constant dense<0.000000e+00> : vector<1000xf32>
    %reduce_sum3A_66 = vector.multi_reduction <add>, %add3A_65, %reduce_sum3A [1] : vector<1000x256xf32> to vector<1000xf32>
    %broadcast_in_dim3A = vector.shape_cast %reduce_sum3A_66 : vector<1000xf32> to vector<1000x1xf32>
    %div3A_67 = arith.constant 2.560000e+02 : f32
    %div3A_68 = vector.broadcast %div3A_67 : f32 to vector<1000x1xf32>
    %div3A_69 = arith.divf %broadcast_in_dim3A, %div3A_68 : vector<1000x1xf32>
    %sub3A = vector.broadcast %div3A_69 : vector<1000x1xf32> to vector<1000x256xf32>
    %sub3A_70 = arith.subf %add3A_65, %sub3A : vector<1000x256xf32>
    %integer_pow3A = arith.mulf %sub3A_70, %sub3A_70 : vector<1000x256xf32>
    %reduce_sum3A_71 = arith.constant dense<0.000000e+00> : vector<1000xf32>
    %reduce_sum3A_72 = vector.multi_reduction <add>, %integer_pow3A, %reduce_sum3A_71 [1] : vector<1000x256xf32> to vector<1000xf32>
    %broadcast_in_dim3A_73 = vector.shape_cast %reduce_sum3A_72 : vector<1000xf32> to vector<1000x1xf32>
    %div3A_74 = arith.constant 2.560000e+02 : f32
    %div3A_75 = vector.broadcast %div3A_74 : f32 to vector<1000x1xf32>
    %div3A_76 = arith.divf %broadcast_in_dim3A_73, %div3A_75 : vector<1000x1xf32>
    %sub3A_77 = vector.broadcast %div3A_69 : vector<1000x1xf32> to vector<1000x256xf32>
    %sub3A_78 = arith.subf %add3A_65, %sub3A_77 : vector<1000x256xf32>
    %add3A_79 = arith.constant 9.99999974E-6 : f32
    %add3A_80 = vector.broadcast %add3A_79 : f32 to vector<1000x1xf32>
    %add3A_81 = arith.addf %div3A_76, %add3A_80 : vector<1000x1xf32>
    %rsqrt3A = math.rsqrt %add3A_81 : vector<1000x1xf32>
    %mul3A_82 = vector.broadcast %rsqrt3A : vector<1000x1xf32> to vector<1000x256xf32>
    %mul3A_83 = arith.mulf %sub3A_78, %mul3A_82 : vector<1000x256xf32>
    %get3A_84 = arith.constant 0 : index
    %get3A_85 = arith.constant 0 : index
    %get3A_86 = vector.load %arg7[%get3A_84, %get3A_85] : memref<1x256xf32, #tpu.memory_space<vmem>>, vector<1x256xf32>
    %mul3A_87 = vector.broadcast %get3A_86 : vector<1x256xf32> to vector<1000x256xf32>
    %mul3A_88 = arith.mulf %mul3A_83, %mul3A_87 : vector<1000x256xf32>
    %get3A_89 = arith.constant 0 : index
    %get3A_90 = arith.constant 0 : index
    %get3A_91 = vector.load %arg8[%get3A_89, %get3A_90] : memref<1x256xf32, #tpu.memory_space<vmem>>, vector<1x256xf32>
    %add3A_92 = vector.broadcast %get3A_91 : vector<1x256xf32> to vector<1000x256xf32>
    %add3A_93 = arith.addf %mul3A_88, %add3A_92 : vector<1000x256xf32>
    %max3A_94 = arith.constant 0.000000e+00 : f32
    %max3A_95 = vector.broadcast %max3A_94 : f32 to vector<1000x256xf32>
    %max3A_96 = arith.maximumf %add3A_93, %max3A_95 : vector<1000x256xf32>
    %slice3A = vector.extract_strided_slice %max3A_96 {offsets = [0, 0], sizes = [1000, 128], strides = [1, 1]} : vector<1000x256xf32> to vector<1000x128xf32>
    %swap3A = arith.constant 0 : index
    %swap3A_97 = arith.constant 0 : index
    %swap3A_98 = arith.constant 0 : index
    %swap3A_99 = vector.load %arg9[%swap3A, %swap3A_97, %swap3A_98] : memref<2x1000x128xf32, #tpu.memory_space<vmem>>, vector<1x1000x128xf32>
    %swap3A_100 = vector.shape_cast %swap3A_99 : vector<1x1000x128xf32> to vector<1000x128xf32>
    %swap3A_101 = vector.shape_cast %slice3A : vector<1000x128xf32> to vector<1x1000x128xf32>
    tpu.vector_store %arg9[%swap3A, %swap3A_97, %swap3A_98], %swap3A_101 {strides = array<i32>} : memref<2x1000x128xf32, #tpu.memory_space<vmem>>, vector<1x1000x128xf32>,
    %slice3A_102 = vector.extract_strided_slice %max3A_96 {offsets = [0, 128], sizes = [1000, 128], strides = [1, 1]} : vector<1000x256xf32> to vector<1000x128xf32>
    %swap3A_103 = arith.constant 1 : index
    %swap3A_104 = arith.constant 0 : index
    %swap3A_105 = arith.constant 0 : index
    %swap3A_106 = vector.load %arg9[%swap3A_103, %swap3A_104, %swap3A_105] : memref<2x1000x128xf32, #tpu.memory_space<vmem>>, vector<1x1000x128xf32>
    %swap3A_107 = vector.shape_cast %swap3A_106 : vector<1x1000x128xf32> to vector<1000x128xf32>
    %swap3A_108 = vector.shape_cast %slice3A_102 : vector<1000x128xf32> to vector<1x1000x128xf32>
    tpu.vector_store %arg9[%swap3A_103, %swap3A_104, %swap3A_105], %swap3A_108 {strides = array<i32>} : memref<2x1000x128xf32, #tpu.memory_space<vmem>>, vector<1x1000x128xf32>,
    return
  }
  func.func @transform_0(%arg0: i32) -> (i32, i32, i32) {
    %c0_i32 = arith.constant 0 : i32
    %c0_i32_0 = arith.constant 0 : i32
    %c0_i32_1 = arith.constant 0 : i32
    return %c0_i32, %arg0, %c0_i32_0 : i32, i32, i32
  }
  func.func @transform_1(%arg0: i32) -> (i32, i32, i32, i32) {
    %jit3A = arith.constant 3 : i32
    %div3A = arith.divsi %arg0, %jit3A : i32
    %sign3A = arith.constant 0 : i32
    %sign3A_0 = arith.cmpi sgt, %arg0, %sign3A : i32
    %sign3A_1 = arith.extui %sign3A_0 : i1 to i32
    %sign3A_2 = arith.constant 0 : i32
    %sign3A_3 = arith.cmpi slt, %arg0, %sign3A_2 : i32
    %sign3A_4 = arith.extui %sign3A_3 : i1 to i32
    %sign3A_5 = arith.subi %sign3A_1, %sign3A_4 : i32
    %sign3A_6 = arith.constant 0 : i32
    %sign3A_7 = arith.cmpi sgt, %jit3A, %sign3A_6 : i32
    %sign3A_8 = arith.extui %sign3A_7 : i1 to i32
    %sign3A_9 = arith.constant 0 : i32
    %sign3A_10 = arith.cmpi slt, %jit3A, %sign3A_9 : i32
    %sign3A_11 = arith.extui %sign3A_10 : i1 to i32
    %sign3A_12 = arith.subi %sign3A_8, %sign3A_11 : i32
    %ne3A = arith.cmpi ne, %sign3A_5, %sign3A_12 : i32
    %rem3A = arith.remsi %arg0, %jit3A : i32
    %ne3A_13 = arith.constant 0 : i32
    %ne3A_14 = arith.cmpi ne, %rem3A, %ne3A_13 : i32
    %and3A = arith.andi %ne3A, %ne3A_14 : i1
    %sub3A = arith.constant 1 : i32
    %sub3A_15 = arith.subi %div3A, %sub3A : i32
    %select_n3A = arith.select %and3A, %sub3A_15, %div3A : i32
    %jit3A_16 = arith.constant 3 : i32
    %eq3A = arith.constant 0 : i32
    %eq3A_17 = arith.cmpi eq, %jit3A_16, %eq3A : i32
    %jit3A_18 = arith.constant 1 : i32
    %select_n3A_19 = arith.select %eq3A_17, %jit3A_18, %jit3A_16 : i32
    %rem3A_20 = arith.remsi %arg0, %select_n3A_19 : i32
    %ne3A_21 = arith.constant 0 : i32
    %ne3A_22 = arith.cmpi ne, %rem3A_20, %ne3A_21 : i32
    %lt3A = arith.constant 0 : i32
    %lt3A_23 = arith.cmpi slt, %rem3A_20, %lt3A : i32
    %lt3A_24 = arith.constant 0 : i32
    %lt3A_25 = arith.cmpi slt, %select_n3A_19, %lt3A_24 : i32
    %ne3A_26 = arith.xori %lt3A_23, %lt3A_25 : i1
    %and3A_27 = arith.andi %ne3A_26, %ne3A_22 : i1
    %add3A = arith.addi %rem3A_20, %select_n3A_19 : i32
    %select_n3A_28 = arith.select %and3A_27, %add3A, %rem3A_20 : i32
    %c0_i32 = arith.constant 0 : i32
    %c0_i32_29 = arith.constant 0 : i32
    %c0_i32_30 = arith.constant 0 : i32
    return %c0_i32, %select_n3A, %select_n3A_28, %c0_i32_29 : i32, i32, i32, i32
  }
  func.func @transform_2(%arg0: i32) -> (i32, i32, i32, i32) {
    %jit3A = arith.constant 3 : i32
    %div3A = arith.divsi %arg0, %jit3A : i32
    %sign3A = arith.constant 0 : i32
    %sign3A_0 = arith.cmpi sgt, %arg0, %sign3A : i32
    %sign3A_1 = arith.extui %sign3A_0 : i1 to i32
    %sign3A_2 = arith.constant 0 : i32
    %sign3A_3 = arith.cmpi slt, %arg0, %sign3A_2 : i32
    %sign3A_4 = arith.extui %sign3A_3 : i1 to i32
    %sign3A_5 = arith.subi %sign3A_1, %sign3A_4 : i32
    %sign3A_6 = arith.constant 0 : i32
    %sign3A_7 = arith.cmpi sgt, %jit3A, %sign3A_6 : i32
    %sign3A_8 = arith.extui %sign3A_7 : i1 to i32
    %sign3A_9 = arith.constant 0 : i32
    %sign3A_10 = arith.cmpi slt, %jit3A, %sign3A_9 : i32
    %sign3A_11 = arith.extui %sign3A_10 : i1 to i32
    %sign3A_12 = arith.subi %sign3A_8, %sign3A_11 : i32
    %ne3A = arith.cmpi ne, %sign3A_5, %sign3A_12 : i32
    %rem3A = arith.remsi %arg0, %jit3A : i32
    %ne3A_13 = arith.constant 0 : i32
    %ne3A_14 = arith.cmpi ne, %rem3A, %ne3A_13 : i32
    %and3A = arith.andi %ne3A, %ne3A_14 : i1
    %sub3A = arith.constant 1 : i32
    %sub3A_15 = arith.subi %div3A, %sub3A : i32
    %select_n3A = arith.select %and3A, %sub3A_15, %div3A : i32
    %jit3A_16 = arith.constant 3 : i32
    %eq3A = arith.constant 0 : i32
    %eq3A_17 = arith.cmpi eq, %jit3A_16, %eq3A : i32
    %jit3A_18 = arith.constant 1 : i32
    %select_n3A_19 = arith.select %eq3A_17, %jit3A_18, %jit3A_16 : i32
    %rem3A_20 = arith.remsi %arg0, %select_n3A_19 : i32
    %ne3A_21 = arith.constant 0 : i32
    %ne3A_22 = arith.cmpi ne, %rem3A_20, %ne3A_21 : i32
    %lt3A = arith.constant 0 : i32
    %lt3A_23 = arith.cmpi slt, %rem3A_20, %lt3A : i32
    %lt3A_24 = arith.constant 0 : i32
    %lt3A_25 = arith.cmpi slt, %select_n3A_19, %lt3A_24 : i32
    %ne3A_26 = arith.xori %lt3A_23, %lt3A_25 : i1
    %and3A_27 = arith.andi %ne3A_26, %ne3A_22 : i1
    %add3A = arith.addi %rem3A_20, %select_n3A_19 : i32
    %select_n3A_28 = arith.select %and3A_27, %add3A, %rem3A_20 : i32
    %c0_i32 = arith.constant 0 : i32
    %c0_i32_29 = arith.constant 0 : i32
    %c0_i32_30 = arith.constant 0 : i32
    return %c0_i32, %select_n3A, %select_n3A_28, %c0_i32_29 : i32, i32, i32, i32
  }
  func.func @transform_3(%arg0: i32) -> (i32, i32, i32) {
    %c0_i32 = arith.constant 0 : i32
    %c0_i32_0 = arith.constant 0 : i32
    %c0_i32_1 = arith.constant 0 : i32
    %c0_i32_2 = arith.constant 0 : i32
    return %c0_i32, %c0_i32_0, %c0_i32_1 : i32, i32, i32
  }
  func.func @transform_4(%arg0: i32) -> (i32, i32, i32) {
    %c0_i32 = arith.constant 0 : i32
    %c0_i32_0 = arith.constant 0 : i32
    %c0_i32_1 = arith.constant 0 : i32
    %c0_i32_2 = arith.constant 0 : i32
    return %c0_i32, %c0_i32_0, %c0_i32_1 : i32, i32, i32
  }
  func.func @transform_5(%arg0: i32) -> (i32, i32) {
    %c0_i32 = arith.constant 0 : i32
    %c0_i32_0 = arith.constant 0 : i32
    %c0_i32_1 = arith.constant 0 : i32
    return %c0_i32, %c0_i32_0 : i32, i32
  }
  func.func @transform_6(%arg0: i32) -> (i32, i32) {
    %c0_i32 = arith.constant 0 : i32
    %c0_i32_0 = arith.constant 0 : i32
    %c0_i32_1 = arith.constant 0 : i32
    return %c0_i32, %c0_i32_0 : i32, i32
  }
  func.func @transform_7(%arg0: i32) -> (i32, i32) {
    %c0_i32 = arith.constant 0 : i32
    %c0_i32_0 = arith.constant 0 : i32
    %c0_i32_1 = arith.constant 0 : i32
    return %c0_i32, %c0_i32_0 : i32, i32
  }
  func.func @transform_8(%arg0: i32) -> (i32, i32, i32) {
    %c0_i32 = arith.constant 0 : i32
    %c0_i32_0 = arith.constant 0 : i32
    %c0_i32_1 = arith.constant 0 : i32
    return %c0_i32, %arg0, %c0_i32_0 : i32, i32, i32
  }
}

module attributes {stable_mosaic.version = 14 : i64} {
  func.func @_head_body(%arg0: i32, %arg1: memref<2x1000x128xf32, #tpu.memory_space<vmem>>, %arg2: memref<2x128x256xf32, #tpu.memory_space<vmem>>, %arg3: memref<1x256xf32, #tpu.memory_space<vmem>>, %arg4: memref<1x256xf32, #tpu.memory_space<vmem>>, %arg5: memref<256x128xf32, #tpu.memory_space<vmem>>, %arg6: memref<1x128xf32, #tpu.memory_space<vmem>>, %arg7: memref<1x128xf32, #tpu.memory_space<vmem>>, %arg8: memref<1000x128xf32, #tpu.memory_space<vmem>>) attributes {dimension_semantics = [#tpu.dimension_semantics<arbitrary>], iteration_bounds = array<i64: 10>, scalar_prefetch = 0 : i64, scratch_operands = 0 : i64, tpu.core_type = #tpu.core_type<tc>, window_params = [{transform_indices = @transform_0, window_bounds = array<i64: 2, 1000, 128>}, {pipeline_mode = #tpu.pipeline_mode<synchronous>, transform_indices = @transform_1, window_bounds = array<i64: 2, 128, 256>}, {pipeline_mode = #tpu.pipeline_mode<synchronous>, transform_indices = @transform_2, window_bounds = array<i64: 1, 256>}, {pipeline_mode = #tpu.pipeline_mode<synchronous>, transform_indices = @transform_3, window_bounds = array<i64: 1, 256>}, {pipeline_mode = #tpu.pipeline_mode<synchronous>, transform_indices = @transform_4, window_bounds = array<i64: 256, 128>}, {pipeline_mode = #tpu.pipeline_mode<synchronous>, transform_indices = @transform_5, window_bounds = array<i64: 1, 128>}, {pipeline_mode = #tpu.pipeline_mode<synchronous>, transform_indices = @transform_6, window_bounds = array<i64: 1, 128>}, {transform_indices = @transform_7, window_bounds = array<i64: 1000, 128>}]} {
    %get3A = arith.constant 0 : index
    %get3A_0 = arith.constant 0 : index
    %get3A_1 = arith.constant 0 : index
    %get3A_2 = vector.load %arg1[%get3A, %get3A_0, %get3A_1] : memref<2x1000x128xf32, #tpu.memory_space<vmem>>, vector<1x1000x128xf32>
    %get3A_3 = vector.shape_cast %get3A_2 : vector<1x1000x128xf32> to vector<1000x128xf32>
    %get3A_4 = arith.constant 0 : index
    %get3A_5 = arith.constant 0 : index
    %get3A_6 = arith.constant 0 : index
    %get3A_7 = vector.load %arg2[%get3A_4, %get3A_5, %get3A_6] : memref<2x128x256xf32, #tpu.memory_space<vmem>>, vector<1x128x256xf32>
    %get3A_8 = vector.shape_cast %get3A_7 : vector<1x128x256xf32> to vector<128x256xf32>
    %dot_general3A = arith.constant dense<0.000000e+00> : vector<1000x256xf32>
    %dot_general3A_9 = tpu.matmul %get3A_3, %get3A_8, %dot_general3A {dimension_numbers = #tpu.dot_dimension_numbers<[1], [0], [0], [1], [0, 0, 1, 1], [], []>, transpose_lhs_hint = false} : vector<1000x128xf32>, vector<128x256xf32>, vector<1000x256xf32> -> vector<1000x256xf32>
    %get3A_10 = arith.constant 1 : index
    %get3A_11 = arith.constant 0 : index
    %get3A_12 = arith.constant 0 : index
    %get3A_13 = vector.load %arg1[%get3A_10, %get3A_11, %get3A_12] : memref<2x1000x128xf32, #tpu.memory_space<vmem>>, vector<1x1000x128xf32>
    %get3A_14 = vector.shape_cast %get3A_13 : vector<1x1000x128xf32> to vector<1000x128xf32>
    %get3A_15 = arith.constant 1 : index
    %get3A_16 = arith.constant 0 : index
    %get3A_17 = arith.constant 0 : index
    %get3A_18 = vector.load %arg2[%get3A_15, %get3A_16, %get3A_17] : memref<2x128x256xf32, #tpu.memory_space<vmem>>, vector<1x128x256xf32>
    %get3A_19 = vector.shape_cast %get3A_18 : vector<1x128x256xf32> to vector<128x256xf32>
    %dot_general3A_20 = arith.constant dense<0.000000e+00> : vector<1000x256xf32>
    %dot_general3A_21 = tpu.matmul %get3A_14, %get3A_19, %dot_general3A_20 {dimension_numbers = #tpu.dot_dimension_numbers<[1], [0], [0], [1], [0, 0, 1, 1], [], []>, transpose_lhs_hint = false} : vector<1000x128xf32>, vector<128x256xf32>, vector<1000x256xf32> -> vector<1000x256xf32>
    %add3A = arith.addf %dot_general3A_9, %dot_general3A_21 : vector<1000x256xf32>
    %reduce_sum3A = arith.constant dense<0.000000e+00> : vector<1000xf32>
    %reduce_sum3A_22 = vector.multi_reduction <add>, %add3A, %reduce_sum3A [1] : vector<1000x256xf32> to vector<1000xf32>
    %broadcast_in_dim3A = vector.shape_cast %reduce_sum3A_22 : vector<1000xf32> to vector<1000x1xf32>
    %div3A = arith.constant 2.560000e+02 : f32
    %div3A_23 = vector.broadcast %div3A : f32 to vector<1000x1xf32>
    %div3A_24 = arith.divf %broadcast_in_dim3A, %div3A_23 : vector<1000x1xf32>
    %sub3A = vector.broadcast %div3A_24 : vector<1000x1xf32> to vector<1000x256xf32>
    %sub3A_25 = arith.subf %add3A, %sub3A : vector<1000x256xf32>
    %integer_pow3A = arith.mulf %sub3A_25, %sub3A_25 : vector<1000x256xf32>
    %reduce_sum3A_26 = arith.constant dense<0.000000e+00> : vector<1000xf32>
    %reduce_sum3A_27 = vector.multi_reduction <add>, %integer_pow3A, %reduce_sum3A_26 [1] : vector<1000x256xf32> to vector<1000xf32>
    %broadcast_in_dim3A_28 = vector.shape_cast %reduce_sum3A_27 : vector<1000xf32> to vector<1000x1xf32>
    %div3A_29 = arith.constant 2.560000e+02 : f32
    %div3A_30 = vector.broadcast %div3A_29 : f32 to vector<1000x1xf32>
    %div3A_31 = arith.divf %broadcast_in_dim3A_28, %div3A_30 : vector<1000x1xf32>
    %sub3A_32 = vector.broadcast %div3A_24 : vector<1000x1xf32> to vector<1000x256xf32>
    %sub3A_33 = arith.subf %add3A, %sub3A_32 : vector<1000x256xf32>
    %add3A_34 = arith.constant 9.99999974E-6 : f32
    %add3A_35 = vector.broadcast %add3A_34 : f32 to vector<1000x1xf32>
    %add3A_36 = arith.addf %div3A_31, %add3A_35 : vector<1000x1xf32>
    %rsqrt3A = math.rsqrt %add3A_36 : vector<1000x1xf32>
    %mul3A = vector.broadcast %rsqrt3A : vector<1000x1xf32> to vector<1000x256xf32>
    %mul3A_37 = arith.mulf %sub3A_33, %mul3A : vector<1000x256xf32>
    %get3A_38 = arith.constant 0 : index
    %get3A_39 = arith.constant 0 : index
    %get3A_40 = vector.load %arg3[%get3A_38, %get3A_39] : memref<1x256xf32, #tpu.memory_space<vmem>>, vector<1x256xf32>
    %mul3A_41 = vector.broadcast %get3A_40 : vector<1x256xf32> to vector<1000x256xf32>
    %mul3A_42 = arith.mulf %mul3A_37, %mul3A_41 : vector<1000x256xf32>
    %get3A_43 = arith.constant 0 : index
    %get3A_44 = arith.constant 0 : index
    %get3A_45 = vector.load %arg4[%get3A_43, %get3A_44] : memref<1x256xf32, #tpu.memory_space<vmem>>, vector<1x256xf32>
    %add3A_46 = vector.broadcast %get3A_45 : vector<1x256xf32> to vector<1000x256xf32>
    %add3A_47 = arith.addf %mul3A_42, %add3A_46 : vector<1000x256xf32>
    %max3A = arith.constant 0.000000e+00 : f32
    %max3A_48 = vector.broadcast %max3A : f32 to vector<1000x256xf32>
    %max3A_49 = arith.maximumf %add3A_47, %max3A_48 : vector<1000x256xf32>
    %get3A_50 = arith.constant 0 : index
    %get3A_51 = arith.constant 0 : index
    %get3A_52 = vector.load %arg5[%get3A_50, %get3A_51] : memref<256x128xf32, #tpu.memory_space<vmem>>, vector<256x128xf32>
    %dot_general3A_53 = arith.constant dense<0.000000e+00> : vector<1000x128xf32>
    %dot_general3A_54 = tpu.matmul %max3A_49, %get3A_52, %dot_general3A_53 {dimension_numbers = #tpu.dot_dimension_numbers<[1], [0], [0], [1], [0, 0, 1, 1], [], []>, transpose_lhs_hint = false} : vector<1000x256xf32>, vector<256x128xf32>, vector<1000x128xf32> -> vector<1000x128xf32>
    %reduce_sum3A_55 = arith.constant dense<0.000000e+00> : vector<1000xf32>
    %reduce_sum3A_56 = vector.multi_reduction <add>, %dot_general3A_54, %reduce_sum3A_55 [1] : vector<1000x128xf32> to vector<1000xf32>
    %broadcast_in_dim3A_57 = vector.shape_cast %reduce_sum3A_56 : vector<1000xf32> to vector<1000x1xf32>
    %div3A_58 = arith.constant 1.280000e+02 : f32
    %div3A_59 = vector.broadcast %div3A_58 : f32 to vector<1000x1xf32>
    %div3A_60 = arith.divf %broadcast_in_dim3A_57, %div3A_59 : vector<1000x1xf32>
    %sub3A_61 = vector.broadcast %div3A_60 : vector<1000x1xf32> to vector<1000x128xf32>
    %sub3A_62 = arith.subf %dot_general3A_54, %sub3A_61 : vector<1000x128xf32>
    %integer_pow3A_63 = arith.mulf %sub3A_62, %sub3A_62 : vector<1000x128xf32>
    %reduce_sum3A_64 = arith.constant dense<0.000000e+00> : vector<1000xf32>
    %reduce_sum3A_65 = vector.multi_reduction <add>, %integer_pow3A_63, %reduce_sum3A_64 [1] : vector<1000x128xf32> to vector<1000xf32>
    %broadcast_in_dim3A_66 = vector.shape_cast %reduce_sum3A_65 : vector<1000xf32> to vector<1000x1xf32>
    %div3A_67 = arith.constant 1.280000e+02 : f32
    %div3A_68 = vector.broadcast %div3A_67 : f32 to vector<1000x1xf32>
    %div3A_69 = arith.divf %broadcast_in_dim3A_66, %div3A_68 : vector<1000x1xf32>
    %sub3A_70 = vector.broadcast %div3A_60 : vector<1000x1xf32> to vector<1000x128xf32>
    %sub3A_71 = arith.subf %dot_general3A_54, %sub3A_70 : vector<1000x128xf32>
    %add3A_72 = arith.constant 9.99999974E-6 : f32
    %add3A_73 = vector.broadcast %add3A_72 : f32 to vector<1000x1xf32>
    %add3A_74 = arith.addf %div3A_69, %add3A_73 : vector<1000x1xf32>
    %rsqrt3A_75 = math.rsqrt %add3A_74 : vector<1000x1xf32>
    %mul3A_76 = vector.broadcast %rsqrt3A_75 : vector<1000x1xf32> to vector<1000x128xf32>
    %mul3A_77 = arith.mulf %sub3A_71, %mul3A_76 : vector<1000x128xf32>
    %get3A_78 = arith.constant 0 : index
    %get3A_79 = arith.constant 0 : index
    %get3A_80 = vector.load %arg6[%get3A_78, %get3A_79] : memref<1x128xf32, #tpu.memory_space<vmem>>, vector<1x128xf32>
    %mul3A_81 = vector.broadcast %get3A_80 : vector<1x128xf32> to vector<1000x128xf32>
    %mul3A_82 = arith.mulf %mul3A_77, %mul3A_81 : vector<1000x128xf32>
    %get3A_83 = arith.constant 0 : index
    %get3A_84 = arith.constant 0 : index
    %get3A_85 = vector.load %arg7[%get3A_83, %get3A_84] : memref<1x128xf32, #tpu.memory_space<vmem>>, vector<1x128xf32>
    %add3A_86 = vector.broadcast %get3A_85 : vector<1x128xf32> to vector<1000x128xf32>
    %add3A_87 = arith.addf %mul3A_82, %add3A_86 : vector<1000x128xf32>
    %max3A_88 = arith.constant 0.000000e+00 : f32
    %max3A_89 = vector.broadcast %max3A_88 : f32 to vector<1000x128xf32>
    %max3A_90 = arith.maximumf %add3A_87, %max3A_89 : vector<1000x128xf32>
    %swap3A = arith.constant 0 : index
    %swap3A_91 = arith.constant 0 : index
    %swap3A_92 = vector.load %arg8[%swap3A, %swap3A_91] : memref<1000x128xf32, #tpu.memory_space<vmem>>, vector<1000x128xf32>
    tpu.vector_store %arg8[%swap3A, %swap3A_91], %max3A_90 {strides = array<i32>} : memref<1000x128xf32, #tpu.memory_space<vmem>>, vector<1000x128xf32>,
    return
  }
  func.func @transform_0(%arg0: i32) -> (i32, i32, i32) {
    %c0_i32 = arith.constant 0 : i32
    %c0_i32_0 = arith.constant 0 : i32
    %c0_i32_1 = arith.constant 0 : i32
    return %c0_i32, %arg0, %c0_i32_0 : i32, i32, i32
  }
  func.func @transform_1(%arg0: i32) -> (i32, i32, i32) {
    %c0_i32 = arith.constant 0 : i32
    %c0_i32_0 = arith.constant 0 : i32
    %c0_i32_1 = arith.constant 0 : i32
    %c0_i32_2 = arith.constant 0 : i32
    return %c0_i32, %c0_i32_0, %c0_i32_1 : i32, i32, i32
  }
  func.func @transform_2(%arg0: i32) -> (i32, i32) {
    %c0_i32 = arith.constant 0 : i32
    %c0_i32_0 = arith.constant 0 : i32
    %c0_i32_1 = arith.constant 0 : i32
    return %c0_i32, %c0_i32_0 : i32, i32
  }
  func.func @transform_3(%arg0: i32) -> (i32, i32) {
    %c0_i32 = arith.constant 0 : i32
    %c0_i32_0 = arith.constant 0 : i32
    %c0_i32_1 = arith.constant 0 : i32
    return %c0_i32, %c0_i32_0 : i32, i32
  }
  func.func @transform_4(%arg0: i32) -> (i32, i32) {
    %c0_i32 = arith.constant 0 : i32
    %c0_i32_0 = arith.constant 0 : i32
    %c0_i32_1 = arith.constant 0 : i32
    return %c0_i32, %c0_i32_0 : i32, i32
  }
  func.func @transform_5(%arg0: i32) -> (i32, i32) {
    %c0_i32 = arith.constant 0 : i32
    %c0_i32_0 = arith.constant 0 : i32
    %c0_i32_1 = arith.constant 0 : i32
    return %c0_i32, %c0_i32_0 : i32, i32
  }
  func.func @transform_6(%arg0: i32) -> (i32, i32) {
    %c0_i32 = arith.constant 0 : i32
    %c0_i32_0 = arith.constant 0 : i32
    %c0_i32_1 = arith.constant 0 : i32
    return %c0_i32, %c0_i32_0 : i32, i32
  }
  func.func @transform_7(%arg0: i32) -> (i32, i32) {
    %c0_i32 = arith.constant 0 : i32
    %c0_i32_0 = arith.constant 0 : i32
    return %arg0, %c0_i32 : i32, i32
  }
}

</mosaic_0001>

<sc_bundles>
// kernel: closed_call.13.cloned.1.call-start
scs
__scs_entry_jumppad:
0x0: {  	(pc) =	sbr.rel $0x88, $3  }
0x1: {  	(tag) =	ssettag $0x0;
	lr =	simm.s32 $0x1  }
0x2: {  	[smem:$0x3F94] =	sst lr;
	_ =	strace $0xD0000000  }
0x3: {  	_ = 	snop  }
0x4: {  	_ = 	snop  }
0x5: {  	_ = 	snop  }
0x6: {  	_ = 	snop  }
0x7: {  	_ = 	snop  }
__scs_overlays_trampoline_lowered:
0x8: {  	[smem:$0x3FA3] =	sst s0  }
0x9: {  	[smem:$0x3FA4] =	sst s1  }
0xa: {  	[smem:$0x3FA5] =	sst s2  }
0xb: {  	[smem:$0x3FA6] =	sst s3  }
0xc: {  	[smem:$0x3FA7] =	sst s4  }
0xd: {  	[smem:$0x3FA8] =	sst s5  }
0xe: {  	[smem:$0x3FA9] =	sst s6  }
0xf: {  	[smem:$0x3FAA] =	sst s7  }
0x10: {  	[smem:$0x3FAB] =	sst s8  }
0x11: {  	[smem:$0x3FAC] =	sst s9;
	s0 =	simm.s32 @!p0 $0x0  }
0x12: {  	s1 =	sld [smem:$0x3F92];
	s0 =	simm.s32 @p0 $0x1  }
0x13: {  	[smem:$0x3FAD] =	sst s0;
	s0 =	simm.s32 @!p1 $0x0  }
0x14: {  	s2 =	sld [smem:$0x3F91];
	s0 =	simm.s32 @p1 $0x1  }
0x15: {  	[smem:$0x3FAE] =	sst s0;
	s0 =	simm.s32 @!p2 $0x0  }
0x16: {  	s3 =	sld [smem:$0x3FDB];
	s0 =	simm.s32 @p2 $0x1  }
0x17: {  	s4 =	simm.s32 $0x1BF5;
	[smem:$0x3FB0] =	sst s0  }
0x18: {  	s0 =	sld [smem:$0x3F93];
	_ =	swait.ge [sflag:s4], $0x0  }
0x19: {  	s7 =	sld [smem:$0x3F94]  }
0x1a: {  	s8 =	sadd.s32 $0xFFFFE003, lr  }
0x1b: {  	s9 =	sadd.s32 $0xFFFFFEF7, lr;
	s5 =	simm.s32 $0xFFFFFFFF;
	p2 =	slt.u32 s8, $0xFFFFF086  }
0x1c: {  	p1 =	slt.u32 s9, $0xF7A;
	s5 =	simm.s32 @!p2 $0x0  }
0x1d: {  	s5 =	simm.s32 @p1 $0x1;
	p0 =	seq.s32 s7, s2  }
0x1e: {  	s7 =	smul.u32 @!p0 $0xF7A, s2;
	p2 =	seq.s32 @!p0 s5, $0x0  }
0x1f: {  	s9 =	smul.u32 $0xF7A, s1;
	s8 =	simm.s32 @!p0 $0x1BF5;
	p2 =	por !p2, p0  }
0x20: {  	[sflag:s8] =	ssyncset.s32 @!p0 $0xFFFFF086;
	s6 =	sadd.s32 @!p0 s3, s7;
	s7 =	simm.s32 @!p0 $0x108  }
0x21: {  	s3 =	sadd.s32 s3, s9;
	s6 =	sadd.s32 @!p0 $0x88, s6;
	s7 =	simm.s32 @p2 $0x1082  }
0x22: {  	[simem:s7], [sflag:s8] =	dma.local @!p0 [hbm:s6], $0xF7A  }
0x23: {  	s9 =	sor.u32 $0xD0000000, s2;
	s6 =	simm.s32 $0x108;
	_ =	swait.ge @!p0 [sflag:s8], $0x0  }
0x24: {  	s3 =	sadd.s32 $0x88, s3;
	s6 =	simm.s32 @!p1 $0x1082;
	[sflag:s4] =	ssyncset.s32 $0xFFFFF086  }
0x25: {  	[simem:s6], [sflag:s4] =	dma.local [hbm:s3], $0xF7A  }
0x26: {  	[smem:$0x3F94] =	sst s1;
	(tag) =	ssettag s2;
	_ =	strace s9  }
0x27: {  	s1 =	sld [smem:$0x3FA4]  }
0x28: {  	s2 =	sld [smem:$0x3FA5]  }
0x29: {  	s4 =	sld [smem:$0x3FA7]  }
0x2a: {  	p0 =	seq.s32 s5, $0x0;
	s5 =	sld [smem:$0x3FA8]  }
0x2b: {  	s6 =	sld [smem:$0x3FA9]  }
0x2c: {  	s7 =	sld [smem:$0x3FAA]  }
0x2d: {  	s3 =	simm.s32 $0x108;
	s8 =	sld [smem:$0x3FAB]  }
0x2e: {  	s3 =	simm.s32 @!p0 $0x1082;
	s9 =	sld [smem:$0x3FAC]  }
0x2f: {  	lr =	sadd.s32 s0, s3;
	s0 =	sld [smem:$0x3FA3]  }
0x30: {  	s3 =	sld [smem:$0x3FA6]  }
0x31: {  	[smem:$0x3FAF] =	sst s10  }
0x32: {  	s10 =	sld [smem:$0x3FAD];
	_ =	sdelay $0x3  }
0x33: {  	p0 =	seq.s32 s10, $0x1;
	s10 =	sld [smem:$0x3FAF];
	_ =	sdelay $0x3  }
0x34: {  	[smem:$0x3FAF] =	sst s10  }
0x35: {  	s10 =	sld [smem:$0x3FAE];
	_ =	sdelay $0x3  }
0x36: {  	p1 =	seq.s32 s10, $0x1;
	s10 =	sld [smem:$0x3FAF];
	_ =	sdelay $0x3  }
0x37: {  	[smem:$0x3FAF] =	sst s10  }
0x38: {  	s10 =	sld [smem:$0x3FB0]  }
0x39: {  	_ = 	snop;
	(pc) =	sbr.ind lr, $3  }
0x3a: {  	_ = 	snop  }
0x3b: {  	_ = 	snop  }
0x3c: {  	p2 =	seq.s32 s10, $0x1;
	s10 =	sld [smem:$0x3FAF]  }
0x3d: {  	_ =	shalt  }
0x3e: {  	_ =	shalt  }
0x3f: {  	_ =	shalt  }
0x40: {  	_ =	shalt  }
0x41: {  	_ =	shalt  }
0x42: {  	_ =	shalt  }
0x43: {  	_ =	shalt  }
0x44: {  	_ =	shalt  }
0x45: {  	_ =	shalt  }
0x46: {  	_ =	shalt  }
0x47: {  	_ =	shalt  }
0x48: {  	_ =	shalt  }
0x49: {  	_ =	shalt  }
0x4a: {  	_ =	shalt  }
0x4b: {  	_ =	shalt  }
0x4c: {  	_ =	shalt  }
0x4d: {  	_ =	shalt  }
0x4e: {  	_ =	shalt  }
0x4f: {  	_ =	shalt  }
0x50: {  	_ =	shalt  }
0x51: {  	_ =	shalt  }
0x52: {  	_ =	shalt  }
0x53: {  	_ =	shalt  }
0x54: {  	_ =	shalt  }
0x55: {  	_ =	shalt  }
0x56: {  	_ =	shalt  }
0x57: {  	_ =	shalt  }
0x58: {  	_ =	shalt  }
0x59: {  	_ =	shalt  }
0x5a: {  	_ =	shalt  }
0x5b: {  	_ =	shalt  }
0x5c: {  	_ =	shalt  }
0x5d: {  	_ =	shalt  }
0x5e: {  	_ =	shalt  }
0x5f: {  	_ =	shalt  }
0x60: {  	_ =	shalt  }
0x61: {  	_ =	shalt  }
0x62: {  	_ =	shalt  }
0x63: {  	_ =	shalt  }
0x64: {  	_ =	shalt  }
0x65: {  	_ =	shalt  }
0x66: {  	_ =	shalt  }
0x67: {  	_ =	shalt  }
0x68: {  	_ =	shalt  }
0x69: {  	_ =	shalt  }
0x6a: {  	_ =	shalt  }
0x6b: {  	_ =	shalt  }
0x6c: {  	_ =	shalt  }
0x6d: {  	_ =	shalt  }
0x6e: {  	_ =	shalt  }
0x6f: {  	_ =	shalt  }
0x70: {  	_ =	shalt  }
0x71: {  	_ =	shalt  }
0x72: {  	_ =	shalt  }
0x73: {  	_ =	shalt  }
0x74: {  	_ =	shalt  }
0x75: {  	_ =	shalt  }
0x76: {  	_ =	shalt  }
0x77: {  	_ =	shalt  }
0x78: {  	_ =	shalt  }
0x79: {  	_ =	shalt  }
0x7a: {  	_ =	shalt  }
0x7b: {  	_ =	shalt  }
0x7c: {  	_ =	shalt  }
0x7d: {  	_ =	shalt  }
0x7e: {  	_ =	shalt  }
0x7f: {  	_ =	shalt  }
0x80: {  	_ =	shalt  }
0x81: {  	_ =	shalt  }
0x82: {  	_ =	shalt  }
0x83: {  	_ =	shalt  }
0x84: {  	_ =	shalt  }
0x85: {  	_ =	shalt  }
0x86: {  	_ =	shalt  }
0x87: {  	_ =	shalt  }
.Lfunc_end0:
.L_simem_size_0:
called_computation_lowered:
.L_overlay_start_0:
0x88: {  	s2 =	sld [smem:$0x3FD9]  }
0x89: {  	s3 =	sld [smem:$0x3FFE];
	_ =	sdelay $0x1  }
0x8a: {  	s1 =	srdreg.scid  }
0x8b: {  	s0 =	sand.u32 $0x1, s1  }
0x8c: {  	s16 =	sshll.u32 s0, $0xA;
	s2 =	sadd.s32 s3, s2  }
0x8d: {  	s2 =	sadd.s32 s2, s16  }
0x8e: {  	[smem:$0x3FBB] =	sst s2  }
0x8f: {  	_ = 	snop  }
0x90: {  	(tm) =	ssettm $0x1  }
0x91: {  	s17 =	sld [smem:$0x3FFB];
	_ =	sdelay $0x3  }
0x92: {  	_ =	strace s17  }
0x93: {  	s2 =	sld [smem:$0x3FFC];
	_ =	sdelay $0x3  }
0x94: {  	_ =	strace s2  }
0x95: {  	s2 =	sld [smem:$0x3FFD];
	_ =	sdelay $0x3  }
0x96: {  	_ =	strace s2  }
0x97: {  	_ =	strace $0x8FFFFFFF  }
0x98: {  	s18 =	sld [smem:$0x3FDB];
	_ =	sdelay $0x1  }
0x99: {  	s19 =	simm.s32 $_scs_section_size  }
0x9a: {  	s4 =	simm.s32 $_size__tile_overlayer_lowered;
	s5 =	simm.s32 $_tile_overlayer_lowered  }
0x9b: {  	s22 =	simm.s32 $0x1BFF;
	s21 =	sshll.u32 s5, $0x1;
	s2 =	sadd.s32 s19, s18  }
0x9c: {  	s6 =	simm.s32 $0x0;
	s20 =	sshll.u32 s4, $0x1;
	s4 =	sadd.s32 s21, s2  }
0x9d: {  	[timem:s6], [sflag:s22] =	dma.local [hbm:s4], s20  }
0x9e: {  	_ =	swait.ge [sflag:s22], s20  }
0x9f: {  	s3 =	ssub.s32 $0x0, s20;
	[sflag:s22] =	ssyncset.done $0x0  }
0xa0: {  	[sflag:s22] =	ssyncadd.s32 s3;
	_ =	sdelay $0x1  }
0xa1: {  	s23 =	simm.s32 $0x1B8B  }
0xa2: {  	_ =	swait.ge [sflag:s23], $0x1  }
0xa3: {  	[sflag:s23] =	ssyncset.done $0x0  }
0xa4: {  	s25 =	simm.s32 $0x1B8E;
	s24 =	sld [smem:$0x3FFE];
	[sflag:s23] =	ssyncadd.s32 $0xFFFFFFFF  }
0xa5: {  	s26 =	simm.s32 $execute0_lowered;
	[smem:$0x3FD2] =	sst s25  }
0xa6: {  	s4 =	sshll.u32 s26, $0x1;
	_ =	strace $0x80000046;
	[dreg:$0x1] =	wrdreg $0xFFFFFFFF  }
0xa7: {  	s28 =	simm.s32 $_size_execute0_lowered;
	s2 =	sadd.s32 s2, s4;
	[dreg:$0x0] =	wrdreg $0x0  }
0xa8: {  	s4 =	sshll.u32 s28, $0x1;
	[dreg:$0x2] =	wrdreg s2  }
0xa9: {  	[dreg:$0x3] =	wrdreg s4  }
0xaa: {  	[dreg:$0x4] =	wrdreg $0xC0  }
0xab: {  	_ =	task [dreg:s6], $0x5FFFF  }
0xac: {  	[dreg:$0x1] =	wrdreg $0xFFFFFFFF  }
0xad: {  	[dreg:$0x0] =	wrdreg $0x60  }
0xae: {  	[dreg:$0x2] =	wrdreg s24  }
0xaf: {  	[dreg:$0x3] =	wrdreg $0x190000  }
0xb0: {  	[dreg:$0x4] =	wrdreg $0x9  }
0xb1: {  	_ =	task.clear_ibuf [dreg:s6], $0x5FFFF;
	_ =	strace $0x90000046  }
0xb2: {  	s29 =	simm.s32 $0x9;
	_ =	strace $0x80000048  }
0xb3: {  	_ =	swait.ge [sflag:s29], $0x1  }
0xb4: {  	[sflag:s29] =	ssyncadd.s32 $0xFFFFFFFF  }
0xb5: {  	_ =	strace $0x90000048  }
0xb6: {  	_ =	sfence  }
0xb7: {  	s30 =	sld [smem:$0x0];
	_ =	sdelay $0x2  }
0xb8: {  	s31 =	sshll.u32 s1, $0xD;
	s1 =	sshrl.u32 s1, $0x2  }
0xb9: {  	s3 =	sand.u32 $0x4000, s31;
	s1 =	sadd.s32 s1, s30  }
0xba: {  	s0 =	sor.u32 s3, s0;
	s1 =	sshll.u32 s1, $0x11  }
0xbb: {  	s0 =	sor.u32 s1, s0  }
0xbc: {  	s0 =	sadd.s32 $0x8F2B, s0  }
0xbd: {  	[sflag:s0] =	ssyncadd.remote.s32 $0x1  }
0xbe: {  	_ =	sfence.sel $0xFFFF  }
0xbf: {  	[dreg:$0x0] =	wrdreg $0xFFFFFFFF;
	(pc) =	sbr.abs _section_cstart, $3  }
0xc0: {  	[dreg:$0x1] =	wrdreg $0xFFFFFFFF  }
0xc1: {  	_ =	task.clear_ibuf [dreg:s6], $0x2FFFF;
	_ =	strace $0x9FFFFFFF  }
0xc2: {  	(tm) =	ssettm $0x7FFFFFFF  }
0xc3: {  	_ =	shalt  }
tec
execute0_lowered:
.L_overlay_start_1:
0x0: {  	(tag) =	ssettag $0x1  }
0x1: {  	s0 =	rddreg [dreg:$0x0]  }
0x2: {  	s1 =	rddreg [dreg:$0x1];
	s2 =	srdreg.scid;
	s4 =	simm.s32 $0x0  }
0x3: {  	s7 =	stileid.u32;
	s16 =	simm.s32 $0x9;
	s28 =	simm.s32 $0x13800  }
0x4: {  	s29 =	simm.s32 $0x2;
	s31 =	simm.s32 $0x5;
	s17 =	simm.s32 $0x3  }
0x5: {  	s11 =	simm.s32 $0x4;
	s13 =	simm.s32 $0x7;
	s5 =	smul.u32 $0x6000, s7  }
0x6: {  	s15 =	simm.s32 $0x8;
	s2 =	sand.u32 $0x1, s2;
	s6 =	smul.u32 $0x500, s7  }
0x7: {  	[smem:$0x7FF] =	sst s4;
	s4 =	sadd.s32 $0xC4E00, s0;
	s18 =	smul.u32 $0x18000, s7  }
0x8: {  	s3 =	smul.u32 $0x180000, s2;
	_ =	strace $0x80000047;
	s20 =	ssub.s32 $0x2, s2  }
0x9: {  	s14 =	smul.u32 $0x2710, s2;
	s19 =	sadd.s32 s6, s0;
	s21 =	sshrl.u32 s20, $0x1  }
0xa: {  	s3 =	sor.u32 s5, s3;
	s5 =	sshrl.u32 s18, $0x2;
	s22 =	sadd.s32 $0xBFE00, s19  }
0xb: {  	s23 =	sadd.s32 $0xBAE00, s19;
	s18 =	simm.s32 $0x17800;
	s19 =	simm.s32 $0x80  }
0xc: {  	v0 =	vmov s14;
	s14 =	simm.s32 $0x300;
	s3 =	sshrl.u32 s3, $0x3;
	[dreg:$0x3] =	wrdreg s22  }
0xd: {  	s6 =	sadd.s32 s5, s1;
	[dreg:$0x4] =	wrdreg s23;
	s23 =	simm.s32 $0xF800  }
0xe: {  	s5 =	simm.s32 $0x6;
	s0 =	sadd.s32 s3, s0;
	s3 =	ssub.s32 s20, s21  }
0xf: {  	s8 =	sadd.s32 $0x1800, s6;
	s9 =	sadd.s32 $0x3000, s6;
	s24 =	sadd.s32 $0x113000, s0  }
.Ltmp0:
0x10: {  	s25 =	sadd.s32 $0x11F000, s0;
	[dreg:$0x5] =	wrdreg s24;
	(pc) =	sbr.rel .LBB2_1-.Ltmp0, $4  }
0x11: {  	s10 =	sadd.s32 $0x4800, s6;
	s26 =	sadd.s32 $0x12B000, s0;
	[dreg:$0x6] =	wrdreg s25  }
0x12: {  	s20 =	simm.s32 $0x7800;
	s0 =	sadd.s32 $0x137000, s0;
	[dreg:$0x7] =	wrdreg s26  }
0x13: {  	s21 =	simm.s32 $0xB800;
	s30 =	smax.u32 s3, $0x1;
	[dreg:$0x8] =	wrdreg s0  }
0x14: {  	v1 =	vimm.f32 $0.0e+00;
	s3 =	simm.s32 $0x0;
	[dreg:$0x9] =	wrdreg s30;
	s24 =	simm.s32 $0x1  }
.LBB2_25:
0x15: {  	_ =	swait.ge [sflag:s31], $0x4000  }
0x16: {  	[sflag:s31] =	ssyncset.done $0x0  }
0x17: {  	[sflag:s31] =	ssyncadd.s32 $0xFFFFC000  }
0x18: {  	_ =	swait.ge [sflag:s5], $0x4000  }
0x19: {  	[sflag:s5] =	ssyncset.done $0x0  }
0x1a: {  	[sflag:s5] =	ssyncadd.s32 $0xFFFFC000  }
0x1b: {  	_ =	swait.ge [sflag:s13], $0x4000  }
0x1c: {  	[sflag:s13] =	ssyncset.done $0x0  }
0x1d: {  	[sflag:s13] =	ssyncadd.s32 $0xFFFFC000  }
0x1e: {  	_ =	swait.ge [sflag:s15], $0x4000  }
0x1f: {  	[sflag:s15] =	ssyncset.done $0x0  }
0x20: {  	[sflag:s15] =	ssyncadd.s32 $0xFFFFC000  }
0x21: {  	[bflag:$0x0] =	sbarrier.arrive $0xFFFF  }
0x22: {  	s0 =	rddreg [dreg:$0x8]  }
0x23: {  	[hbm:s0], [sflag:s22] =	dma.local [spmem:s25], $0xC00  }
0x24: {  	_ =	swait.ge [sflag:s16], $0xC00  }
0x25: {  	s3 =	sadd.s32 $0x1, s3;
	s30 =	rddreg [dreg:$0x9]  }
0x26: {  	p0 =	sne.s32 s3, s30  }
.Ltmp1:
0x27: {  	_ = 	snop;
	(pc) =	sbr.rel @!p0 .LBB2_26-.Ltmp1, $3  }
0x28: {  	_ =	sdelay $0x1  }
0x29: {  	[sflag:s16] =	ssyncset.done $0x0  }
0x2a: {  	[sflag:s16] =	ssyncadd.s32 $0xFFFFF400  }
.LBB2_1:
0x2b: {  	s0 =	simm.s32 $0x0;
	s2 =	rddreg [dreg:$0x3]  }
0x2c: {  	[tilespmem:s0], [sflag:$0x9] =	stream.linear.gather [hbm4b:s2+s0], $0x2800, $0x38;
	[tilespmem:$0x1F000] =	vst v63  }
0x2d: {  	_ =	swait.ge [sflag:s16], $0x2800  }
0x2e: {  	[sflag:s16] =	ssyncset.done $0x0  }
0x2f: {  	s7 =	simm.s32 $0x2800;
	s26 =	rddreg [dreg:$0x4];
	[sflag:s16] =	ssyncadd.s32 $0xFFFFD800  }
0x30: {  	[tilespmem:s7], [sflag:$0x9] =	stream.linear.gather [hbm4b:s26+s0], $0x2800, $0x38;
	[tilespmem:$0x1F000] =	vst v63  }
0x31: {  	s22 =	sand.u32 $0xFE00, s0;
	_ =	swait.ge [sflag:s16], $0x2800  }
0x32: {  	s25 =	sand.u32 $0x70, s0;
	s22 =	sshrl.u32 s22, $0x2;
	[sflag:s16] =	ssyncset.done $0x0  }
0x33: {  	s22 =	sor.u32 s25, s22;
	[sflag:s16] =	ssyncadd.s32 $0xFFFFD800  }
0x34: {  	v2 =	vld [tilespmem:s22+$0x0];
	_ =	sdelay $0x2  }
0x35: {  	s26 =	simm.s32 $0x40  }
0x36: {  	s25 =	simm.s32 $0x10;
	s30 =	sand.u32 $0xFE00, s26;
	s26 =	simm.s32 $0x80  }
.LBB2_2:
0x37: {  	p0 =	sne.s32 s26, $0x9FC0;
	s0 =	sand.u32 $0x70, s25;
	s30 =	sshrl.u32 s30, $0x2;
	v2 =	vadd.s32 v0, v2  }
0x38: {  	[tilespmem:s22+$0x0] =	vst v2;
	s22 =	sor.u32 s0, s30  }
.Ltmp2:
0x39: {  	v2 =	vld [tilespmem:s22+$0x0];
	(pc) =	sbr.rel @p0 .LBB2_2-.Ltmp2, $2  }
0x3a: {  	_ =	sdelay $0x2  }
0x3b: {  	s25 =	sadd.s32 $0x10, s25;
	s30 =	sand.u32 $0xFE00, s26;
	s26 =	sadd.s32 $0x40, s26  }
0x3c: {  	s0 =	sand.u32 $0x70, s25;
	s2 =	sshrl.u32 s30, $0x2;
	v2 =	vadd.s32 v0, v2  }
0x3d: {  	s0 =	sor.u32 s0, s2;
	[tilespmem:s22+$0x0] =	vst v2  }
0x3e: {  	v2 =	vld [tilespmem:s0+$0x0];
	_ =	sdelay $0x2  }
0x3f: {  	s22 =	simm.s32 $0x0  }
0x40: {  	s7 =	sand.u32 $0x7E00, s22  }
0x41: {  	s26 =	sand.u32 $0x70, s22;
	s12 =	sshrl.u32 s7, $0x2;
	v2 =	vadd.s32 v0, v2  }
0x42: {  	s25 =	simm.s32 $0x40;
	s26 =	sor.u32 s26, s12;
	[tilespmem:s0+$0x0] =	vst v2  }
.LBB2_4:
0x43: {  	p0 =	sne.s32 s25, $0x5FC0  }
0x44: {  	[tilespmem:s26+$0x17800] =	vst v1;
	s22 =	sadd.s32 $0x10, s22;
	s0 =	smov.u32 s25;
	s25 =	sadd.s32 $0x40, s25  }
.Ltmp3:
0x45: {  	(pc) =	sbr.rel @p0 .LBB2_4-.Ltmp3, $4  }
0x46: {  	_ = 	snop  }
0x47: {  	s0 =	sand.u32 $0x7E00, s0  }
0x48: {  	s26 =	sand.u32 $0x70, s22;
	s0 =	sshrl.u32 s0, $0x2  }
0x49: {  	s26 =	sor.u32 s26, s0  }
0x4a: {  	[tilespmem:s26+$0x17800] =	vst v1;
	s22 =	simm.s32 $0x0  }
0x4b: {  	s25 =	simm.s32 $0x40;
	v2 =	vld [tilespmem:s22+$0x2800]  }
.LBB2_6:
0x4c: {  	p0 =	sne.s32 s25, $0x9FC0  }
.Ltmp4:
0x4d: {  	_ = 	snop;
	(pc) =	sbr.rel @p0 .LBB2_6-.Ltmp4, $3  }
0x4e: {  	_ =	sdelay $0x1  }
0x4f: {  	s0 =	sshra.s32 s25, $0x2;
	s25 =	sadd.s32 $0x40, s25;
	v3 =	vmin.u32 v2, $0xBB8  }
0x50: {  	v2 =	vld [tilespmem:s0+$0x2800];
	[tilespmem:s22+$0x5000] =	vst v3;
	s22 =	smov.u32 s0  }
0x51: {  	_ =	sdelay $0x3  }
0x52: {  	v2 =	vmin.u32 v2, $0xBB8  }
0x53: {  	[tilespmem:s22+$0x5000] =	vst v2  }
0x54: {  	[spmem:s6] =	stream.linear.scatter [tilespmem:s18], [sflag:$0x9], $0x1800, $0x38;
	[tilespmem:$0x1F000] =	vst v63  }
0x55: {  	_ =	swait.ge [sflag:s16], $0x1800  }
0x56: {  	[sflag:s16] =	ssyncset.done $0x0  }
0x57: {  	[sflag:s16] =	ssyncadd.s32 $0xFFFFE800  }
0x58: {  	[spmem:s8] =	stream.linear.scatter [tilespmem:s18], [sflag:$0x9], $0x1800, $0x38;
	[tilespmem:$0x1F000] =	vst v63  }
0x59: {  	_ =	swait.ge [sflag:s16], $0x1800  }
0x5a: {  	[sflag:s16] =	ssyncset.done $0x0  }
0x5b: {  	[sflag:s16] =	ssyncadd.s32 $0xFFFFE800  }
0x5c: {  	[spmem:s9] =	stream.linear.scatter [tilespmem:s18], [sflag:$0x9], $0x1800, $0x38;
	[tilespmem:$0x1F000] =	vst v63  }
0x5d: {  	_ =	swait.ge [sflag:s16], $0x1800  }
0x5e: {  	[sflag:s16] =	ssyncset.done $0x0  }
0x5f: {  	[sflag:s16] =	ssyncadd.s32 $0xFFFFE800  }
0x60: {  	[spmem:s10] =	stream.linear.scatter [tilespmem:s18], [sflag:$0x9], $0x1800, $0x38;
	[tilespmem:$0x1F000] =	vst v63  }
0x61: {  	_ =	swait.ge [sflag:s16], $0x1800  }
0x62: {  	[sflag:s16] =	ssyncset.done $0x0  }
0x63: {  	[sflag:s16] =	ssyncadd.s32 $0xFFFFE800  }
0x64: {  	s22 =	simm.s32 $0x0;
	[bflag:$0x0] =	sbarrier.arrive $0xFFFF  }
0x65: {  	[tilespmem:s20], [sflag:$0x1] =	stream.indirect.gather [hbm4b:s4+s19], $0x80, s22, s19, $0xb8;
	[tilespmem:$0x1F000] =	vst v63  }
0x66: {  	_ = 	snop  }
0x67: {  	[tilespmem:s21], [sflag:$0x2] =	stream.indirect.gather [hbm4b:s4+s19], $0x80, s19, s19, $0xb8;
	[tilespmem:$0x1F000] =	vst v63  }
0x68: {  	s0 =	simm.s32 $0x100  }
0x69: {  	[tilespmem:s23], [sflag:$0x3] =	stream.indirect.gather [hbm4b:s4+s19], $0x80, s0, s19, $0xb8;
	[tilespmem:$0x1F000] =	vst v63  }
0x6a: {  	_ =	swait.ge [sflag:s24], $0x4000  }
0x6b: {  	[sflag:s24] =	ssyncset.done $0x0  }
0x6c: {  	s30 =	simm.s32 $0x5000;
	[sflag:s24] =	ssyncadd.s32 $0xFFFFC000  }
0x6d: {  	[spmem:s1] =	stream.indirect.scatter.add.f32 [tilespmem:s20], [sflag:$0x5], $0x80, s30, s19, $0xb8;
	[tilespmem:$0x1F000] =	vst v63  }
0x6e: {  	s2 =	simm.s32 $0x180  }
0x6f: {  	[tilespmem:s28], [sflag:$0x4] =	stream.indirect.gather [hbm4b:s4+s19], $0x80, s2, s19, $0xb8;
	[tilespmem:$0x1F000] =	vst v63  }
0x70: {  	_ =	swait.ge [sflag:s29], $0x4000  }
0x71: {  	[sflag:s29] =	ssyncset.done $0x0  }
0x72: {  	s7 =	simm.s32 $0x5080;
	[sflag:s29] =	ssyncadd.s32 $0xFFFFC000  }
0x73: {  	[spmem:s1] =	stream.indirect.scatter.add.f32 [tilespmem:s21], [sflag:$0x6], $0x80, s7, s19, $0xb8;
	[tilespmem:$0x1F000] =	vst v63  }
0x74: {  	_ =	swait.ge [sflag:s31], $0x4000  }
0x75: {  	[sflag:s31] =	ssyncset.done $0x0  }
0x76: {  	s12 =	simm.s32 $0x200;
	[sflag:s31] =	ssyncadd.s32 $0xFFFFC000  }
0x77: {  	[tilespmem:s20], [sflag:$0x1] =	stream.indirect.gather [hbm4b:s4+s19], $0x80, s12, s19, $0xb8;
	[tilespmem:$0x1F000] =	vst v63  }
0x78: {  	_ =	swait.ge [sflag:s17], $0x4000  }
0x79: {  	[sflag:s17] =	ssyncset.done $0x0  }
0x7a: {  	s25 =	simm.s32 $0x5100;
	[sflag:s17] =	ssyncadd.s32 $0xFFFFC000  }
0x7b: {  	[spmem:s1] =	stream.indirect.scatter.add.f32 [tilespmem:s23], [sflag:$0x7], $0x80, s25, s19, $0xb8;
	[tilespmem:$0x1F000] =	vst v63  }
0x7c: {  	_ =	swait.ge [sflag:s5], $0x4000  }
0x7d: {  	[sflag:s5] =	ssyncset.done $0x0  }
0x7e: {  	s26 =	simm.s32 $0x280;
	[sflag:s5] =	ssyncadd.s32 $0xFFFFC000  }
0x7f: {  	[tilespmem:s21], [sflag:$0x2] =	stream.indirect.gather [hbm4b:s4+s19], $0x80, s26, s19, $0xb8;
	[tilespmem:$0x1F000] =	vst v63  }
0x80: {  	_ =	swait.ge [sflag:s11], $0x4000  }
0x81: {  	[sflag:s11] =	ssyncset.done $0x0  }
0x82: {  	s30 =	simm.s32 $0x5180;
	[sflag:s11] =	ssyncadd.s32 $0xFFFFC000  }
0x83: {  	[spmem:s1] =	stream.indirect.scatter.add.f32 [tilespmem:s28], [sflag:$0x8], $0x80, s30, s19, $0xb8;
	[tilespmem:$0x1F000] =	vst v63  }
0x84: {  	_ =	swait.ge [sflag:s13], $0x4000  }
0x85: {  	[sflag:s13] =	ssyncset.done $0x0  }
0x86: {  	[sflag:s13] =	ssyncadd.s32 $0xFFFFC000  }
0x87: {  	[tilespmem:s23], [sflag:$0x3] =	stream.indirect.gather [hbm4b:s4+s19], $0x80, s14, s19, $0xb8;
	[tilespmem:$0x1F000] =	vst v63  }
.LBB2_8:
0x88: {  	_ =	swait.ge [sflag:s24], $0x4000  }
0x89: {  	s25 =	sshra.s32 s22, $0x2;
	[sflag:s24] =	ssyncset.done $0x0  }
0x8a: {  	s0 =	sadd.s32 $0x5200, s25;
	[sflag:s24] =	ssyncadd.s32 $0xFFFFC000  }
0x8b: {  	[spmem:s1] =	stream.indirect.scatter.add.f32 [tilespmem:s20], [sflag:$0x5], $0x80, s0, s19, $0xb8;
	[tilespmem:$0x1F000] =	vst v63  }
0x8c: {  	_ =	swait.ge [sflag:s15], $0x4000  }
0x8d: {  	[sflag:s15] =	ssyncset.done $0x0  }
0x8e: {  	s12 =	sadd.s32 $0x380, s25;
	[sflag:s15] =	ssyncadd.s32 $0xFFFFC000  }
0x8f: {  	[tilespmem:s28], [sflag:$0x4] =	stream.indirect.gather [hbm4b:s4+s19], $0x80, s12, s19, $0xb8;
	[tilespmem:$0x1F000] =	vst v63  }
0x90: {  	_ =	swait.ge [sflag:s29], $0x4000  }
0x91: {  	p0 =	seq.s32 s22, $0x9000;
	[sflag:s29] =	ssyncset.done $0x0  }
0x92: {  	s26 =	sadd.s32 $0x5280, s25;
	s0 =	simm.s32 @p0 $0x3;
	[sflag:s29] =	ssyncadd.s32 $0xFFFFC000  }
0x93: {  	[spmem:s1] =	stream.indirect.scatter.add.f32 [tilespmem:s21], [sflag:$0x6], $0x80, s26, s19, $0xb8;
	[tilespmem:$0x1F000] =	vst v63  }
0x94: {  	_ =	swait.ge @p0 [sflag:s0], $0x4000  }
0x95: {  	[sflag:s0] =	ssyncset.done @p0 $0x0  }
0x96: {  	[sflag:s0] =	ssyncadd.s32 @p0 $0xFFFFC000;
	s0 =	sshra.s32 @p0 s22, $0x2  }
0x97: {  	s30 =	simm.s32 @p0 $0xF800;
	s26 =	simm.s32 @p0 $0x80;
	s0 =	sadd.s32 @p0 $0x5300, s0  }
0x98: {  	[spmem:s1] =	stream.indirect.scatter.add.f32 @p0 [tilespmem:s30], [sflag:$0x7], $0x80, s0, s26, $0xb8;
	[tilespmem:$0x1F000] =	vst v63  }
0x99: {  	s0 =	simm.s32 @!p0 $0x5  }
0x9a: {  	_ =	swait.ge @!p0 [sflag:s0], $0x4000  }
0x9b: {  	[sflag:s0] =	ssyncset.done @!p0 $0x0  }
0x9c: {  	[sflag:s0] =	ssyncadd.s32 @!p0 $0xFFFFC000;
	s0 =	sshra.s32 @!p0 s22, $0x2  }
0x9d: {  	s2 =	simm.s32 @!p0 $0x7800;
	s30 =	simm.s32 @!p0 $0x80;
	s26 =	sadd.s32 @!p0 $0x400, s0  }
0x9e: {  	[tilespmem:s2], [sflag:$0x1] =	stream.indirect.gather @!p0 [hbm4b:s4+s30], $0x80, s26, s30, $0xb8;
	[tilespmem:$0x1F000] =	vst v63  }
0x9f: {  	s2 =	simm.s32 @!p0 $0x3  }
0xa0: {  	_ =	swait.ge @!p0 [sflag:s2], $0x4000  }
0xa1: {  	[sflag:s2] =	ssyncset.done @!p0 $0x0  }
0xa2: {  	s26 =	simm.s32 @!p0 $0xF800;
	[sflag:s2] =	ssyncadd.s32 @!p0 $0xFFFFC000;
	s2 =	sadd.s32 @!p0 $0x5300, s0  }
0xa3: {  	[spmem:s1] =	stream.indirect.scatter.add.f32 @!p0 [tilespmem:s26], [sflag:$0x7], $0x80, s2, s30, $0xb8;
	[tilespmem:$0x1F000] =	vst v63  }
0xa4: {  	s2 =	simm.s32 @!p0 $0x6  }
0xa5: {  	_ =	swait.ge @!p0 [sflag:s2], $0x4000  }
0xa6: {  	[sflag:s2] =	ssyncset.done @!p0 $0x0  }
0xa7: {  	s0 =	sadd.s32 @!p0 $0x480, s0;
	[sflag:s2] =	ssyncadd.s32 @!p0 $0xFFFFC000;
	s2 =	simm.s32 @!p0 $0xB800  }
0xa8: {  	[tilespmem:s2], [sflag:$0x2] =	stream.indirect.gather @!p0 [hbm4b:s4+s30], $0x80, s0, s30, $0xb8;
	[tilespmem:$0x1F000] =	vst v63  }
.Ltmp5:
0xa9: {  	_ = 	snop;
	(pc) =	sbr.rel @p0 .LBB2_10-.Ltmp5, $4  }
0xaa: {  	_ =	swait.ge [sflag:s11], $0x4000  }
0xab: {  	[sflag:s11] =	ssyncset.done $0x0  }
0xac: {  	s30 =	sadd.s32 $0x5380, s25;
	[sflag:s11] =	ssyncadd.s32 $0xFFFFC000  }
0xad: {  	[spmem:s1] =	stream.indirect.scatter.add.f32 [tilespmem:s28], [sflag:$0x8], $0x80, s30, s19, $0xb8;
	[tilespmem:$0x1F000] =	vst v63  }
.Ltmp6:
0xae: {  	(pc) =	sbr.rel .LBB2_8-.Ltmp6, $4  }
0xaf: {  	_ =	swait.ge [sflag:s13], $0x4000  }
0xb0: {  	[sflag:s13] =	ssyncset.done $0x0  }
0xb1: {  	s0 =	sadd.s32 $0x500, s25;
	s22 =	sadd.s32 $0x800, s22;
	[sflag:s13] =	ssyncadd.s32 $0xFFFFC000  }
0xb2: {  	[tilespmem:s23], [sflag:$0x3] =	stream.indirect.gather [hbm4b:s4+s19], $0x80, s0, s19, $0xb8;
	[tilespmem:$0x1F000] =	vst v63  }
.LBB2_10:
0xb3: {  	_ =	swait.ge [sflag:s31], $0x4000  }
0xb4: {  	[sflag:s31] =	ssyncset.done $0x0  }
0xb5: {  	[sflag:s31] =	ssyncadd.s32 $0xFFFFC000  }
0xb6: {  	_ =	swait.ge [sflag:s5], $0x4000  }
0xb7: {  	[sflag:s5] =	ssyncset.done $0x0  }
0xb8: {  	[sflag:s5] =	ssyncadd.s32 $0xFFFFC000  }
0xb9: {  	_ =	swait.ge [sflag:s13], $0x4000  }
0xba: {  	[sflag:s13] =	ssyncset.done $0x0  }
0xbb: {  	[sflag:s13] =	ssyncadd.s32 $0xFFFFC000  }
0xbc: {  	_ =	swait.ge [sflag:s15], $0x4000  }
0xbd: {  	[sflag:s15] =	ssyncset.done $0x0  }
0xbe: {  	s0 =	stileid.u32;
	[sflag:s15] =	ssyncadd.s32 $0xFFFFC000  }
0xbf: {  	s0 =	sshll.u32 s0, $0x6;
	[bflag:$0x0] =	sbarrier.arrive $0xFFFF  }
0xc0: {  	s25 =	sshrl.u32 s6, $0x3;
	s22 =	sor.u32 $0x1C09, s0;
	s26 =	rddreg [dreg:$0x5]  }
0xc1: {  	[hbm:s26], [sflag:s22] =	dma.local [spmem:s25], $0xC00  }
0xc2: {  	_ =	swait.ge [sflag:s16], $0xC00  }
0xc3: {  	[sflag:s16] =	ssyncset.done $0x0  }
0xc4: {  	s26 =	simm.s32 $0x0;
	[sflag:s16] =	ssyncadd.s32 $0xFFFFF400  }
0xc5: {  	v2 =	vld [tilespmem:s26+$0x2800]  }
0xc6: {  	s30 =	simm.s32 $0x40  }
.LBB2_11:
0xc7: {  	p0 =	sne.s32 s30, $0x9FC0  }
.Ltmp7:
0xc8: {  	_ = 	snop;
	(pc) =	sbr.rel @p0 .LBB2_11-.Ltmp7, $4  }
0xc9: {  	_ = 	snop  }
0xca: {  	s0 =	sshra.s32 s30, $0x2;
	s30 =	sadd.s32 $0x40, s30;
	v3 =	vadd.s32 $0xFFFFF448, v2  }
0xcb: {  	v2 =	vld [tilespmem:s0+$0x2800];
	v3 =	vmin.u32 v3, $0xBB8  }
0xcc: {  	[tilespmem:s26+$0x5000] =	vst v3;
	s26 =	smov.u32 s0  }
0xcd: {  	_ =	sdelay $0x2  }
0xce: {  	v2 =	vadd.s32 $0xFFFFF448, v2  }
0xcf: {  	v2 =	vmin.u32 v2, $0xBB8  }
0xd0: {  	[tilespmem:s26+$0x5000] =	vst v2  }
0xd1: {  	[spmem:s6] =	stream.linear.scatter [tilespmem:s18], [sflag:$0x9], $0x1800, $0x38;
	[tilespmem:$0x1F000] =	vst v63  }
0xd2: {  	_ =	swait.ge [sflag:s16], $0x1800  }
0xd3: {  	[sflag:s16] =	ssyncset.done $0x0  }
0xd4: {  	[sflag:s16] =	ssyncadd.s32 $0xFFFFE800  }
0xd5: {  	[spmem:s8] =	stream.linear.scatter [tilespmem:s18], [sflag:$0x9], $0x1800, $0x38;
	[tilespmem:$0x1F000] =	vst v63  }
0xd6: {  	_ =	swait.ge [sflag:s16], $0x1800  }
0xd7: {  	[sflag:s16] =	ssyncset.done $0x0  }
0xd8: {  	[sflag:s16] =	ssyncadd.s32 $0xFFFFE800  }
0xd9: {  	[spmem:s9] =	stream.linear.scatter [tilespmem:s18], [sflag:$0x9], $0x1800, $0x38;
	[tilespmem:$0x1F000] =	vst v63  }
0xda: {  	_ =	swait.ge [sflag:s16], $0x1800  }
0xdb: {  	[sflag:s16] =	ssyncset.done $0x0  }
0xdc: {  	[sflag:s16] =	ssyncadd.s32 $0xFFFFE800  }
0xdd: {  	[spmem:s10] =	stream.linear.scatter [tilespmem:s18], [sflag:$0x9], $0x1800, $0x38;
	[tilespmem:$0x1F000] =	vst v63  }
0xde: {  	_ =	swait.ge [sflag:s16], $0x1800  }
0xdf: {  	[sflag:s16] =	ssyncset.done $0x0  }
0xe0: {  	[sflag:s16] =	ssyncadd.s32 $0xFFFFE800  }
0xe1: {  	s26 =	simm.s32 $0x0;
	[bflag:$0x0] =	sbarrier.arrive $0xFFFF  }
0xe2: {  	[tilespmem:s20], [sflag:$0x1] =	stream.indirect.gather [hbm4b:s4+s19], $0x80, s26, s19, $0xb8;
	[tilespmem:$0x1F000] =	vst v63  }
0xe3: {  	_ = 	snop  }
0xe4: {  	[tilespmem:s21], [sflag:$0x2] =	stream.indirect.gather [hbm4b:s4+s19], $0x80, s19, s19, $0xb8;
	[tilespmem:$0x1F000] =	vst v63  }
0xe5: {  	s0 =	simm.s32 $0x100  }
0xe6: {  	[tilespmem:s23], [sflag:$0x3] =	stream.indirect.gather [hbm4b:s4+s19], $0x80, s0, s19, $0xb8;
	[tilespmem:$0x1F000] =	vst v63  }
0xe7: {  	_ =	swait.ge [sflag:s24], $0x4000  }
0xe8: {  	[sflag:s24] =	ssyncset.done $0x0  }
0xe9: {  	s7 =	simm.s32 $0x5000;
	[sflag:s24] =	ssyncadd.s32 $0xFFFFC000  }
0xea: {  	[spmem:s1] =	stream.indirect.scatter.add.f32 [tilespmem:s20], [sflag:$0x5], $0x80, s7, s19, $0xb8;
	[tilespmem:$0x1F000] =	vst v63  }
0xeb: {  	s12 =	simm.s32 $0x180  }
0xec: {  	[tilespmem:s28], [sflag:$0x4] =	stream.indirect.gather [hbm4b:s4+s19], $0x80, s12, s19, $0xb8;
	[tilespmem:$0x1F000] =	vst v63  }
0xed: {  	_ =	swait.ge [sflag:s29], $0x4000  }
0xee: {  	[sflag:s29] =	ssyncset.done $0x0  }
0xef: {  	s30 =	simm.s32 $0x5080;
	[sflag:s29] =	ssyncadd.s32 $0xFFFFC000  }
0xf0: {  	[spmem:s1] =	stream.indirect.scatter.add.f32 [tilespmem:s21], [sflag:$0x6], $0x80, s30, s19, $0xb8;
	[tilespmem:$0x1F000] =	vst v63  }
0xf1: {  	_ =	swait.ge [sflag:s31], $0x4000  }
0xf2: {  	[sflag:s31] =	ssyncset.done $0x0  }
0xf3: {  	s2 =	simm.s32 $0x200;
	[sflag:s31] =	ssyncadd.s32 $0xFFFFC000  }
0xf4: {  	[tilespmem:s20], [sflag:$0x1] =	stream.indirect.gather [hbm4b:s4+s19], $0x80, s2, s19, $0xb8;
	[tilespmem:$0x1F000] =	vst v63  }
0xf5: {  	_ =	swait.ge [sflag:s17], $0x4000  }
0xf6: {  	[sflag:s17] =	ssyncset.done $0x0  }
0xf7: {  	s7 =	simm.s32 $0x5100;
	[sflag:s17] =	ssyncadd.s32 $0xFFFFC000  }
0xf8: {  	[spmem:s1] =	stream.indirect.scatter.add.f32 [tilespmem:s23], [sflag:$0x7], $0x80, s7, s19, $0xb8;
	[tilespmem:$0x1F000] =	vst v63  }
0xf9: {  	_ =	swait.ge [sflag:s5], $0x4000  }
0xfa: {  	[sflag:s5] =	ssyncset.done $0x0  }
0xfb: {  	s12 =	simm.s32 $0x280;
	[sflag:s5] =	ssyncadd.s32 $0xFFFFC000  }
0xfc: {  	[tilespmem:s21], [sflag:$0x2] =	stream.indirect.gather [hbm4b:s4+s19], $0x80, s12, s19, $0xb8;
	[tilespmem:$0x1F000] =	vst v63  }
0xfd: {  	_ =	swait.ge [sflag:s11], $0x4000  }
0xfe: {  	[sflag:s11] =	ssyncset.done $0x0  }
0xff: {  	s30 =	simm.s32 $0x5180;
	[sflag:s11] =	ssyncadd.s32 $0xFFFFC000  }
0x100: {  	[spmem:s1] =	stream.indirect.scatter.add.f32 [tilespmem:s28], [sflag:$0x8], $0x80, s30, s19, $0xb8;
	[tilespmem:$0x1F000] =	vst v63  }
0x101: {  	_ =	swait.ge [sflag:s13], $0x4000  }
0x102: {  	[sflag:s13] =	ssyncset.done $0x0  }
0x103: {  	[sflag:s13] =	ssyncadd.s32 $0xFFFFC000  }
0x104: {  	[tilespmem:s23], [sflag:$0x3] =	stream.indirect.gather [hbm4b:s4+s19], $0x80, s14, s19, $0xb8;
	[tilespmem:$0x1F000] =	vst v63  }
.LBB2_13:
0x105: {  	_ =	swait.ge [sflag:s24], $0x4000  }
0x106: {  	s30 =	sshra.s32 s26, $0x2;
	[sflag:s24] =	ssyncset.done $0x0  }
0x107: {  	s0 =	sadd.s32 $0x5200, s30;
	[sflag:s24] =	ssyncadd.s32 $0xFFFFC000  }
0x108: {  	[spmem:s1] =	stream.indirect.scatter.add.f32 [tilespmem:s20], [sflag:$0x5], $0x80, s0, s19, $0xb8;
	[tilespmem:$0x1F000] =	vst v63  }
0x109: {  	_ =	swait.ge [sflag:s15], $0x4000  }
0x10a: {  	[sflag:s15] =	ssyncset.done $0x0  }
0x10b: {  	s2 =	sadd.s32 $0x380, s30;
	[sflag:s15] =	ssyncadd.s32 $0xFFFFC000  }
0x10c: {  	[tilespmem:s28], [sflag:$0x4] =	stream.indirect.gather [hbm4b:s4+s19], $0x80, s2, s19, $0xb8;
	[tilespmem:$0x1F000] =	vst v63  }
0x10d: {  	_ =	swait.ge [sflag:s29], $0x4000  }
0x10e: {  	p0 =	seq.s32 s26, $0x9000;
	[sflag:s29] =	ssyncset.done $0x0  }
0x10f: {  	s7 =	sadd.s32 $0x5280, s30;
	s0 =	simm.s32 @p0 $0x3;
	[sflag:s29] =	ssyncadd.s32 $0xFFFFC000  }
0x110: {  	[spmem:s1] =	stream.indirect.scatter.add.f32 [tilespmem:s21], [sflag:$0x6], $0x80, s7, s19, $0xb8;
	[tilespmem:$0x1F000] =	vst v63  }
0x111: {  	_ =	swait.ge @p0 [sflag:s0], $0x4000  }
0x112: {  	[sflag:s0] =	ssyncset.done @p0 $0x0  }
0x113: {  	[sflag:s0] =	ssyncadd.s32 @p0 $0xFFFFC000;
	s0 =	sshra.s32 @p0 s26, $0x2  }
0x114: {  	s2 =	simm.s32 @p0 $0x80;
	s7 =	simm.s32 @p0 $0xF800;
	s0 =	sadd.s32 @p0 $0x5300, s0  }
0x115: {  	[spmem:s1] =	stream.indirect.scatter.add.f32 @p0 [tilespmem:s7], [sflag:$0x7], $0x80, s0, s2, $0xb8;
	[tilespmem:$0x1F000] =	vst v63  }
0x116: {  	s0 =	simm.s32 @!p0 $0x5  }
0x117: {  	_ =	swait.ge @!p0 [sflag:s0], $0x4000  }
0x118: {  	[sflag:s0] =	ssyncset.done @!p0 $0x0  }
0x119: {  	[sflag:s0] =	ssyncadd.s32 @!p0 $0xFFFFC000;
	s0 =	sshra.s32 @!p0 s26, $0x2  }
0x11a: {  	s12 =	simm.s32 @!p0 $0x7800;
	s7 =	simm.s32 @!p0 $0x80;
	s2 =	sadd.s32 @!p0 $0x400, s0  }
0x11b: {  	[tilespmem:s12], [sflag:$0x1] =	stream.indirect.gather @!p0 [hbm4b:s4+s7], $0x80, s2, s7, $0xb8;
	[tilespmem:$0x1F000] =	vst v63  }
0x11c: {  	s2 =	simm.s32 @!p0 $0x3  }
0x11d: {  	_ =	swait.ge @!p0 [sflag:s2], $0x4000  }
0x11e: {  	[sflag:s2] =	ssyncset.done @!p0 $0x0  }
0x11f: {  	s12 =	simm.s32 @!p0 $0xF800;
	[sflag:s2] =	ssyncadd.s32 @!p0 $0xFFFFC000;
	s2 =	sadd.s32 @!p0 $0x5300, s0  }
0x120: {  	[spmem:s1] =	stream.indirect.scatter.add.f32 @!p0 [tilespmem:s12], [sflag:$0x7], $0x80, s2, s7, $0xb8;
	[tilespmem:$0x1F000] =	vst v63  }
0x121: {  	s2 =	simm.s32 @!p0 $0x6  }
0x122: {  	_ =	swait.ge @!p0 [sflag:s2], $0x4000  }
0x123: {  	[sflag:s2] =	ssyncset.done @!p0 $0x0  }
0x124: {  	s0 =	sadd.s32 @!p0 $0x480, s0;
	[sflag:s2] =	ssyncadd.s32 @!p0 $0xFFFFC000;
	s2 =	simm.s32 @!p0 $0xB800  }
0x125: {  	[tilespmem:s2], [sflag:$0x2] =	stream.indirect.gather @!p0 [hbm4b:s4+s7], $0x80, s0, s7, $0xb8;
	[tilespmem:$0x1F000] =	vst v63  }
.Ltmp8:
0x126: {  	_ = 	snop;
	(pc) =	sbr.rel @p0 .LBB2_15-.Ltmp8, $4  }
0x127: {  	_ =	swait.ge [sflag:s11], $0x4000  }
0x128: {  	[sflag:s11] =	ssyncset.done $0x0  }
0x129: {  	s12 =	sadd.s32 $0x5380, s30;
	[sflag:s11] =	ssyncadd.s32 $0xFFFFC000  }
0x12a: {  	[spmem:s1] =	stream.indirect.scatter.add.f32 [tilespmem:s28], [sflag:$0x8], $0x80, s12, s19, $0xb8;
	[tilespmem:$0x1F000] =	vst v63  }
.Ltmp9:
0x12b: {  	(pc) =	sbr.rel .LBB2_13-.Ltmp9, $4  }
0x12c: {  	_ =	swait.ge [sflag:s13], $0x4000  }
0x12d: {  	[sflag:s13] =	ssyncset.done $0x0  }
0x12e: {  	s0 =	sadd.s32 $0x500, s30;
	s26 =	sadd.s32 $0x800, s26;
	[sflag:s13] =	ssyncadd.s32 $0xFFFFC000  }
0x12f: {  	[tilespmem:s23], [sflag:$0x3] =	stream.indirect.gather [hbm4b:s4+s19], $0x80, s0, s19, $0xb8;
	[tilespmem:$0x1F000] =	vst v63  }
.LBB2_15:
0x130: {  	_ =	swait.ge [sflag:s31], $0x4000  }
0x131: {  	[sflag:s31] =	ssyncset.done $0x0  }
0x132: {  	[sflag:s31] =	ssyncadd.s32 $0xFFFFC000  }
0x133: {  	_ =	swait.ge [sflag:s5], $0x4000  }
0x134: {  	[sflag:s5] =	ssyncset.done $0x0  }
0x135: {  	[sflag:s5] =	ssyncadd.s32 $0xFFFFC000  }
0x136: {  	_ =	swait.ge [sflag:s13], $0x4000  }
0x137: {  	[sflag:s13] =	ssyncset.done $0x0  }
0x138: {  	[sflag:s13] =	ssyncadd.s32 $0xFFFFC000  }
0x139: {  	_ =	swait.ge [sflag:s15], $0x4000  }
0x13a: {  	[sflag:s15] =	ssyncset.done $0x0  }
0x13b: {  	[sflag:s15] =	ssyncadd.s32 $0xFFFFC000  }
0x13c: {  	[bflag:$0x0] =	sbarrier.arrive $0xFFFF  }
0x13d: {  	s0 =	rddreg [dreg:$0x6]  }
0x13e: {  	[hbm:s0], [sflag:s22] =	dma.local [spmem:s25], $0xC00  }
0x13f: {  	_ =	swait.ge [sflag:s16], $0xC00  }
0x140: {  	[sflag:s16] =	ssyncset.done $0x0  }
0x141: {  	s26 =	simm.s32 $0x0;
	[sflag:s16] =	ssyncadd.s32 $0xFFFFF400  }
0x142: {  	v2 =	vld [tilespmem:s26+$0x2800]  }
0x143: {  	s30 =	simm.s32 $0x40  }
.LBB2_16:
0x144: {  	p0 =	sne.s32 s30, $0x9FC0  }
.Ltmp10:
0x145: {  	_ = 	snop;
	(pc) =	sbr.rel @p0 .LBB2_16-.Ltmp10, $4  }
0x146: {  	_ = 	snop  }
0x147: {  	s0 =	sshra.s32 s30, $0x2;
	s30 =	sadd.s32 $0x40, s30;
	v3 =	vadd.s32 $0xFFFFE890, v2  }
0x148: {  	v2 =	vld [tilespmem:s0+$0x2800];
	v3 =	vmin.u32 v3, $0xBB8  }
0x149: {  	[tilespmem:s26+$0x5000] =	vst v3;
	s26 =	smov.u32 s0  }
0x14a: {  	_ =	sdelay $0x2  }
0x14b: {  	v2 =	vadd.s32 $0xFFFFE890, v2  }
0x14c: {  	v2 =	vmin.u32 v2, $0xBB8  }
0x14d: {  	[tilespmem:s26+$0x5000] =	vst v2  }
0x14e: {  	[spmem:s6] =	stream.linear.scatter [tilespmem:s18], [sflag:$0x9], $0x1800, $0x38;
	[tilespmem:$0x1F000] =	vst v63  }
0x14f: {  	_ =	swait.ge [sflag:s16], $0x1800  }
0x150: {  	[sflag:s16] =	ssyncset.done $0x0  }
0x151: {  	[sflag:s16] =	ssyncadd.s32 $0xFFFFE800  }
0x152: {  	[spmem:s8] =	stream.linear.scatter [tilespmem:s18], [sflag:$0x9], $0x1800, $0x38;
	[tilespmem:$0x1F000] =	vst v63  }
0x153: {  	_ =	swait.ge [sflag:s16], $0x1800  }
0x154: {  	[sflag:s16] =	ssyncset.done $0x0  }
0x155: {  	[sflag:s16] =	ssyncadd.s32 $0xFFFFE800  }
0x156: {  	[spmem:s9] =	stream.linear.scatter [tilespmem:s18], [sflag:$0x9], $0x1800, $0x38;
	[tilespmem:$0x1F000] =	vst v63  }
0x157: {  	_ =	swait.ge [sflag:s16], $0x1800  }
0x158: {  	[sflag:s16] =	ssyncset.done $0x0  }
0x159: {  	[sflag:s16] =	ssyncadd.s32 $0xFFFFE800  }
0x15a: {  	[spmem:s10] =	stream.linear.scatter [tilespmem:s18], [sflag:$0x9], $0x1800, $0x38;
	[tilespmem:$0x1F000] =	vst v63  }
0x15b: {  	_ =	swait.ge [sflag:s16], $0x1800  }
0x15c: {  	[sflag:s16] =	ssyncset.done $0x0  }
0x15d: {  	[sflag:s16] =	ssyncadd.s32 $0xFFFFE800  }
0x15e: {  	s26 =	simm.s32 $0x0;
	[bflag:$0x0] =	sbarrier.arrive $0xFFFF  }
0x15f: {  	[tilespmem:s20], [sflag:$0x1] =	stream.indirect.gather [hbm4b:s4+s19], $0x80, s26, s19, $0xb8;
	[tilespmem:$0x1F000] =	vst v63  }
0x160: {  	_ = 	snop  }
0x161: {  	[tilespmem:s21], [sflag:$0x2] =	stream.indirect.gather [hbm4b:s4+s19], $0x80, s19, s19, $0xb8;
	[tilespmem:$0x1F000] =	vst v63  }
0x162: {  	s0 =	simm.s32 $0x100  }
0x163: {  	[tilespmem:s23], [sflag:$0x3] =	stream.indirect.gather [hbm4b:s4+s19], $0x80, s0, s19, $0xb8;
	[tilespmem:$0x1F000] =	vst v63  }
0x164: {  	_ =	swait.ge [sflag:s24], $0x4000  }
0x165: {  	[sflag:s24] =	ssyncset.done $0x0  }
0x166: {  	s7 =	simm.s32 $0x5000;
	[sflag:s24] =	ssyncadd.s32 $0xFFFFC000  }
0x167: {  	[spmem:s1] =	stream.indirect.scatter.add.f32 [tilespmem:s20], [sflag:$0x5], $0x80, s7, s19, $0xb8;
	[tilespmem:$0x1F000] =	vst v63  }
0x168: {  	s12 =	simm.s32 $0x180  }
0x169: {  	[tilespmem:s28], [sflag:$0x4] =	stream.indirect.gather [hbm4b:s4+s19], $0x80, s12, s19, $0xb8;
	[tilespmem:$0x1F000] =	vst v63  }
0x16a: {  	_ =	swait.ge [sflag:s29], $0x4000  }
0x16b: {  	[sflag:s29] =	ssyncset.done $0x0  }
0x16c: {  	s30 =	simm.s32 $0x5080;
	[sflag:s29] =	ssyncadd.s32 $0xFFFFC000  }
0x16d: {  	[spmem:s1] =	stream.indirect.scatter.add.f32 [tilespmem:s21], [sflag:$0x6], $0x80, s30, s19, $0xb8;
	[tilespmem:$0x1F000] =	vst v63  }
0x16e: {  	_ =	swait.ge [sflag:s31], $0x4000  }
0x16f: {  	[sflag:s31] =	ssyncset.done $0x0  }
0x170: {  	s2 =	simm.s32 $0x200;
	[sflag:s31] =	ssyncadd.s32 $0xFFFFC000  }
0x171: {  	[tilespmem:s20], [sflag:$0x1] =	stream.indirect.gather [hbm4b:s4+s19], $0x80, s2, s19, $0xb8;
	[tilespmem:$0x1F000] =	vst v63  }
0x172: {  	_ =	swait.ge [sflag:s17], $0x4000  }
0x173: {  	[sflag:s17] =	ssyncset.done $0x0  }
0x174: {  	s7 =	simm.s32 $0x5100;
	[sflag:s17] =	ssyncadd.s32 $0xFFFFC000  }
0x175: {  	[spmem:s1] =	stream.indirect.scatter.add.f32 [tilespmem:s23], [sflag:$0x7], $0x80, s7, s19, $0xb8;
	[tilespmem:$0x1F000] =	vst v63  }
0x176: {  	_ =	swait.ge [sflag:s5], $0x4000  }
0x177: {  	[sflag:s5] =	ssyncset.done $0x0  }
0x178: {  	s12 =	simm.s32 $0x280;
	[sflag:s5] =	ssyncadd.s32 $0xFFFFC000  }
0x179: {  	[tilespmem:s21], [sflag:$0x2] =	stream.indirect.gather [hbm4b:s4+s19], $0x80, s12, s19, $0xb8;
	[tilespmem:$0x1F000] =	vst v63  }
0x17a: {  	_ =	swait.ge [sflag:s11], $0x4000  }
0x17b: {  	[sflag:s11] =	ssyncset.done $0x0  }
0x17c: {  	s30 =	simm.s32 $0x5180;
	[sflag:s11] =	ssyncadd.s32 $0xFFFFC000  }
0x17d: {  	[spmem:s1] =	stream.indirect.scatter.add.f32 [tilespmem:s28], [sflag:$0x8], $0x80, s30, s19, $0xb8;
	[tilespmem:$0x1F000] =	vst v63  }
0x17e: {  	_ =	swait.ge [sflag:s13], $0x4000  }
0x17f: {  	[sflag:s13] =	ssyncset.done $0x0  }
0x180: {  	[sflag:s13] =	ssyncadd.s32 $0xFFFFC000  }
0x181: {  	[tilespmem:s23], [sflag:$0x3] =	stream.indirect.gather [hbm4b:s4+s19], $0x80, s14, s19, $0xb8;
	[tilespmem:$0x1F000] =	vst v63  }
.LBB2_18:
0x182: {  	_ =	swait.ge [sflag:s24], $0x4000  }
0x183: {  	s30 =	sshra.s32 s26, $0x2;
	[sflag:s24] =	ssyncset.done $0x0  }
0x184: {  	s0 =	sadd.s32 $0x5200, s30;
	[sflag:s24] =	ssyncadd.s32 $0xFFFFC000  }
0x185: {  	[spmem:s1] =	stream.indirect.scatter.add.f32 [tilespmem:s20], [sflag:$0x5], $0x80, s0, s19, $0xb8;
	[tilespmem:$0x1F000] =	vst v63  }
0x186: {  	_ =	swait.ge [sflag:s15], $0x4000  }
0x187: {  	[sflag:s15] =	ssyncset.done $0x0  }
0x188: {  	s2 =	sadd.s32 $0x380, s30;
	[sflag:s15] =	ssyncadd.s32 $0xFFFFC000  }
0x189: {  	[tilespmem:s28], [sflag:$0x4] =	stream.indirect.gather [hbm4b:s4+s19], $0x80, s2, s19, $0xb8;
	[tilespmem:$0x1F000] =	vst v63  }
0x18a: {  	_ =	swait.ge [sflag:s29], $0x4000  }
0x18b: {  	p0 =	seq.s32 s26, $0x9000;
	[sflag:s29] =	ssyncset.done $0x0  }
0x18c: {  	s7 =	sadd.s32 $0x5280, s30;
	s0 =	simm.s32 @p0 $0x3;
	[sflag:s29] =	ssyncadd.s32 $0xFFFFC000  }
0x18d: {  	[spmem:s1] =	stream.indirect.scatter.add.f32 [tilespmem:s21], [sflag:$0x6], $0x80, s7, s19, $0xb8;
	[tilespmem:$0x1F000] =	vst v63  }
0x18e: {  	_ =	swait.ge @p0 [sflag:s0], $0x4000  }
0x18f: {  	[sflag:s0] =	ssyncset.done @p0 $0x0  }
0x190: {  	[sflag:s0] =	ssyncadd.s32 @p0 $0xFFFFC000;
	s0 =	sshra.s32 @p0 s26, $0x2  }
0x191: {  	s2 =	simm.s32 @p0 $0x80;
	s7 =	simm.s32 @p0 $0xF800;
	s0 =	sadd.s32 @p0 $0x5300, s0  }
0x192: {  	[spmem:s1] =	stream.indirect.scatter.add.f32 @p0 [tilespmem:s7], [sflag:$0x7], $0x80, s0, s2, $0xb8;
	[tilespmem:$0x1F000] =	vst v63  }
0x193: {  	s0 =	simm.s32 @!p0 $0x5  }
0x194: {  	_ =	swait.ge @!p0 [sflag:s0], $0x4000  }
0x195: {  	[sflag:s0] =	ssyncset.done @!p0 $0x0  }
0x196: {  	[sflag:s0] =	ssyncadd.s32 @!p0 $0xFFFFC000;
	s0 =	sshra.s32 @!p0 s26, $0x2  }
0x197: {  	s12 =	simm.s32 @!p0 $0x7800;
	s7 =	simm.s32 @!p0 $0x80;
	s2 =	sadd.s32 @!p0 $0x400, s0  }
0x198: {  	[tilespmem:s12], [sflag:$0x1] =	stream.indirect.gather @!p0 [hbm4b:s4+s7], $0x80, s2, s7, $0xb8;
	[tilespmem:$0x1F000] =	vst v63  }
0x199: {  	s2 =	simm.s32 @!p0 $0x3  }
0x19a: {  	_ =	swait.ge @!p0 [sflag:s2], $0x4000  }
0x19b: {  	[sflag:s2] =	ssyncset.done @!p0 $0x0  }
0x19c: {  	s12 =	simm.s32 @!p0 $0xF800;
	[sflag:s2] =	ssyncadd.s32 @!p0 $0xFFFFC000;
	s2 =	sadd.s32 @!p0 $0x5300, s0  }
0x19d: {  	[spmem:s1] =	stream.indirect.scatter.add.f32 @!p0 [tilespmem:s12], [sflag:$0x7], $0x80, s2, s7, $0xb8;
	[tilespmem:$0x1F000] =	vst v63  }
0x19e: {  	s2 =	simm.s32 @!p0 $0x6  }
0x19f: {  	_ =	swait.ge @!p0 [sflag:s2], $0x4000  }
0x1a0: {  	[sflag:s2] =	ssyncset.done @!p0 $0x0  }
0x1a1: {  	s0 =	sadd.s32 @!p0 $0x480, s0;
	[sflag:s2] =	ssyncadd.s32 @!p0 $0xFFFFC000;
	s2 =	simm.s32 @!p0 $0xB800  }
0x1a2: {  	[tilespmem:s2], [sflag:$0x2] =	stream.indirect.gather @!p0 [hbm4b:s4+s7], $0x80, s0, s7, $0xb8;
	[tilespmem:$0x1F000] =	vst v63  }
.Ltmp11:
0x1a3: {  	_ = 	snop;
	(pc) =	sbr.rel @p0 .LBB2_20-.Ltmp11, $4  }
0x1a4: {  	_ =	swait.ge [sflag:s11], $0x4000  }
0x1a5: {  	[sflag:s11] =	ssyncset.done $0x0  }
0x1a6: {  	s12 =	sadd.s32 $0x5380, s30;
	[sflag:s11] =	ssyncadd.s32 $0xFFFFC000  }
0x1a7: {  	[spmem:s1] =	stream.indirect.scatter.add.f32 [tilespmem:s28], [sflag:$0x8], $0x80, s12, s19, $0xb8;
	[tilespmem:$0x1F000] =	vst v63  }
.Ltmp12:
0x1a8: {  	(pc) =	sbr.rel .LBB2_18-.Ltmp12, $4  }
0x1a9: {  	_ =	swait.ge [sflag:s13], $0x4000  }
0x1aa: {  	[sflag:s13] =	ssyncset.done $0x0  }
0x1ab: {  	s0 =	sadd.s32 $0x500, s30;
	s26 =	sadd.s32 $0x800, s26;
	[sflag:s13] =	ssyncadd.s32 $0xFFFFC000  }
0x1ac: {  	[tilespmem:s23], [sflag:$0x3] =	stream.indirect.gather [hbm4b:s4+s19], $0x80, s0, s19, $0xb8;
	[tilespmem:$0x1F000] =	vst v63  }
.LBB2_20:
0x1ad: {  	_ =	swait.ge [sflag:s31], $0x4000  }
0x1ae: {  	[sflag:s31] =	ssyncset.done $0x0  }
0x1af: {  	[sflag:s31] =	ssyncadd.s32 $0xFFFFC000  }
0x1b0: {  	_ =	swait.ge [sflag:s5], $0x4000  }
0x1b1: {  	[sflag:s5] =	ssyncset.done $0x0  }
0x1b2: {  	[sflag:s5] =	ssyncadd.s32 $0xFFFFC000  }
0x1b3: {  	_ =	swait.ge [sflag:s13], $0x4000  }
0x1b4: {  	[sflag:s13] =	ssyncset.done $0x0  }
0x1b5: {  	[sflag:s13] =	ssyncadd.s32 $0xFFFFC000  }
0x1b6: {  	_ =	swait.ge [sflag:s15], $0x4000  }
0x1b7: {  	[sflag:s15] =	ssyncset.done $0x0  }
0x1b8: {  	[sflag:s15] =	ssyncadd.s32 $0xFFFFC000  }
0x1b9: {  	[bflag:$0x0] =	sbarrier.arrive $0xFFFF  }
0x1ba: {  	s0 =	rddreg [dreg:$0x7]  }
0x1bb: {  	[hbm:s0], [sflag:s22] =	dma.local [spmem:s25], $0xC00  }
0x1bc: {  	_ =	swait.ge [sflag:s16], $0xC00  }
0x1bd: {  	[sflag:s16] =	ssyncset.done $0x0  }
0x1be: {  	s26 =	simm.s32 $0x0;
	[sflag:s16] =	ssyncadd.s32 $0xFFFFF400  }
0x1bf: {  	v2 =	vld [tilespmem:s26+$0x2800]  }
0x1c0: {  	s30 =	simm.s32 $0x40  }
.LBB2_21:
0x1c1: {  	p0 =	sne.s32 s30, $0x9FC0  }
.Ltmp13:
0x1c2: {  	_ = 	snop;
	(pc) =	sbr.rel @p0 .LBB2_21-.Ltmp13, $4  }
0x1c3: {  	_ = 	snop  }
0x1c4: {  	s0 =	sshra.s32 s30, $0x2;
	s30 =	sadd.s32 $0x40, s30;
	v3 =	vadd.s32 $0xFFFFDCD8, v2  }
0x1c5: {  	v2 =	vld [tilespmem:s0+$0x2800];
	v3 =	vmin.u32 v3, $0xBB8  }
0x1c6: {  	[tilespmem:s26+$0x5000] =	vst v3;
	s26 =	smov.u32 s0  }
0x1c7: {  	_ =	sdelay $0x2  }
0x1c8: {  	v2 =	vadd.s32 $0xFFFFDCD8, v2  }
0x1c9: {  	v2 =	vmin.u32 v2, $0xBB8  }
0x1ca: {  	[tilespmem:s26+$0x5000] =	vst v2  }
0x1cb: {  	[spmem:s6] =	stream.linear.scatter [tilespmem:s18], [sflag:$0x9], $0x1800, $0x38;
	[tilespmem:$0x1F000] =	vst v63  }
0x1cc: {  	_ =	swait.ge [sflag:s16], $0x1800  }
0x1cd: {  	[sflag:s16] =	ssyncset.done $0x0  }
0x1ce: {  	[sflag:s16] =	ssyncadd.s32 $0xFFFFE800  }
0x1cf: {  	[spmem:s8] =	stream.linear.scatter [tilespmem:s18], [sflag:$0x9], $0x1800, $0x38;
	[tilespmem:$0x1F000] =	vst v63  }
0x1d0: {  	_ =	swait.ge [sflag:s16], $0x1800  }
0x1d1: {  	[sflag:s16] =	ssyncset.done $0x0  }
0x1d2: {  	[sflag:s16] =	ssyncadd.s32 $0xFFFFE800  }
0x1d3: {  	[spmem:s9] =	stream.linear.scatter [tilespmem:s18], [sflag:$0x9], $0x1800, $0x38;
	[tilespmem:$0x1F000] =	vst v63  }
0x1d4: {  	_ =	swait.ge [sflag:s16], $0x1800  }
0x1d5: {  	[sflag:s16] =	ssyncset.done $0x0  }
0x1d6: {  	[sflag:s16] =	ssyncadd.s32 $0xFFFFE800  }
0x1d7: {  	[spmem:s10] =	stream.linear.scatter [tilespmem:s18], [sflag:$0x9], $0x1800, $0x38;
	[tilespmem:$0x1F000] =	vst v63  }
0x1d8: {  	_ =	swait.ge [sflag:s16], $0x1800  }
0x1d9: {  	[sflag:s16] =	ssyncset.done $0x0  }
0x1da: {  	[sflag:s16] =	ssyncadd.s32 $0xFFFFE800  }
0x1db: {  	s26 =	simm.s32 $0x0;
	[bflag:$0x0] =	sbarrier.arrive $0xFFFF  }
0x1dc: {  	[tilespmem:s20], [sflag:$0x1] =	stream.indirect.gather [hbm4b:s4+s19], $0x80, s26, s19, $0xb8;
	[tilespmem:$0x1F000] =	vst v63  }
0x1dd: {  	_ = 	snop  }
0x1de: {  	[tilespmem:s21], [sflag:$0x2] =	stream.indirect.gather [hbm4b:s4+s19], $0x80, s19, s19, $0xb8;
	[tilespmem:$0x1F000] =	vst v63  }
0x1df: {  	s0 =	simm.s32 $0x100  }
0x1e0: {  	[tilespmem:s23], [sflag:$0x3] =	stream.indirect.gather [hbm4b:s4+s19], $0x80, s0, s19, $0xb8;
	[tilespmem:$0x1F000] =	vst v63  }
0x1e1: {  	_ =	swait.ge [sflag:s24], $0x4000  }
0x1e2: {  	[sflag:s24] =	ssyncset.done $0x0  }
0x1e3: {  	s7 =	simm.s32 $0x5000;
	[sflag:s24] =	ssyncadd.s32 $0xFFFFC000  }
0x1e4: {  	[spmem:s1] =	stream.indirect.scatter.add.f32 [tilespmem:s20], [sflag:$0x5], $0x80, s7, s19, $0xb8;
	[tilespmem:$0x1F000] =	vst v63  }
0x1e5: {  	s12 =	simm.s32 $0x180  }
0x1e6: {  	[tilespmem:s28], [sflag:$0x4] =	stream.indirect.gather [hbm4b:s4+s19], $0x80, s12, s19, $0xb8;
	[tilespmem:$0x1F000] =	vst v63  }
0x1e7: {  	_ =	swait.ge [sflag:s29], $0x4000  }
0x1e8: {  	[sflag:s29] =	ssyncset.done $0x0  }
0x1e9: {  	s30 =	simm.s32 $0x5080;
	[sflag:s29] =	ssyncadd.s32 $0xFFFFC000  }
0x1ea: {  	[spmem:s1] =	stream.indirect.scatter.add.f32 [tilespmem:s21], [sflag:$0x6], $0x80, s30, s19, $0xb8;
	[tilespmem:$0x1F000] =	vst v63  }
0x1eb: {  	_ =	swait.ge [sflag:s31], $0x4000  }
0x1ec: {  	[sflag:s31] =	ssyncset.done $0x0  }
0x1ed: {  	s2 =	simm.s32 $0x200;
	[sflag:s31] =	ssyncadd.s32 $0xFFFFC000  }
0x1ee: {  	[tilespmem:s20], [sflag:$0x1] =	stream.indirect.gather [hbm4b:s4+s19], $0x80, s2, s19, $0xb8;
	[tilespmem:$0x1F000] =	vst v63  }
0x1ef: {  	_ =	swait.ge [sflag:s17], $0x4000  }
0x1f0: {  	[sflag:s17] =	ssyncset.done $0x0  }
0x1f1: {  	s7 =	simm.s32 $0x5100;
	[sflag:s17] =	ssyncadd.s32 $0xFFFFC000  }
0x1f2: {  	[spmem:s1] =	stream.indirect.scatter.add.f32 [tilespmem:s23], [sflag:$0x7], $0x80, s7, s19, $0xb8;
	[tilespmem:$0x1F000] =	vst v63  }
0x1f3: {  	_ =	swait.ge [sflag:s5], $0x4000  }
0x1f4: {  	[sflag:s5] =	ssyncset.done $0x0  }
0x1f5: {  	s12 =	simm.s32 $0x280;
	[sflag:s5] =	ssyncadd.s32 $0xFFFFC000  }
0x1f6: {  	[tilespmem:s21], [sflag:$0x2] =	stream.indirect.gather [hbm4b:s4+s19], $0x80, s12, s19, $0xb8;
	[tilespmem:$0x1F000] =	vst v63  }
0x1f7: {  	_ =	swait.ge [sflag:s11], $0x4000  }
0x1f8: {  	[sflag:s11] =	ssyncset.done $0x0  }
0x1f9: {  	s30 =	simm.s32 $0x5180;
	[sflag:s11] =	ssyncadd.s32 $0xFFFFC000  }
0x1fa: {  	[spmem:s1] =	stream.indirect.scatter.add.f32 [tilespmem:s28], [sflag:$0x8], $0x80, s30, s19, $0xb8;
	[tilespmem:$0x1F000] =	vst v63  }
0x1fb: {  	_ =	swait.ge [sflag:s13], $0x4000  }
0x1fc: {  	[sflag:s13] =	ssyncset.done $0x0  }
0x1fd: {  	[sflag:s13] =	ssyncadd.s32 $0xFFFFC000  }
0x1fe: {  	[tilespmem:s23], [sflag:$0x3] =	stream.indirect.gather [hbm4b:s4+s19], $0x80, s14, s19, $0xb8;
	[tilespmem:$0x1F000] =	vst v63  }
.LBB2_23:
0x1ff: {  	_ =	swait.ge [sflag:s24], $0x4000  }
0x200: {  	s30 =	sshra.s32 s26, $0x2;
	[sflag:s24] =	ssyncset.done $0x0  }
0x201: {  	s0 =	sadd.s32 $0x5200, s30;
	[sflag:s24] =	ssyncadd.s32 $0xFFFFC000  }
0x202: {  	[spmem:s1] =	stream.indirect.scatter.add.f32 [tilespmem:s20], [sflag:$0x5], $0x80, s0, s19, $0xb8;
	[tilespmem:$0x1F000] =	vst v63  }
0x203: {  	_ =	swait.ge [sflag:s15], $0x4000  }
0x204: {  	[sflag:s15] =	ssyncset.done $0x0  }
0x205: {  	s2 =	sadd.s32 $0x380, s30;
	[sflag:s15] =	ssyncadd.s32 $0xFFFFC000  }
0x206: {  	[tilespmem:s28], [sflag:$0x4] =	stream.indirect.gather [hbm4b:s4+s19], $0x80, s2, s19, $0xb8;
	[tilespmem:$0x1F000] =	vst v63  }
0x207: {  	_ =	swait.ge [sflag:s29], $0x4000  }
0x208: {  	p0 =	seq.s32 s26, $0x9000;
	[sflag:s29] =	ssyncset.done $0x0  }
0x209: {  	s7 =	sadd.s32 $0x5280, s30;
	s0 =	simm.s32 @p0 $0x3;
	[sflag:s29] =	ssyncadd.s32 $0xFFFFC000  }
0x20a: {  	[spmem:s1] =	stream.indirect.scatter.add.f32 [tilespmem:s21], [sflag:$0x6], $0x80, s7, s19, $0xb8;
	[tilespmem:$0x1F000] =	vst v63  }
0x20b: {  	_ =	swait.ge @p0 [sflag:s0], $0x4000  }
0x20c: {  	[sflag:s0] =	ssyncset.done @p0 $0x0  }
0x20d: {  	[sflag:s0] =	ssyncadd.s32 @p0 $0xFFFFC000;
	s0 =	sshra.s32 @p0 s26, $0x2  }
0x20e: {  	s2 =	simm.s32 @p0 $0x80;
	s7 =	simm.s32 @p0 $0xF800;
	s0 =	sadd.s32 @p0 $0x5300, s0  }
0x20f: {  	[spmem:s1] =	stream.indirect.scatter.add.f32 @p0 [tilespmem:s7], [sflag:$0x7], $0x80, s0, s2, $0xb8;
	[tilespmem:$0x1F000] =	vst v63  }
0x210: {  	s0 =	simm.s32 @!p0 $0x5  }
0x211: {  	_ =	swait.ge @!p0 [sflag:s0], $0x4000  }
0x212: {  	[sflag:s0] =	ssyncset.done @!p0 $0x0  }
0x213: {  	[sflag:s0] =	ssyncadd.s32 @!p0 $0xFFFFC000;
	s0 =	sshra.s32 @!p0 s26, $0x2  }
0x214: {  	s12 =	simm.s32 @!p0 $0x7800;
	s7 =	simm.s32 @!p0 $0x80;
	s2 =	sadd.s32 @!p0 $0x400, s0  }
0x215: {  	[tilespmem:s12], [sflag:$0x1] =	stream.indirect.gather @!p0 [hbm4b:s4+s7], $0x80, s2, s7, $0xb8;
	[tilespmem:$0x1F000] =	vst v63  }
0x216: {  	s2 =	simm.s32 @!p0 $0x3  }
0x217: {  	_ =	swait.ge @!p0 [sflag:s2], $0x4000  }
0x218: {  	[sflag:s2] =	ssyncset.done @!p0 $0x0  }
0x219: {  	s12 =	simm.s32 @!p0 $0xF800;
	[sflag:s2] =	ssyncadd.s32 @!p0 $0xFFFFC000;
	s2 =	sadd.s32 @!p0 $0x5300, s0  }
0x21a: {  	[spmem:s1] =	stream.indirect.scatter.add.f32 @!p0 [tilespmem:s12], [sflag:$0x7], $0x80, s2, s7, $0xb8;
	[tilespmem:$0x1F000] =	vst v63  }
0x21b: {  	s2 =	simm.s32 @!p0 $0x6  }
0x21c: {  	_ =	swait.ge @!p0 [sflag:s2], $0x4000  }
0x21d: {  	[sflag:s2] =	ssyncset.done @!p0 $0x0  }
0x21e: {  	s0 =	sadd.s32 @!p0 $0x480, s0;
	[sflag:s2] =	ssyncadd.s32 @!p0 $0xFFFFC000;
	s2 =	simm.s32 @!p0 $0xB800  }
0x21f: {  	[tilespmem:s2], [sflag:$0x2] =	stream.indirect.gather @!p0 [hbm4b:s4+s7], $0x80, s0, s7, $0xb8;
	[tilespmem:$0x1F000] =	vst v63  }
.Ltmp14:
0x220: {  	_ = 	snop;
	(pc) =	sbr.rel @p0 .LBB2_25-.Ltmp14, $4  }
0x221: {  	_ =	swait.ge [sflag:s11], $0x4000  }
0x222: {  	[sflag:s11] =	ssyncset.done $0x0  }
0x223: {  	s12 =	sadd.s32 $0x5380, s30;
	[sflag:s11] =	ssyncadd.s32 $0xFFFFC000  }
0x224: {  	[spmem:s1] =	stream.indirect.scatter.add.f32 [tilespmem:s28], [sflag:$0x8], $0x80, s12, s19, $0xb8;
	[tilespmem:$0x1F000] =	vst v63  }
.Ltmp15:
0x225: {  	(pc) =	sbr.rel .LBB2_23-.Ltmp15, $4  }
0x226: {  	_ =	swait.ge [sflag:s13], $0x4000  }
0x227: {  	[sflag:s13] =	ssyncset.done $0x0  }
0x228: {  	s0 =	sadd.s32 $0x500, s30;
	s26 =	sadd.s32 $0x800, s26;
	[sflag:s13] =	ssyncadd.s32 $0xFFFFC000  }
0x229: {  	[tilespmem:s23], [sflag:$0x3] =	stream.indirect.gather [hbm4b:s4+s19], $0x80, s0, s19, $0xb8;
	[tilespmem:$0x1F000] =	vst v63  }
.LBB2_26:
0x22a: {  	_ =	sfence.sel $0x180000  }
0x22b: {  	[bflag:$0x0] =	sbarrier.arrive $0xFFFF  }
0x22c: {  	_ =	strace $0x90000047  }
0x22d: {  	s0 =	stileid.u32;
	[bflag:$0x2] =	sbarrier.arrive $0xFFFF  }
0x22e: {  	p0 =	sne.s32 s0, $0x0;
	s0 =	rddreg [dreg:$0x2]  }
0x22f: {  	s0 =	sadd.s32 @!p0 $0x100000, s0  }
0x230: {  	[sflag:s0] =	ssyncadd.tile.s32 @!p0 $0x1;
	_ =	shalt  }
.Lfunc_end2:
_tile_overlayer_lowered:
.L_overlay_start_2:
0x231: {  	(tag) =	ssettag $0x2  }
0x232: {  	s0 =	rddreg [dreg:$0x0];
	s2 =	stileid.u32  }
0x233: {  	s1 =	rddreg [dreg:$0x1];
	p0 =	sne.s32 s2, $0x0  }
0x234: {  	s3 =	rddreg [dreg:$0x2];
	[bflag:$0x3] =	sbarrier.arrive $0xFFFF;
	s2 =	simm.s32 @!p0 $0x1C09  }
0x235: {  	[timem:s3], [sflag:s2] =	dma.local @!p0 [hbm:s0], s1  }
0x236: {  	s0 =	simm.s32 @!p0 $0x9  }
0x237: {  	_ =	swait.ge @!p0 [sflag:s0], s1  }
0x238: {  	s1 =	ssub.s32 @!p0 $0x0, s1;
	[sflag:s0] =	ssyncset.done @!p0 $0x0  }
0x239: {  	[sflag:s0] =	ssyncadd.s32 @!p0 s1  }
0x23a: {  	[bflag:$0x3] =	sbarrier.arrive $0xFFFF  }
0x23b: {  	_ =	shalt  }

</sc_bundles>
